<compile_context>
chip_gen: v7x
topology: tpu7x:2x2x1
jax: 0.10.2.dev20260603
libtpu: 0.0.44.dev20260713+nightly
codegen_flags: <defaults>
</compile_context>

<pallas_src>
import functools
import jax
import jax.numpy as jnp
from jax import lax
from jax.experimental import pallas as pl
from jax.experimental.pallas import tpu as pltpu
from jax.experimental.pallas import tpu_sc as plsc

V = 8192
D = 1024
B = 4 * 8192
NC = 2
NS = 16
NW = NC * NS
BPW = B // NW
K = 32
NCHUNK = BPW // K


NBUF = 3


def _sc_body(idx_hbm, table_hbm, out_hbm, idx_v,
             r0, r1, r2, g0, g1, g2, w0, w1, w2):
    wid = lax.axis_index("s") * NC + lax.axis_index("c")
    pltpu.sync_copy(idx_hbm.at[wid], idx_v)

    bufs = (r0, r1, r2)
    gsems = (g0, g1, g2)
    wsems = (w0, w1, w2)

    gathers = [None] * NCHUNK
    writes = [None] * NCHUNK
    for j in range(min(NBUF, NCHUNK)):
        gathers[j] = pltpu.async_copy(
            table_hbm.at[idx_v.at[j]], bufs[j % NBUF], gsems[j % NBUF])
    for j in range(NCHUNK):
        b = j % NBUF
        gathers[j].wait()
        writes[j] = pltpu.async_copy(bufs[b], out_hbm.at[wid, j], wsems[b])
        if j >= 1:
            writes[j - 1].wait()
            nj = j + 2
            if nj < NCHUNK and gathers[nj] is None:
                nb = nj % NBUF
                gathers[nj] = pltpu.async_copy(
                    table_hbm.at[idx_v.at[nj]], bufs[nb], gsems[nb])
    writes[NCHUNK - 1].wait()


@jax.jit
def _sc_gather(idx3, table):
    mesh = plsc.VectorSubcoreMesh(core_axis_name="c", subcore_axis_name="s")
    run = pl.kernel(
        _sc_body,
        mesh=mesh,
        out_type=jax.ShapeDtypeStruct((NW, NCHUNK, K, D), jnp.float32),
        scratch_types=(
            [pltpu.VMEM((NCHUNK, K), jnp.int32)]
            + [pltpu.VMEM((K, D), jnp.float32)] * NBUF
            + [pltpu.SemaphoreType.DMA] * (2 * NBUF)
        ),
    )
    return run(idx3, table)


def kernel(X, pos_embed_weight):
    idx3 = X.reshape(NW, NCHUNK, K).astype(jnp.int32)
    out = _sc_gather(idx3, pos_embed_weight)
    return out.reshape(X.shape + (D,))

# --- scband reference (transcript-rebuilt; emitter-appended) ---
"""Pipeline reference for scband-positional-embeddin-87832081203978 (READ-ONLY COPY).

The authoritative reference and input builder live on the scoring server;
editing this copy changes nothing except your own understanding.
"""

import jax, jax.numpy as jnp
import numpy as np

MAX_SEQ_LEN = 8192
EMBED_DIM = 1024

def setup_inputs(seed: int = 0) -> dict:
    key = jax.random.key(seed)
    k1, k2 = jax.random.split(key)
    X = jax.random.randint(k1, (4, 8192), 0, MAX_SEQ_LEN, dtype=jnp.int64 if jax.config.jax_enable_x64 else jnp.int32)
    pos_embed_weight = jax.random.normal(k2, (MAX_SEQ_LEN, EMBED_DIM), dtype=jnp.float32)
    return {"X": X, "pos_embed_weight": pos_embed_weight}

def reference(X, pos_embed_weight):
    # nn.Embedding lookup: gather rows of the positional embedding table
    return jnp.take(pos_embed_weight, X, axis=0)

if __name__ == "__main__":
    import jax
    _d = setup_inputs()
    print(jax.jit(kernel)(*tuple(_d.values())))

</pallas_src>

<mosaic_0001>
#map = affine_map<(d0, d1) -> (0, 0, 0)>
#map1 = affine_map<(d0, d1) -> (0, 0)>
#map2 = affine_map<(d0, d1) -> (0, 0, 0, 0)>
module attributes {stable_mosaic.version = 14 : i64} {
  func.func @_sc_body(%arg0: i32, %arg1: i32, %arg2: memref<32x32x32xi32, #tpu.memory_space<hbm>>, %arg3: memref<8192x1024xf32, #tpu.memory_space<hbm>>, %arg4: memref<32x32x32x1024xf32, #tpu.memory_space<hbm>>, %arg5: memref<32x32xi32, #tpu.memory_space<vmem>>, %arg6: memref<32x1024xf32, #tpu.memory_space<vmem>>, %arg7: memref<32x1024xf32, #tpu.memory_space<vmem>>, %arg8: memref<32x1024xf32, #tpu.memory_space<vmem>>, %arg9: memref<!tpu.dma_semaphore, #tpu.memory_space<semaphore_mem>>, %arg10: memref<!tpu.dma_semaphore, #tpu.memory_space<semaphore_mem>>, %arg11: memref<!tpu.dma_semaphore, #tpu.memory_space<semaphore_mem>>, %arg12: memref<!tpu.dma_semaphore, #tpu.memory_space<semaphore_mem>>, %arg13: memref<!tpu.dma_semaphore, #tpu.memory_space<semaphore_mem>>, %arg14: memref<!tpu.dma_semaphore, #tpu.memory_space<semaphore_mem>>) attributes {dimension_semantics = [#tpu.dimension_semantics<core_parallel>, #tpu.dimension_semantics<subcore_parallel>], iteration_bounds = array<i64: 2, 16>, scalar_prefetch = 0 : i64, scratch_operands = 10 : i64, tpu.core_type = #tpu.core_type<sc_vector_subcore>, window_params = [{transform_indices = #map}, {transform_indices = #map1}, {transform_indices = #map2}]} {
    %mul3A = arith.constant 2 : i32
    %mul3A_0 = arith.muli %arg1, %mul3A : i32
    %add3A = arith.addi %mul3A_0, %arg0 : i32
    "tpu.region"() ({
      %run_scoped3A = tpu.sem_alloc : memref<!tpu.dma_semaphore, #tpu.memory_space<semaphore_mem>>
      %dma_start3A_1023 = arith.constant 0 : i32
      %dma_start3A_1024 = arith.constant 0 : i32
      %dma_start3A_1025 = tpu.memref_slice %arg2[%add3A, %dma_start3A_1023, %dma_start3A_1024] : memref<32x32x32xi32, #tpu.memory_space<hbm>> -> memref<1x32x32xi32, #tpu.memory_space<hbm>>
      %dma_start3A_1026 = tpu.memref_squeeze %dma_start3A_1025 : memref<1x32x32xi32, #tpu.memory_space<hbm>> -> memref<32x32xi32, #tpu.memory_space<hbm>>
      %dma_start3A_1027 = arith.constant 0 : i32
      %dma_start3A_1028 = arith.constant 0 : i32
      %dma_start3A_1029 = tpu.memref_slice %arg2[%add3A, %dma_start3A_1027, %dma_start3A_1028] : memref<32x32x32xi32, #tpu.memory_space<hbm>> -> memref<1x32x32xi32, #tpu.memory_space<hbm>>
      %dma_start3A_1030 = tpu.memref_squeeze %dma_start3A_1029 : memref<1x32x32xi32, #tpu.memory_space<hbm>> -> memref<32x32xi32, #tpu.memory_space<hbm>>
      tpu.enqueue_dma source(%dma_start3A_1030 : memref<32x32xi32, #tpu.memory_space<hbm>>) target(%arg5 : memref<32x32xi32, #tpu.memory_space<vmem>>) target_semaphore(%run_scoped3A : memref<!tpu.dma_semaphore, #tpu.memory_space<semaphore_mem>>)
      %dma_wait3A_1031 = arith.constant 0 : i32
      %dma_wait3A_1032 = arith.constant 0 : i32
      %dma_wait3A_1033 = tpu.memref_slice %arg2[%add3A, %dma_wait3A_1031, %dma_wait3A_1032] : memref<32x32x32xi32, #tpu.memory_space<hbm>> -> memref<1x32x32xi32, #tpu.memory_space<hbm>>
      %dma_wait3A_1034 = tpu.memref_squeeze %dma_wait3A_1033 : memref<1x32x32xi32, #tpu.memory_space<hbm>> -> memref<32x32xi32, #tpu.memory_space<hbm>>
      %dma_wait3A_1035 = arith.constant 0 : i32
      %dma_wait3A_1036 = arith.constant 0 : i32
      %dma_wait3A_1037 = tpu.memref_slice %arg2[%add3A, %dma_wait3A_1035, %dma_wait3A_1036] : memref<32x32x32xi32, #tpu.memory_space<hbm>> -> memref<1x32x32xi32, #tpu.memory_space<hbm>>
      %dma_wait3A_1038 = tpu.memref_squeeze %dma_wait3A_1037 : memref<1x32x32xi32, #tpu.memory_space<hbm>> -> memref<32x32xi32, #tpu.memory_space<hbm>>
      tpu.wait_dma2 semaphore(%run_scoped3A : memref<!tpu.dma_semaphore, #tpu.memory_space<semaphore_mem>>) src(%dma_wait3A_1038 : memref<32x32xi32, #tpu.memory_space<hbm>>) dst(%arg5 : memref<32x32xi32, #tpu.memory_space<vmem>>)
      tpu.yield
    }) : () -> ()
    %dma_start3A = arith.constant 0 : i32
    %dma_start3A_1 = arith.constant 0 : i32
    %dma_start3A_2 = tpu.memref_slice %arg5[%dma_start3A, %dma_start3A_1] : memref<32x32xi32, #tpu.memory_space<vmem>> -> memref<1x32xi32, #tpu.memory_space<vmem>>
    %dma_start3A_3 = tpu.memref_squeeze %dma_start3A_2 : memref<1x32xi32, #tpu.memory_space<vmem>> -> memref<32xi32, #tpu.memory_space<vmem>>
    %dma_start3A_4 = arith.constant 0 : i32
    %dma_start3A_5 = arith.constant 0 : i32
    %dma_start3A_6 = tpu.memref_slice %arg3[%dma_start3A_4, %dma_start3A_5] : memref<8192x1024xf32, #tpu.memory_space<hbm>> -> memref<8192x1024xf32, #tpu.memory_space<hbm>>
    tpu.enqueue_indirect_dma source(%dma_start3A_6 : memref<8192x1024xf32, #tpu.memory_space<hbm>>) target(%arg6 : memref<32x1024xf32, #tpu.memory_space<vmem>>) offsets(%dma_start3A_3 : memref<32xi32, #tpu.memory_space<vmem>>) semaphore(%arg9 : memref<!tpu.dma_semaphore, #tpu.memory_space<semaphore_mem>>)
    %dma_start3A_7 = arith.constant 1 : i32
    %dma_start3A_8 = arith.constant 0 : i32
    %dma_start3A_9 = tpu.memref_slice %arg5[%dma_start3A_7, %dma_start3A_8] : memref<32x32xi32, #tpu.memory_space<vmem>> -> memref<1x32xi32, #tpu.memory_space<vmem>>
    %dma_start3A_10 = tpu.memref_squeeze %dma_start3A_9 : memref<1x32xi32, #tpu.memory_space<vmem>> -> memref<32xi32, #tpu.memory_space<vmem>>
    %dma_start3A_11 = arith.constant 0 : i32
    %dma_start3A_12 = arith.constant 0 : i32
    %dma_start3A_13 = tpu.memref_slice %arg3[%dma_start3A_11, %dma_start3A_12] : memref<8192x1024xf32, #tpu.memory_space<hbm>> -> memref<8192x1024xf32, #tpu.memory_space<hbm>>
    tpu.enqueue_indirect_dma source(%dma_start3A_13 : memref<8192x1024xf32, #tpu.memory_space<hbm>>) target(%arg7 : memref<32x1024xf32, #tpu.memory_space<vmem>>) offsets(%dma_start3A_10 : memref<32xi32, #tpu.memory_space<vmem>>) semaphore(%arg10 : memref<!tpu.dma_semaphore, #tpu.memory_space<semaphore_mem>>)
    %dma_start3A_14 = arith.constant 2 : i32
    %dma_start3A_15 = arith.constant 0 : i32
    %dma_start3A_16 = tpu.memref_slice %arg5[%dma_start3A_14, %dma_start3A_15] : memref<32x32xi32, #tpu.memory_space<vmem>> -> memref<1x32xi32, #tpu.memory_space<vmem>>
    %dma_start3A_17 = tpu.memref_squeeze %dma_start3A_16 : memref<1x32xi32, #tpu.memory_space<vmem>> -> memref<32xi32, #tpu.memory_space<vmem>>
    %dma_start3A_18 = arith.constant 0 : i32
    %dma_start3A_19 = arith.constant 0 : i32
    %dma_start3A_20 = tpu.memref_slice %arg3[%dma_start3A_18, %dma_start3A_19] : memref<8192x1024xf32, #tpu.memory_space<hbm>> -> memref<8192x1024xf32, #tpu.memory_space<hbm>>
    tpu.enqueue_indirect_dma source(%dma_start3A_20 : memref<8192x1024xf32, #tpu.memory_space<hbm>>) target(%arg8 : memref<32x1024xf32, #tpu.memory_space<vmem>>) offsets(%dma_start3A_17 : memref<32xi32, #tpu.memory_space<vmem>>) semaphore(%arg11 : memref<!tpu.dma_semaphore, #tpu.memory_space<semaphore_mem>>)
    %dma_wait3A = arith.constant 0 : i32
    %dma_wait3A_21 = arith.constant 0 : i32
    %dma_wait3A_22 = tpu.memref_slice %arg5[%dma_wait3A, %dma_wait3A_21] : memref<32x32xi32, #tpu.memory_space<vmem>> -> memref<1x32xi32, #tpu.memory_space<vmem>>
    %dma_wait3A_23 = tpu.memref_squeeze %dma_wait3A_22 : memref<1x32xi32, #tpu.memory_space<vmem>> -> memref<32xi32, #tpu.memory_space<vmem>>
    %dma_wait3A_24 = arith.constant 0 : i32
    %dma_wait3A_25 = arith.constant 0 : i32
    %dma_wait3A_26 = tpu.memref_slice %arg3[%dma_wait3A_24, %dma_wait3A_25] : memref<8192x1024xf32, #tpu.memory_space<hbm>> -> memref<8192x1024xf32, #tpu.memory_space<hbm>>
    tpu.wait_indirect_dma semaphore(%arg9 : memref<!tpu.dma_semaphore, #tpu.memory_space<semaphore_mem>>) src(%dma_wait3A_26 : memref<8192x1024xf32, #tpu.memory_space<hbm>>) dst(%arg6 : memref<32x1024xf32, #tpu.memory_space<vmem>>)
    %dma_start3A_27 = arith.constant 0 : i32
    %dma_start3A_28 = arith.constant 0 : i32
    %dma_start3A_29 = arith.constant 0 : i32
    %dma_start3A_30 = tpu.memref_slice %arg4[%add3A, %dma_start3A_27, %dma_start3A_28, %dma_start3A_29] : memref<32x32x32x1024xf32, #tpu.memory_space<hbm>> -> memref<1x1x32x1024xf32, #tpu.memory_space<hbm>>
    %dma_start3A_31 = tpu.memref_squeeze %dma_start3A_30 : memref<1x1x32x1024xf32, #tpu.memory_space<hbm>> -> memref<32x1024xf32, #tpu.memory_space<hbm>>
    %dma_start3A_32 = arith.constant 0 : i32
    %dma_start3A_33 = arith.constant 0 : i32
    %dma_start3A_34 = tpu.memref_slice %arg4[%add3A, %dma_start3A_27, %dma_start3A_32, %dma_start3A_33] : memref<32x32x32x1024xf32, #tpu.memory_space<hbm>> -> memref<1x1x32x1024xf32, #tpu.memory_space<hbm>>
    %dma_start3A_35 = tpu.memref_squeeze %dma_start3A_34 : memref<1x1x32x1024xf32, #tpu.memory_space<hbm>> -> memref<32x1024xf32, #tpu.memory_space<hbm>>
    tpu.enqueue_dma source(%arg6 : memref<32x1024xf32, #tpu.memory_space<vmem>>) target(%dma_start3A_35 : memref<32x1024xf32, #tpu.memory_space<hbm>>) target_semaphore(%arg12 : memref<!tpu.dma_semaphore, #tpu.memory_space<semaphore_mem>>)
    %dma_wait3A_36 = arith.constant 1 : i32
    %dma_wait3A_37 = arith.constant 0 : i32
    %dma_wait3A_38 = tpu.memref_slice %arg5[%dma_wait3A_36, %dma_wait3A_37] : memref<32x32xi32, #tpu.memory_space<vmem>> -> memref<1x32xi32, #tpu.memory_space<vmem>>
    %dma_wait3A_39 = tpu.memref_squeeze %dma_wait3A_38 : memref<1x32xi32, #tpu.memory_space<vmem>> -> memref<32xi32, #tpu.memory_space<vmem>>
    %dma_wait3A_40 = arith.constant 0 : i32
    %dma_wait3A_41 = arith.constant 0 : i32
    %dma_wait3A_42 = tpu.memref_slice %arg3[%dma_wait3A_40, %dma_wait3A_41] : memref<8192x1024xf32, #tpu.memory_space<hbm>> -> memref<8192x1024xf32, #tpu.memory_space<hbm>>
    tpu.wait_indirect_dma semaphore(%arg10 : memref<!tpu.dma_semaphore, #tpu.memory_space<semaphore_mem>>) src(%dma_wait3A_42 : memref<8192x1024xf32, #tpu.memory_space<hbm>>) dst(%arg7 : memref<32x1024xf32, #tpu.memory_space<vmem>>)
    %dma_start3A_43 = arith.constant 1 : i32
    %dma_start3A_44 = arith.constant 0 : i32
    %dma_start3A_45 = arith.constant 0 : i32
    %dma_start3A_46 = tpu.memref_slice %arg4[%add3A, %dma_start3A_43, %dma_start3A_44, %dma_start3A_45] : memref<32x32x32x1024xf32, #tpu.memory_space<hbm>> -> memref<1x1x32x1024xf32, #tpu.memory_space<hbm>>
    %dma_start3A_47 = tpu.memref_squeeze %dma_start3A_46 : memref<1x1x32x1024xf32, #tpu.memory_space<hbm>> -> memref<32x1024xf32, #tpu.memory_space<hbm>>
    %dma_start3A_48 = arith.constant 0 : i32
    %dma_start3A_49 = arith.constant 0 : i32
    %dma_start3A_50 = tpu.memref_slice %arg4[%add3A, %dma_start3A_43, %dma_start3A_48, %dma_start3A_49] : memref<32x32x32x1024xf32, #tpu.memory_space<hbm>> -> memref<1x1x32x1024xf32, #tpu.memory_space<hbm>>
    %dma_start3A_51 = tpu.memref_squeeze %dma_start3A_50 : memref<1x1x32x1024xf32, #tpu.memory_space<hbm>> -> memref<32x1024xf32, #tpu.memory_space<hbm>>
    tpu.enqueue_dma source(%arg7 : memref<32x1024xf32, #tpu.memory_space<vmem>>) target(%dma_start3A_51 : memref<32x1024xf32, #tpu.memory_space<hbm>>) target_semaphore(%arg13 : memref<!tpu.dma_semaphore, #tpu.memory_space<semaphore_mem>>)
    %dma_wait3A_52 = arith.constant 0 : i32
    %dma_wait3A_53 = arith.constant 0 : i32
    %dma_wait3A_54 = arith.constant 0 : i32
    %dma_wait3A_55 = tpu.memref_slice %arg4[%add3A, %dma_wait3A_52, %dma_wait3A_53, %dma_wait3A_54] : memref<32x32x32x1024xf32, #tpu.memory_space<hbm>> -> memref<1x1x32x1024xf32, #tpu.memory_space<hbm>>
    %dma_wait3A_56 = tpu.memref_squeeze %dma_wait3A_55 : memref<1x1x32x1024xf32, #tpu.memory_space<hbm>> -> memref<32x1024xf32, #tpu.memory_space<hbm>>
    %dma_wait3A_57 = arith.constant 0 : i32
    %dma_wait3A_58 = arith.constant 0 : i32
    %dma_wait3A_59 = tpu.memref_slice %arg4[%add3A, %dma_wait3A_52, %dma_wait3A_57, %dma_wait3A_58] : memref<32x32x32x1024xf32, #tpu.memory_space<hbm>> -> memref<1x1x32x1024xf32, #tpu.memory_space<hbm>>
    %dma_wait3A_60 = tpu.memref_squeeze %dma_wait3A_59 : memref<1x1x32x1024xf32, #tpu.memory_space<hbm>> -> memref<32x1024xf32, #tpu.memory_space<hbm>>
    tpu.wait_dma2 semaphore(%arg12 : memref<!tpu.dma_semaphore, #tpu.memory_space<semaphore_mem>>) src(%arg6 : memref<32x1024xf32, #tpu.memory_space<vmem>>) dst(%dma_wait3A_60 : memref<32x1024xf32, #tpu.memory_space<hbm>>)
    %dma_start3A_61 = arith.constant 3 : i32
    %dma_start3A_62 = arith.constant 0 : i32
    %dma_start3A_63 = tpu.memref_slice %arg5[%dma_start3A_61, %dma_start3A_62] : memref<32x32xi32, #tpu.memory_space<vmem>> -> memref<1x32xi32, #tpu.memory_space<vmem>>
    %dma_start3A_64 = tpu.memref_squeeze %dma_start3A_63 : memref<1x32xi32, #tpu.memory_space<vmem>> -> memref<32xi32, #tpu.memory_space<vmem>>
    %dma_start3A_65 = arith.constant 0 : i32
    %dma_start3A_66 = arith.constant 0 : i32
    %dma_start3A_67 = tpu.memref_slice %arg3[%dma_start3A_65, %dma_start3A_66] : memref<8192x1024xf32, #tpu.memory_space<hbm>> -> memref<8192x1024xf32, #tpu.memory_space<hbm>>
    tpu.enqueue_indirect_dma source(%dma_start3A_67 : memref<8192x1024xf32, #tpu.memory_space<hbm>>) target(%arg6 : memref<32x1024xf32, #tpu.memory_space<vmem>>) offsets(%dma_start3A_64 : memref<32xi32, #tpu.memory_space<vmem>>) semaphore(%arg9 : memref<!tpu.dma_semaphore, #tpu.memory_space<semaphore_mem>>)
    %dma_wait3A_68 = arith.constant 2 : i32
    %dma_wait3A_69 = arith.constant 0 : i32
    %dma_wait3A_70 = tpu.memref_slice %arg5[%dma_wait3A_68, %dma_wait3A_69] : memref<32x32xi32, #tpu.memory_space<vmem>> -> memref<1x32xi32, #tpu.memory_space<vmem>>
    %dma_wait3A_71 = tpu.memref_squeeze %dma_wait3A_70 : memref<1x32xi32, #tpu.memory_space<vmem>> -> memref<32xi32, #tpu.memory_space<vmem>>
    %dma_wait3A_72 = arith.constant 0 : i32
    %dma_wait3A_73 = arith.constant 0 : i32
    %dma_wait3A_74 = tpu.memref_slice %arg3[%dma_wait3A_72, %dma_wait3A_73] : memref<8192x1024xf32, #tpu.memory_space<hbm>> -> memref<8192x1024xf32, #tpu.memory_space<hbm>>
    tpu.wait_indirect_dma semaphore(%arg11 : memref<!tpu.dma_semaphore, #tpu.memory_space<semaphore_mem>>) src(%dma_wait3A_74 : memref<8192x1024xf32, #tpu.memory_space<hbm>>) dst(%arg8 : memref<32x1024xf32, #tpu.memory_space<vmem>>)
    %dma_start3A_75 = arith.constant 2 : i32
    %dma_start3A_76 = arith.constant 0 : i32
    %dma_start3A_77 = arith.constant 0 : i32
    %dma_start3A_78 = tpu.memref_slice %arg4[%add3A, %dma_start3A_75, %dma_start3A_76, %dma_start3A_77] : memref<32x32x32x1024xf32, #tpu.memory_space<hbm>> -> memref<1x1x32x1024xf32, #tpu.memory_space<hbm>>
    %dma_start3A_79 = tpu.memref_squeeze %dma_start3A_78 : memref<1x1x32x1024xf32, #tpu.memory_space<hbm>> -> memref<32x1024xf32, #tpu.memory_space<hbm>>
    %dma_start3A_80 = arith.constant 0 : i32
    %dma_start3A_81 = arith.constant 0 : i32
    %dma_start3A_82 = tpu.memref_slice %arg4[%add3A, %dma_start3A_75, %dma_start3A_80, %dma_start3A_81] : memref<32x32x32x1024xf32, #tpu.memory_space<hbm>> -> memref<1x1x32x1024xf32, #tpu.memory_space<hbm>>
    %dma_start3A_83 = tpu.memref_squeeze %dma_start3A_82 : memref<1x1x32x1024xf32, #tpu.memory_space<hbm>> -> memref<32x1024xf32, #tpu.memory_space<hbm>>
    tpu.enqueue_dma source(%arg8 : memref<32x1024xf32, #tpu.memory_space<vmem>>) target(%dma_start3A_83 : memref<32x1024xf32, #tpu.memory_space<hbm>>) target_semaphore(%arg14 : memref<!tpu.dma_semaphore, #tpu.memory_space<semaphore_mem>>)
    %dma_wait3A_84 = arith.constant 1 : i32
    %dma_wait3A_85 = arith.constant 0 : i32
    %dma_wait3A_86 = arith.constant 0 : i32
    %dma_wait3A_87 = tpu.memref_slice %arg4[%add3A, %dma_wait3A_84, %dma_wait3A_85, %dma_wait3A_86] : memref<32x32x32x1024xf32, #tpu.memory_space<hbm>> -> memref<1x1x32x1024xf32, #tpu.memory_space<hbm>>
    %dma_wait3A_88 = tpu.memref_squeeze %dma_wait3A_87 : memref<1x1x32x1024xf32, #tpu.memory_space<hbm>> -> memref<32x1024xf32, #tpu.memory_space<hbm>>
    %dma_wait3A_89 = arith.constant 0 : i32
    %dma_wait3A_90 = arith.constant 0 : i32
    %dma_wait3A_91 = tpu.memref_slice %arg4[%add3A, %dma_wait3A_84, %dma_wait3A_89, %dma_wait3A_90] : memref<32x32x32x1024xf32, #tpu.memory_space<hbm>> -> memref<1x1x32x1024xf32, #tpu.memory_space<hbm>>
    %dma_wait3A_92 = tpu.memref_squeeze %dma_wait3A_91 : memref<1x1x32x1024xf32, #tpu.memory_space<hbm>> -> memref<32x1024xf32, #tpu.memory_space<hbm>>
    tpu.wait_dma2 semaphore(%arg13 : memref<!tpu.dma_semaphore, #tpu.memory_space<semaphore_mem>>) src(%arg7 : memref<32x1024xf32, #tpu.memory_space<vmem>>) dst(%dma_wait3A_92 : memref<32x1024xf32, #tpu.memory_space<hbm>>)
    %dma_start3A_93 = arith.constant 4 : i32
    %dma_start3A_94 = arith.constant 0 : i32
    %dma_start3A_95 = tpu.memref_slice %arg5[%dma_start3A_93, %dma_start3A_94] : memref<32x32xi32, #tpu.memory_space<vmem>> -> memref<1x32xi32, #tpu.memory_space<vmem>>
    %dma_start3A_96 = tpu.memref_squeeze %dma_start3A_95 : memref<1x32xi32, #tpu.memory_space<vmem>> -> memref<32xi32, #tpu.memory_space<vmem>>
    %dma_start3A_97 = arith.constant 0 : i32
    %dma_start3A_98 = arith.constant 0 : i32
    %dma_start3A_99 = tpu.memref_slice %arg3[%dma_start3A_97, %dma_start3A_98] : memref<8192x1024xf32, #tpu.memory_space<hbm>> -> memref<8192x1024xf32, #tpu.memory_space<hbm>>
    tpu.enqueue_indirect_dma source(%dma_start3A_99 : memref<8192x1024xf32, #tpu.memory_space<hbm>>) target(%arg7 : memref<32x1024xf32, #tpu.memory_space<vmem>>) offsets(%dma_start3A_96 : memref<32xi32, #tpu.memory_space<vmem>>) semaphore(%arg10 : memref<!tpu.dma_semaphore, #tpu.memory_space<semaphore_mem>>)
    %dma_wait3A_100 = arith.constant 3 : i32
    %dma_wait3A_101 = arith.constant 0 : i32
    %dma_wait3A_102 = tpu.memref_slice %arg5[%dma_wait3A_100, %dma_wait3A_101] : memref<32x32xi32, #tpu.memory_space<vmem>> -> memref<1x32xi32, #tpu.memory_space<vmem>>
    %dma_wait3A_103 = tpu.memref_squeeze %dma_wait3A_102 : memref<1x32xi32, #tpu.memory_space<vmem>> -> memref<32xi32, #tpu.memory_space<vmem>>
    %dma_wait3A_104 = arith.constant 0 : i32
    %dma_wait3A_105 = arith.constant 0 : i32
    %dma_wait3A_106 = tpu.memref_slice %arg3[%dma_wait3A_104, %dma_wait3A_105] : memref<8192x1024xf32, #tpu.memory_space<hbm>> -> memref<8192x1024xf32, #tpu.memory_space<hbm>>
    tpu.wait_indirect_dma semaphore(%arg9 : memref<!tpu.dma_semaphore, #tpu.memory_space<semaphore_mem>>) src(%dma_wait3A_106 : memref<8192x1024xf32, #tpu.memory_space<hbm>>) dst(%arg6 : memref<32x1024xf32, #tpu.memory_space<vmem>>)
    %dma_start3A_107 = arith.constant 3 : i32
    %dma_start3A_108 = arith.constant 0 : i32
    %dma_start3A_109 = arith.constant 0 : i32
    %dma_start3A_110 = tpu.memref_slice %arg4[%add3A, %dma_start3A_107, %dma_start3A_108, %dma_start3A_109] : memref<32x32x32x1024xf32, #tpu.memory_space<hbm>> -> memref<1x1x32x1024xf32, #tpu.memory_space<hbm>>
    %dma_start3A_111 = tpu.memref_squeeze %dma_start3A_110 : memref<1x1x32x1024xf32, #tpu.memory_space<hbm>> -> memref<32x1024xf32, #tpu.memory_space<hbm>>
    %dma_start3A_112 = arith.constant 0 : i32
    %dma_start3A_113 = arith.constant 0 : i32
    %dma_start3A_114 = tpu.memref_slice %arg4[%add3A, %dma_start3A_107, %dma_start3A_112, %dma_start3A_113] : memref<32x32x32x1024xf32, #tpu.memory_space<hbm>> -> memref<1x1x32x1024xf32, #tpu.memory_space<hbm>>
    %dma_start3A_115 = tpu.memref_squeeze %dma_start3A_114 : memref<1x1x32x1024xf32, #tpu.memory_space<hbm>> -> memref<32x1024xf32, #tpu.memory_space<hbm>>
    tpu.enqueue_dma source(%arg6 : memref<32x1024xf32, #tpu.memory_space<vmem>>) target(%dma_start3A_115 : memref<32x1024xf32, #tpu.memory_space<hbm>>) target_semaphore(%arg12 : memref<!tpu.dma_semaphore, #tpu.memory_space<semaphore_mem>>)
    %dma_wait3A_116 = arith.constant 2 : i32
    %dma_wait3A_117 = arith.constant 0 : i32
    %dma_wait3A_118 = arith.constant 0 : i32
    %dma_wait3A_119 = tpu.memref_slice %arg4[%add3A, %dma_wait3A_116, %dma_wait3A_117, %dma_wait3A_118] : memref<32x32x32x1024xf32, #tpu.memory_space<hbm>> -> memref<1x1x32x1024xf32, #tpu.memory_space<hbm>>
    %dma_wait3A_120 = tpu.memref_squeeze %dma_wait3A_119 : memref<1x1x32x1024xf32, #tpu.memory_space<hbm>> -> memref<32x1024xf32, #tpu.memory_space<hbm>>
    %dma_wait3A_121 = arith.constant 0 : i32
    %dma_wait3A_122 = arith.constant 0 : i32
    %dma_wait3A_123 = tpu.memref_slice %arg4[%add3A, %dma_wait3A_116, %dma_wait3A_121, %dma_wait3A_122] : memref<32x32x32x1024xf32, #tpu.memory_space<hbm>> -> memref<1x1x32x1024xf32, #tpu.memory_space<hbm>>
    %dma_wait3A_124 = tpu.memref_squeeze %dma_wait3A_123 : memref<1x1x32x1024xf32, #tpu.memory_space<hbm>> -> memref<32x1024xf32, #tpu.memory_space<hbm>>
    tpu.wait_dma2 semaphore(%arg14 : memref<!tpu.dma_semaphore, #tpu.memory_space<semaphore_mem>>) src(%arg8 : memref<32x1024xf32, #tpu.memory_space<vmem>>) dst(%dma_wait3A_124 : memref<32x1024xf32, #tpu.memory_space<hbm>>)
    %dma_start3A_125 = arith.constant 5 : i32
    %dma_start3A_126 = arith.constant 0 : i32
    %dma_start3A_127 = tpu.memref_slice %arg5[%dma_start3A_125, %dma_start3A_126] : memref<32x32xi32, #tpu.memory_space<vmem>> -> memref<1x32xi32, #tpu.memory_space<vmem>>
    %dma_start3A_128 = tpu.memref_squeeze %dma_start3A_127 : memref<1x32xi32, #tpu.memory_space<vmem>> -> memref<32xi32, #tpu.memory_space<vmem>>
    %dma_start3A_129 = arith.constant 0 : i32
    %dma_start3A_130 = arith.constant 0 : i32
    %dma_start3A_131 = tpu.memref_slice %arg3[%dma_start3A_129, %dma_start3A_130] : memref<8192x1024xf32, #tpu.memory_space<hbm>> -> memref<8192x1024xf32, #tpu.memory_space<hbm>>
    tpu.enqueue_indirect_dma source(%dma_start3A_131 : memref<8192x1024xf32, #tpu.memory_space<hbm>>) target(%arg8 : memref<32x1024xf32, #tpu.memory_space<vmem>>) offsets(%dma_start3A_128 : memref<32xi32, #tpu.memory_space<vmem>>) semaphore(%arg11 : memref<!tpu.dma_semaphore, #tpu.memory_space<semaphore_mem>>)
    %dma_wait3A_132 = arith.constant 4 : i32
    %dma_wait3A_133 = arith.constant 0 : i32
    %dma_wait3A_134 = tpu.memref_slice %arg5[%dma_wait3A_132, %dma_wait3A_133] : memref<32x32xi32, #tpu.memory_space<vmem>> -> memref<1x32xi32, #tpu.memory_space<vmem>>
    %dma_wait3A_135 = tpu.memref_squeeze %dma_wait3A_134 : memref<1x32xi32, #tpu.memory_space<vmem>> -> memref<32xi32, #tpu.memory_space<vmem>>
    %dma_wait3A_136 = arith.constant 0 : i32
    %dma_wait3A_137 = arith.constant 0 : i32
    %dma_wait3A_138 = tpu.memref_slice %arg3[%dma_wait3A_136, %dma_wait3A_137] : memref<8192x1024xf32, #tpu.memory_space<hbm>> -> memref<8192x1024xf32, #tpu.memory_space<hbm>>
    tpu.wait_indirect_dma semaphore(%arg10 : memref<!tpu.dma_semaphore, #tpu.memory_space<semaphore_mem>>) src(%dma_wait3A_138 : memref<8192x1024xf32, #tpu.memory_space<hbm>>) dst(%arg7 : memref<32x1024xf32, #tpu.memory_space<vmem>>)
    %dma_start3A_139 = arith.constant 4 : i32
    %dma_start3A_140 = arith.constant 0 : i32
    %dma_start3A_141 = arith.constant 0 : i32
    %dma_start3A_142 = tpu.memref_slice %arg4[%add3A, %dma_start3A_139, %dma_start3A_140, %dma_start3A_141] : memref<32x32x32x1024xf32, #tpu.memory_space<hbm>> -> memref<1x1x32x1024xf32, #tpu.memory_space<hbm>>
    %dma_start3A_143 = tpu.memref_squeeze %dma_start3A_142 : memref<1x1x32x1024xf32, #tpu.memory_space<hbm>> -> memref<32x1024xf32, #tpu.memory_space<hbm>>
    %dma_start3A_144 = arith.constant 0 : i32
    %dma_start3A_145 = arith.constant 0 : i32
    %dma_start3A_146 = tpu.memref_slice %arg4[%add3A, %dma_start3A_139, %dma_start3A_144, %dma_start3A_145] : memref<32x32x32x1024xf32, #tpu.memory_space<hbm>> -> memref<1x1x32x1024xf32, #tpu.memory_space<hbm>>
    %dma_start3A_147 = tpu.memref_squeeze %dma_start3A_146 : memref<1x1x32x1024xf32, #tpu.memory_space<hbm>> -> memref<32x1024xf32, #tpu.memory_space<hbm>>
    tpu.enqueue_dma source(%arg7 : memref<32x1024xf32, #tpu.memory_space<vmem>>) target(%dma_start3A_147 : memref<32x1024xf32, #tpu.memory_space<hbm>>) target_semaphore(%arg13 : memref<!tpu.dma_semaphore, #tpu.memory_space<semaphore_mem>>)
    %dma_wait3A_148 = arith.constant 3 : i32
    %dma_wait3A_149 = arith.constant 0 : i32
    %dma_wait3A_150 = arith.constant 0 : i32
    %dma_wait3A_151 = tpu.memref_slice %arg4[%add3A, %dma_wait3A_148, %dma_wait3A_149, %dma_wait3A_150] : memref<32x32x32x1024xf32, #tpu.memory_space<hbm>> -> memref<1x1x32x1024xf32, #tpu.memory_space<hbm>>
    %dma_wait3A_152 = tpu.memref_squeeze %dma_wait3A_151 : memref<1x1x32x1024xf32, #tpu.memory_space<hbm>> -> memref<32x1024xf32, #tpu.memory_space<hbm>>
    %dma_wait3A_153 = arith.constant 0 : i32
    %dma_wait3A_154 = arith.constant 0 : i32
    %dma_wait3A_155 = tpu.memref_slice %arg4[%add3A, %dma_wait3A_148, %dma_wait3A_153, %dma_wait3A_154] : memref<32x32x32x1024xf32, #tpu.memory_space<hbm>> -> memref<1x1x32x1024xf32, #tpu.memory_space<hbm>>
    %dma_wait3A_156 = tpu.memref_squeeze %dma_wait3A_155 : memref<1x1x32x1024xf32, #tpu.memory_space<hbm>> -> memref<32x1024xf32, #tpu.memory_space<hbm>>
    tpu.wait_dma2 semaphore(%arg12 : memref<!tpu.dma_semaphore, #tpu.memory_space<semaphore_mem>>) src(%arg6 : memref<32x1024xf32, #tpu.memory_space<vmem>>) dst(%dma_wait3A_156 : memref<32x1024xf32, #tpu.memory_space<hbm>>)
    %dma_start3A_157 = arith.constant 6 : i32
    %dma_start3A_158 = arith.constant 0 : i32
    %dma_start3A_159 = tpu.memref_slice %arg5[%dma_start3A_157, %dma_start3A_158] : memref<32x32xi32, #tpu.memory_space<vmem>> -> memref<1x32xi32, #tpu.memory_space<vmem>>
    %dma_start3A_160 = tpu.memref_squeeze %dma_start3A_159 : memref<1x32xi32, #tpu.memory_space<vmem>> -> memref<32xi32, #tpu.memory_space<vmem>>
    %dma_start3A_161 = arith.constant 0 : i32
    %dma_start3A_162 = arith.constant 0 : i32
    %dma_start3A_163 = tpu.memref_slice %arg3[%dma_start3A_161, %dma_start3A_162] : memref<8192x1024xf32, #tpu.memory_space<hbm>> -> memref<8192x1024xf32, #tpu.memory_space<hbm>>
    tpu.enqueue_indirect_dma source(%dma_start3A_163 : memref<8192x1024xf32, #tpu.memory_space<hbm>>) target(%arg6 : memref<32x1024xf32, #tpu.memory_space<vmem>>) offsets(%dma_start3A_160 : memref<32xi32, #tpu.memory_space<vmem>>) semaphore(%arg9 : memref<!tpu.dma_semaphore, #tpu.memory_space<semaphore_mem>>)
    %dma_wait3A_164 = arith.constant 5 : i32
    %dma_wait3A_165 = arith.constant 0 : i32
    %dma_wait3A_166 = tpu.memref_slice %arg5[%dma_wait3A_164, %dma_wait3A_165] : memref<32x32xi32, #tpu.memory_space<vmem>> -> memref<1x32xi32, #tpu.memory_space<vmem>>
    %dma_wait3A_167 = tpu.memref_squeeze %dma_wait3A_166 : memref<1x32xi32, #tpu.memory_space<vmem>> -> memref<32xi32, #tpu.memory_space<vmem>>
    %dma_wait3A_168 = arith.constant 0 : i32
    %dma_wait3A_169 = arith.constant 0 : i32
    %dma_wait3A_170 = tpu.memref_slice %arg3[%dma_wait3A_168, %dma_wait3A_169] : memref<8192x1024xf32, #tpu.memory_space<hbm>> -> memref<8192x1024xf32, #tpu.memory_space<hbm>>
    tpu.wait_indirect_dma semaphore(%arg11 : memref<!tpu.dma_semaphore, #tpu.memory_space<semaphore_mem>>) src(%dma_wait3A_170 : memref<8192x1024xf32, #tpu.memory_space<hbm>>) dst(%arg8 : memref<32x1024xf32, #tpu.memory_space<vmem>>)
    %dma_start3A_171 = arith.constant 5 : i32
    %dma_start3A_172 = arith.constant 0 : i32
    %dma_start3A_173 = arith.constant 0 : i32
    %dma_start3A_174 = tpu.memref_slice %arg4[%add3A, %dma_start3A_171, %dma_start3A_172, %dma_start3A_173] : memref<32x32x32x1024xf32, #tpu.memory_space<hbm>> -> memref<1x1x32x1024xf32, #tpu.memory_space<hbm>>
    %dma_start3A_175 = tpu.memref_squeeze %dma_start3A_174 : memref<1x1x32x1024xf32, #tpu.memory_space<hbm>> -> memref<32x1024xf32, #tpu.memory_space<hbm>>
    %dma_start3A_176 = arith.constant 0 : i32
    %dma_start3A_177 = arith.constant 0 : i32
    %dma_start3A_178 = tpu.memref_slice %arg4[%add3A, %dma_start3A_171, %dma_start3A_176, %dma_start3A_177] : memref<32x32x32x1024xf32, #tpu.memory_space<hbm>> -> memref<1x1x32x1024xf32, #tpu.memory_space<hbm>>
    %dma_start3A_179 = tpu.memref_squeeze %dma_start3A_178 : memref<1x1x32x1024xf32, #tpu.memory_space<hbm>> -> memref<32x1024xf32, #tpu.memory_space<hbm>>
    tpu.enqueue_dma source(%arg8 : memref<32x1024xf32, #tpu.memory_space<vmem>>) target(%dma_start3A_179 : memref<32x1024xf32, #tpu.memory_space<hbm>>) target_semaphore(%arg14 : memref<!tpu.dma_semaphore, #tpu.memory_space<semaphore_mem>>)
    %dma_wait3A_180 = arith.constant 4 : i32
    %dma_wait3A_181 = arith.constant 0 : i32
    %dma_wait3A_182 = arith.constant 0 : i32
    %dma_wait3A_183 = tpu.memref_slice %arg4[%add3A, %dma_wait3A_180, %dma_wait3A_181, %dma_wait3A_182] : memref<32x32x32x1024xf32, #tpu.memory_space<hbm>> -> memref<1x1x32x1024xf32, #tpu.memory_space<hbm>>
    %dma_wait3A_184 = tpu.memref_squeeze %dma_wait3A_183 : memref<1x1x32x1024xf32, #tpu.memory_space<hbm>> -> memref<32x1024xf32, #tpu.memory_space<hbm>>
    %dma_wait3A_185 = arith.constant 0 : i32
    %dma_wait3A_186 = arith.constant 0 : i32
    %dma_wait3A_187 = tpu.memref_slice %arg4[%add3A, %dma_wait3A_180, %dma_wait3A_185, %dma_wait3A_186] : memref<32x32x32x1024xf32, #tpu.memory_space<hbm>> -> memref<1x1x32x1024xf32, #tpu.memory_space<hbm>>
    %dma_wait3A_188 = tpu.memref_squeeze %dma_wait3A_187 : memref<1x1x32x1024xf32, #tpu.memory_space<hbm>> -> memref<32x1024xf32, #tpu.memory_space<hbm>>
    tpu.wait_dma2 semaphore(%arg13 : memref<!tpu.dma_semaphore, #tpu.memory_space<semaphore_mem>>) src(%arg7 : memref<32x1024xf32, #tpu.memory_space<vmem>>) dst(%dma_wait3A_188 : memref<32x1024xf32, #tpu.memory_space<hbm>>)
    %dma_start3A_189 = arith.constant 7 : i32
    %dma_start3A_190 = arith.constant 0 : i32
    %dma_start3A_191 = tpu.memref_slice %arg5[%dma_start3A_189, %dma_start3A_190] : memref<32x32xi32, #tpu.memory_space<vmem>> -> memref<1x32xi32, #tpu.memory_space<vmem>>
    %dma_start3A_192 = tpu.memref_squeeze %dma_start3A_191 : memref<1x32xi32, #tpu.memory_space<vmem>> -> memref<32xi32, #tpu.memory_space<vmem>>
    %dma_start3A_193 = arith.constant 0 : i32
    %dma_start3A_194 = arith.constant 0 : i32
    %dma_start3A_195 = tpu.memref_slice %arg3[%dma_start3A_193, %dma_start3A_194] : memref<8192x1024xf32, #tpu.memory_space<hbm>> -> memref<8192x1024xf32, #tpu.memory_space<hbm>>
    tpu.enqueue_indirect_dma source(%dma_start3A_195 : memref<8192x1024xf32, #tpu.memory_space<hbm>>) target(%arg7 : memref<32x1024xf32, #tpu.memory_space<vmem>>) offsets(%dma_start3A_192 : memref<32xi32, #tpu.memory_space<vmem>>) semaphore(%arg10 : memref<!tpu.dma_semaphore, #tpu.memory_space<semaphore_mem>>)
    %dma_wait3A_196 = arith.constant 6 : i32
    %dma_wait3A_197 = arith.constant 0 : i32
    %dma_wait3A_198 = tpu.memref_slice %arg5[%dma_wait3A_196, %dma_wait3A_197] : memref<32x32xi32, #tpu.memory_space<vmem>> -> memref<1x32xi32, #tpu.memory_space<vmem>>
    %dma_wait3A_199 = tpu.memref_squeeze %dma_wait3A_198 : memref<1x32xi32, #tpu.memory_space<vmem>> -> memref<32xi32, #tpu.memory_space<vmem>>
    %dma_wait3A_200 = arith.constant 0 : i32
    %dma_wait3A_201 = arith.constant 0 : i32
    %dma_wait3A_202 = tpu.memref_slice %arg3[%dma_wait3A_200, %dma_wait3A_201] : memref<8192x1024xf32, #tpu.memory_space<hbm>> -> memref<8192x1024xf32, #tpu.memory_space<hbm>>
    tpu.wait_indirect_dma semaphore(%arg9 : memref<!tpu.dma_semaphore, #tpu.memory_space<semaphore_mem>>) src(%dma_wait3A_202 : memref<8192x1024xf32, #tpu.memory_space<hbm>>) dst(%arg6 : memref<32x1024xf32, #tpu.memory_space<vmem>>)
    %dma_start3A_203 = arith.constant 6 : i32
    %dma_start3A_204 = arith.constant 0 : i32
    %dma_start3A_205 = arith.constant 0 : i32
    %dma_start3A_206 = tpu.memref_slice %arg4[%add3A, %dma_start3A_203, %dma_start3A_204, %dma_start3A_205] : memref<32x32x32x1024xf32, #tpu.memory_space<hbm>> -> memref<1x1x32x1024xf32, #tpu.memory_space<hbm>>
    %dma_start3A_207 = tpu.memref_squeeze %dma_start3A_206 : memref<1x1x32x1024xf32, #tpu.memory_space<hbm>> -> memref<32x1024xf32, #tpu.memory_space<hbm>>
    %dma_start3A_208 = arith.constant 0 : i32
    %dma_start3A_209 = arith.constant 0 : i32
    %dma_start3A_210 = tpu.memref_slice %arg4[%add3A, %dma_start3A_203, %dma_start3A_208, %dma_start3A_209] : memref<32x32x32x1024xf32, #tpu.memory_space<hbm>> -> memref<1x1x32x1024xf32, #tpu.memory_space<hbm>>
    %dma_start3A_211 = tpu.memref_squeeze %dma_start3A_210 : memref<1x1x32x1024xf32, #tpu.memory_space<hbm>> -> memref<32x1024xf32, #tpu.memory_space<hbm>>
    tpu.enqueue_dma source(%arg6 : memref<32x1024xf32, #tpu.memory_space<vmem>>) target(%dma_start3A_211 : memref<32x1024xf32, #tpu.memory_space<hbm>>) target_semaphore(%arg12 : memref<!tpu.dma_semaphore, #tpu.memory_space<semaphore_mem>>)
    %dma_wait3A_212 = arith.constant 5 : i32
    %dma_wait3A_213 = arith.constant 0 : i32
    %dma_wait3A_214 = arith.constant 0 : i32
    %dma_wait3A_215 = tpu.memref_slice %arg4[%add3A, %dma_wait3A_212, %dma_wait3A_213, %dma_wait3A_214] : memref<32x32x32x1024xf32, #tpu.memory_space<hbm>> -> memref<1x1x32x1024xf32, #tpu.memory_space<hbm>>
    %dma_wait3A_216 = tpu.memref_squeeze %dma_wait3A_215 : memref<1x1x32x1024xf32, #tpu.memory_space<hbm>> -> memref<32x1024xf32, #tpu.memory_space<hbm>>
    %dma_wait3A_217 = arith.constant 0 : i32
    %dma_wait3A_218 = arith.constant 0 : i32
    %dma_wait3A_219 = tpu.memref_slice %arg4[%add3A, %dma_wait3A_212, %dma_wait3A_217, %dma_wait3A_218] : memref<32x32x32x1024xf32, #tpu.memory_space<hbm>> -> memref<1x1x32x1024xf32, #tpu.memory_space<hbm>>
    %dma_wait3A_220 = tpu.memref_squeeze %dma_wait3A_219 : memref<1x1x32x1024xf32, #tpu.memory_space<hbm>> -> memref<32x1024xf32, #tpu.memory_space<hbm>>
    tpu.wait_dma2 semaphore(%arg14 : memref<!tpu.dma_semaphore, #tpu.memory_space<semaphore_mem>>) src(%arg8 : memref<32x1024xf32, #tpu.memory_space<vmem>>) dst(%dma_wait3A_220 : memref<32x1024xf32, #tpu.memory_space<hbm>>)
    %dma_start3A_221 = arith.constant 8 : i32
    %dma_start3A_222 = arith.constant 0 : i32
    %dma_start3A_223 = tpu.memref_slice %arg5[%dma_start3A_221, %dma_start3A_222] : memref<32x32xi32, #tpu.memory_space<vmem>> -> memref<1x32xi32, #tpu.memory_space<vmem>>
    %dma_start3A_224 = tpu.memref_squeeze %dma_start3A_223 : memref<1x32xi32, #tpu.memory_space<vmem>> -> memref<32xi32, #tpu.memory_space<vmem>>
    %dma_start3A_225 = arith.constant 0 : i32
    %dma_start3A_226 = arith.constant 0 : i32
    %dma_start3A_227 = tpu.memref_slice %arg3[%dma_start3A_225, %dma_start3A_226] : memref<8192x1024xf32, #tpu.memory_space<hbm>> -> memref<8192x1024xf32, #tpu.memory_space<hbm>>
    tpu.enqueue_indirect_dma source(%dma_start3A_227 : memref<8192x1024xf32, #tpu.memory_space<hbm>>) target(%arg8 : memref<32x1024xf32, #tpu.memory_space<vmem>>) offsets(%dma_start3A_224 : memref<32xi32, #tpu.memory_space<vmem>>) semaphore(%arg11 : memref<!tpu.dma_semaphore, #tpu.memory_space<semaphore_mem>>)
    %dma_wait3A_228 = arith.constant 7 : i32
    %dma_wait3A_229 = arith.constant 0 : i32
    %dma_wait3A_230 = tpu.memref_slice %arg5[%dma_wait3A_228, %dma_wait3A_229] : memref<32x32xi32, #tpu.memory_space<vmem>> -> memref<1x32xi32, #tpu.memory_space<vmem>>
    %dma_wait3A_231 = tpu.memref_squeeze %dma_wait3A_230 : memref<1x32xi32, #tpu.memory_space<vmem>> -> memref<32xi32, #tpu.memory_space<vmem>>
    %dma_wait3A_232 = arith.constant 0 : i32
    %dma_wait3A_233 = arith.constant 0 : i32
    %dma_wait3A_234 = tpu.memref_slice %arg3[%dma_wait3A_232, %dma_wait3A_233] : memref<8192x1024xf32, #tpu.memory_space<hbm>> -> memref<8192x1024xf32, #tpu.memory_space<hbm>>
    tpu.wait_indirect_dma semaphore(%arg10 : memref<!tpu.dma_semaphore, #tpu.memory_space<semaphore_mem>>) src(%dma_wait3A_234 : memref<8192x1024xf32, #tpu.memory_space<hbm>>) dst(%arg7 : memref<32x1024xf32, #tpu.memory_space<vmem>>)
    %dma_start3A_235 = arith.constant 7 : i32
    %dma_start3A_236 = arith.constant 0 : i32
    %dma_start3A_237 = arith.constant 0 : i32
    %dma_start3A_238 = tpu.memref_slice %arg4[%add3A, %dma_start3A_235, %dma_start3A_236, %dma_start3A_237] : memref<32x32x32x1024xf32, #tpu.memory_space<hbm>> -> memref<1x1x32x1024xf32, #tpu.memory_space<hbm>>
    %dma_start3A_239 = tpu.memref_squeeze %dma_start3A_238 : memref<1x1x32x1024xf32, #tpu.memory_space<hbm>> -> memref<32x1024xf32, #tpu.memory_space<hbm>>
    %dma_start3A_240 = arith.constant 0 : i32
    %dma_start3A_241 = arith.constant 0 : i32
    %dma_start3A_242 = tpu.memref_slice %arg4[%add3A, %dma_start3A_235, %dma_start3A_240, %dma_start3A_241] : memref<32x32x32x1024xf32, #tpu.memory_space<hbm>> -> memref<1x1x32x1024xf32, #tpu.memory_space<hbm>>
    %dma_start3A_243 = tpu.memref_squeeze %dma_start3A_242 : memref<1x1x32x1024xf32, #tpu.memory_space<hbm>> -> memref<32x1024xf32, #tpu.memory_space<hbm>>
    tpu.enqueue_dma source(%arg7 : memref<32x1024xf32, #tpu.memory_space<vmem>>) target(%dma_start3A_243 : memref<32x1024xf32, #tpu.memory_space<hbm>>) target_semaphore(%arg13 : memref<!tpu.dma_semaphore, #tpu.memory_space<semaphore_mem>>)
    %dma_wait3A_244 = arith.constant 6 : i32
    %dma_wait3A_245 = arith.constant 0 : i32
    %dma_wait3A_246 = arith.constant 0 : i32
    %dma_wait3A_247 = tpu.memref_slice %arg4[%add3A, %dma_wait3A_244, %dma_wait3A_245, %dma_wait3A_246] : memref<32x32x32x1024xf32, #tpu.memory_space<hbm>> -> memref<1x1x32x1024xf32, #tpu.memory_space<hbm>>
    %dma_wait3A_248 = tpu.memref_squeeze %dma_wait3A_247 : memref<1x1x32x1024xf32, #tpu.memory_space<hbm>> -> memref<32x1024xf32, #tpu.memory_space<hbm>>
    %dma_wait3A_249 = arith.constant 0 : i32
    %dma_wait3A_250 = arith.constant 0 : i32
    %dma_wait3A_251 = tpu.memref_slice %arg4[%add3A, %dma_wait3A_244, %dma_wait3A_249, %dma_wait3A_250] : memref<32x32x32x1024xf32, #tpu.memory_space<hbm>> -> memref<1x1x32x1024xf32, #tpu.memory_space<hbm>>
    %dma_wait3A_252 = tpu.memref_squeeze %dma_wait3A_251 : memref<1x1x32x1024xf32, #tpu.memory_space<hbm>> -> memref<32x1024xf32, #tpu.memory_space<hbm>>
    tpu.wait_dma2 semaphore(%arg12 : memref<!tpu.dma_semaphore, #tpu.memory_space<semaphore_mem>>) src(%arg6 : memref<32x1024xf32, #tpu.memory_space<vmem>>) dst(%dma_wait3A_252 : memref<32x1024xf32, #tpu.memory_space<hbm>>)
    %dma_start3A_253 = arith.constant 9 : i32
    %dma_start3A_254 = arith.constant 0 : i32
    %dma_start3A_255 = tpu.memref_slice %arg5[%dma_start3A_253, %dma_start3A_254] : memref<32x32xi32, #tpu.memory_space<vmem>> -> memref<1x32xi32, #tpu.memory_space<vmem>>
    %dma_start3A_256 = tpu.memref_squeeze %dma_start3A_255 : memref<1x32xi32, #tpu.memory_space<vmem>> -> memref<32xi32, #tpu.memory_space<vmem>>
    %dma_start3A_257 = arith.constant 0 : i32
    %dma_start3A_258 = arith.constant 0 : i32
    %dma_start3A_259 = tpu.memref_slice %arg3[%dma_start3A_257, %dma_start3A_258] : memref<8192x1024xf32, #tpu.memory_space<hbm>> -> memref<8192x1024xf32, #tpu.memory_space<hbm>>
    tpu.enqueue_indirect_dma source(%dma_start3A_259 : memref<8192x1024xf32, #tpu.memory_space<hbm>>) target(%arg6 : memref<32x1024xf32, #tpu.memory_space<vmem>>) offsets(%dma_start3A_256 : memref<32xi32, #tpu.memory_space<vmem>>) semaphore(%arg9 : memref<!tpu.dma_semaphore, #tpu.memory_space<semaphore_mem>>)
    %dma_wait3A_260 = arith.constant 8 : i32
    %dma_wait3A_261 = arith.constant 0 : i32
    %dma_wait3A_262 = tpu.memref_slice %arg5[%dma_wait3A_260, %dma_wait3A_261] : memref<32x32xi32, #tpu.memory_space<vmem>> -> memref<1x32xi32, #tpu.memory_space<vmem>>
    %dma_wait3A_263 = tpu.memref_squeeze %dma_wait3A_262 : memref<1x32xi32, #tpu.memory_space<vmem>> -> memref<32xi32, #tpu.memory_space<vmem>>
    %dma_wait3A_264 = arith.constant 0 : i32
    %dma_wait3A_265 = arith.constant 0 : i32
    %dma_wait3A_266 = tpu.memref_slice %arg3[%dma_wait3A_264, %dma_wait3A_265] : memref<8192x1024xf32, #tpu.memory_space<hbm>> -> memref<8192x1024xf32, #tpu.memory_space<hbm>>
    tpu.wait_indirect_dma semaphore(%arg11 : memref<!tpu.dma_semaphore, #tpu.memory_space<semaphore_mem>>) src(%dma_wait3A_266 : memref<8192x1024xf32, #tpu.memory_space<hbm>>) dst(%arg8 : memref<32x1024xf32, #tpu.memory_space<vmem>>)
    %dma_start3A_267 = arith.constant 8 : i32
    %dma_start3A_268 = arith.constant 0 : i32
    %dma_start3A_269 = arith.constant 0 : i32
    %dma_start3A_270 = tpu.memref_slice %arg4[%add3A, %dma_start3A_267, %dma_start3A_268, %dma_start3A_269] : memref<32x32x32x1024xf32, #tpu.memory_space<hbm>> -> memref<1x1x32x1024xf32, #tpu.memory_space<hbm>>
    %dma_start3A_271 = tpu.memref_squeeze %dma_start3A_270 : memref<1x1x32x1024xf32, #tpu.memory_space<hbm>> -> memref<32x1024xf32, #tpu.memory_space<hbm>>
    %dma_start3A_272 = arith.constant 0 : i32
    %dma_start3A_273 = arith.constant 0 : i32
    %dma_start3A_274 = tpu.memref_slice %arg4[%add3A, %dma_start3A_267, %dma_start3A_272, %dma_start3A_273] : memref<32x32x32x1024xf32, #tpu.memory_space<hbm>> -> memref<1x1x32x1024xf32, #tpu.memory_space<hbm>>
    %dma_start3A_275 = tpu.memref_squeeze %dma_start3A_274 : memref<1x1x32x1024xf32, #tpu.memory_space<hbm>> -> memref<32x1024xf32, #tpu.memory_space<hbm>>
    tpu.enqueue_dma source(%arg8 : memref<32x1024xf32, #tpu.memory_space<vmem>>) target(%dma_start3A_275 : memref<32x1024xf32, #tpu.memory_space<hbm>>) target_semaphore(%arg14 : memref<!tpu.dma_semaphore, #tpu.memory_space<semaphore_mem>>)
    %dma_wait3A_276 = arith.constant 7 : i32
    %dma_wait3A_277 = arith.constant 0 : i32
    %dma_wait3A_278 = arith.constant 0 : i32
    %dma_wait3A_279 = tpu.memref_slice %arg4[%add3A, %dma_wait3A_276, %dma_wait3A_277, %dma_wait3A_278] : memref<32x32x32x1024xf32, #tpu.memory_space<hbm>> -> memref<1x1x32x1024xf32, #tpu.memory_space<hbm>>
    %dma_wait3A_280 = tpu.memref_squeeze %dma_wait3A_279 : memref<1x1x32x1024xf32, #tpu.memory_space<hbm>> -> memref<32x1024xf32, #tpu.memory_space<hbm>>
    %dma_wait3A_281 = arith.constant 0 : i32
    %dma_wait3A_282 = arith.constant 0 : i32
    %dma_wait3A_283 = tpu.memref_slice %arg4[%add3A, %dma_wait3A_276, %dma_wait3A_281, %dma_wait3A_282] : memref<32x32x32x1024xf32, #tpu.memory_space<hbm>> -> memref<1x1x32x1024xf32, #tpu.memory_space<hbm>>
    %dma_wait3A_284 = tpu.memref_squeeze %dma_wait3A_283 : memref<1x1x32x1024xf32, #tpu.memory_space<hbm>> -> memref<32x1024xf32, #tpu.memory_space<hbm>>
    tpu.wait_dma2 semaphore(%arg13 : memref<!tpu.dma_semaphore, #tpu.memory_space<semaphore_mem>>) src(%arg7 : memref<32x1024xf32, #tpu.memory_space<vmem>>) dst(%dma_wait3A_284 : memref<32x1024xf32, #tpu.memory_space<hbm>>)
    %dma_start3A_285 = arith.constant 10 : i32
    %dma_start3A_286 = arith.constant 0 : i32
    %dma_start3A_287 = tpu.memref_slice %arg5[%dma_start3A_285, %dma_start3A_286] : memref<32x32xi32, #tpu.memory_space<vmem>> -> memref<1x32xi32, #tpu.memory_space<vmem>>
    %dma_start3A_288 = tpu.memref_squeeze %dma_start3A_287 : memref<1x32xi32, #tpu.memory_space<vmem>> -> memref<32xi32, #tpu.memory_space<vmem>>
    %dma_start3A_289 = arith.constant 0 : i32
    %dma_start3A_290 = arith.constant 0 : i32
    %dma_start3A_291 = tpu.memref_slice %arg3[%dma_start3A_289, %dma_start3A_290] : memref<8192x1024xf32, #tpu.memory_space<hbm>> -> memref<8192x1024xf32, #tpu.memory_space<hbm>>
    tpu.enqueue_indirect_dma source(%dma_start3A_291 : memref<8192x1024xf32, #tpu.memory_space<hbm>>) target(%arg7 : memref<32x1024xf32, #tpu.memory_space<vmem>>) offsets(%dma_start3A_288 : memref<32xi32, #tpu.memory_space<vmem>>) semaphore(%arg10 : memref<!tpu.dma_semaphore, #tpu.memory_space<semaphore_mem>>)
    %dma_wait3A_292 = arith.constant 9 : i32
    %dma_wait3A_293 = arith.constant 0 : i32
    %dma_wait3A_294 = tpu.memref_slice %arg5[%dma_wait3A_292, %dma_wait3A_293] : memref<32x32xi32, #tpu.memory_space<vmem>> -> memref<1x32xi32, #tpu.memory_space<vmem>>
    %dma_wait3A_295 = tpu.memref_squeeze %dma_wait3A_294 : memref<1x32xi32, #tpu.memory_space<vmem>> -> memref<32xi32, #tpu.memory_space<vmem>>
    %dma_wait3A_296 = arith.constant 0 : i32
    %dma_wait3A_297 = arith.constant 0 : i32
    %dma_wait3A_298 = tpu.memref_slice %arg3[%dma_wait3A_296, %dma_wait3A_297] : memref<8192x1024xf32, #tpu.memory_space<hbm>> -> memref<8192x1024xf32, #tpu.memory_space<hbm>>
    tpu.wait_indirect_dma semaphore(%arg9 : memref<!tpu.dma_semaphore, #tpu.memory_space<semaphore_mem>>) src(%dma_wait3A_298 : memref<8192x1024xf32, #tpu.memory_space<hbm>>) dst(%arg6 : memref<32x1024xf32, #tpu.memory_space<vmem>>)
    %dma_start3A_299 = arith.constant 9 : i32
    %dma_start3A_300 = arith.constant 0 : i32
    %dma_start3A_301 = arith.constant 0 : i32
    %dma_start3A_302 = tpu.memref_slice %arg4[%add3A, %dma_start3A_299, %dma_start3A_300, %dma_start3A_301] : memref<32x32x32x1024xf32, #tpu.memory_space<hbm>> -> memref<1x1x32x1024xf32, #tpu.memory_space<hbm>>
    %dma_start3A_303 = tpu.memref_squeeze %dma_start3A_302 : memref<1x1x32x1024xf32, #tpu.memory_space<hbm>> -> memref<32x1024xf32, #tpu.memory_space<hbm>>
    %dma_start3A_304 = arith.constant 0 : i32
    %dma_start3A_305 = arith.constant 0 : i32
    %dma_start3A_306 = tpu.memref_slice %arg4[%add3A, %dma_start3A_299, %dma_start3A_304, %dma_start3A_305] : memref<32x32x32x1024xf32, #tpu.memory_space<hbm>> -> memref<1x1x32x1024xf32, #tpu.memory_space<hbm>>
    %dma_start3A_307 = tpu.memref_squeeze %dma_start3A_306 : memref<1x1x32x1024xf32, #tpu.memory_space<hbm>> -> memref<32x1024xf32, #tpu.memory_space<hbm>>
    tpu.enqueue_dma source(%arg6 : memref<32x1024xf32, #tpu.memory_space<vmem>>) target(%dma_start3A_307 : memref<32x1024xf32, #tpu.memory_space<hbm>>) target_semaphore(%arg12 : memref<!tpu.dma_semaphore, #tpu.memory_space<semaphore_mem>>)
    %dma_wait3A_308 = arith.constant 8 : i32
    %dma_wait3A_309 = arith.constant 0 : i32
    %dma_wait3A_310 = arith.constant 0 : i32
    %dma_wait3A_311 = tpu.memref_slice %arg4[%add3A, %dma_wait3A_308, %dma_wait3A_309, %dma_wait3A_310] : memref<32x32x32x1024xf32, #tpu.memory_space<hbm>> -> memref<1x1x32x1024xf32, #tpu.memory_space<hbm>>
    %dma_wait3A_312 = tpu.memref_squeeze %dma_wait3A_311 : memref<1x1x32x1024xf32, #tpu.memory_space<hbm>> -> memref<32x1024xf32, #tpu.memory_space<hbm>>
    %dma_wait3A_313 = arith.constant 0 : i32
    %dma_wait3A_314 = arith.constant 0 : i32
    %dma_wait3A_315 = tpu.memref_slice %arg4[%add3A, %dma_wait3A_308, %dma_wait3A_313, %dma_wait3A_314] : memref<32x32x32x1024xf32, #tpu.memory_space<hbm>> -> memref<1x1x32x1024xf32, #tpu.memory_space<hbm>>
    %dma_wait3A_316 = tpu.memref_squeeze %dma_wait3A_315 : memref<1x1x32x1024xf32, #tpu.memory_space<hbm>> -> memref<32x1024xf32, #tpu.memory_space<hbm>>
    tpu.wait_dma2 semaphore(%arg14 : memref<!tpu.dma_semaphore, #tpu.memory_space<semaphore_mem>>) src(%arg8 : memref<32x1024xf32, #tpu.memory_space<vmem>>) dst(%dma_wait3A_316 : memref<32x1024xf32, #tpu.memory_space<hbm>>)
    %dma_start3A_317 = arith.constant 11 : i32
    %dma_start3A_318 = arith.constant 0 : i32
    %dma_start3A_319 = tpu.memref_slice %arg5[%dma_start3A_317, %dma_start3A_318] : memref<32x32xi32, #tpu.memory_space<vmem>> -> memref<1x32xi32, #tpu.memory_space<vmem>>
    %dma_start3A_320 = tpu.memref_squeeze %dma_start3A_319 : memref<1x32xi32, #tpu.memory_space<vmem>> -> memref<32xi32, #tpu.memory_space<vmem>>
    %dma_start3A_321 = arith.constant 0 : i32
    %dma_start3A_322 = arith.constant 0 : i32
    %dma_start3A_323 = tpu.memref_slice %arg3[%dma_start3A_321, %dma_start3A_322] : memref<8192x1024xf32, #tpu.memory_space<hbm>> -> memref<8192x1024xf32, #tpu.memory_space<hbm>>
    tpu.enqueue_indirect_dma source(%dma_start3A_323 : memref<8192x1024xf32, #tpu.memory_space<hbm>>) target(%arg8 : memref<32x1024xf32, #tpu.memory_space<vmem>>) offsets(%dma_start3A_320 : memref<32xi32, #tpu.memory_space<vmem>>) semaphore(%arg11 : memref<!tpu.dma_semaphore, #tpu.memory_space<semaphore_mem>>)
    %dma_wait3A_324 = arith.constant 10 : i32
    %dma_wait3A_325 = arith.constant 0 : i32
    %dma_wait3A_326 = tpu.memref_slice %arg5[%dma_wait3A_324, %dma_wait3A_325] : memref<32x32xi32, #tpu.memory_space<vmem>> -> memref<1x32xi32, #tpu.memory_space<vmem>>
    %dma_wait3A_327 = tpu.memref_squeeze %dma_wait3A_326 : memref<1x32xi32, #tpu.memory_space<vmem>> -> memref<32xi32, #tpu.memory_space<vmem>>
    %dma_wait3A_328 = arith.constant 0 : i32
    %dma_wait3A_329 = arith.constant 0 : i32
    %dma_wait3A_330 = tpu.memref_slice %arg3[%dma_wait3A_328, %dma_wait3A_329] : memref<8192x1024xf32, #tpu.memory_space<hbm>> -> memref<8192x1024xf32, #tpu.memory_space<hbm>>
    tpu.wait_indirect_dma semaphore(%arg10 : memref<!tpu.dma_semaphore, #tpu.memory_space<semaphore_mem>>) src(%dma_wait3A_330 : memref<8192x1024xf32, #tpu.memory_space<hbm>>) dst(%arg7 : memref<32x1024xf32, #tpu.memory_space<vmem>>)
    %dma_start3A_331 = arith.constant 10 : i32
    %dma_start3A_332 = arith.constant 0 : i32
    %dma_start3A_333 = arith.constant 0 : i32
    %dma_start3A_334 = tpu.memref_slice %arg4[%add3A, %dma_start3A_331, %dma_start3A_332, %dma_start3A_333] : memref<32x32x32x1024xf32, #tpu.memory_space<hbm>> -> memref<1x1x32x1024xf32, #tpu.memory_space<hbm>>
    %dma_start3A_335 = tpu.memref_squeeze %dma_start3A_334 : memref<1x1x32x1024xf32, #tpu.memory_space<hbm>> -> memref<32x1024xf32, #tpu.memory_space<hbm>>
    %dma_start3A_336 = arith.constant 0 : i32
    %dma_start3A_337 = arith.constant 0 : i32
    %dma_start3A_338 = tpu.memref_slice %arg4[%add3A, %dma_start3A_331, %dma_start3A_336, %dma_start3A_337] : memref<32x32x32x1024xf32, #tpu.memory_space<hbm>> -> memref<1x1x32x1024xf32, #tpu.memory_space<hbm>>
    %dma_start3A_339 = tpu.memref_squeeze %dma_start3A_338 : memref<1x1x32x1024xf32, #tpu.memory_space<hbm>> -> memref<32x1024xf32, #tpu.memory_space<hbm>>
    tpu.enqueue_dma source(%arg7 : memref<32x1024xf32, #tpu.memory_space<vmem>>) target(%dma_start3A_339 : memref<32x1024xf32, #tpu.memory_space<hbm>>) target_semaphore(%arg13 : memref<!tpu.dma_semaphore, #tpu.memory_space<semaphore_mem>>)
    %dma_wait3A_340 = arith.constant 9 : i32
    %dma_wait3A_341 = arith.constant 0 : i32
    %dma_wait3A_342 = arith.constant 0 : i32
    %dma_wait3A_343 = tpu.memref_slice %arg4[%add3A, %dma_wait3A_340, %dma_wait3A_341, %dma_wait3A_342] : memref<32x32x32x1024xf32, #tpu.memory_space<hbm>> -> memref<1x1x32x1024xf32, #tpu.memory_space<hbm>>
    %dma_wait3A_344 = tpu.memref_squeeze %dma_wait3A_343 : memref<1x1x32x1024xf32, #tpu.memory_space<hbm>> -> memref<32x1024xf32, #tpu.memory_space<hbm>>
    %dma_wait3A_345 = arith.constant 0 : i32
    %dma_wait3A_346 = arith.constant 0 : i32
    %dma_wait3A_347 = tpu.memref_slice %arg4[%add3A, %dma_wait3A_340, %dma_wait3A_345, %dma_wait3A_346] : memref<32x32x32x1024xf32, #tpu.memory_space<hbm>> -> memref<1x1x32x1024xf32, #tpu.memory_space<hbm>>
    %dma_wait3A_348 = tpu.memref_squeeze %dma_wait3A_347 : memref<1x1x32x1024xf32, #tpu.memory_space<hbm>> -> memref<32x1024xf32, #tpu.memory_space<hbm>>
    tpu.wait_dma2 semaphore(%arg12 : memref<!tpu.dma_semaphore, #tpu.memory_space<semaphore_mem>>) src(%arg6 : memref<32x1024xf32, #tpu.memory_space<vmem>>) dst(%dma_wait3A_348 : memref<32x1024xf32, #tpu.memory_space<hbm>>)
    %dma_start3A_349 = arith.constant 12 : i32
    %dma_start3A_350 = arith.constant 0 : i32
    %dma_start3A_351 = tpu.memref_slice %arg5[%dma_start3A_349, %dma_start3A_350] : memref<32x32xi32, #tpu.memory_space<vmem>> -> memref<1x32xi32, #tpu.memory_space<vmem>>
    %dma_start3A_352 = tpu.memref_squeeze %dma_start3A_351 : memref<1x32xi32, #tpu.memory_space<vmem>> -> memref<32xi32, #tpu.memory_space<vmem>>
    %dma_start3A_353 = arith.constant 0 : i32
    %dma_start3A_354 = arith.constant 0 : i32
    %dma_start3A_355 = tpu.memref_slice %arg3[%dma_start3A_353, %dma_start3A_354] : memref<8192x1024xf32, #tpu.memory_space<hbm>> -> memref<8192x1024xf32, #tpu.memory_space<hbm>>
    tpu.enqueue_indirect_dma source(%dma_start3A_355 : memref<8192x1024xf32, #tpu.memory_space<hbm>>) target(%arg6 : memref<32x1024xf32, #tpu.memory_space<vmem>>) offsets(%dma_start3A_352 : memref<32xi32, #tpu.memory_space<vmem>>) semaphore(%arg9 : memref<!tpu.dma_semaphore, #tpu.memory_space<semaphore_mem>>)
    %dma_wait3A_356 = arith.constant 11 : i32
    %dma_wait3A_357 = arith.constant 0 : i32
    %dma_wait3A_358 = tpu.memref_slice %arg5[%dma_wait3A_356, %dma_wait3A_357] : memref<32x32xi32, #tpu.memory_space<vmem>> -> memref<1x32xi32, #tpu.memory_space<vmem>>
    %dma_wait3A_359 = tpu.memref_squeeze %dma_wait3A_358 : memref<1x32xi32, #tpu.memory_space<vmem>> -> memref<32xi32, #tpu.memory_space<vmem>>
    %dma_wait3A_360 = arith.constant 0 : i32
    %dma_wait3A_361 = arith.constant 0 : i32
    %dma_wait3A_362 = tpu.memref_slice %arg3[%dma_wait3A_360, %dma_wait3A_361] : memref<8192x1024xf32, #tpu.memory_space<hbm>> -> memref<8192x1024xf32, #tpu.memory_space<hbm>>
    tpu.wait_indirect_dma semaphore(%arg11 : memref<!tpu.dma_semaphore, #tpu.memory_space<semaphore_mem>>) src(%dma_wait3A_362 : memref<8192x1024xf32, #tpu.memory_space<hbm>>) dst(%arg8 : memref<32x1024xf32, #tpu.memory_space<vmem>>)
    %dma_start3A_363 = arith.constant 11 : i32
    %dma_start3A_364 = arith.constant 0 : i32
    %dma_start3A_365 = arith.constant 0 : i32
    %dma_start3A_366 = tpu.memref_slice %arg4[%add3A, %dma_start3A_363, %dma_start3A_364, %dma_start3A_365] : memref<32x32x32x1024xf32, #tpu.memory_space<hbm>> -> memref<1x1x32x1024xf32, #tpu.memory_space<hbm>>
    %dma_start3A_367 = tpu.memref_squeeze %dma_start3A_366 : memref<1x1x32x1024xf32, #tpu.memory_space<hbm>> -> memref<32x1024xf32, #tpu.memory_space<hbm>>
    %dma_start3A_368 = arith.constant 0 : i32
    %dma_start3A_369 = arith.constant 0 : i32
    %dma_start3A_370 = tpu.memref_slice %arg4[%add3A, %dma_start3A_363, %dma_start3A_368, %dma_start3A_369] : memref<32x32x32x1024xf32, #tpu.memory_space<hbm>> -> memref<1x1x32x1024xf32, #tpu.memory_space<hbm>>
    %dma_start3A_371 = tpu.memref_squeeze %dma_start3A_370 : memref<1x1x32x1024xf32, #tpu.memory_space<hbm>> -> memref<32x1024xf32, #tpu.memory_space<hbm>>
    tpu.enqueue_dma source(%arg8 : memref<32x1024xf32, #tpu.memory_space<vmem>>) target(%dma_start3A_371 : memref<32x1024xf32, #tpu.memory_space<hbm>>) target_semaphore(%arg14 : memref<!tpu.dma_semaphore, #tpu.memory_space<semaphore_mem>>)
    %dma_wait3A_372 = arith.constant 10 : i32
    %dma_wait3A_373 = arith.constant 0 : i32
    %dma_wait3A_374 = arith.constant 0 : i32
    %dma_wait3A_375 = tpu.memref_slice %arg4[%add3A, %dma_wait3A_372, %dma_wait3A_373, %dma_wait3A_374] : memref<32x32x32x1024xf32, #tpu.memory_space<hbm>> -> memref<1x1x32x1024xf32, #tpu.memory_space<hbm>>
    %dma_wait3A_376 = tpu.memref_squeeze %dma_wait3A_375 : memref<1x1x32x1024xf32, #tpu.memory_space<hbm>> -> memref<32x1024xf32, #tpu.memory_space<hbm>>
    %dma_wait3A_377 = arith.constant 0 : i32
    %dma_wait3A_378 = arith.constant 0 : i32
    %dma_wait3A_379 = tpu.memref_slice %arg4[%add3A, %dma_wait3A_372, %dma_wait3A_377, %dma_wait3A_378] : memref<32x32x32x1024xf32, #tpu.memory_space<hbm>> -> memref<1x1x32x1024xf32, #tpu.memory_space<hbm>>
    %dma_wait3A_380 = tpu.memref_squeeze %dma_wait3A_379 : memref<1x1x32x1024xf32, #tpu.memory_space<hbm>> -> memref<32x1024xf32, #tpu.memory_space<hbm>>
    tpu.wait_dma2 semaphore(%arg13 : memref<!tpu.dma_semaphore, #tpu.memory_space<semaphore_mem>>) src(%arg7 : memref<32x1024xf32, #tpu.memory_space<vmem>>) dst(%dma_wait3A_380 : memref<32x1024xf32, #tpu.memory_space<hbm>>)
    %dma_start3A_381 = arith.constant 13 : i32
    %dma_start3A_382 = arith.constant 0 : i32
    %dma_start3A_383 = tpu.memref_slice %arg5[%dma_start3A_381, %dma_start3A_382] : memref<32x32xi32, #tpu.memory_space<vmem>> -> memref<1x32xi32, #tpu.memory_space<vmem>>
    %dma_start3A_384 = tpu.memref_squeeze %dma_start3A_383 : memref<1x32xi32, #tpu.memory_space<vmem>> -> memref<32xi32, #tpu.memory_space<vmem>>
    %dma_start3A_385 = arith.constant 0 : i32
    %dma_start3A_386 = arith.constant 0 : i32
    %dma_start3A_387 = tpu.memref_slice %arg3[%dma_start3A_385, %dma_start3A_386] : memref<8192x1024xf32, #tpu.memory_space<hbm>> -> memref<8192x1024xf32, #tpu.memory_space<hbm>>
    tpu.enqueue_indirect_dma source(%dma_start3A_387 : memref<8192x1024xf32, #tpu.memory_space<hbm>>) target(%arg7 : memref<32x1024xf32, #tpu.memory_space<vmem>>) offsets(%dma_start3A_384 : memref<32xi32, #tpu.memory_space<vmem>>) semaphore(%arg10 : memref<!tpu.dma_semaphore, #tpu.memory_space<semaphore_mem>>)
    %dma_wait3A_388 = arith.constant 12 : i32
    %dma_wait3A_389 = arith.constant 0 : i32
    %dma_wait3A_390 = tpu.memref_slice %arg5[%dma_wait3A_388, %dma_wait3A_389] : memref<32x32xi32, #tpu.memory_space<vmem>> -> memref<1x32xi32, #tpu.memory_space<vmem>>
    %dma_wait3A_391 = tpu.memref_squeeze %dma_wait3A_390 : memref<1x32xi32, #tpu.memory_space<vmem>> -> memref<32xi32, #tpu.memory_space<vmem>>
    %dma_wait3A_392 = arith.constant 0 : i32
    %dma_wait3A_393 = arith.constant 0 : i32
    %dma_wait3A_394 = tpu.memref_slice %arg3[%dma_wait3A_392, %dma_wait3A_393] : memref<8192x1024xf32, #tpu.memory_space<hbm>> -> memref<8192x1024xf32, #tpu.memory_space<hbm>>
    tpu.wait_indirect_dma semaphore(%arg9 : memref<!tpu.dma_semaphore, #tpu.memory_space<semaphore_mem>>) src(%dma_wait3A_394 : memref<8192x1024xf32, #tpu.memory_space<hbm>>) dst(%arg6 : memref<32x1024xf32, #tpu.memory_space<vmem>>)
    %dma_start3A_395 = arith.constant 12 : i32
    %dma_start3A_396 = arith.constant 0 : i32
    %dma_start3A_397 = arith.constant 0 : i32
    %dma_start3A_398 = tpu.memref_slice %arg4[%add3A, %dma_start3A_395, %dma_start3A_396, %dma_start3A_397] : memref<32x32x32x1024xf32, #tpu.memory_space<hbm>> -> memref<1x1x32x1024xf32, #tpu.memory_space<hbm>>
    %dma_start3A_399 = tpu.memref_squeeze %dma_start3A_398 : memref<1x1x32x1024xf32, #tpu.memory_space<hbm>> -> memref<32x1024xf32, #tpu.memory_space<hbm>>
    %dma_start3A_400 = arith.constant 0 : i32
    %dma_start3A_401 = arith.constant 0 : i32
    %dma_start3A_402 = tpu.memref_slice %arg4[%add3A, %dma_start3A_395, %dma_start3A_400, %dma_start3A_401] : memref<32x32x32x1024xf32, #tpu.memory_space<hbm>> -> memref<1x1x32x1024xf32, #tpu.memory_space<hbm>>
    %dma_start3A_403 = tpu.memref_squeeze %dma_start3A_402 : memref<1x1x32x1024xf32, #tpu.memory_space<hbm>> -> memref<32x1024xf32, #tpu.memory_space<hbm>>
    tpu.enqueue_dma source(%arg6 : memref<32x1024xf32, #tpu.memory_space<vmem>>) target(%dma_start3A_403 : memref<32x1024xf32, #tpu.memory_space<hbm>>) target_semaphore(%arg12 : memref<!tpu.dma_semaphore, #tpu.memory_space<semaphore_mem>>)
    %dma_wait3A_404 = arith.constant 11 : i32
    %dma_wait3A_405 = arith.constant 0 : i32
    %dma_wait3A_406 = arith.constant 0 : i32
    %dma_wait3A_407 = tpu.memref_slice %arg4[%add3A, %dma_wait3A_404, %dma_wait3A_405, %dma_wait3A_406] : memref<32x32x32x1024xf32, #tpu.memory_space<hbm>> -> memref<1x1x32x1024xf32, #tpu.memory_space<hbm>>
    %dma_wait3A_408 = tpu.memref_squeeze %dma_wait3A_407 : memref<1x1x32x1024xf32, #tpu.memory_space<hbm>> -> memref<32x1024xf32, #tpu.memory_space<hbm>>
    %dma_wait3A_409 = arith.constant 0 : i32
    %dma_wait3A_410 = arith.constant 0 : i32
    %dma_wait3A_411 = tpu.memref_slice %arg4[%add3A, %dma_wait3A_404, %dma_wait3A_409, %dma_wait3A_410] : memref<32x32x32x1024xf32, #tpu.memory_space<hbm>> -> memref<1x1x32x1024xf32, #tpu.memory_space<hbm>>
    %dma_wait3A_412 = tpu.memref_squeeze %dma_wait3A_411 : memref<1x1x32x1024xf32, #tpu.memory_space<hbm>> -> memref<32x1024xf32, #tpu.memory_space<hbm>>
    tpu.wait_dma2 semaphore(%arg14 : memref<!tpu.dma_semaphore, #tpu.memory_space<semaphore_mem>>) src(%arg8 : memref<32x1024xf32, #tpu.memory_space<vmem>>) dst(%dma_wait3A_412 : memref<32x1024xf32, #tpu.memory_space<hbm>>)
    %dma_start3A_413 = arith.constant 14 : i32
    %dma_start3A_414 = arith.constant 0 : i32
    %dma_start3A_415 = tpu.memref_slice %arg5[%dma_start3A_413, %dma_start3A_414] : memref<32x32xi32, #tpu.memory_space<vmem>> -> memref<1x32xi32, #tpu.memory_space<vmem>>
    %dma_start3A_416 = tpu.memref_squeeze %dma_start3A_415 : memref<1x32xi32, #tpu.memory_space<vmem>> -> memref<32xi32, #tpu.memory_space<vmem>>
    %dma_start3A_417 = arith.constant 0 : i32
    %dma_start3A_418 = arith.constant 0 : i32
    %dma_start3A_419 = tpu.memref_slice %arg3[%dma_start3A_417, %dma_start3A_418] : memref<8192x1024xf32, #tpu.memory_space<hbm>> -> memref<8192x1024xf32, #tpu.memory_space<hbm>>
    tpu.enqueue_indirect_dma source(%dma_start3A_419 : memref<8192x1024xf32, #tpu.memory_space<hbm>>) target(%arg8 : memref<32x1024xf32, #tpu.memory_space<vmem>>) offsets(%dma_start3A_416 : memref<32xi32, #tpu.memory_space<vmem>>) semaphore(%arg11 : memref<!tpu.dma_semaphore, #tpu.memory_space<semaphore_mem>>)
    %dma_wait3A_420 = arith.constant 13 : i32
    %dma_wait3A_421 = arith.constant 0 : i32
    %dma_wait3A_422 = tpu.memref_slice %arg5[%dma_wait3A_420, %dma_wait3A_421] : memref<32x32xi32, #tpu.memory_space<vmem>> -> memref<1x32xi32, #tpu.memory_space<vmem>>
    %dma_wait3A_423 = tpu.memref_squeeze %dma_wait3A_422 : memref<1x32xi32, #tpu.memory_space<vmem>> -> memref<32xi32, #tpu.memory_space<vmem>>
    %dma_wait3A_424 = arith.constant 0 : i32
    %dma_wait3A_425 = arith.constant 0 : i32
    %dma_wait3A_426 = tpu.memref_slice %arg3[%dma_wait3A_424, %dma_wait3A_425] : memref<8192x1024xf32, #tpu.memory_space<hbm>> -> memref<8192x1024xf32, #tpu.memory_space<hbm>>
    tpu.wait_indirect_dma semaphore(%arg10 : memref<!tpu.dma_semaphore, #tpu.memory_space<semaphore_mem>>) src(%dma_wait3A_426 : memref<8192x1024xf32, #tpu.memory_space<hbm>>) dst(%arg7 : memref<32x1024xf32, #tpu.memory_space<vmem>>)
    %dma_start3A_427 = arith.constant 13 : i32
    %dma_start3A_428 = arith.constant 0 : i32
    %dma_start3A_429 = arith.constant 0 : i32
    %dma_start3A_430 = tpu.memref_slice %arg4[%add3A, %dma_start3A_427, %dma_start3A_428, %dma_start3A_429] : memref<32x32x32x1024xf32, #tpu.memory_space<hbm>> -> memref<1x1x32x1024xf32, #tpu.memory_space<hbm>>
    %dma_start3A_431 = tpu.memref_squeeze %dma_start3A_430 : memref<1x1x32x1024xf32, #tpu.memory_space<hbm>> -> memref<32x1024xf32, #tpu.memory_space<hbm>>
    %dma_start3A_432 = arith.constant 0 : i32
    %dma_start3A_433 = arith.constant 0 : i32
    %dma_start3A_434 = tpu.memref_slice %arg4[%add3A, %dma_start3A_427, %dma_start3A_432, %dma_start3A_433] : memref<32x32x32x1024xf32, #tpu.memory_space<hbm>> -> memref<1x1x32x1024xf32, #tpu.memory_space<hbm>>
    %dma_start3A_435 = tpu.memref_squeeze %dma_start3A_434 : memref<1x1x32x1024xf32, #tpu.memory_space<hbm>> -> memref<32x1024xf32, #tpu.memory_space<hbm>>
    tpu.enqueue_dma source(%arg7 : memref<32x1024xf32, #tpu.memory_space<vmem>>) target(%dma_start3A_435 : memref<32x1024xf32, #tpu.memory_space<hbm>>) target_semaphore(%arg13 : memref<!tpu.dma_semaphore, #tpu.memory_space<semaphore_mem>>)
    %dma_wait3A_436 = arith.constant 12 : i32
    %dma_wait3A_437 = arith.constant 0 : i32
    %dma_wait3A_438 = arith.constant 0 : i32
    %dma_wait3A_439 = tpu.memref_slice %arg4[%add3A, %dma_wait3A_436, %dma_wait3A_437, %dma_wait3A_438] : memref<32x32x32x1024xf32, #tpu.memory_space<hbm>> -> memref<1x1x32x1024xf32, #tpu.memory_space<hbm>>
    %dma_wait3A_440 = tpu.memref_squeeze %dma_wait3A_439 : memref<1x1x32x1024xf32, #tpu.memory_space<hbm>> -> memref<32x1024xf32, #tpu.memory_space<hbm>>
    %dma_wait3A_441 = arith.constant 0 : i32
    %dma_wait3A_442 = arith.constant 0 : i32
    %dma_wait3A_443 = tpu.memref_slice %arg4[%add3A, %dma_wait3A_436, %dma_wait3A_441, %dma_wait3A_442] : memref<32x32x32x1024xf32, #tpu.memory_space<hbm>> -> memref<1x1x32x1024xf32, #tpu.memory_space<hbm>>
    %dma_wait3A_444 = tpu.memref_squeeze %dma_wait3A_443 : memref<1x1x32x1024xf32, #tpu.memory_space<hbm>> -> memref<32x1024xf32, #tpu.memory_space<hbm>>
    tpu.wait_dma2 semaphore(%arg12 : memref<!tpu.dma_semaphore, #tpu.memory_space<semaphore_mem>>) src(%arg6 : memref<32x1024xf32, #tpu.memory_space<vmem>>) dst(%dma_wait3A_444 : memref<32x1024xf32, #tpu.memory_space<hbm>>)
    %dma_start3A_445 = arith.constant 15 : i32
    %dma_start3A_446 = arith.constant 0 : i32
    %dma_start3A_447 = tpu.memref_slice %arg5[%dma_start3A_445, %dma_start3A_446] : memref<32x32xi32, #tpu.memory_space<vmem>> -> memref<1x32xi32, #tpu.memory_space<vmem>>
    %dma_start3A_448 = tpu.memref_squeeze %dma_start3A_447 : memref<1x32xi32, #tpu.memory_space<vmem>> -> memref<32xi32, #tpu.memory_space<vmem>>
    %dma_start3A_449 = arith.constant 0 : i32
    %dma_start3A_450 = arith.constant 0 : i32
    %dma_start3A_451 = tpu.memref_slice %arg3[%dma_start3A_449, %dma_start3A_450] : memref<8192x1024xf32, #tpu.memory_space<hbm>> -> memref<8192x1024xf32, #tpu.memory_space<hbm>>
    tpu.enqueue_indirect_dma source(%dma_start3A_451 : memref<8192x1024xf32, #tpu.memory_space<hbm>>) target(%arg6 : memref<32x1024xf32, #tpu.memory_space<vmem>>) offsets(%dma_start3A_448 : memref<32xi32, #tpu.memory_space<vmem>>) semaphore(%arg9 : memref<!tpu.dma_semaphore, #tpu.memory_space<semaphore_mem>>)
    %dma_wait3A_452 = arith.constant 14 : i32
    %dma_wait3A_453 = arith.constant 0 : i32
    %dma_wait3A_454 = tpu.memref_slice %arg5[%dma_wait3A_452, %dma_wait3A_453] : memref<32x32xi32, #tpu.memory_space<vmem>> -> memref<1x32xi32, #tpu.memory_space<vmem>>
    %dma_wait3A_455 = tpu.memref_squeeze %dma_wait3A_454 : memref<1x32xi32, #tpu.memory_space<vmem>> -> memref<32xi32, #tpu.memory_space<vmem>>
    %dma_wait3A_456 = arith.constant 0 : i32
    %dma_wait3A_457 = arith.constant 0 : i32
    %dma_wait3A_458 = tpu.memref_slice %arg3[%dma_wait3A_456, %dma_wait3A_457] : memref<8192x1024xf32, #tpu.memory_space<hbm>> -> memref<8192x1024xf32, #tpu.memory_space<hbm>>
    tpu.wait_indirect_dma semaphore(%arg11 : memref<!tpu.dma_semaphore, #tpu.memory_space<semaphore_mem>>) src(%dma_wait3A_458 : memref<8192x1024xf32, #tpu.memory_space<hbm>>) dst(%arg8 : memref<32x1024xf32, #tpu.memory_space<vmem>>)
    %dma_start3A_459 = arith.constant 14 : i32
    %dma_start3A_460 = arith.constant 0 : i32
    %dma_start3A_461 = arith.constant 0 : i32
    %dma_start3A_462 = tpu.memref_slice %arg4[%add3A, %dma_start3A_459, %dma_start3A_460, %dma_start3A_461] : memref<32x32x32x1024xf32, #tpu.memory_space<hbm>> -> memref<1x1x32x1024xf32, #tpu.memory_space<hbm>>
    %dma_start3A_463 = tpu.memref_squeeze %dma_start3A_462 : memref<1x1x32x1024xf32, #tpu.memory_space<hbm>> -> memref<32x1024xf32, #tpu.memory_space<hbm>>
    %dma_start3A_464 = arith.constant 0 : i32
    %dma_start3A_465 = arith.constant 0 : i32
    %dma_start3A_466 = tpu.memref_slice %arg4[%add3A, %dma_start3A_459, %dma_start3A_464, %dma_start3A_465] : memref<32x32x32x1024xf32, #tpu.memory_space<hbm>> -> memref<1x1x32x1024xf32, #tpu.memory_space<hbm>>
    %dma_start3A_467 = tpu.memref_squeeze %dma_start3A_466 : memref<1x1x32x1024xf32, #tpu.memory_space<hbm>> -> memref<32x1024xf32, #tpu.memory_space<hbm>>
    tpu.enqueue_dma source(%arg8 : memref<32x1024xf32, #tpu.memory_space<vmem>>) target(%dma_start3A_467 : memref<32x1024xf32, #tpu.memory_space<hbm>>) target_semaphore(%arg14 : memref<!tpu.dma_semaphore, #tpu.memory_space<semaphore_mem>>)
    %dma_wait3A_468 = arith.constant 13 : i32
    %dma_wait3A_469 = arith.constant 0 : i32
    %dma_wait3A_470 = arith.constant 0 : i32
    %dma_wait3A_471 = tpu.memref_slice %arg4[%add3A, %dma_wait3A_468, %dma_wait3A_469, %dma_wait3A_470] : memref<32x32x32x1024xf32, #tpu.memory_space<hbm>> -> memref<1x1x32x1024xf32, #tpu.memory_space<hbm>>
    %dma_wait3A_472 = tpu.memref_squeeze %dma_wait3A_471 : memref<1x1x32x1024xf32, #tpu.memory_space<hbm>> -> memref<32x1024xf32, #tpu.memory_space<hbm>>
    %dma_wait3A_473 = arith.constant 0 : i32
    %dma_wait3A_474 = arith.constant 0 : i32
    %dma_wait3A_475 = tpu.memref_slice %arg4[%add3A, %dma_wait3A_468, %dma_wait3A_473, %dma_wait3A_474] : memref<32x32x32x1024xf32, #tpu.memory_space<hbm>> -> memref<1x1x32x1024xf32, #tpu.memory_space<hbm>>
    %dma_wait3A_476 = tpu.memref_squeeze %dma_wait3A_475 : memref<1x1x32x1024xf32, #tpu.memory_space<hbm>> -> memref<32x1024xf32, #tpu.memory_space<hbm>>
    tpu.wait_dma2 semaphore(%arg13 : memref<!tpu.dma_semaphore, #tpu.memory_space<semaphore_mem>>) src(%arg7 : memref<32x1024xf32, #tpu.memory_space<vmem>>) dst(%dma_wait3A_476 : memref<32x1024xf32, #tpu.memory_space<hbm>>)
    %dma_start3A_477 = arith.constant 16 : i32
    %dma_start3A_478 = arith.constant 0 : i32
    %dma_start3A_479 = tpu.memref_slice %arg5[%dma_start3A_477, %dma_start3A_478] : memref<32x32xi32, #tpu.memory_space<vmem>> -> memref<1x32xi32, #tpu.memory_space<vmem>>
    %dma_start3A_480 = tpu.memref_squeeze %dma_start3A_479 : memref<1x32xi32, #tpu.memory_space<vmem>> -> memref<32xi32, #tpu.memory_space<vmem>>
    %dma_start3A_481 = arith.constant 0 : i32
    %dma_start3A_482 = arith.constant 0 : i32
    %dma_start3A_483 = tpu.memref_slice %arg3[%dma_start3A_481, %dma_start3A_482] : memref<8192x1024xf32, #tpu.memory_space<hbm>> -> memref<8192x1024xf32, #tpu.memory_space<hbm>>
    tpu.enqueue_indirect_dma source(%dma_start3A_483 : memref<8192x1024xf32, #tpu.memory_space<hbm>>) target(%arg7 : memref<32x1024xf32, #tpu.memory_space<vmem>>) offsets(%dma_start3A_480 : memref<32xi32, #tpu.memory_space<vmem>>) semaphore(%arg10 : memref<!tpu.dma_semaphore, #tpu.memory_space<semaphore_mem>>)
    %dma_wait3A_484 = arith.constant 15 : i32
    %dma_wait3A_485 = arith.constant 0 : i32
    %dma_wait3A_486 = tpu.memref_slice %arg5[%dma_wait3A_484, %dma_wait3A_485] : memref<32x32xi32, #tpu.memory_space<vmem>> -> memref<1x32xi32, #tpu.memory_space<vmem>>
    %dma_wait3A_487 = tpu.memref_squeeze %dma_wait3A_486 : memref<1x32xi32, #tpu.memory_space<vmem>> -> memref<32xi32, #tpu.memory_space<vmem>>
    %dma_wait3A_488 = arith.constant 0 : i32
    %dma_wait3A_489 = arith.constant 0 : i32
    %dma_wait3A_490 = tpu.memref_slice %arg3[%dma_wait3A_488, %dma_wait3A_489] : memref<8192x1024xf32, #tpu.memory_space<hbm>> -> memref<8192x1024xf32, #tpu.memory_space<hbm>>
    tpu.wait_indirect_dma semaphore(%arg9 : memref<!tpu.dma_semaphore, #tpu.memory_space<semaphore_mem>>) src(%dma_wait3A_490 : memref<8192x1024xf32, #tpu.memory_space<hbm>>) dst(%arg6 : memref<32x1024xf32, #tpu.memory_space<vmem>>)
    %dma_start3A_491 = arith.constant 15 : i32
    %dma_start3A_492 = arith.constant 0 : i32
    %dma_start3A_493 = arith.constant 0 : i32
    %dma_start3A_494 = tpu.memref_slice %arg4[%add3A, %dma_start3A_491, %dma_start3A_492, %dma_start3A_493] : memref<32x32x32x1024xf32, #tpu.memory_space<hbm>> -> memref<1x1x32x1024xf32, #tpu.memory_space<hbm>>
    %dma_start3A_495 = tpu.memref_squeeze %dma_start3A_494 : memref<1x1x32x1024xf32, #tpu.memory_space<hbm>> -> memref<32x1024xf32, #tpu.memory_space<hbm>>
    %dma_start3A_496 = arith.constant 0 : i32
    %dma_start3A_497 = arith.constant 0 : i32
    %dma_start3A_498 = tpu.memref_slice %arg4[%add3A, %dma_start3A_491, %dma_start3A_496, %dma_start3A_497] : memref<32x32x32x1024xf32, #tpu.memory_space<hbm>> -> memref<1x1x32x1024xf32, #tpu.memory_space<hbm>>
    %dma_start3A_499 = tpu.memref_squeeze %dma_start3A_498 : memref<1x1x32x1024xf32, #tpu.memory_space<hbm>> -> memref<32x1024xf32, #tpu.memory_space<hbm>>
    tpu.enqueue_dma source(%arg6 : memref<32x1024xf32, #tpu.memory_space<vmem>>) target(%dma_start3A_499 : memref<32x1024xf32, #tpu.memory_space<hbm>>) target_semaphore(%arg12 : memref<!tpu.dma_semaphore, #tpu.memory_space<semaphore_mem>>)
    %dma_wait3A_500 = arith.constant 14 : i32
    %dma_wait3A_501 = arith.constant 0 : i32
    %dma_wait3A_502 = arith.constant 0 : i32
    %dma_wait3A_503 = tpu.memref_slice %arg4[%add3A, %dma_wait3A_500, %dma_wait3A_501, %dma_wait3A_502] : memref<32x32x32x1024xf32, #tpu.memory_space<hbm>> -> memref<1x1x32x1024xf32, #tpu.memory_space<hbm>>
    %dma_wait3A_504 = tpu.memref_squeeze %dma_wait3A_503 : memref<1x1x32x1024xf32, #tpu.memory_space<hbm>> -> memref<32x1024xf32, #tpu.memory_space<hbm>>
    %dma_wait3A_505 = arith.constant 0 : i32
    %dma_wait3A_506 = arith.constant 0 : i32
    %dma_wait3A_507 = tpu.memref_slice %arg4[%add3A, %dma_wait3A_500, %dma_wait3A_505, %dma_wait3A_506] : memref<32x32x32x1024xf32, #tpu.memory_space<hbm>> -> memref<1x1x32x1024xf32, #tpu.memory_space<hbm>>
    %dma_wait3A_508 = tpu.memref_squeeze %dma_wait3A_507 : memref<1x1x32x1024xf32, #tpu.memory_space<hbm>> -> memref<32x1024xf32, #tpu.memory_space<hbm>>
    tpu.wait_dma2 semaphore(%arg14 : memref<!tpu.dma_semaphore, #tpu.memory_space<semaphore_mem>>) src(%arg8 : memref<32x1024xf32, #tpu.memory_space<vmem>>) dst(%dma_wait3A_508 : memref<32x1024xf32, #tpu.memory_space<hbm>>)
    %dma_start3A_509 = arith.constant 17 : i32
    %dma_start3A_510 = arith.constant 0 : i32
    %dma_start3A_511 = tpu.memref_slice %arg5[%dma_start3A_509, %dma_start3A_510] : memref<32x32xi32, #tpu.memory_space<vmem>> -> memref<1x32xi32, #tpu.memory_space<vmem>>
    %dma_start3A_512 = tpu.memref_squeeze %dma_start3A_511 : memref<1x32xi32, #tpu.memory_space<vmem>> -> memref<32xi32, #tpu.memory_space<vmem>>
    %dma_start3A_513 = arith.constant 0 : i32
    %dma_start3A_514 = arith.constant 0 : i32
    %dma_start3A_515 = tpu.memref_slice %arg3[%dma_start3A_513, %dma_start3A_514] : memref<8192x1024xf32, #tpu.memory_space<hbm>> -> memref<8192x1024xf32, #tpu.memory_space<hbm>>
    tpu.enqueue_indirect_dma source(%dma_start3A_515 : memref<8192x1024xf32, #tpu.memory_space<hbm>>) target(%arg8 : memref<32x1024xf32, #tpu.memory_space<vmem>>) offsets(%dma_start3A_512 : memref<32xi32, #tpu.memory_space<vmem>>) semaphore(%arg11 : memref<!tpu.dma_semaphore, #tpu.memory_space<semaphore_mem>>)
    %dma_wait3A_516 = arith.constant 16 : i32
    %dma_wait3A_517 = arith.constant 0 : i32
    %dma_wait3A_518 = tpu.memref_slice %arg5[%dma_wait3A_516, %dma_wait3A_517] : memref<32x32xi32, #tpu.memory_space<vmem>> -> memref<1x32xi32, #tpu.memory_space<vmem>>
    %dma_wait3A_519 = tpu.memref_squeeze %dma_wait3A_518 : memref<1x32xi32, #tpu.memory_space<vmem>> -> memref<32xi32, #tpu.memory_space<vmem>>
    %dma_wait3A_520 = arith.constant 0 : i32
    %dma_wait3A_521 = arith.constant 0 : i32
    %dma_wait3A_522 = tpu.memref_slice %arg3[%dma_wait3A_520, %dma_wait3A_521] : memref<8192x1024xf32, #tpu.memory_space<hbm>> -> memref<8192x1024xf32, #tpu.memory_space<hbm>>
    tpu.wait_indirect_dma semaphore(%arg10 : memref<!tpu.dma_semaphore, #tpu.memory_space<semaphore_mem>>) src(%dma_wait3A_522 : memref<8192x1024xf32, #tpu.memory_space<hbm>>) dst(%arg7 : memref<32x1024xf32, #tpu.memory_space<vmem>>)
    %dma_start3A_523 = arith.constant 16 : i32
    %dma_start3A_524 = arith.constant 0 : i32
    %dma_start3A_525 = arith.constant 0 : i32
    %dma_start3A_526 = tpu.memref_slice %arg4[%add3A, %dma_start3A_523, %dma_start3A_524, %dma_start3A_525] : memref<32x32x32x1024xf32, #tpu.memory_space<hbm>> -> memref<1x1x32x1024xf32, #tpu.memory_space<hbm>>
    %dma_start3A_527 = tpu.memref_squeeze %dma_start3A_526 : memref<1x1x32x1024xf32, #tpu.memory_space<hbm>> -> memref<32x1024xf32, #tpu.memory_space<hbm>>
    %dma_start3A_528 = arith.constant 0 : i32
    %dma_start3A_529 = arith.constant 0 : i32
    %dma_start3A_530 = tpu.memref_slice %arg4[%add3A, %dma_start3A_523, %dma_start3A_528, %dma_start3A_529] : memref<32x32x32x1024xf32, #tpu.memory_space<hbm>> -> memref<1x1x32x1024xf32, #tpu.memory_space<hbm>>
    %dma_start3A_531 = tpu.memref_squeeze %dma_start3A_530 : memref<1x1x32x1024xf32, #tpu.memory_space<hbm>> -> memref<32x1024xf32, #tpu.memory_space<hbm>>
    tpu.enqueue_dma source(%arg7 : memref<32x1024xf32, #tpu.memory_space<vmem>>) target(%dma_start3A_531 : memref<32x1024xf32, #tpu.memory_space<hbm>>) target_semaphore(%arg13 : memref<!tpu.dma_semaphore, #tpu.memory_space<semaphore_mem>>)
    %dma_wait3A_532 = arith.constant 15 : i32
    %dma_wait3A_533 = arith.constant 0 : i32
    %dma_wait3A_534 = arith.constant 0 : i32
    %dma_wait3A_535 = tpu.memref_slice %arg4[%add3A, %dma_wait3A_532, %dma_wait3A_533, %dma_wait3A_534] : memref<32x32x32x1024xf32, #tpu.memory_space<hbm>> -> memref<1x1x32x1024xf32, #tpu.memory_space<hbm>>
    %dma_wait3A_536 = tpu.memref_squeeze %dma_wait3A_535 : memref<1x1x32x1024xf32, #tpu.memory_space<hbm>> -> memref<32x1024xf32, #tpu.memory_space<hbm>>
    %dma_wait3A_537 = arith.constant 0 : i32
    %dma_wait3A_538 = arith.constant 0 : i32
    %dma_wait3A_539 = tpu.memref_slice %arg4[%add3A, %dma_wait3A_532, %dma_wait3A_537, %dma_wait3A_538] : memref<32x32x32x1024xf32, #tpu.memory_space<hbm>> -> memref<1x1x32x1024xf32, #tpu.memory_space<hbm>>
    %dma_wait3A_540 = tpu.memref_squeeze %dma_wait3A_539 : memref<1x1x32x1024xf32, #tpu.memory_space<hbm>> -> memref<32x1024xf32, #tpu.memory_space<hbm>>
    tpu.wait_dma2 semaphore(%arg12 : memref<!tpu.dma_semaphore, #tpu.memory_space<semaphore_mem>>) src(%arg6 : memref<32x1024xf32, #tpu.memory_space<vmem>>) dst(%dma_wait3A_540 : memref<32x1024xf32, #tpu.memory_space<hbm>>)
    %dma_start3A_541 = arith.constant 18 : i32
    %dma_start3A_542 = arith.constant 0 : i32
    %dma_start3A_543 = tpu.memref_slice %arg5[%dma_start3A_541, %dma_start3A_542] : memref<32x32xi32, #tpu.memory_space<vmem>> -> memref<1x32xi32, #tpu.memory_space<vmem>>
    %dma_start3A_544 = tpu.memref_squeeze %dma_start3A_543 : memref<1x32xi32, #tpu.memory_space<vmem>> -> memref<32xi32, #tpu.memory_space<vmem>>
    %dma_start3A_545 = arith.constant 0 : i32
    %dma_start3A_546 = arith.constant 0 : i32
    %dma_start3A_547 = tpu.memref_slice %arg3[%dma_start3A_545, %dma_start3A_546] : memref<8192x1024xf32, #tpu.memory_space<hbm>> -> memref<8192x1024xf32, #tpu.memory_space<hbm>>
    tpu.enqueue_indirect_dma source(%dma_start3A_547 : memref<8192x1024xf32, #tpu.memory_space<hbm>>) target(%arg6 : memref<32x1024xf32, #tpu.memory_space<vmem>>) offsets(%dma_start3A_544 : memref<32xi32, #tpu.memory_space<vmem>>) semaphore(%arg9 : memref<!tpu.dma_semaphore, #tpu.memory_space<semaphore_mem>>)
    %dma_wait3A_548 = arith.constant 17 : i32
    %dma_wait3A_549 = arith.constant 0 : i32
    %dma_wait3A_550 = tpu.memref_slice %arg5[%dma_wait3A_548, %dma_wait3A_549] : memref<32x32xi32, #tpu.memory_space<vmem>> -> memref<1x32xi32, #tpu.memory_space<vmem>>
    %dma_wait3A_551 = tpu.memref_squeeze %dma_wait3A_550 : memref<1x32xi32, #tpu.memory_space<vmem>> -> memref<32xi32, #tpu.memory_space<vmem>>
    %dma_wait3A_552 = arith.constant 0 : i32
    %dma_wait3A_553 = arith.constant 0 : i32
    %dma_wait3A_554 = tpu.memref_slice %arg3[%dma_wait3A_552, %dma_wait3A_553] : memref<8192x1024xf32, #tpu.memory_space<hbm>> -> memref<8192x1024xf32, #tpu.memory_space<hbm>>
    tpu.wait_indirect_dma semaphore(%arg11 : memref<!tpu.dma_semaphore, #tpu.memory_space<semaphore_mem>>) src(%dma_wait3A_554 : memref<8192x1024xf32, #tpu.memory_space<hbm>>) dst(%arg8 : memref<32x1024xf32, #tpu.memory_space<vmem>>)
    %dma_start3A_555 = arith.constant 17 : i32
    %dma_start3A_556 = arith.constant 0 : i32
    %dma_start3A_557 = arith.constant 0 : i32
    %dma_start3A_558 = tpu.memref_slice %arg4[%add3A, %dma_start3A_555, %dma_start3A_556, %dma_start3A_557] : memref<32x32x32x1024xf32, #tpu.memory_space<hbm>> -> memref<1x1x32x1024xf32, #tpu.memory_space<hbm>>
    %dma_start3A_559 = tpu.memref_squeeze %dma_start3A_558 : memref<1x1x32x1024xf32, #tpu.memory_space<hbm>> -> memref<32x1024xf32, #tpu.memory_space<hbm>>
    %dma_start3A_560 = arith.constant 0 : i32
    %dma_start3A_561 = arith.constant 0 : i32
    %dma_start3A_562 = tpu.memref_slice %arg4[%add3A, %dma_start3A_555, %dma_start3A_560, %dma_start3A_561] : memref<32x32x32x1024xf32, #tpu.memory_space<hbm>> -> memref<1x1x32x1024xf32, #tpu.memory_space<hbm>>
    %dma_start3A_563 = tpu.memref_squeeze %dma_start3A_562 : memref<1x1x32x1024xf32, #tpu.memory_space<hbm>> -> memref<32x1024xf32, #tpu.memory_space<hbm>>
    tpu.enqueue_dma source(%arg8 : memref<32x1024xf32, #tpu.memory_space<vmem>>) target(%dma_start3A_563 : memref<32x1024xf32, #tpu.memory_space<hbm>>) target_semaphore(%arg14 : memref<!tpu.dma_semaphore, #tpu.memory_space<semaphore_mem>>)
    %dma_wait3A_564 = arith.constant 16 : i32
    %dma_wait3A_565 = arith.constant 0 : i32
    %dma_wait3A_566 = arith.constant 0 : i32
    %dma_wait3A_567 = tpu.memref_slice %arg4[%add3A, %dma_wait3A_564, %dma_wait3A_565, %dma_wait3A_566] : memref<32x32x32x1024xf32, #tpu.memory_space<hbm>> -> memref<1x1x32x1024xf32, #tpu.memory_space<hbm>>
    %dma_wait3A_568 = tpu.memref_squeeze %dma_wait3A_567 : memref<1x1x32x1024xf32, #tpu.memory_space<hbm>> -> memref<32x1024xf32, #tpu.memory_space<hbm>>
    %dma_wait3A_569 = arith.constant 0 : i32
    %dma_wait3A_570 = arith.constant 0 : i32
    %dma_wait3A_571 = tpu.memref_slice %arg4[%add3A, %dma_wait3A_564, %dma_wait3A_569, %dma_wait3A_570] : memref<32x32x32x1024xf32, #tpu.memory_space<hbm>> -> memref<1x1x32x1024xf32, #tpu.memory_space<hbm>>
    %dma_wait3A_572 = tpu.memref_squeeze %dma_wait3A_571 : memref<1x1x32x1024xf32, #tpu.memory_space<hbm>> -> memref<32x1024xf32, #tpu.memory_space<hbm>>
    tpu.wait_dma2 semaphore(%arg13 : memref<!tpu.dma_semaphore, #tpu.memory_space<semaphore_mem>>) src(%arg7 : memref<32x1024xf32, #tpu.memory_space<vmem>>) dst(%dma_wait3A_572 : memref<32x1024xf32, #tpu.memory_space<hbm>>)
    %dma_start3A_573 = arith.constant 19 : i32
    %dma_start3A_574 = arith.constant 0 : i32
    %dma_start3A_575 = tpu.memref_slice %arg5[%dma_start3A_573, %dma_start3A_574] : memref<32x32xi32, #tpu.memory_space<vmem>> -> memref<1x32xi32, #tpu.memory_space<vmem>>
    %dma_start3A_576 = tpu.memref_squeeze %dma_start3A_575 : memref<1x32xi32, #tpu.memory_space<vmem>> -> memref<32xi32, #tpu.memory_space<vmem>>
    %dma_start3A_577 = arith.constant 0 : i32
    %dma_start3A_578 = arith.constant 0 : i32
    %dma_start3A_579 = tpu.memref_slice %arg3[%dma_start3A_577, %dma_start3A_578] : memref<8192x1024xf32, #tpu.memory_space<hbm>> -> memref<8192x1024xf32, #tpu.memory_space<hbm>>
    tpu.enqueue_indirect_dma source(%dma_start3A_579 : memref<8192x1024xf32, #tpu.memory_space<hbm>>) target(%arg7 : memref<32x1024xf32, #tpu.memory_space<vmem>>) offsets(%dma_start3A_576 : memref<32xi32, #tpu.memory_space<vmem>>) semaphore(%arg10 : memref<!tpu.dma_semaphore, #tpu.memory_space<semaphore_mem>>)
    %dma_wait3A_580 = arith.constant 18 : i32
    %dma_wait3A_581 = arith.constant 0 : i32
    %dma_wait3A_582 = tpu.memref_slice %arg5[%dma_wait3A_580, %dma_wait3A_581] : memref<32x32xi32, #tpu.memory_space<vmem>> -> memref<1x32xi32, #tpu.memory_space<vmem>>
    %dma_wait3A_583 = tpu.memref_squeeze %dma_wait3A_582 : memref<1x32xi32, #tpu.memory_space<vmem>> -> memref<32xi32, #tpu.memory_space<vmem>>
    %dma_wait3A_584 = arith.constant 0 : i32
    %dma_wait3A_585 = arith.constant 0 : i32
    %dma_wait3A_586 = tpu.memref_slice %arg3[%dma_wait3A_584, %dma_wait3A_585] : memref<8192x1024xf32, #tpu.memory_space<hbm>> -> memref<8192x1024xf32, #tpu.memory_space<hbm>>
    tpu.wait_indirect_dma semaphore(%arg9 : memref<!tpu.dma_semaphore, #tpu.memory_space<semaphore_mem>>) src(%dma_wait3A_586 : memref<8192x1024xf32, #tpu.memory_space<hbm>>) dst(%arg6 : memref<32x1024xf32, #tpu.memory_space<vmem>>)
    %dma_start3A_587 = arith.constant 18 : i32
    %dma_start3A_588 = arith.constant 0 : i32
    %dma_start3A_589 = arith.constant 0 : i32
    %dma_start3A_590 = tpu.memref_slice %arg4[%add3A, %dma_start3A_587, %dma_start3A_588, %dma_start3A_589] : memref<32x32x32x1024xf32, #tpu.memory_space<hbm>> -> memref<1x1x32x1024xf32, #tpu.memory_space<hbm>>
    %dma_start3A_591 = tpu.memref_squeeze %dma_start3A_590 : memref<1x1x32x1024xf32, #tpu.memory_space<hbm>> -> memref<32x1024xf32, #tpu.memory_space<hbm>>
    %dma_start3A_592 = arith.constant 0 : i32
    %dma_start3A_593 = arith.constant 0 : i32
    %dma_start3A_594 = tpu.memref_slice %arg4[%add3A, %dma_start3A_587, %dma_start3A_592, %dma_start3A_593] : memref<32x32x32x1024xf32, #tpu.memory_space<hbm>> -> memref<1x1x32x1024xf32, #tpu.memory_space<hbm>>
    %dma_start3A_595 = tpu.memref_squeeze %dma_start3A_594 : memref<1x1x32x1024xf32, #tpu.memory_space<hbm>> -> memref<32x1024xf32, #tpu.memory_space<hbm>>
    tpu.enqueue_dma source(%arg6 : memref<32x1024xf32, #tpu.memory_space<vmem>>) target(%dma_start3A_595 : memref<32x1024xf32, #tpu.memory_space<hbm>>) target_semaphore(%arg12 : memref<!tpu.dma_semaphore, #tpu.memory_space<semaphore_mem>>)
    %dma_wait3A_596 = arith.constant 17 : i32
    %dma_wait3A_597 = arith.constant 0 : i32
    %dma_wait3A_598 = arith.constant 0 : i32
    %dma_wait3A_599 = tpu.memref_slice %arg4[%add3A, %dma_wait3A_596, %dma_wait3A_597, %dma_wait3A_598] : memref<32x32x32x1024xf32, #tpu.memory_space<hbm>> -> memref<1x1x32x1024xf32, #tpu.memory_space<hbm>>
    %dma_wait3A_600 = tpu.memref_squeeze %dma_wait3A_599 : memref<1x1x32x1024xf32, #tpu.memory_space<hbm>> -> memref<32x1024xf32, #tpu.memory_space<hbm>>
    %dma_wait3A_601 = arith.constant 0 : i32
    %dma_wait3A_602 = arith.constant 0 : i32
    %dma_wait3A_603 = tpu.memref_slice %arg4[%add3A, %dma_wait3A_596, %dma_wait3A_601, %dma_wait3A_602] : memref<32x32x32x1024xf32, #tpu.memory_space<hbm>> -> memref<1x1x32x1024xf32, #tpu.memory_space<hbm>>
    %dma_wait3A_604 = tpu.memref_squeeze %dma_wait3A_603 : memref<1x1x32x1024xf32, #tpu.memory_space<hbm>> -> memref<32x1024xf32, #tpu.memory_space<hbm>>
    tpu.wait_dma2 semaphore(%arg14 : memref<!tpu.dma_semaphore, #tpu.memory_space<semaphore_mem>>) src(%arg8 : memref<32x1024xf32, #tpu.memory_space<vmem>>) dst(%dma_wait3A_604 : memref<32x1024xf32, #tpu.memory_space<hbm>>)
    %dma_start3A_605 = arith.constant 20 : i32
    %dma_start3A_606 = arith.constant 0 : i32
    %dma_start3A_607 = tpu.memref_slice %arg5[%dma_start3A_605, %dma_start3A_606] : memref<32x32xi32, #tpu.memory_space<vmem>> -> memref<1x32xi32, #tpu.memory_space<vmem>>
    %dma_start3A_608 = tpu.memref_squeeze %dma_start3A_607 : memref<1x32xi32, #tpu.memory_space<vmem>> -> memref<32xi32, #tpu.memory_space<vmem>>
    %dma_start3A_609 = arith.constant 0 : i32
    %dma_start3A_610 = arith.constant 0 : i32
    %dma_start3A_611 = tpu.memref_slice %arg3[%dma_start3A_609, %dma_start3A_610] : memref<8192x1024xf32, #tpu.memory_space<hbm>> -> memref<8192x1024xf32, #tpu.memory_space<hbm>>
    tpu.enqueue_indirect_dma source(%dma_start3A_611 : memref<8192x1024xf32, #tpu.memory_space<hbm>>) target(%arg8 : memref<32x1024xf32, #tpu.memory_space<vmem>>) offsets(%dma_start3A_608 : memref<32xi32, #tpu.memory_space<vmem>>) semaphore(%arg11 : memref<!tpu.dma_semaphore, #tpu.memory_space<semaphore_mem>>)
    %dma_wait3A_612 = arith.constant 19 : i32
    %dma_wait3A_613 = arith.constant 0 : i32
    %dma_wait3A_614 = tpu.memref_slice %arg5[%dma_wait3A_612, %dma_wait3A_613] : memref<32x32xi32, #tpu.memory_space<vmem>> -> memref<1x32xi32, #tpu.memory_space<vmem>>
    %dma_wait3A_615 = tpu.memref_squeeze %dma_wait3A_614 : memref<1x32xi32, #tpu.memory_space<vmem>> -> memref<32xi32, #tpu.memory_space<vmem>>
    %dma_wait3A_616 = arith.constant 0 : i32
    %dma_wait3A_617 = arith.constant 0 : i32
    %dma_wait3A_618 = tpu.memref_slice %arg3[%dma_wait3A_616, %dma_wait3A_617] : memref<8192x1024xf32, #tpu.memory_space<hbm>> -> memref<8192x1024xf32, #tpu.memory_space<hbm>>
    tpu.wait_indirect_dma semaphore(%arg10 : memref<!tpu.dma_semaphore, #tpu.memory_space<semaphore_mem>>) src(%dma_wait3A_618 : memref<8192x1024xf32, #tpu.memory_space<hbm>>) dst(%arg7 : memref<32x1024xf32, #tpu.memory_space<vmem>>)
    %dma_start3A_619 = arith.constant 19 : i32
    %dma_start3A_620 = arith.constant 0 : i32
    %dma_start3A_621 = arith.constant 0 : i32
    %dma_start3A_622 = tpu.memref_slice %arg4[%add3A, %dma_start3A_619, %dma_start3A_620, %dma_start3A_621] : memref<32x32x32x1024xf32, #tpu.memory_space<hbm>> -> memref<1x1x32x1024xf32, #tpu.memory_space<hbm>>
    %dma_start3A_623 = tpu.memref_squeeze %dma_start3A_622 : memref<1x1x32x1024xf32, #tpu.memory_space<hbm>> -> memref<32x1024xf32, #tpu.memory_space<hbm>>
    %dma_start3A_624 = arith.constant 0 : i32
    %dma_start3A_625 = arith.constant 0 : i32
    %dma_start3A_626 = tpu.memref_slice %arg4[%add3A, %dma_start3A_619, %dma_start3A_624, %dma_start3A_625] : memref<32x32x32x1024xf32, #tpu.memory_space<hbm>> -> memref<1x1x32x1024xf32, #tpu.memory_space<hbm>>
    %dma_start3A_627 = tpu.memref_squeeze %dma_start3A_626 : memref<1x1x32x1024xf32, #tpu.memory_space<hbm>> -> memref<32x1024xf32, #tpu.memory_space<hbm>>
    tpu.enqueue_dma source(%arg7 : memref<32x1024xf32, #tpu.memory_space<vmem>>) target(%dma_start3A_627 : memref<32x1024xf32, #tpu.memory_space<hbm>>) target_semaphore(%arg13 : memref<!tpu.dma_semaphore, #tpu.memory_space<semaphore_mem>>)
    %dma_wait3A_628 = arith.constant 18 : i32
    %dma_wait3A_629 = arith.constant 0 : i32
    %dma_wait3A_630 = arith.constant 0 : i32
    %dma_wait3A_631 = tpu.memref_slice %arg4[%add3A, %dma_wait3A_628, %dma_wait3A_629, %dma_wait3A_630] : memref<32x32x32x1024xf32, #tpu.memory_space<hbm>> -> memref<1x1x32x1024xf32, #tpu.memory_space<hbm>>
    %dma_wait3A_632 = tpu.memref_squeeze %dma_wait3A_631 : memref<1x1x32x1024xf32, #tpu.memory_space<hbm>> -> memref<32x1024xf32, #tpu.memory_space<hbm>>
    %dma_wait3A_633 = arith.constant 0 : i32
    %dma_wait3A_634 = arith.constant 0 : i32
    %dma_wait3A_635 = tpu.memref_slice %arg4[%add3A, %dma_wait3A_628, %dma_wait3A_633, %dma_wait3A_634] : memref<32x32x32x1024xf32, #tpu.memory_space<hbm>> -> memref<1x1x32x1024xf32, #tpu.memory_space<hbm>>
    %dma_wait3A_636 = tpu.memref_squeeze %dma_wait3A_635 : memref<1x1x32x1024xf32, #tpu.memory_space<hbm>> -> memref<32x1024xf32, #tpu.memory_space<hbm>>
    tpu.wait_dma2 semaphore(%arg12 : memref<!tpu.dma_semaphore, #tpu.memory_space<semaphore_mem>>) src(%arg6 : memref<32x1024xf32, #tpu.memory_space<vmem>>) dst(%dma_wait3A_636 : memref<32x1024xf32, #tpu.memory_space<hbm>>)
    %dma_start3A_637 = arith.constant 21 : i32
    %dma_start3A_638 = arith.constant 0 : i32
    %dma_start3A_639 = tpu.memref_slice %arg5[%dma_start3A_637, %dma_start3A_638] : memref<32x32xi32, #tpu.memory_space<vmem>> -> memref<1x32xi32, #tpu.memory_space<vmem>>
    %dma_start3A_640 = tpu.memref_squeeze %dma_start3A_639 : memref<1x32xi32, #tpu.memory_space<vmem>> -> memref<32xi32, #tpu.memory_space<vmem>>
    %dma_start3A_641 = arith.constant 0 : i32
    %dma_start3A_642 = arith.constant 0 : i32
    %dma_start3A_643 = tpu.memref_slice %arg3[%dma_start3A_641, %dma_start3A_642] : memref<8192x1024xf32, #tpu.memory_space<hbm>> -> memref<8192x1024xf32, #tpu.memory_space<hbm>>
    tpu.enqueue_indirect_dma source(%dma_start3A_643 : memref<8192x1024xf32, #tpu.memory_space<hbm>>) target(%arg6 : memref<32x1024xf32, #tpu.memory_space<vmem>>) offsets(%dma_start3A_640 : memref<32xi32, #tpu.memory_space<vmem>>) semaphore(%arg9 : memref<!tpu.dma_semaphore, #tpu.memory_space<semaphore_mem>>)
    %dma_wait3A_644 = arith.constant 20 : i32
    %dma_wait3A_645 = arith.constant 0 : i32
    %dma_wait3A_646 = tpu.memref_slice %arg5[%dma_wait3A_644, %dma_wait3A_645] : memref<32x32xi32, #tpu.memory_space<vmem>> -> memref<1x32xi32, #tpu.memory_space<vmem>>
    %dma_wait3A_647 = tpu.memref_squeeze %dma_wait3A_646 : memref<1x32xi32, #tpu.memory_space<vmem>> -> memref<32xi32, #tpu.memory_space<vmem>>
    %dma_wait3A_648 = arith.constant 0 : i32
    %dma_wait3A_649 = arith.constant 0 : i32
    %dma_wait3A_650 = tpu.memref_slice %arg3[%dma_wait3A_648, %dma_wait3A_649] : memref<8192x1024xf32, #tpu.memory_space<hbm>> -> memref<8192x1024xf32, #tpu.memory_space<hbm>>
    tpu.wait_indirect_dma semaphore(%arg11 : memref<!tpu.dma_semaphore, #tpu.memory_space<semaphore_mem>>) src(%dma_wait3A_650 : memref<8192x1024xf32, #tpu.memory_space<hbm>>) dst(%arg8 : memref<32x1024xf32, #tpu.memory_space<vmem>>)
    %dma_start3A_651 = arith.constant 20 : i32
    %dma_start3A_652 = arith.constant 0 : i32
    %dma_start3A_653 = arith.constant 0 : i32
    %dma_start3A_654 = tpu.memref_slice %arg4[%add3A, %dma_start3A_651, %dma_start3A_652, %dma_start3A_653] : memref<32x32x32x1024xf32, #tpu.memory_space<hbm>> -> memref<1x1x32x1024xf32, #tpu.memory_space<hbm>>
    %dma_start3A_655 = tpu.memref_squeeze %dma_start3A_654 : memref<1x1x32x1024xf32, #tpu.memory_space<hbm>> -> memref<32x1024xf32, #tpu.memory_space<hbm>>
    %dma_start3A_656 = arith.constant 0 : i32
    %dma_start3A_657 = arith.constant 0 : i32
    %dma_start3A_658 = tpu.memref_slice %arg4[%add3A, %dma_start3A_651, %dma_start3A_656, %dma_start3A_657] : memref<32x32x32x1024xf32, #tpu.memory_space<hbm>> -> memref<1x1x32x1024xf32, #tpu.memory_space<hbm>>
    %dma_start3A_659 = tpu.memref_squeeze %dma_start3A_658 : memref<1x1x32x1024xf32, #tpu.memory_space<hbm>> -> memref<32x1024xf32, #tpu.memory_space<hbm>>
    tpu.enqueue_dma source(%arg8 : memref<32x1024xf32, #tpu.memory_space<vmem>>) target(%dma_start3A_659 : memref<32x1024xf32, #tpu.memory_space<hbm>>) target_semaphore(%arg14 : memref<!tpu.dma_semaphore, #tpu.memory_space<semaphore_mem>>)
    %dma_wait3A_660 = arith.constant 19 : i32
    %dma_wait3A_661 = arith.constant 0 : i32
    %dma_wait3A_662 = arith.constant 0 : i32
    %dma_wait3A_663 = tpu.memref_slice %arg4[%add3A, %dma_wait3A_660, %dma_wait3A_661, %dma_wait3A_662] : memref<32x32x32x1024xf32, #tpu.memory_space<hbm>> -> memref<1x1x32x1024xf32, #tpu.memory_space<hbm>>
    %dma_wait3A_664 = tpu.memref_squeeze %dma_wait3A_663 : memref<1x1x32x1024xf32, #tpu.memory_space<hbm>> -> memref<32x1024xf32, #tpu.memory_space<hbm>>
    %dma_wait3A_665 = arith.constant 0 : i32
    %dma_wait3A_666 = arith.constant 0 : i32
    %dma_wait3A_667 = tpu.memref_slice %arg4[%add3A, %dma_wait3A_660, %dma_wait3A_665, %dma_wait3A_666] : memref<32x32x32x1024xf32, #tpu.memory_space<hbm>> -> memref<1x1x32x1024xf32, #tpu.memory_space<hbm>>
    %dma_wait3A_668 = tpu.memref_squeeze %dma_wait3A_667 : memref<1x1x32x1024xf32, #tpu.memory_space<hbm>> -> memref<32x1024xf32, #tpu.memory_space<hbm>>
    tpu.wait_dma2 semaphore(%arg13 : memref<!tpu.dma_semaphore, #tpu.memory_space<semaphore_mem>>) src(%arg7 : memref<32x1024xf32, #tpu.memory_space<vmem>>) dst(%dma_wait3A_668 : memref<32x1024xf32, #tpu.memory_space<hbm>>)
    %dma_start3A_669 = arith.constant 22 : i32
    %dma_start3A_670 = arith.constant 0 : i32
    %dma_start3A_671 = tpu.memref_slice %arg5[%dma_start3A_669, %dma_start3A_670] : memref<32x32xi32, #tpu.memory_space<vmem>> -> memref<1x32xi32, #tpu.memory_space<vmem>>
    %dma_start3A_672 = tpu.memref_squeeze %dma_start3A_671 : memref<1x32xi32, #tpu.memory_space<vmem>> -> memref<32xi32, #tpu.memory_space<vmem>>
    %dma_start3A_673 = arith.constant 0 : i32
    %dma_start3A_674 = arith.constant 0 : i32
    %dma_start3A_675 = tpu.memref_slice %arg3[%dma_start3A_673, %dma_start3A_674] : memref<8192x1024xf32, #tpu.memory_space<hbm>> -> memref<8192x1024xf32, #tpu.memory_space<hbm>>
    tpu.enqueue_indirect_dma source(%dma_start3A_675 : memref<8192x1024xf32, #tpu.memory_space<hbm>>) target(%arg7 : memref<32x1024xf32, #tpu.memory_space<vmem>>) offsets(%dma_start3A_672 : memref<32xi32, #tpu.memory_space<vmem>>) semaphore(%arg10 : memref<!tpu.dma_semaphore, #tpu.memory_space<semaphore_mem>>)
    %dma_wait3A_676 = arith.constant 21 : i32
    %dma_wait3A_677 = arith.constant 0 : i32
    %dma_wait3A_678 = tpu.memref_slice %arg5[%dma_wait3A_676, %dma_wait3A_677] : memref<32x32xi32, #tpu.memory_space<vmem>> -> memref<1x32xi32, #tpu.memory_space<vmem>>
    %dma_wait3A_679 = tpu.memref_squeeze %dma_wait3A_678 : memref<1x32xi32, #tpu.memory_space<vmem>> -> memref<32xi32, #tpu.memory_space<vmem>>
    %dma_wait3A_680 = arith.constant 0 : i32
    %dma_wait3A_681 = arith.constant 0 : i32
    %dma_wait3A_682 = tpu.memref_slice %arg3[%dma_wait3A_680, %dma_wait3A_681] : memref<8192x1024xf32, #tpu.memory_space<hbm>> -> memref<8192x1024xf32, #tpu.memory_space<hbm>>
    tpu.wait_indirect_dma semaphore(%arg9 : memref<!tpu.dma_semaphore, #tpu.memory_space<semaphore_mem>>) src(%dma_wait3A_682 : memref<8192x1024xf32, #tpu.memory_space<hbm>>) dst(%arg6 : memref<32x1024xf32, #tpu.memory_space<vmem>>)
    %dma_start3A_683 = arith.constant 21 : i32
    %dma_start3A_684 = arith.constant 0 : i32
    %dma_start3A_685 = arith.constant 0 : i32
    %dma_start3A_686 = tpu.memref_slice %arg4[%add3A, %dma_start3A_683, %dma_start3A_684, %dma_start3A_685] : memref<32x32x32x1024xf32, #tpu.memory_space<hbm>> -> memref<1x1x32x1024xf32, #tpu.memory_space<hbm>>
    %dma_start3A_687 = tpu.memref_squeeze %dma_start3A_686 : memref<1x1x32x1024xf32, #tpu.memory_space<hbm>> -> memref<32x1024xf32, #tpu.memory_space<hbm>>
    %dma_start3A_688 = arith.constant 0 : i32
    %dma_start3A_689 = arith.constant 0 : i32
    %dma_start3A_690 = tpu.memref_slice %arg4[%add3A, %dma_start3A_683, %dma_start3A_688, %dma_start3A_689] : memref<32x32x32x1024xf32, #tpu.memory_space<hbm>> -> memref<1x1x32x1024xf32, #tpu.memory_space<hbm>>
    %dma_start3A_691 = tpu.memref_squeeze %dma_start3A_690 : memref<1x1x32x1024xf32, #tpu.memory_space<hbm>> -> memref<32x1024xf32, #tpu.memory_space<hbm>>
    tpu.enqueue_dma source(%arg6 : memref<32x1024xf32, #tpu.memory_space<vmem>>) target(%dma_start3A_691 : memref<32x1024xf32, #tpu.memory_space<hbm>>) target_semaphore(%arg12 : memref<!tpu.dma_semaphore, #tpu.memory_space<semaphore_mem>>)
    %dma_wait3A_692 = arith.constant 20 : i32
    %dma_wait3A_693 = arith.constant 0 : i32
    %dma_wait3A_694 = arith.constant 0 : i32
    %dma_wait3A_695 = tpu.memref_slice %arg4[%add3A, %dma_wait3A_692, %dma_wait3A_693, %dma_wait3A_694] : memref<32x32x32x1024xf32, #tpu.memory_space<hbm>> -> memref<1x1x32x1024xf32, #tpu.memory_space<hbm>>
    %dma_wait3A_696 = tpu.memref_squeeze %dma_wait3A_695 : memref<1x1x32x1024xf32, #tpu.memory_space<hbm>> -> memref<32x1024xf32, #tpu.memory_space<hbm>>
    %dma_wait3A_697 = arith.constant 0 : i32
    %dma_wait3A_698 = arith.constant 0 : i32
    %dma_wait3A_699 = tpu.memref_slice %arg4[%add3A, %dma_wait3A_692, %dma_wait3A_697, %dma_wait3A_698] : memref<32x32x32x1024xf32, #tpu.memory_space<hbm>> -> memref<1x1x32x1024xf32, #tpu.memory_space<hbm>>
    %dma_wait3A_700 = tpu.memref_squeeze %dma_wait3A_699 : memref<1x1x32x1024xf32, #tpu.memory_space<hbm>> -> memref<32x1024xf32, #tpu.memory_space<hbm>>
    tpu.wait_dma2 semaphore(%arg14 : memref<!tpu.dma_semaphore, #tpu.memory_space<semaphore_mem>>) src(%arg8 : memref<32x1024xf32, #tpu.memory_space<vmem>>) dst(%dma_wait3A_700 : memref<32x1024xf32, #tpu.memory_space<hbm>>)
    %dma_start3A_701 = arith.constant 23 : i32
    %dma_start3A_702 = arith.constant 0 : i32
    %dma_start3A_703 = tpu.memref_slice %arg5[%dma_start3A_701, %dma_start3A_702] : memref<32x32xi32, #tpu.memory_space<vmem>> -> memref<1x32xi32, #tpu.memory_space<vmem>>
    %dma_start3A_704 = tpu.memref_squeeze %dma_start3A_703 : memref<1x32xi32, #tpu.memory_space<vmem>> -> memref<32xi32, #tpu.memory_space<vmem>>
    %dma_start3A_705 = arith.constant 0 : i32
    %dma_start3A_706 = arith.constant 0 : i32
    %dma_start3A_707 = tpu.memref_slice %arg3[%dma_start3A_705, %dma_start3A_706] : memref<8192x1024xf32, #tpu.memory_space<hbm>> -> memref<8192x1024xf32, #tpu.memory_space<hbm>>
    tpu.enqueue_indirect_dma source(%dma_start3A_707 : memref<8192x1024xf32, #tpu.memory_space<hbm>>) target(%arg8 : memref<32x1024xf32, #tpu.memory_space<vmem>>) offsets(%dma_start3A_704 : memref<32xi32, #tpu.memory_space<vmem>>) semaphore(%arg11 : memref<!tpu.dma_semaphore, #tpu.memory_space<semaphore_mem>>)
    %dma_wait3A_708 = arith.constant 22 : i32
    %dma_wait3A_709 = arith.constant 0 : i32
    %dma_wait3A_710 = tpu.memref_slice %arg5[%dma_wait3A_708, %dma_wait3A_709] : memref<32x32xi32, #tpu.memory_space<vmem>> -> memref<1x32xi32, #tpu.memory_space<vmem>>
    %dma_wait3A_711 = tpu.memref_squeeze %dma_wait3A_710 : memref<1x32xi32, #tpu.memory_space<vmem>> -> memref<32xi32, #tpu.memory_space<vmem>>
    %dma_wait3A_712 = arith.constant 0 : i32
    %dma_wait3A_713 = arith.constant 0 : i32
    %dma_wait3A_714 = tpu.memref_slice %arg3[%dma_wait3A_712, %dma_wait3A_713] : memref<8192x1024xf32, #tpu.memory_space<hbm>> -> memref<8192x1024xf32, #tpu.memory_space<hbm>>
    tpu.wait_indirect_dma semaphore(%arg10 : memref<!tpu.dma_semaphore, #tpu.memory_space<semaphore_mem>>) src(%dma_wait3A_714 : memref<8192x1024xf32, #tpu.memory_space<hbm>>) dst(%arg7 : memref<32x1024xf32, #tpu.memory_space<vmem>>)
    %dma_start3A_715 = arith.constant 22 : i32
    %dma_start3A_716 = arith.constant 0 : i32
    %dma_start3A_717 = arith.constant 0 : i32
    %dma_start3A_718 = tpu.memref_slice %arg4[%add3A, %dma_start3A_715, %dma_start3A_716, %dma_start3A_717] : memref<32x32x32x1024xf32, #tpu.memory_space<hbm>> -> memref<1x1x32x1024xf32, #tpu.memory_space<hbm>>
    %dma_start3A_719 = tpu.memref_squeeze %dma_start3A_718 : memref<1x1x32x1024xf32, #tpu.memory_space<hbm>> -> memref<32x1024xf32, #tpu.memory_space<hbm>>
    %dma_start3A_720 = arith.constant 0 : i32
    %dma_start3A_721 = arith.constant 0 : i32
    %dma_start3A_722 = tpu.memref_slice %arg4[%add3A, %dma_start3A_715, %dma_start3A_720, %dma_start3A_721] : memref<32x32x32x1024xf32, #tpu.memory_space<hbm>> -> memref<1x1x32x1024xf32, #tpu.memory_space<hbm>>
    %dma_start3A_723 = tpu.memref_squeeze %dma_start3A_722 : memref<1x1x32x1024xf32, #tpu.memory_space<hbm>> -> memref<32x1024xf32, #tpu.memory_space<hbm>>
    tpu.enqueue_dma source(%arg7 : memref<32x1024xf32, #tpu.memory_space<vmem>>) target(%dma_start3A_723 : memref<32x1024xf32, #tpu.memory_space<hbm>>) target_semaphore(%arg13 : memref<!tpu.dma_semaphore, #tpu.memory_space<semaphore_mem>>)
    %dma_wait3A_724 = arith.constant 21 : i32
    %dma_wait3A_725 = arith.constant 0 : i32
    %dma_wait3A_726 = arith.constant 0 : i32
    %dma_wait3A_727 = tpu.memref_slice %arg4[%add3A, %dma_wait3A_724, %dma_wait3A_725, %dma_wait3A_726] : memref<32x32x32x1024xf32, #tpu.memory_space<hbm>> -> memref<1x1x32x1024xf32, #tpu.memory_space<hbm>>
    %dma_wait3A_728 = tpu.memref_squeeze %dma_wait3A_727 : memref<1x1x32x1024xf32, #tpu.memory_space<hbm>> -> memref<32x1024xf32, #tpu.memory_space<hbm>>
    %dma_wait3A_729 = arith.constant 0 : i32
    %dma_wait3A_730 = arith.constant 0 : i32
    %dma_wait3A_731 = tpu.memref_slice %arg4[%add3A, %dma_wait3A_724, %dma_wait3A_729, %dma_wait3A_730] : memref<32x32x32x1024xf32, #tpu.memory_space<hbm>> -> memref<1x1x32x1024xf32, #tpu.memory_space<hbm>>
    %dma_wait3A_732 = tpu.memref_squeeze %dma_wait3A_731 : memref<1x1x32x1024xf32, #tpu.memory_space<hbm>> -> memref<32x1024xf32, #tpu.memory_space<hbm>>
    tpu.wait_dma2 semaphore(%arg12 : memref<!tpu.dma_semaphore, #tpu.memory_space<semaphore_mem>>) src(%arg6 : memref<32x1024xf32, #tpu.memory_space<vmem>>) dst(%dma_wait3A_732 : memref<32x1024xf32, #tpu.memory_space<hbm>>)
    %dma_start3A_733 = arith.constant 24 : i32
    %dma_start3A_734 = arith.constant 0 : i32
    %dma_start3A_735 = tpu.memref_slice %arg5[%dma_start3A_733, %dma_start3A_734] : memref<32x32xi32, #tpu.memory_space<vmem>> -> memref<1x32xi32, #tpu.memory_space<vmem>>
    %dma_start3A_736 = tpu.memref_squeeze %dma_start3A_735 : memref<1x32xi32, #tpu.memory_space<vmem>> -> memref<32xi32, #tpu.memory_space<vmem>>
    %dma_start3A_737 = arith.constant 0 : i32
    %dma_start3A_738 = arith.constant 0 : i32
    %dma_start3A_739 = tpu.memref_slice %arg3[%dma_start3A_737, %dma_start3A_738] : memref<8192x1024xf32, #tpu.memory_space<hbm>> -> memref<8192x1024xf32, #tpu.memory_space<hbm>>
    tpu.enqueue_indirect_dma source(%dma_start3A_739 : memref<8192x1024xf32, #tpu.memory_space<hbm>>) target(%arg6 : memref<32x1024xf32, #tpu.memory_space<vmem>>) offsets(%dma_start3A_736 : memref<32xi32, #tpu.memory_space<vmem>>) semaphore(%arg9 : memref<!tpu.dma_semaphore, #tpu.memory_space<semaphore_mem>>)
    %dma_wait3A_740 = arith.constant 23 : i32
    %dma_wait3A_741 = arith.constant 0 : i32
    %dma_wait3A_742 = tpu.memref_slice %arg5[%dma_wait3A_740, %dma_wait3A_741] : memref<32x32xi32, #tpu.memory_space<vmem>> -> memref<1x32xi32, #tpu.memory_space<vmem>>
    %dma_wait3A_743 = tpu.memref_squeeze %dma_wait3A_742 : memref<1x32xi32, #tpu.memory_space<vmem>> -> memref<32xi32, #tpu.memory_space<vmem>>
    %dma_wait3A_744 = arith.constant 0 : i32
    %dma_wait3A_745 = arith.constant 0 : i32
    %dma_wait3A_746 = tpu.memref_slice %arg3[%dma_wait3A_744, %dma_wait3A_745] : memref<8192x1024xf32, #tpu.memory_space<hbm>> -> memref<8192x1024xf32, #tpu.memory_space<hbm>>
    tpu.wait_indirect_dma semaphore(%arg11 : memref<!tpu.dma_semaphore, #tpu.memory_space<semaphore_mem>>) src(%dma_wait3A_746 : memref<8192x1024xf32, #tpu.memory_space<hbm>>) dst(%arg8 : memref<32x1024xf32, #tpu.memory_space<vmem>>)
    %dma_start3A_747 = arith.constant 23 : i32
    %dma_start3A_748 = arith.constant 0 : i32
    %dma_start3A_749 = arith.constant 0 : i32
    %dma_start3A_750 = tpu.memref_slice %arg4[%add3A, %dma_start3A_747, %dma_start3A_748, %dma_start3A_749] : memref<32x32x32x1024xf32, #tpu.memory_space<hbm>> -> memref<1x1x32x1024xf32, #tpu.memory_space<hbm>>
    %dma_start3A_751 = tpu.memref_squeeze %dma_start3A_750 : memref<1x1x32x1024xf32, #tpu.memory_space<hbm>> -> memref<32x1024xf32, #tpu.memory_space<hbm>>
    %dma_start3A_752 = arith.constant 0 : i32
    %dma_start3A_753 = arith.constant 0 : i32
    %dma_start3A_754 = tpu.memref_slice %arg4[%add3A, %dma_start3A_747, %dma_start3A_752, %dma_start3A_753] : memref<32x32x32x1024xf32, #tpu.memory_space<hbm>> -> memref<1x1x32x1024xf32, #tpu.memory_space<hbm>>
    %dma_start3A_755 = tpu.memref_squeeze %dma_start3A_754 : memref<1x1x32x1024xf32, #tpu.memory_space<hbm>> -> memref<32x1024xf32, #tpu.memory_space<hbm>>
    tpu.enqueue_dma source(%arg8 : memref<32x1024xf32, #tpu.memory_space<vmem>>) target(%dma_start3A_755 : memref<32x1024xf32, #tpu.memory_space<hbm>>) target_semaphore(%arg14 : memref<!tpu.dma_semaphore, #tpu.memory_space<semaphore_mem>>)
    %dma_wait3A_756 = arith.constant 22 : i32
    %dma_wait3A_757 = arith.constant 0 : i32
    %dma_wait3A_758 = arith.constant 0 : i32
    %dma_wait3A_759 = tpu.memref_slice %arg4[%add3A, %dma_wait3A_756, %dma_wait3A_757, %dma_wait3A_758] : memref<32x32x32x1024xf32, #tpu.memory_space<hbm>> -> memref<1x1x32x1024xf32, #tpu.memory_space<hbm>>
    %dma_wait3A_760 = tpu.memref_squeeze %dma_wait3A_759 : memref<1x1x32x1024xf32, #tpu.memory_space<hbm>> -> memref<32x1024xf32, #tpu.memory_space<hbm>>
    %dma_wait3A_761 = arith.constant 0 : i32
    %dma_wait3A_762 = arith.constant 0 : i32
    %dma_wait3A_763 = tpu.memref_slice %arg4[%add3A, %dma_wait3A_756, %dma_wait3A_761, %dma_wait3A_762] : memref<32x32x32x1024xf32, #tpu.memory_space<hbm>> -> memref<1x1x32x1024xf32, #tpu.memory_space<hbm>>
    %dma_wait3A_764 = tpu.memref_squeeze %dma_wait3A_763 : memref<1x1x32x1024xf32, #tpu.memory_space<hbm>> -> memref<32x1024xf32, #tpu.memory_space<hbm>>
    tpu.wait_dma2 semaphore(%arg13 : memref<!tpu.dma_semaphore, #tpu.memory_space<semaphore_mem>>) src(%arg7 : memref<32x1024xf32, #tpu.memory_space<vmem>>) dst(%dma_wait3A_764 : memref<32x1024xf32, #tpu.memory_space<hbm>>)
    %dma_start3A_765 = arith.constant 25 : i32
    %dma_start3A_766 = arith.constant 0 : i32
    %dma_start3A_767 = tpu.memref_slice %arg5[%dma_start3A_765, %dma_start3A_766] : memref<32x32xi32, #tpu.memory_space<vmem>> -> memref<1x32xi32, #tpu.memory_space<vmem>>
    %dma_start3A_768 = tpu.memref_squeeze %dma_start3A_767 : memref<1x32xi32, #tpu.memory_space<vmem>> -> memref<32xi32, #tpu.memory_space<vmem>>
    %dma_start3A_769 = arith.constant 0 : i32
    %dma_start3A_770 = arith.constant 0 : i32
    %dma_start3A_771 = tpu.memref_slice %arg3[%dma_start3A_769, %dma_start3A_770] : memref<8192x1024xf32, #tpu.memory_space<hbm>> -> memref<8192x1024xf32, #tpu.memory_space<hbm>>
    tpu.enqueue_indirect_dma source(%dma_start3A_771 : memref<8192x1024xf32, #tpu.memory_space<hbm>>) target(%arg7 : memref<32x1024xf32, #tpu.memory_space<vmem>>) offsets(%dma_start3A_768 : memref<32xi32, #tpu.memory_space<vmem>>) semaphore(%arg10 : memref<!tpu.dma_semaphore, #tpu.memory_space<semaphore_mem>>)
    %dma_wait3A_772 = arith.constant 24 : i32
    %dma_wait3A_773 = arith.constant 0 : i32
    %dma_wait3A_774 = tpu.memref_slice %arg5[%dma_wait3A_772, %dma_wait3A_773] : memref<32x32xi32, #tpu.memory_space<vmem>> -> memref<1x32xi32, #tpu.memory_space<vmem>>
    %dma_wait3A_775 = tpu.memref_squeeze %dma_wait3A_774 : memref<1x32xi32, #tpu.memory_space<vmem>> -> memref<32xi32, #tpu.memory_space<vmem>>
    %dma_wait3A_776 = arith.constant 0 : i32
    %dma_wait3A_777 = arith.constant 0 : i32
    %dma_wait3A_778 = tpu.memref_slice %arg3[%dma_wait3A_776, %dma_wait3A_777] : memref<8192x1024xf32, #tpu.memory_space<hbm>> -> memref<8192x1024xf32, #tpu.memory_space<hbm>>
    tpu.wait_indirect_dma semaphore(%arg9 : memref<!tpu.dma_semaphore, #tpu.memory_space<semaphore_mem>>) src(%dma_wait3A_778 : memref<8192x1024xf32, #tpu.memory_space<hbm>>) dst(%arg6 : memref<32x1024xf32, #tpu.memory_space<vmem>>)
    %dma_start3A_779 = arith.constant 24 : i32
    %dma_start3A_780 = arith.constant 0 : i32
    %dma_start3A_781 = arith.constant 0 : i32
    %dma_start3A_782 = tpu.memref_slice %arg4[%add3A, %dma_start3A_779, %dma_start3A_780, %dma_start3A_781] : memref<32x32x32x1024xf32, #tpu.memory_space<hbm>> -> memref<1x1x32x1024xf32, #tpu.memory_space<hbm>>
    %dma_start3A_783 = tpu.memref_squeeze %dma_start3A_782 : memref<1x1x32x1024xf32, #tpu.memory_space<hbm>> -> memref<32x1024xf32, #tpu.memory_space<hbm>>
    %dma_start3A_784 = arith.constant 0 : i32
    %dma_start3A_785 = arith.constant 0 : i32
    %dma_start3A_786 = tpu.memref_slice %arg4[%add3A, %dma_start3A_779, %dma_start3A_784, %dma_start3A_785] : memref<32x32x32x1024xf32, #tpu.memory_space<hbm>> -> memref<1x1x32x1024xf32, #tpu.memory_space<hbm>>
    %dma_start3A_787 = tpu.memref_squeeze %dma_start3A_786 : memref<1x1x32x1024xf32, #tpu.memory_space<hbm>> -> memref<32x1024xf32, #tpu.memory_space<hbm>>
    tpu.enqueue_dma source(%arg6 : memref<32x1024xf32, #tpu.memory_space<vmem>>) target(%dma_start3A_787 : memref<32x1024xf32, #tpu.memory_space<hbm>>) target_semaphore(%arg12 : memref<!tpu.dma_semaphore, #tpu.memory_space<semaphore_mem>>)
    %dma_wait3A_788 = arith.constant 23 : i32
    %dma_wait3A_789 = arith.constant 0 : i32
    %dma_wait3A_790 = arith.constant 0 : i32
    %dma_wait3A_791 = tpu.memref_slice %arg4[%add3A, %dma_wait3A_788, %dma_wait3A_789, %dma_wait3A_790] : memref<32x32x32x1024xf32, #tpu.memory_space<hbm>> -> memref<1x1x32x1024xf32, #tpu.memory_space<hbm>>
    %dma_wait3A_792 = tpu.memref_squeeze %dma_wait3A_791 : memref<1x1x32x1024xf32, #tpu.memory_space<hbm>> -> memref<32x1024xf32, #tpu.memory_space<hbm>>
    %dma_wait3A_793 = arith.constant 0 : i32
    %dma_wait3A_794 = arith.constant 0 : i32
    %dma_wait3A_795 = tpu.memref_slice %arg4[%add3A, %dma_wait3A_788, %dma_wait3A_793, %dma_wait3A_794] : memref<32x32x32x1024xf32, #tpu.memory_space<hbm>> -> memref<1x1x32x1024xf32, #tpu.memory_space<hbm>>
    %dma_wait3A_796 = tpu.memref_squeeze %dma_wait3A_795 : memref<1x1x32x1024xf32, #tpu.memory_space<hbm>> -> memref<32x1024xf32, #tpu.memory_space<hbm>>
    tpu.wait_dma2 semaphore(%arg14 : memref<!tpu.dma_semaphore, #tpu.memory_space<semaphore_mem>>) src(%arg8 : memref<32x1024xf32, #tpu.memory_space<vmem>>) dst(%dma_wait3A_796 : memref<32x1024xf32, #tpu.memory_space<hbm>>)
    %dma_start3A_797 = arith.constant 26 : i32
    %dma_start3A_798 = arith.constant 0 : i32
    %dma_start3A_799 = tpu.memref_slice %arg5[%dma_start3A_797, %dma_start3A_798] : memref<32x32xi32, #tpu.memory_space<vmem>> -> memref<1x32xi32, #tpu.memory_space<vmem>>
    %dma_start3A_800 = tpu.memref_squeeze %dma_start3A_799 : memref<1x32xi32, #tpu.memory_space<vmem>> -> memref<32xi32, #tpu.memory_space<vmem>>
    %dma_start3A_801 = arith.constant 0 : i32
    %dma_start3A_802 = arith.constant 0 : i32
    %dma_start3A_803 = tpu.memref_slice %arg3[%dma_start3A_801, %dma_start3A_802] : memref<8192x1024xf32, #tpu.memory_space<hbm>> -> memref<8192x1024xf32, #tpu.memory_space<hbm>>
    tpu.enqueue_indirect_dma source(%dma_start3A_803 : memref<8192x1024xf32, #tpu.memory_space<hbm>>) target(%arg8 : memref<32x1024xf32, #tpu.memory_space<vmem>>) offsets(%dma_start3A_800 : memref<32xi32, #tpu.memory_space<vmem>>) semaphore(%arg11 : memref<!tpu.dma_semaphore, #tpu.memory_space<semaphore_mem>>)
    %dma_wait3A_804 = arith.constant 25 : i32
    %dma_wait3A_805 = arith.constant 0 : i32
    %dma_wait3A_806 = tpu.memref_slice %arg5[%dma_wait3A_804, %dma_wait3A_805] : memref<32x32xi32, #tpu.memory_space<vmem>> -> memref<1x32xi32, #tpu.memory_space<vmem>>
    %dma_wait3A_807 = tpu.memref_squeeze %dma_wait3A_806 : memref<1x32xi32, #tpu.memory_space<vmem>> -> memref<32xi32, #tpu.memory_space<vmem>>
    %dma_wait3A_808 = arith.constant 0 : i32
    %dma_wait3A_809 = arith.constant 0 : i32
    %dma_wait3A_810 = tpu.memref_slice %arg3[%dma_wait3A_808, %dma_wait3A_809] : memref<8192x1024xf32, #tpu.memory_space<hbm>> -> memref<8192x1024xf32, #tpu.memory_space<hbm>>
    tpu.wait_indirect_dma semaphore(%arg10 : memref<!tpu.dma_semaphore, #tpu.memory_space<semaphore_mem>>) src(%dma_wait3A_810 : memref<8192x1024xf32, #tpu.memory_space<hbm>>) dst(%arg7 : memref<32x1024xf32, #tpu.memory_space<vmem>>)
    %dma_start3A_811 = arith.constant 25 : i32
    %dma_start3A_812 = arith.constant 0 : i32
    %dma_start3A_813 = arith.constant 0 : i32
    %dma_start3A_814 = tpu.memref_slice %arg4[%add3A, %dma_start3A_811, %dma_start3A_812, %dma_start3A_813] : memref<32x32x32x1024xf32, #tpu.memory_space<hbm>> -> memref<1x1x32x1024xf32, #tpu.memory_space<hbm>>
    %dma_start3A_815 = tpu.memref_squeeze %dma_start3A_814 : memref<1x1x32x1024xf32, #tpu.memory_space<hbm>> -> memref<32x1024xf32, #tpu.memory_space<hbm>>
    %dma_start3A_816 = arith.constant 0 : i32
    %dma_start3A_817 = arith.constant 0 : i32
    %dma_start3A_818 = tpu.memref_slice %arg4[%add3A, %dma_start3A_811, %dma_start3A_816, %dma_start3A_817] : memref<32x32x32x1024xf32, #tpu.memory_space<hbm>> -> memref<1x1x32x1024xf32, #tpu.memory_space<hbm>>
    %dma_start3A_819 = tpu.memref_squeeze %dma_start3A_818 : memref<1x1x32x1024xf32, #tpu.memory_space<hbm>> -> memref<32x1024xf32, #tpu.memory_space<hbm>>
    tpu.enqueue_dma source(%arg7 : memref<32x1024xf32, #tpu.memory_space<vmem>>) target(%dma_start3A_819 : memref<32x1024xf32, #tpu.memory_space<hbm>>) target_semaphore(%arg13 : memref<!tpu.dma_semaphore, #tpu.memory_space<semaphore_mem>>)
    %dma_wait3A_820 = arith.constant 24 : i32
    %dma_wait3A_821 = arith.constant 0 : i32
    %dma_wait3A_822 = arith.constant 0 : i32
    %dma_wait3A_823 = tpu.memref_slice %arg4[%add3A, %dma_wait3A_820, %dma_wait3A_821, %dma_wait3A_822] : memref<32x32x32x1024xf32, #tpu.memory_space<hbm>> -> memref<1x1x32x1024xf32, #tpu.memory_space<hbm>>
    %dma_wait3A_824 = tpu.memref_squeeze %dma_wait3A_823 : memref<1x1x32x1024xf32, #tpu.memory_space<hbm>> -> memref<32x1024xf32, #tpu.memory_space<hbm>>
    %dma_wait3A_825 = arith.constant 0 : i32
    %dma_wait3A_826 = arith.constant 0 : i32
    %dma_wait3A_827 = tpu.memref_slice %arg4[%add3A, %dma_wait3A_820, %dma_wait3A_825, %dma_wait3A_826] : memref<32x32x32x1024xf32, #tpu.memory_space<hbm>> -> memref<1x1x32x1024xf32, #tpu.memory_space<hbm>>
    %dma_wait3A_828 = tpu.memref_squeeze %dma_wait3A_827 : memref<1x1x32x1024xf32, #tpu.memory_space<hbm>> -> memref<32x1024xf32, #tpu.memory_space<hbm>>
    tpu.wait_dma2 semaphore(%arg12 : memref<!tpu.dma_semaphore, #tpu.memory_space<semaphore_mem>>) src(%arg6 : memref<32x1024xf32, #tpu.memory_space<vmem>>) dst(%dma_wait3A_828 : memref<32x1024xf32, #tpu.memory_space<hbm>>)
    %dma_start3A_829 = arith.constant 27 : i32
    %dma_start3A_830 = arith.constant 0 : i32
    %dma_start3A_831 = tpu.memref_slice %arg5[%dma_start3A_829, %dma_start3A_830] : memref<32x32xi32, #tpu.memory_space<vmem>> -> memref<1x32xi32, #tpu.memory_space<vmem>>
    %dma_start3A_832 = tpu.memref_squeeze %dma_start3A_831 : memref<1x32xi32, #tpu.memory_space<vmem>> -> memref<32xi32, #tpu.memory_space<vmem>>
    %dma_start3A_833 = arith.constant 0 : i32
    %dma_start3A_834 = arith.constant 0 : i32
    %dma_start3A_835 = tpu.memref_slice %arg3[%dma_start3A_833, %dma_start3A_834] : memref<8192x1024xf32, #tpu.memory_space<hbm>> -> memref<8192x1024xf32, #tpu.memory_space<hbm>>
    tpu.enqueue_indirect_dma source(%dma_start3A_835 : memref<8192x1024xf32, #tpu.memory_space<hbm>>) target(%arg6 : memref<32x1024xf32, #tpu.memory_space<vmem>>) offsets(%dma_start3A_832 : memref<32xi32, #tpu.memory_space<vmem>>) semaphore(%arg9 : memref<!tpu.dma_semaphore, #tpu.memory_space<semaphore_mem>>)
    %dma_wait3A_836 = arith.constant 26 : i32
    %dma_wait3A_837 = arith.constant 0 : i32
    %dma_wait3A_838 = tpu.memref_slice %arg5[%dma_wait3A_836, %dma_wait3A_837] : memref<32x32xi32, #tpu.memory_space<vmem>> -> memref<1x32xi32, #tpu.memory_space<vmem>>
    %dma_wait3A_839 = tpu.memref_squeeze %dma_wait3A_838 : memref<1x32xi32, #tpu.memory_space<vmem>> -> memref<32xi32, #tpu.memory_space<vmem>>
    %dma_wait3A_840 = arith.constant 0 : i32
    %dma_wait3A_841 = arith.constant 0 : i32
    %dma_wait3A_842 = tpu.memref_slice %arg3[%dma_wait3A_840, %dma_wait3A_841] : memref<8192x1024xf32, #tpu.memory_space<hbm>> -> memref<8192x1024xf32, #tpu.memory_space<hbm>>
    tpu.wait_indirect_dma semaphore(%arg11 : memref<!tpu.dma_semaphore, #tpu.memory_space<semaphore_mem>>) src(%dma_wait3A_842 : memref<8192x1024xf32, #tpu.memory_space<hbm>>) dst(%arg8 : memref<32x1024xf32, #tpu.memory_space<vmem>>)
    %dma_start3A_843 = arith.constant 26 : i32
    %dma_start3A_844 = arith.constant 0 : i32
    %dma_start3A_845 = arith.constant 0 : i32
    %dma_start3A_846 = tpu.memref_slice %arg4[%add3A, %dma_start3A_843, %dma_start3A_844, %dma_start3A_845] : memref<32x32x32x1024xf32, #tpu.memory_space<hbm>> -> memref<1x1x32x1024xf32, #tpu.memory_space<hbm>>
    %dma_start3A_847 = tpu.memref_squeeze %dma_start3A_846 : memref<1x1x32x1024xf32, #tpu.memory_space<hbm>> -> memref<32x1024xf32, #tpu.memory_space<hbm>>
    %dma_start3A_848 = arith.constant 0 : i32
    %dma_start3A_849 = arith.constant 0 : i32
    %dma_start3A_850 = tpu.memref_slice %arg4[%add3A, %dma_start3A_843, %dma_start3A_848, %dma_start3A_849] : memref<32x32x32x1024xf32, #tpu.memory_space<hbm>> -> memref<1x1x32x1024xf32, #tpu.memory_space<hbm>>
    %dma_start3A_851 = tpu.memref_squeeze %dma_start3A_850 : memref<1x1x32x1024xf32, #tpu.memory_space<hbm>> -> memref<32x1024xf32, #tpu.memory_space<hbm>>
    tpu.enqueue_dma source(%arg8 : memref<32x1024xf32, #tpu.memory_space<vmem>>) target(%dma_start3A_851 : memref<32x1024xf32, #tpu.memory_space<hbm>>) target_semaphore(%arg14 : memref<!tpu.dma_semaphore, #tpu.memory_space<semaphore_mem>>)
    %dma_wait3A_852 = arith.constant 25 : i32
    %dma_wait3A_853 = arith.constant 0 : i32
    %dma_wait3A_854 = arith.constant 0 : i32
    %dma_wait3A_855 = tpu.memref_slice %arg4[%add3A, %dma_wait3A_852, %dma_wait3A_853, %dma_wait3A_854] : memref<32x32x32x1024xf32, #tpu.memory_space<hbm>> -> memref<1x1x32x1024xf32, #tpu.memory_space<hbm>>
    %dma_wait3A_856 = tpu.memref_squeeze %dma_wait3A_855 : memref<1x1x32x1024xf32, #tpu.memory_space<hbm>> -> memref<32x1024xf32, #tpu.memory_space<hbm>>
    %dma_wait3A_857 = arith.constant 0 : i32
    %dma_wait3A_858 = arith.constant 0 : i32
    %dma_wait3A_859 = tpu.memref_slice %arg4[%add3A, %dma_wait3A_852, %dma_wait3A_857, %dma_wait3A_858] : memref<32x32x32x1024xf32, #tpu.memory_space<hbm>> -> memref<1x1x32x1024xf32, #tpu.memory_space<hbm>>
    %dma_wait3A_860 = tpu.memref_squeeze %dma_wait3A_859 : memref<1x1x32x1024xf32, #tpu.memory_space<hbm>> -> memref<32x1024xf32, #tpu.memory_space<hbm>>
    tpu.wait_dma2 semaphore(%arg13 : memref<!tpu.dma_semaphore, #tpu.memory_space<semaphore_mem>>) src(%arg7 : memref<32x1024xf32, #tpu.memory_space<vmem>>) dst(%dma_wait3A_860 : memref<32x1024xf32, #tpu.memory_space<hbm>>)
    %dma_start3A_861 = arith.constant 28 : i32
    %dma_start3A_862 = arith.constant 0 : i32
    %dma_start3A_863 = tpu.memref_slice %arg5[%dma_start3A_861, %dma_start3A_862] : memref<32x32xi32, #tpu.memory_space<vmem>> -> memref<1x32xi32, #tpu.memory_space<vmem>>
    %dma_start3A_864 = tpu.memref_squeeze %dma_start3A_863 : memref<1x32xi32, #tpu.memory_space<vmem>> -> memref<32xi32, #tpu.memory_space<vmem>>
    %dma_start3A_865 = arith.constant 0 : i32
    %dma_start3A_866 = arith.constant 0 : i32
    %dma_start3A_867 = tpu.memref_slice %arg3[%dma_start3A_865, %dma_start3A_866] : memref<8192x1024xf32, #tpu.memory_space<hbm>> -> memref<8192x1024xf32, #tpu.memory_space<hbm>>
    tpu.enqueue_indirect_dma source(%dma_start3A_867 : memref<8192x1024xf32, #tpu.memory_space<hbm>>) target(%arg7 : memref<32x1024xf32, #tpu.memory_space<vmem>>) offsets(%dma_start3A_864 : memref<32xi32, #tpu.memory_space<vmem>>) semaphore(%arg10 : memref<!tpu.dma_semaphore, #tpu.memory_space<semaphore_mem>>)
    %dma_wait3A_868 = arith.constant 27 : i32
    %dma_wait3A_869 = arith.constant 0 : i32
    %dma_wait3A_870 = tpu.memref_slice %arg5[%dma_wait3A_868, %dma_wait3A_869] : memref<32x32xi32, #tpu.memory_space<vmem>> -> memref<1x32xi32, #tpu.memory_space<vmem>>
    %dma_wait3A_871 = tpu.memref_squeeze %dma_wait3A_870 : memref<1x32xi32, #tpu.memory_space<vmem>> -> memref<32xi32, #tpu.memory_space<vmem>>
    %dma_wait3A_872 = arith.constant 0 : i32
    %dma_wait3A_873 = arith.constant 0 : i32
    %dma_wait3A_874 = tpu.memref_slice %arg3[%dma_wait3A_872, %dma_wait3A_873] : memref<8192x1024xf32, #tpu.memory_space<hbm>> -> memref<8192x1024xf32, #tpu.memory_space<hbm>>
    tpu.wait_indirect_dma semaphore(%arg9 : memref<!tpu.dma_semaphore, #tpu.memory_space<semaphore_mem>>) src(%dma_wait3A_874 : memref<8192x1024xf32, #tpu.memory_space<hbm>>) dst(%arg6 : memref<32x1024xf32, #tpu.memory_space<vmem>>)
    %dma_start3A_875 = arith.constant 27 : i32
    %dma_start3A_876 = arith.constant 0 : i32
    %dma_start3A_877 = arith.constant 0 : i32
    %dma_start3A_878 = tpu.memref_slice %arg4[%add3A, %dma_start3A_875, %dma_start3A_876, %dma_start3A_877] : memref<32x32x32x1024xf32, #tpu.memory_space<hbm>> -> memref<1x1x32x1024xf32, #tpu.memory_space<hbm>>
    %dma_start3A_879 = tpu.memref_squeeze %dma_start3A_878 : memref<1x1x32x1024xf32, #tpu.memory_space<hbm>> -> memref<32x1024xf32, #tpu.memory_space<hbm>>
    %dma_start3A_880 = arith.constant 0 : i32
    %dma_start3A_881 = arith.constant 0 : i32
    %dma_start3A_882 = tpu.memref_slice %arg4[%add3A, %dma_start3A_875, %dma_start3A_880, %dma_start3A_881] : memref<32x32x32x1024xf32, #tpu.memory_space<hbm>> -> memref<1x1x32x1024xf32, #tpu.memory_space<hbm>>
    %dma_start3A_883 = tpu.memref_squeeze %dma_start3A_882 : memref<1x1x32x1024xf32, #tpu.memory_space<hbm>> -> memref<32x1024xf32, #tpu.memory_space<hbm>>
    tpu.enqueue_dma source(%arg6 : memref<32x1024xf32, #tpu.memory_space<vmem>>) target(%dma_start3A_883 : memref<32x1024xf32, #tpu.memory_space<hbm>>) target_semaphore(%arg12 : memref<!tpu.dma_semaphore, #tpu.memory_space<semaphore_mem>>)
    %dma_wait3A_884 = arith.constant 26 : i32
    %dma_wait3A_885 = arith.constant 0 : i32
    %dma_wait3A_886 = arith.constant 0 : i32
    %dma_wait3A_887 = tpu.memref_slice %arg4[%add3A, %dma_wait3A_884, %dma_wait3A_885, %dma_wait3A_886] : memref<32x32x32x1024xf32, #tpu.memory_space<hbm>> -> memref<1x1x32x1024xf32, #tpu.memory_space<hbm>>
    %dma_wait3A_888 = tpu.memref_squeeze %dma_wait3A_887 : memref<1x1x32x1024xf32, #tpu.memory_space<hbm>> -> memref<32x1024xf32, #tpu.memory_space<hbm>>
    %dma_wait3A_889 = arith.constant 0 : i32
    %dma_wait3A_890 = arith.constant 0 : i32
    %dma_wait3A_891 = tpu.memref_slice %arg4[%add3A, %dma_wait3A_884, %dma_wait3A_889, %dma_wait3A_890] : memref<32x32x32x1024xf32, #tpu.memory_space<hbm>> -> memref<1x1x32x1024xf32, #tpu.memory_space<hbm>>
    %dma_wait3A_892 = tpu.memref_squeeze %dma_wait3A_891 : memref<1x1x32x1024xf32, #tpu.memory_space<hbm>> -> memref<32x1024xf32, #tpu.memory_space<hbm>>
    tpu.wait_dma2 semaphore(%arg14 : memref<!tpu.dma_semaphore, #tpu.memory_space<semaphore_mem>>) src(%arg8 : memref<32x1024xf32, #tpu.memory_space<vmem>>) dst(%dma_wait3A_892 : memref<32x1024xf32, #tpu.memory_space<hbm>>)
    %dma_start3A_893 = arith.constant 29 : i32
    %dma_start3A_894 = arith.constant 0 : i32
    %dma_start3A_895 = tpu.memref_slice %arg5[%dma_start3A_893, %dma_start3A_894] : memref<32x32xi32, #tpu.memory_space<vmem>> -> memref<1x32xi32, #tpu.memory_space<vmem>>
    %dma_start3A_896 = tpu.memref_squeeze %dma_start3A_895 : memref<1x32xi32, #tpu.memory_space<vmem>> -> memref<32xi32, #tpu.memory_space<vmem>>
    %dma_start3A_897 = arith.constant 0 : i32
    %dma_start3A_898 = arith.constant 0 : i32
    %dma_start3A_899 = tpu.memref_slice %arg3[%dma_start3A_897, %dma_start3A_898] : memref<8192x1024xf32, #tpu.memory_space<hbm>> -> memref<8192x1024xf32, #tpu.memory_space<hbm>>
    tpu.enqueue_indirect_dma source(%dma_start3A_899 : memref<8192x1024xf32, #tpu.memory_space<hbm>>) target(%arg8 : memref<32x1024xf32, #tpu.memory_space<vmem>>) offsets(%dma_start3A_896 : memref<32xi32, #tpu.memory_space<vmem>>) semaphore(%arg11 : memref<!tpu.dma_semaphore, #tpu.memory_space<semaphore_mem>>)
    %dma_wait3A_900 = arith.constant 28 : i32
    %dma_wait3A_901 = arith.constant 0 : i32
    %dma_wait3A_902 = tpu.memref_slice %arg5[%dma_wait3A_900, %dma_wait3A_901] : memref<32x32xi32, #tpu.memory_space<vmem>> -> memref<1x32xi32, #tpu.memory_space<vmem>>
    %dma_wait3A_903 = tpu.memref_squeeze %dma_wait3A_902 : memref<1x32xi32, #tpu.memory_space<vmem>> -> memref<32xi32, #tpu.memory_space<vmem>>
    %dma_wait3A_904 = arith.constant 0 : i32
    %dma_wait3A_905 = arith.constant 0 : i32
    %dma_wait3A_906 = tpu.memref_slice %arg3[%dma_wait3A_904, %dma_wait3A_905] : memref<8192x1024xf32, #tpu.memory_space<hbm>> -> memref<8192x1024xf32, #tpu.memory_space<hbm>>
    tpu.wait_indirect_dma semaphore(%arg10 : memref<!tpu.dma_semaphore, #tpu.memory_space<semaphore_mem>>) src(%dma_wait3A_906 : memref<8192x1024xf32, #tpu.memory_space<hbm>>) dst(%arg7 : memref<32x1024xf32, #tpu.memory_space<vmem>>)
    %dma_start3A_907 = arith.constant 28 : i32
    %dma_start3A_908 = arith.constant 0 : i32
    %dma_start3A_909 = arith.constant 0 : i32
    %dma_start3A_910 = tpu.memref_slice %arg4[%add3A, %dma_start3A_907, %dma_start3A_908, %dma_start3A_909] : memref<32x32x32x1024xf32, #tpu.memory_space<hbm>> -> memref<1x1x32x1024xf32, #tpu.memory_space<hbm>>
    %dma_start3A_911 = tpu.memref_squeeze %dma_start3A_910 : memref<1x1x32x1024xf32, #tpu.memory_space<hbm>> -> memref<32x1024xf32, #tpu.memory_space<hbm>>
    %dma_start3A_912 = arith.constant 0 : i32
    %dma_start3A_913 = arith.constant 0 : i32
    %dma_start3A_914 = tpu.memref_slice %arg4[%add3A, %dma_start3A_907, %dma_start3A_912, %dma_start3A_913] : memref<32x32x32x1024xf32, #tpu.memory_space<hbm>> -> memref<1x1x32x1024xf32, #tpu.memory_space<hbm>>
    %dma_start3A_915 = tpu.memref_squeeze %dma_start3A_914 : memref<1x1x32x1024xf32, #tpu.memory_space<hbm>> -> memref<32x1024xf32, #tpu.memory_space<hbm>>
    tpu.enqueue_dma source(%arg7 : memref<32x1024xf32, #tpu.memory_space<vmem>>) target(%dma_start3A_915 : memref<32x1024xf32, #tpu.memory_space<hbm>>) target_semaphore(%arg13 : memref<!tpu.dma_semaphore, #tpu.memory_space<semaphore_mem>>)
    %dma_wait3A_916 = arith.constant 27 : i32
    %dma_wait3A_917 = arith.constant 0 : i32
    %dma_wait3A_918 = arith.constant 0 : i32
    %dma_wait3A_919 = tpu.memref_slice %arg4[%add3A, %dma_wait3A_916, %dma_wait3A_917, %dma_wait3A_918] : memref<32x32x32x1024xf32, #tpu.memory_space<hbm>> -> memref<1x1x32x1024xf32, #tpu.memory_space<hbm>>
    %dma_wait3A_920 = tpu.memref_squeeze %dma_wait3A_919 : memref<1x1x32x1024xf32, #tpu.memory_space<hbm>> -> memref<32x1024xf32, #tpu.memory_space<hbm>>
    %dma_wait3A_921 = arith.constant 0 : i32
    %dma_wait3A_922 = arith.constant 0 : i32
    %dma_wait3A_923 = tpu.memref_slice %arg4[%add3A, %dma_wait3A_916, %dma_wait3A_921, %dma_wait3A_922] : memref<32x32x32x1024xf32, #tpu.memory_space<hbm>> -> memref<1x1x32x1024xf32, #tpu.memory_space<hbm>>
    %dma_wait3A_924 = tpu.memref_squeeze %dma_wait3A_923 : memref<1x1x32x1024xf32, #tpu.memory_space<hbm>> -> memref<32x1024xf32, #tpu.memory_space<hbm>>
    tpu.wait_dma2 semaphore(%arg12 : memref<!tpu.dma_semaphore, #tpu.memory_space<semaphore_mem>>) src(%arg6 : memref<32x1024xf32, #tpu.memory_space<vmem>>) dst(%dma_wait3A_924 : memref<32x1024xf32, #tpu.memory_space<hbm>>)
    %dma_start3A_925 = arith.constant 30 : i32
    %dma_start3A_926 = arith.constant 0 : i32
    %dma_start3A_927 = tpu.memref_slice %arg5[%dma_start3A_925, %dma_start3A_926] : memref<32x32xi32, #tpu.memory_space<vmem>> -> memref<1x32xi32, #tpu.memory_space<vmem>>
    %dma_start3A_928 = tpu.memref_squeeze %dma_start3A_927 : memref<1x32xi32, #tpu.memory_space<vmem>> -> memref<32xi32, #tpu.memory_space<vmem>>
    %dma_start3A_929 = arith.constant 0 : i32
    %dma_start3A_930 = arith.constant 0 : i32
    %dma_start3A_931 = tpu.memref_slice %arg3[%dma_start3A_929, %dma_start3A_930] : memref<8192x1024xf32, #tpu.memory_space<hbm>> -> memref<8192x1024xf32, #tpu.memory_space<hbm>>
    tpu.enqueue_indirect_dma source(%dma_start3A_931 : memref<8192x1024xf32, #tpu.memory_space<hbm>>) target(%arg6 : memref<32x1024xf32, #tpu.memory_space<vmem>>) offsets(%dma_start3A_928 : memref<32xi32, #tpu.memory_space<vmem>>) semaphore(%arg9 : memref<!tpu.dma_semaphore, #tpu.memory_space<semaphore_mem>>)
    %dma_wait3A_932 = arith.constant 29 : i32
    %dma_wait3A_933 = arith.constant 0 : i32
    %dma_wait3A_934 = tpu.memref_slice %arg5[%dma_wait3A_932, %dma_wait3A_933] : memref<32x32xi32, #tpu.memory_space<vmem>> -> memref<1x32xi32, #tpu.memory_space<vmem>>
    %dma_wait3A_935 = tpu.memref_squeeze %dma_wait3A_934 : memref<1x32xi32, #tpu.memory_space<vmem>> -> memref<32xi32, #tpu.memory_space<vmem>>
    %dma_wait3A_936 = arith.constant 0 : i32
    %dma_wait3A_937 = arith.constant 0 : i32
    %dma_wait3A_938 = tpu.memref_slice %arg3[%dma_wait3A_936, %dma_wait3A_937] : memref<8192x1024xf32, #tpu.memory_space<hbm>> -> memref<8192x1024xf32, #tpu.memory_space<hbm>>
    tpu.wait_indirect_dma semaphore(%arg11 : memref<!tpu.dma_semaphore, #tpu.memory_space<semaphore_mem>>) src(%dma_wait3A_938 : memref<8192x1024xf32, #tpu.memory_space<hbm>>) dst(%arg8 : memref<32x1024xf32, #tpu.memory_space<vmem>>)
    %dma_start3A_939 = arith.constant 29 : i32
    %dma_start3A_940 = arith.constant 0 : i32
    %dma_start3A_941 = arith.constant 0 : i32
    %dma_start3A_942 = tpu.memref_slice %arg4[%add3A, %dma_start3A_939, %dma_start3A_940, %dma_start3A_941] : memref<32x32x32x1024xf32, #tpu.memory_space<hbm>> -> memref<1x1x32x1024xf32, #tpu.memory_space<hbm>>
    %dma_start3A_943 = tpu.memref_squeeze %dma_start3A_942 : memref<1x1x32x1024xf32, #tpu.memory_space<hbm>> -> memref<32x1024xf32, #tpu.memory_space<hbm>>
    %dma_start3A_944 = arith.constant 0 : i32
    %dma_start3A_945 = arith.constant 0 : i32
    %dma_start3A_946 = tpu.memref_slice %arg4[%add3A, %dma_start3A_939, %dma_start3A_944, %dma_start3A_945] : memref<32x32x32x1024xf32, #tpu.memory_space<hbm>> -> memref<1x1x32x1024xf32, #tpu.memory_space<hbm>>
    %dma_start3A_947 = tpu.memref_squeeze %dma_start3A_946 : memref<1x1x32x1024xf32, #tpu.memory_space<hbm>> -> memref<32x1024xf32, #tpu.memory_space<hbm>>
    tpu.enqueue_dma source(%arg8 : memref<32x1024xf32, #tpu.memory_space<vmem>>) target(%dma_start3A_947 : memref<32x1024xf32, #tpu.memory_space<hbm>>) target_semaphore(%arg14 : memref<!tpu.dma_semaphore, #tpu.memory_space<semaphore_mem>>)
    %dma_wait3A_948 = arith.constant 28 : i32
    %dma_wait3A_949 = arith.constant 0 : i32
    %dma_wait3A_950 = arith.constant 0 : i32
    %dma_wait3A_951 = tpu.memref_slice %arg4[%add3A, %dma_wait3A_948, %dma_wait3A_949, %dma_wait3A_950] : memref<32x32x32x1024xf32, #tpu.memory_space<hbm>> -> memref<1x1x32x1024xf32, #tpu.memory_space<hbm>>
    %dma_wait3A_952 = tpu.memref_squeeze %dma_wait3A_951 : memref<1x1x32x1024xf32, #tpu.memory_space<hbm>> -> memref<32x1024xf32, #tpu.memory_space<hbm>>
    %dma_wait3A_953 = arith.constant 0 : i32
    %dma_wait3A_954 = arith.constant 0 : i32
    %dma_wait3A_955 = tpu.memref_slice %arg4[%add3A, %dma_wait3A_948, %dma_wait3A_953, %dma_wait3A_954] : memref<32x32x32x1024xf32, #tpu.memory_space<hbm>> -> memref<1x1x32x1024xf32, #tpu.memory_space<hbm>>
    %dma_wait3A_956 = tpu.memref_squeeze %dma_wait3A_955 : memref<1x1x32x1024xf32, #tpu.memory_space<hbm>> -> memref<32x1024xf32, #tpu.memory_space<hbm>>
    tpu.wait_dma2 semaphore(%arg13 : memref<!tpu.dma_semaphore, #tpu.memory_space<semaphore_mem>>) src(%arg7 : memref<32x1024xf32, #tpu.memory_space<vmem>>) dst(%dma_wait3A_956 : memref<32x1024xf32, #tpu.memory_space<hbm>>)
    %dma_start3A_957 = arith.constant 31 : i32
    %dma_start3A_958 = arith.constant 0 : i32
    %dma_start3A_959 = tpu.memref_slice %arg5[%dma_start3A_957, %dma_start3A_958] : memref<32x32xi32, #tpu.memory_space<vmem>> -> memref<1x32xi32, #tpu.memory_space<vmem>>
    %dma_start3A_960 = tpu.memref_squeeze %dma_start3A_959 : memref<1x32xi32, #tpu.memory_space<vmem>> -> memref<32xi32, #tpu.memory_space<vmem>>
    %dma_start3A_961 = arith.constant 0 : i32
    %dma_start3A_962 = arith.constant 0 : i32
    %dma_start3A_963 = tpu.memref_slice %arg3[%dma_start3A_961, %dma_start3A_962] : memref<8192x1024xf32, #tpu.memory_space<hbm>> -> memref<8192x1024xf32, #tpu.memory_space<hbm>>
    tpu.enqueue_indirect_dma source(%dma_start3A_963 : memref<8192x1024xf32, #tpu.memory_space<hbm>>) target(%arg7 : memref<32x1024xf32, #tpu.memory_space<vmem>>) offsets(%dma_start3A_960 : memref<32xi32, #tpu.memory_space<vmem>>) semaphore(%arg10 : memref<!tpu.dma_semaphore, #tpu.memory_space<semaphore_mem>>)
    %dma_wait3A_964 = arith.constant 30 : i32
    %dma_wait3A_965 = arith.constant 0 : i32
    %dma_wait3A_966 = tpu.memref_slice %arg5[%dma_wait3A_964, %dma_wait3A_965] : memref<32x32xi32, #tpu.memory_space<vmem>> -> memref<1x32xi32, #tpu.memory_space<vmem>>
    %dma_wait3A_967 = tpu.memref_squeeze %dma_wait3A_966 : memref<1x32xi32, #tpu.memory_space<vmem>> -> memref<32xi32, #tpu.memory_space<vmem>>
    %dma_wait3A_968 = arith.constant 0 : i32
    %dma_wait3A_969 = arith.constant 0 : i32
    %dma_wait3A_970 = tpu.memref_slice %arg3[%dma_wait3A_968, %dma_wait3A_969] : memref<8192x1024xf32, #tpu.memory_space<hbm>> -> memref<8192x1024xf32, #tpu.memory_space<hbm>>
    tpu.wait_indirect_dma semaphore(%arg9 : memref<!tpu.dma_semaphore, #tpu.memory_space<semaphore_mem>>) src(%dma_wait3A_970 : memref<8192x1024xf32, #tpu.memory_space<hbm>>) dst(%arg6 : memref<32x1024xf32, #tpu.memory_space<vmem>>)
    %dma_start3A_971 = arith.constant 30 : i32
    %dma_start3A_972 = arith.constant 0 : i32
    %dma_start3A_973 = arith.constant 0 : i32
    %dma_start3A_974 = tpu.memref_slice %arg4[%add3A, %dma_start3A_971, %dma_start3A_972, %dma_start3A_973] : memref<32x32x32x1024xf32, #tpu.memory_space<hbm>> -> memref<1x1x32x1024xf32, #tpu.memory_space<hbm>>
    %dma_start3A_975 = tpu.memref_squeeze %dma_start3A_974 : memref<1x1x32x1024xf32, #tpu.memory_space<hbm>> -> memref<32x1024xf32, #tpu.memory_space<hbm>>
    %dma_start3A_976 = arith.constant 0 : i32
    %dma_start3A_977 = arith.constant 0 : i32
    %dma_start3A_978 = tpu.memref_slice %arg4[%add3A, %dma_start3A_971, %dma_start3A_976, %dma_start3A_977] : memref<32x32x32x1024xf32, #tpu.memory_space<hbm>> -> memref<1x1x32x1024xf32, #tpu.memory_space<hbm>>
    %dma_start3A_979 = tpu.memref_squeeze %dma_start3A_978 : memref<1x1x32x1024xf32, #tpu.memory_space<hbm>> -> memref<32x1024xf32, #tpu.memory_space<hbm>>
    tpu.enqueue_dma source(%arg6 : memref<32x1024xf32, #tpu.memory_space<vmem>>) target(%dma_start3A_979 : memref<32x1024xf32, #tpu.memory_space<hbm>>) target_semaphore(%arg12 : memref<!tpu.dma_semaphore, #tpu.memory_space<semaphore_mem>>)
    %dma_wait3A_980 = arith.constant 29 : i32
    %dma_wait3A_981 = arith.constant 0 : i32
    %dma_wait3A_982 = arith.constant 0 : i32
    %dma_wait3A_983 = tpu.memref_slice %arg4[%add3A, %dma_wait3A_980, %dma_wait3A_981, %dma_wait3A_982] : memref<32x32x32x1024xf32, #tpu.memory_space<hbm>> -> memref<1x1x32x1024xf32, #tpu.memory_space<hbm>>
    %dma_wait3A_984 = tpu.memref_squeeze %dma_wait3A_983 : memref<1x1x32x1024xf32, #tpu.memory_space<hbm>> -> memref<32x1024xf32, #tpu.memory_space<hbm>>
    %dma_wait3A_985 = arith.constant 0 : i32
    %dma_wait3A_986 = arith.constant 0 : i32
    %dma_wait3A_987 = tpu.memref_slice %arg4[%add3A, %dma_wait3A_980, %dma_wait3A_985, %dma_wait3A_986] : memref<32x32x32x1024xf32, #tpu.memory_space<hbm>> -> memref<1x1x32x1024xf32, #tpu.memory_space<hbm>>
    %dma_wait3A_988 = tpu.memref_squeeze %dma_wait3A_987 : memref<1x1x32x1024xf32, #tpu.memory_space<hbm>> -> memref<32x1024xf32, #tpu.memory_space<hbm>>
    tpu.wait_dma2 semaphore(%arg14 : memref<!tpu.dma_semaphore, #tpu.memory_space<semaphore_mem>>) src(%arg8 : memref<32x1024xf32, #tpu.memory_space<vmem>>) dst(%dma_wait3A_988 : memref<32x1024xf32, #tpu.memory_space<hbm>>)
    %dma_wait3A_989 = arith.constant 31 : i32
    %dma_wait3A_990 = arith.constant 0 : i32
    %dma_wait3A_991 = tpu.memref_slice %arg5[%dma_wait3A_989, %dma_wait3A_990] : memref<32x32xi32, #tpu.memory_space<vmem>> -> memref<1x32xi32, #tpu.memory_space<vmem>>
    %dma_wait3A_992 = tpu.memref_squeeze %dma_wait3A_991 : memref<1x32xi32, #tpu.memory_space<vmem>> -> memref<32xi32, #tpu.memory_space<vmem>>
    %dma_wait3A_993 = arith.constant 0 : i32
    %dma_wait3A_994 = arith.constant 0 : i32
    %dma_wait3A_995 = tpu.memref_slice %arg3[%dma_wait3A_993, %dma_wait3A_994] : memref<8192x1024xf32, #tpu.memory_space<hbm>> -> memref<8192x1024xf32, #tpu.memory_space<hbm>>
    tpu.wait_indirect_dma semaphore(%arg10 : memref<!tpu.dma_semaphore, #tpu.memory_space<semaphore_mem>>) src(%dma_wait3A_995 : memref<8192x1024xf32, #tpu.memory_space<hbm>>) dst(%arg7 : memref<32x1024xf32, #tpu.memory_space<vmem>>)
    %dma_start3A_996 = arith.constant 31 : i32
    %dma_start3A_997 = arith.constant 0 : i32
    %dma_start3A_998 = arith.constant 0 : i32
    %dma_start3A_999 = tpu.memref_slice %arg4[%add3A, %dma_start3A_996, %dma_start3A_997, %dma_start3A_998] : memref<32x32x32x1024xf32, #tpu.memory_space<hbm>> -> memref<1x1x32x1024xf32, #tpu.memory_space<hbm>>
    %dma_start3A_1000 = tpu.memref_squeeze %dma_start3A_999 : memref<1x1x32x1024xf32, #tpu.memory_space<hbm>> -> memref<32x1024xf32, #tpu.memory_space<hbm>>
    %dma_start3A_1001 = arith.constant 0 : i32
    %dma_start3A_1002 = arith.constant 0 : i32
    %dma_start3A_1003 = tpu.memref_slice %arg4[%add3A, %dma_start3A_996, %dma_start3A_1001, %dma_start3A_1002] : memref<32x32x32x1024xf32, #tpu.memory_space<hbm>> -> memref<1x1x32x1024xf32, #tpu.memory_space<hbm>>
    %dma_start3A_1004 = tpu.memref_squeeze %dma_start3A_1003 : memref<1x1x32x1024xf32, #tpu.memory_space<hbm>> -> memref<32x1024xf32, #tpu.memory_space<hbm>>
    tpu.enqueue_dma source(%arg7 : memref<32x1024xf32, #tpu.memory_space<vmem>>) target(%dma_start3A_1004 : memref<32x1024xf32, #tpu.memory_space<hbm>>) target_semaphore(%arg13 : memref<!tpu.dma_semaphore, #tpu.memory_space<semaphore_mem>>)
    %dma_wait3A_1005 = arith.constant 30 : i32
    %dma_wait3A_1006 = arith.constant 0 : i32
    %dma_wait3A_1007 = arith.constant 0 : i32
    %dma_wait3A_1008 = tpu.memref_slice %arg4[%add3A, %dma_wait3A_1005, %dma_wait3A_1006, %dma_wait3A_1007] : memref<32x32x32x1024xf32, #tpu.memory_space<hbm>> -> memref<1x1x32x1024xf32, #tpu.memory_space<hbm>>
    %dma_wait3A_1009 = tpu.memref_squeeze %dma_wait3A_1008 : memref<1x1x32x1024xf32, #tpu.memory_space<hbm>> -> memref<32x1024xf32, #tpu.memory_space<hbm>>
    %dma_wait3A_1010 = arith.constant 0 : i32
    %dma_wait3A_1011 = arith.constant 0 : i32
    %dma_wait3A_1012 = tpu.memref_slice %arg4[%add3A, %dma_wait3A_1005, %dma_wait3A_1010, %dma_wait3A_1011] : memref<32x32x32x1024xf32, #tpu.memory_space<hbm>> -> memref<1x1x32x1024xf32, #tpu.memory_space<hbm>>
    %dma_wait3A_1013 = tpu.memref_squeeze %dma_wait3A_1012 : memref<1x1x32x1024xf32, #tpu.memory_space<hbm>> -> memref<32x1024xf32, #tpu.memory_space<hbm>>
    tpu.wait_dma2 semaphore(%arg12 : memref<!tpu.dma_semaphore, #tpu.memory_space<semaphore_mem>>) src(%arg6 : memref<32x1024xf32, #tpu.memory_space<vmem>>) dst(%dma_wait3A_1013 : memref<32x1024xf32, #tpu.memory_space<hbm>>)
    %dma_wait3A_1014 = arith.constant 31 : i32
    %dma_wait3A_1015 = arith.constant 0 : i32
    %dma_wait3A_1016 = arith.constant 0 : i32
    %dma_wait3A_1017 = tpu.memref_slice %arg4[%add3A, %dma_wait3A_1014, %dma_wait3A_1015, %dma_wait3A_1016] : memref<32x32x32x1024xf32, #tpu.memory_space<hbm>> -> memref<1x1x32x1024xf32, #tpu.memory_space<hbm>>
    %dma_wait3A_1018 = tpu.memref_squeeze %dma_wait3A_1017 : memref<1x1x32x1024xf32, #tpu.memory_space<hbm>> -> memref<32x1024xf32, #tpu.memory_space<hbm>>
    %dma_wait3A_1019 = arith.constant 0 : i32
    %dma_wait3A_1020 = arith.constant 0 : i32
    %dma_wait3A_1021 = tpu.memref_slice %arg4[%add3A, %dma_wait3A_1014, %dma_wait3A_1019, %dma_wait3A_1020] : memref<32x32x32x1024xf32, #tpu.memory_space<hbm>> -> memref<1x1x32x1024xf32, #tpu.memory_space<hbm>>
    %dma_wait3A_1022 = tpu.memref_squeeze %dma_wait3A_1021 : memref<1x1x32x1024xf32, #tpu.memory_space<hbm>> -> memref<32x1024xf32, #tpu.memory_space<hbm>>
    tpu.wait_dma2 semaphore(%arg13 : memref<!tpu.dma_semaphore, #tpu.memory_space<semaphore_mem>>) src(%arg7 : memref<32x1024xf32, #tpu.memory_space<vmem>>) dst(%dma_wait3A_1022 : memref<32x1024xf32, #tpu.memory_space<hbm>>)
    return
  }
}

</mosaic_0001>

<sc_bundles>
// kernel: _sc_gather.3.cloned.1.call-start
scs
__scs_entry_jumppad:
0x0: {  	(pc) =	sbr.rel $0x88, $3  }
0x1: {  	(tag) =	ssettag $0x0;
	lr =	simm.s32 $0x1  }
0x2: {  	[smem:$0x3F9F] =	sst lr;
	_ =	strace $0xD0000000  }
0x3: {  	_ = 	snop  }
0x4: {  	_ = 	snop  }
0x5: {  	_ = 	snop  }
0x6: {  	_ = 	snop  }
0x7: {  	_ = 	snop  }
__scs_overlays_trampoline_lowered:
0x8: {  	[smem:$0x3FAE] =	sst s0  }
0x9: {  	[smem:$0x3FAF] =	sst s1  }
0xa: {  	[smem:$0x3FB0] =	sst s2  }
0xb: {  	[smem:$0x3FB1] =	sst s3  }
0xc: {  	[smem:$0x3FB2] =	sst s4  }
0xd: {  	[smem:$0x3FB3] =	sst s5  }
0xe: {  	[smem:$0x3FB4] =	sst s6  }
0xf: {  	[smem:$0x3FB5] =	sst s7  }
0x10: {  	[smem:$0x3FB6] =	sst s8  }
0x11: {  	[smem:$0x3FB7] =	sst s9;
	s0 =	simm.s32 @!p0 $0x0  }
0x12: {  	s1 =	sld [smem:$0x3F9D];
	s0 =	simm.s32 @p0 $0x1  }
0x13: {  	[smem:$0x3FB8] =	sst s0;
	s0 =	simm.s32 @!p1 $0x0  }
0x14: {  	s2 =	sld [smem:$0x3F9C];
	s0 =	simm.s32 @p1 $0x1  }
0x15: {  	[smem:$0x3FB9] =	sst s0;
	s0 =	simm.s32 @!p2 $0x0  }
0x16: {  	s3 =	sld [smem:$0x3FDB];
	s0 =	simm.s32 @p2 $0x1  }
0x17: {  	s4 =	simm.s32 $0x1BF5;
	[smem:$0x3FBB] =	sst s0  }
0x18: {  	s0 =	sld [smem:$0x3F9E];
	_ =	swait.ge [sflag:s4], $0x0  }
0x19: {  	s7 =	sld [smem:$0x3F9F]  }
0x1a: {  	s8 =	sadd.s32 $0xFFFFE003, lr  }
0x1b: {  	s9 =	sadd.s32 $0xFFFFFEF7, lr;
	s5 =	simm.s32 $0xFFFFFFFF;
	p2 =	slt.u32 s8, $0xFFFFF086  }
0x1c: {  	p1 =	slt.u32 s9, $0xF7A;
	s5 =	simm.s32 @!p2 $0x0  }
0x1d: {  	s5 =	simm.s32 @p1 $0x1;
	p0 =	seq.s32 s7, s2  }
0x1e: {  	s7 =	smul.u32 @!p0 $0xF7A, s2;
	p2 =	seq.s32 @!p0 s5, $0x0  }
0x1f: {  	s9 =	smul.u32 $0xF7A, s1;
	s8 =	simm.s32 @!p0 $0x1BF5;
	p2 =	por !p2, p0  }
0x20: {  	[sflag:s8] =	ssyncset.s32 @!p0 $0xFFFFF086;
	s6 =	sadd.s32 @!p0 s3, s7;
	s7 =	simm.s32 @!p0 $0x108  }
0x21: {  	s3 =	sadd.s32 s3, s9;
	s6 =	sadd.s32 @!p0 $0x88, s6;
	s7 =	simm.s32 @p2 $0x1082  }
0x22: {  	[simem:s7], [sflag:s8] =	dma.local @!p0 [hbm:s6], $0xF7A  }
0x23: {  	s9 =	sor.u32 $0xD0000000, s2;
	s6 =	simm.s32 $0x108;
	_ =	swait.ge @!p0 [sflag:s8], $0x0  }
0x24: {  	s3 =	sadd.s32 $0x88, s3;
	s6 =	simm.s32 @!p1 $0x1082;
	[sflag:s4] =	ssyncset.s32 $0xFFFFF086  }
0x25: {  	[simem:s6], [sflag:s4] =	dma.local [hbm:s3], $0xF7A  }
0x26: {  	[smem:$0x3F9F] =	sst s1;
	(tag) =	ssettag s2;
	_ =	strace s9  }
0x27: {  	s1 =	sld [smem:$0x3FAF]  }
0x28: {  	s2 =	sld [smem:$0x3FB0]  }
0x29: {  	s4 =	sld [smem:$0x3FB2]  }
0x2a: {  	p0 =	seq.s32 s5, $0x0;
	s5 =	sld [smem:$0x3FB3]  }
0x2b: {  	s6 =	sld [smem:$0x3FB4]  }
0x2c: {  	s7 =	sld [smem:$0x3FB5]  }
0x2d: {  	s3 =	simm.s32 $0x108;
	s8 =	sld [smem:$0x3FB6]  }
0x2e: {  	s3 =	simm.s32 @!p0 $0x1082;
	s9 =	sld [smem:$0x3FB7]  }
0x2f: {  	lr =	sadd.s32 s0, s3;
	s0 =	sld [smem:$0x3FAE]  }
0x30: {  	s3 =	sld [smem:$0x3FB1]  }
0x31: {  	[smem:$0x3FBA] =	sst s10  }
0x32: {  	s10 =	sld [smem:$0x3FB8];
	_ =	sdelay $0x3  }
0x33: {  	p0 =	seq.s32 s10, $0x1;
	s10 =	sld [smem:$0x3FBA];
	_ =	sdelay $0x3  }
0x34: {  	[smem:$0x3FBA] =	sst s10  }
0x35: {  	s10 =	sld [smem:$0x3FB9];
	_ =	sdelay $0x3  }
0x36: {  	p1 =	seq.s32 s10, $0x1;
	s10 =	sld [smem:$0x3FBA];
	_ =	sdelay $0x3  }
0x37: {  	[smem:$0x3FBA] =	sst s10  }
0x38: {  	s10 =	sld [smem:$0x3FBB]  }
0x39: {  	_ = 	snop;
	(pc) =	sbr.ind lr, $3  }
0x3a: {  	_ = 	snop  }
0x3b: {  	_ = 	snop  }
0x3c: {  	p2 =	seq.s32 s10, $0x1;
	s10 =	sld [smem:$0x3FBA]  }
0x3d: {  	_ =	shalt  }
0x3e: {  	_ =	shalt  }
0x3f: {  	_ =	shalt  }
0x40: {  	_ =	shalt  }
0x41: {  	_ =	shalt  }
0x42: {  	_ =	shalt  }
0x43: {  	_ =	shalt  }
0x44: {  	_ =	shalt  }
0x45: {  	_ =	shalt  }
0x46: {  	_ =	shalt  }
0x47: {  	_ =	shalt  }
0x48: {  	_ =	shalt  }
0x49: {  	_ =	shalt  }
0x4a: {  	_ =	shalt  }
0x4b: {  	_ =	shalt  }
0x4c: {  	_ =	shalt  }
0x4d: {  	_ =	shalt  }
0x4e: {  	_ =	shalt  }
0x4f: {  	_ =	shalt  }
0x50: {  	_ =	shalt  }
0x51: {  	_ =	shalt  }
0x52: {  	_ =	shalt  }
0x53: {  	_ =	shalt  }
0x54: {  	_ =	shalt  }
0x55: {  	_ =	shalt  }
0x56: {  	_ =	shalt  }
0x57: {  	_ =	shalt  }
0x58: {  	_ =	shalt  }
0x59: {  	_ =	shalt  }
0x5a: {  	_ =	shalt  }
0x5b: {  	_ =	shalt  }
0x5c: {  	_ =	shalt  }
0x5d: {  	_ =	shalt  }
0x5e: {  	_ =	shalt  }
0x5f: {  	_ =	shalt  }
0x60: {  	_ =	shalt  }
0x61: {  	_ =	shalt  }
0x62: {  	_ =	shalt  }
0x63: {  	_ =	shalt  }
0x64: {  	_ =	shalt  }
0x65: {  	_ =	shalt  }
0x66: {  	_ =	shalt  }
0x67: {  	_ =	shalt  }
0x68: {  	_ =	shalt  }
0x69: {  	_ =	shalt  }
0x6a: {  	_ =	shalt  }
0x6b: {  	_ =	shalt  }
0x6c: {  	_ =	shalt  }
0x6d: {  	_ =	shalt  }
0x6e: {  	_ =	shalt  }
0x6f: {  	_ =	shalt  }
0x70: {  	_ =	shalt  }
0x71: {  	_ =	shalt  }
0x72: {  	_ =	shalt  }
0x73: {  	_ =	shalt  }
0x74: {  	_ =	shalt  }
0x75: {  	_ =	shalt  }
0x76: {  	_ =	shalt  }
0x77: {  	_ =	shalt  }
0x78: {  	_ =	shalt  }
0x79: {  	_ =	shalt  }
0x7a: {  	_ =	shalt  }
0x7b: {  	_ =	shalt  }
0x7c: {  	_ =	shalt  }
0x7d: {  	_ =	shalt  }
0x7e: {  	_ =	shalt  }
0x7f: {  	_ =	shalt  }
0x80: {  	_ =	shalt  }
0x81: {  	_ =	shalt  }
0x82: {  	_ =	shalt  }
0x83: {  	_ =	shalt  }
0x84: {  	_ =	shalt  }
0x85: {  	_ =	shalt  }
0x86: {  	_ =	shalt  }
0x87: {  	_ =	shalt  }
.Lfunc_end0:
.L_simem_size_0:
called_computation_lowered:
.L_overlay_start_0:
0x88: {  	s2 =	sld [smem:$0x3FD9]  }
0x89: {  	s3 =	sld [smem:$0x3FFE];
	_ =	sdelay $0x1  }
0x8a: {  	s1 =	srdreg.scid  }
0x8b: {  	s0 =	sand.u32 $0x1, s1  }
0x8c: {  	s18 =	sshll.u32 s0, $0xA;
	s2 =	sadd.s32 s3, s2  }
0x8d: {  	s2 =	sadd.s32 s2, s18  }
0x8e: {  	[smem:$0x3FC6] =	sst s2  }
0x8f: {  	_ = 	snop  }
0x90: {  	s2 =	sld [smem:$0x3FC9]  }
0x91: {  	s19 =	sld [smem:$0x3FC8]  }
0x92: {  	s4 =	sld [smem:$0x3FD0];
	(tm) =	ssettm $0x1  }
0x93: {  	s5 =	sld [smem:$0x3FFB];
	_ =	sdelay $0x3  }
0x94: {  	_ =	strace s5  }
0x95: {  	s5 =	sld [smem:$0x3FFC];
	_ =	sdelay $0x3  }
0x96: {  	_ =	strace s5  }
0x97: {  	s5 =	sld [smem:$0x3FFD];
	_ =	sdelay $0x3  }
0x98: {  	_ =	strace s5  }
0x99: {  	_ =	strace $0x8FFFFFFF  }
0x9a: {  	s20 =	sld [smem:$0x3FDB];
	_ =	sdelay $0x1  }
0x9b: {  	s6 =	simm.s32 $_scs_section_size  }
0x9c: {  	s7 =	simm.s32 $_size__tile_overlayer_lowered;
	s8 =	simm.s32 $_tile_overlayer_lowered  }
0x9d: {  	s23 =	simm.s32 $0x1BFF;
	s22 =	sshll.u32 s8, $0x1;
	s5 =	sadd.s32 s6, s20  }
0x9e: {  	s9 =	simm.s32 $0x0;
	s21 =	sshll.u32 s7, $0x1;
	s7 =	sadd.s32 s22, s5  }
0x9f: {  	[timem:s9], [sflag:s23] =	dma.local [hbm:s7], s21  }
0xa0: {  	_ =	swait.ge [sflag:s23], s21  }
0xa1: {  	s6 =	ssub.s32 $0x0, s21;
	[sflag:s23] =	ssyncset.done $0x0  }
0xa2: {  	[sflag:s23] =	ssyncadd.s32 s6;
	_ =	sdelay $0x1  }
0xa3: {  	s24 =	simm.s32 $0x1B8B  }
0xa4: {  	_ =	swait.ge [sflag:s24], $0x1  }
0xa5: {  	[sflag:s24] =	ssyncset.done $0x0  }
0xa6: {  	s25 =	simm.s32 $0x1B8E;
	[sflag:s24] =	ssyncadd.s32 $0xFFFFFFFF  }
0xa7: {  	s26 =	simm.s32 $execute0_lowered;
	[smem:$0x3FD2] =	sst s25  }
0xa8: {  	s6 =	sshll.u32 s26, $0x1;
	_ =	strace $0x80000046;
	[dreg:$0x1] =	wrdreg $0xFFFFFFFF  }
0xa9: {  	s28 =	simm.s32 $_size_execute0_lowered;
	s5 =	sadd.s32 s5, s6;
	[dreg:$0x0] =	wrdreg $0x0  }
0xaa: {  	s6 =	sshll.u32 s28, $0x1;
	[dreg:$0x2] =	wrdreg s5  }
0xab: {  	[dreg:$0x3] =	wrdreg s6  }
0xac: {  	[dreg:$0x4] =	wrdreg $0xC0  }
0xad: {  	_ =	task [dreg:s9], $0x5FFFF  }
0xae: {  	[dreg:$0x1] =	wrdreg $0xFFFFFFFF  }
0xaf: {  	[dreg:$0x0] =	wrdreg $0x60  }
0xb0: {  	[dreg:$0x2] =	wrdreg s2  }
0xb1: {  	[dreg:$0x3] =	wrdreg s19  }
0xb2: {  	[dreg:$0x4] =	wrdreg s4  }
0xb3: {  	[dreg:$0x5] =	wrdreg $0x9  }
0xb4: {  	_ =	task.clear_ibuf [dreg:s9], $0x6FFFF;
	_ =	strace $0x90000046  }
0xb5: {  	s29 =	simm.s32 $0x9;
	_ =	strace $0x80000048  }
0xb6: {  	_ =	swait.ge [sflag:s29], $0x1  }
0xb7: {  	[sflag:s29] =	ssyncadd.s32 $0xFFFFFFFF  }
0xb8: {  	_ =	strace $0x90000048  }
0xb9: {  	_ =	sfence  }
0xba: {  	s30 =	sld [smem:$0x0];
	_ =	sdelay $0x2  }
0xbb: {  	s31 =	sshll.u32 s1, $0xD;
	s1 =	sshrl.u32 s1, $0x2  }
0xbc: {  	s3 =	sand.u32 $0x4000, s31;
	s1 =	sadd.s32 s1, s30  }
0xbd: {  	s0 =	sor.u32 s3, s0;
	s1 =	sshll.u32 s1, $0x11  }
0xbe: {  	s0 =	sor.u32 s1, s0  }
0xbf: {  	s0 =	sadd.s32 $0x8F2B, s0  }
0xc0: {  	[sflag:s0] =	ssyncadd.remote.s32 $0x1  }
0xc1: {  	_ =	sfence.sel $0xFFFF  }
0xc2: {  	[dreg:$0x0] =	wrdreg $0xFFFFFFFF;
	(pc) =	sbr.abs _section_cstart, $3  }
0xc3: {  	[dreg:$0x1] =	wrdreg $0xFFFFFFFF  }
0xc4: {  	_ =	task.clear_ibuf [dreg:s9], $0x2FFFF;
	_ =	strace $0x9FFFFFFF  }
0xc5: {  	(tm) =	ssettm $0x7FFFFFFF  }
tec
execute0_lowered:
.L_overlay_start_1:
0x0: {  	(tag) =	ssettag $0x1  }
0x1: {  	s1 =	srdreg.scid;
	s3 =	stileid.u32  }
0x2: {  	s0 =	rddreg [dreg:$0x0];
	s1 =	sand.u32 $0x1, s1;
	s5 =	sshll.u32 s3, $0x1  }
0x3: {  	s2 =	rddreg [dreg:$0x1];
	s5 =	sor.u32 s1, s5  }
0x4: {  	s4 =	rddreg [dreg:$0x2];
	s3 =	simm.s32 $0x0;
	s6 =	sshll.u32 s5, $0x9  }
0x5: {  	[smem:$0x7FF] =	sst s3;
	s5 =	sshll.u32 s5, $0x11;
	s0 =	sadd.s32 s0, s6  }
0x6: {  	_ =	strace $0x80000047;
	s8 =	sadd.s32 s4, s5;
	[dreg:$0x4] =	wrdreg s0  }
0x7: {  	s25 =	sadd.s32 $0x1000, s8;
	[smem:$0x7FC] =	sst s8  }
0x8: {  	s26 =	sadd.s32 $0x2000, s8;
	[dreg:$0x5] =	wrdreg s25  }
0x9: {  	s28 =	sadd.s32 $0x3000, s8;
	[dreg:$0x6] =	wrdreg s26  }
0xa: {  	s29 =	sadd.s32 $0x4000, s8;
	[dreg:$0x7] =	wrdreg s28  }
0xb: {  	s30 =	sadd.s32 $0x5000, s8;
	[dreg:$0x8] =	wrdreg s29  }
0xc: {  	s31 =	sadd.s32 $0x6000, s8;
	[dreg:$0x9] =	wrdreg s30  }
0xd: {  	s4 =	sadd.s32 $0x7000, s8;
	[dreg:$0xa] =	wrdreg s31  }
0xe: {  	s5 =	sadd.s32 $0x8000, s8;
	[dreg:$0xb] =	wrdreg s4  }
0xf: {  	s6 =	sadd.s32 $0x9000, s8;
	[dreg:$0xc] =	wrdreg s5  }
0x10: {  	s7 =	sadd.s32 $0xA000, s8;
	[dreg:$0xd] =	wrdreg s6  }
0x11: {  	s9 =	sadd.s32 $0xB000, s8;
	[dreg:$0xe] =	wrdreg s7  }
0x12: {  	s10 =	sadd.s32 $0xC000, s8;
	[dreg:$0xf] =	wrdreg s9  }
0x13: {  	s11 =	sadd.s32 $0xD000, s8;
	[dreg:$0x10] =	wrdreg s10  }
0x14: {  	s12 =	sadd.s32 $0xE000, s8;
	[dreg:$0x11] =	wrdreg s11  }
0x15: {  	s13 =	sadd.s32 $0xF000, s8;
	[dreg:$0x12] =	wrdreg s12  }
0x16: {  	s14 =	sadd.s32 $0x10000, s8;
	[dreg:$0x13] =	wrdreg s13  }
0x17: {  	s15 =	sadd.s32 $0x11000, s8;
	[dreg:$0x14] =	wrdreg s14  }
0x18: {  	s16 =	sadd.s32 $0x12000, s8;
	[dreg:$0x15] =	wrdreg s15  }
0x19: {  	s17 =	sadd.s32 $0x13000, s8;
	[dreg:$0x16] =	wrdreg s16  }
0x1a: {  	s18 =	sadd.s32 $0x14000, s8;
	[dreg:$0x17] =	wrdreg s17  }
0x1b: {  	s19 =	sadd.s32 $0x15000, s8;
	[dreg:$0x18] =	wrdreg s18  }
0x1c: {  	s20 =	sadd.s32 $0x16000, s8;
	[dreg:$0x19] =	wrdreg s19  }
0x1d: {  	s21 =	sadd.s32 $0x17000, s8;
	[dreg:$0x1a] =	wrdreg s20  }
0x1e: {  	s22 =	sadd.s32 $0x18000, s8;
	[dreg:$0x1b] =	wrdreg s21  }
0x1f: {  	s23 =	sadd.s32 $0x19000, s8;
	[dreg:$0x1c] =	wrdreg s22  }
0x20: {  	s1 =	ssub.s32 $0x2, s1;
	s24 =	sadd.s32 $0x1A000, s8;
	[dreg:$0x1d] =	wrdreg s23  }
0x21: {  	s25 =	sshrl.u32 s1, $0x1;
	[dreg:$0x1e] =	wrdreg s24  }
0x22: {  	s26 =	sadd.s32 $0x1B000, s8;
	s28 =	sadd.s32 $0x1C000, s8;
	s5 =	sadd.s32 $0x100, s2  }
0x23: {  	s29 =	sadd.s32 $0x1D000, s8;
	s6 =	sadd.s32 $0x200, s2;
	s30 =	sadd.s32 $0x1E000, s8  }
0x24: {  	s7 =	sadd.s32 $0x300, s2;
	s31 =	sadd.s32 $0x1F000, s8;
	[dreg:$0x1f] =	wrdreg s26  }
0x25: {  	s19 =	simm.s32 $0x1;
	s20 =	simm.s32 $0x2;
	[smem:$0x7F9] =	sst s28  }
0x26: {  	v2 =	vlaneseq.u32;
	s21 =	simm.s32 $0x4;
	s22 =	simm.s32 $0x3;
	[smem:$0x7FA] =	sst s29  }
0x27: {  	vm0 =	vmmov $0xffff;
	v1 =	vshrl.u32 v2, $0x3;
	s23 =	simm.s32 $0x5;
	s1 =	ssub.s32 s1, s25;
	[smem:$0x7FB] =	sst s30  }
0x28: {  	v0 =	vand.u32 $0x7, v2;
	v2 =	vor.u32 $0x8, v2;
	v1 =	vmul.u32 $0x8, v1;
	s24 =	simm.s32 $0x6;
	[smem:$0x7FD] =	sst s31;
	s0 =	smax.u32 s1, $0x1  }
.LBB2_1:
0x29: {  	[smem:$0x7F8] =	sst s0  }
0x2a: {  	s25 =	rddreg [dreg:$0x4];
	s15 =	simm.s32 $0x7  }
0x2b: {  	[tilespmem:s3], [sflag:$0x7] =	stream.linear.gather [hbm4b:s25+s3], $0x1000, $0x38;
	[tilespmem:$0x19000] =	vst v63  }
0x2c: {  	_ =	swait.ge [sflag:s15], $0x1000  }
0x2d: {  	[sflag:s15] =	ssyncset.done $0x0  }
0x2e: {  	[sflag:s15] =	ssyncadd.s32 $0xFFFFF000  }
0x2f: {  	v3 =	vld [tilespmem:$0x0];
	_ =	sdelay $0x4  }
0x30: {  	v4 =	vshll.u32 v3, $0x3  }
0x31: {  	v3 =	vand.u32 $0x7, v3;
	v4 =	vand.u32 $0xFFFFFFC0, v4  }
0x32: {  	v3 =	vor.u32 v3, v4  }
0x33: {  	v4 =	vperm.xlane v3, v0;
	_ =	sdelay $0x1  }
0x34: {  	v4 =	vadd.s32 v1, v4;
	_ =	sdelay $0x3  }
0x35: {  	s16 =	simm.s32 $0x1000  }
0x36: {  	[tilespmem:s16], [sflag:$0x1] =	stream.indirect_vreg.gather [hbm4b:s2+s3], $0x80, v4, vm0, $0xb8;
	[tilespmem:$0x19000] =	vst v63  }
0x37: {  	s17 =	simm.s32 $0x1800;
	v3 =	vperm.xlane v3, v2  }
0x38: {  	[tilespmem:s17], [sflag:$0x1] =	stream.indirect_vreg.gather [hbm4b:s5+s3], $0x80, v4, vm0, $0xb8;
	[tilespmem:$0x19000] =	vst v63  }
0x39: {  	s18 =	simm.s32 $0x2000;
	v3 =	vadd.s32 v1, v3  }
0x3a: {  	[tilespmem:s18], [sflag:$0x1] =	stream.indirect_vreg.gather [hbm4b:s6+s3], $0x80, v4, vm0, $0xb8;
	[tilespmem:$0x19000] =	vst v63  }
0x3b: {  	s25 =	simm.s32 $0x2800  }
0x3c: {  	[tilespmem:s25], [sflag:$0x1] =	stream.indirect_vreg.gather [hbm4b:s7+s3], $0x80, v4, vm0, $0xb8;
	[tilespmem:$0x19000] =	vst v63  }
0x3d: {  	s26 =	simm.s32 $0x3000  }
0x3e: {  	[tilespmem:s26], [sflag:$0x1] =	stream.indirect_vreg.gather [hbm4b:s2+s3], $0x80, v3, vm0, $0xb8;
	[tilespmem:$0x19000] =	vst v63  }
0x3f: {  	s28 =	simm.s32 $0x3800  }
0x40: {  	[tilespmem:s28], [sflag:$0x1] =	stream.indirect_vreg.gather [hbm4b:s5+s3], $0x80, v3, vm0, $0xb8;
	[tilespmem:$0x19000] =	vst v63  }
0x41: {  	s29 =	simm.s32 $0x4000  }
0x42: {  	[tilespmem:s29], [sflag:$0x1] =	stream.indirect_vreg.gather [hbm4b:s6+s3], $0x80, v3, vm0, $0xb8;
	[tilespmem:$0x19000] =	vst v63  }
0x43: {  	s30 =	simm.s32 $0x4800  }
0x44: {  	[tilespmem:s30], [sflag:$0x1] =	stream.indirect_vreg.gather [hbm4b:s7+s3], $0x80, v3, vm0, $0xb8;
	[tilespmem:$0x19000] =	vst v63  }
0x45: {  	v3 =	vld [tilespmem:$0x10];
	_ =	sdelay $0x4  }
0x46: {  	v57 =	vshll.u32 v3, $0x3  }
0x47: {  	v3 =	vand.u32 $0x7, v3;
	v4 =	vand.u32 $0xFFFFFFC0, v57  }
0x48: {  	v3 =	vor.u32 v3, v4  }
0x49: {  	v4 =	vperm.xlane v3, v0;
	_ =	sdelay $0x1  }
0x4a: {  	v4 =	vadd.s32 v1, v4;
	_ =	sdelay $0x3  }
0x4b: {  	s31 =	simm.s32 $0x5000  }
0x4c: {  	[tilespmem:s31], [sflag:$0x1] =	stream.indirect_vreg.gather [hbm4b:s2+s3], $0x80, v4, vm0, $0xb8;
	[tilespmem:$0x19000] =	vst v63  }
0x4d: {  	s1 =	simm.s32 $0x5800;
	v3 =	vperm.xlane v3, v2  }
0x4e: {  	[tilespmem:s1], [sflag:$0x1] =	stream.indirect_vreg.gather [hbm4b:s5+s3], $0x80, v4, vm0, $0xb8;
	[tilespmem:$0x19000] =	vst v63  }
0x4f: {  	s10 =	simm.s32 $0x6000;
	v3 =	vadd.s32 v1, v3  }
0x50: {  	[tilespmem:s10], [sflag:$0x1] =	stream.indirect_vreg.gather [hbm4b:s6+s3], $0x80, v4, vm0, $0xb8;
	[tilespmem:$0x19000] =	vst v63  }
0x51: {  	s11 =	simm.s32 $0x6800  }
0x52: {  	[tilespmem:s11], [sflag:$0x1] =	stream.indirect_vreg.gather [hbm4b:s7+s3], $0x80, v4, vm0, $0xb8;
	[tilespmem:$0x19000] =	vst v63  }
0x53: {  	s12 =	simm.s32 $0x7000  }
0x54: {  	[tilespmem:s12], [sflag:$0x1] =	stream.indirect_vreg.gather [hbm4b:s2+s3], $0x80, v3, vm0, $0xb8;
	[tilespmem:$0x19000] =	vst v63  }
0x55: {  	s13 =	simm.s32 $0x7800  }
0x56: {  	[tilespmem:s13], [sflag:$0x1] =	stream.indirect_vreg.gather [hbm4b:s5+s3], $0x80, v3, vm0, $0xb8;
	[tilespmem:$0x19000] =	vst v63  }
0x57: {  	s16 =	simm.s32 $0x8000  }
0x58: {  	[tilespmem:s16], [sflag:$0x1] =	stream.indirect_vreg.gather [hbm4b:s6+s3], $0x80, v3, vm0, $0xb8;
	[tilespmem:$0x19000] =	vst v63  }
0x59: {  	s17 =	simm.s32 $0x8800  }
0x5a: {  	[tilespmem:s17], [sflag:$0x1] =	stream.indirect_vreg.gather [hbm4b:s7+s3], $0x80, v3, vm0, $0xb8;
	[tilespmem:$0x19000] =	vst v63  }
0x5b: {  	v3 =	vld [tilespmem:$0x80];
	_ =	sdelay $0x4  }
0x5c: {  	v58 =	vshll.u32 v3, $0x3  }
0x5d: {  	v3 =	vand.u32 $0x7, v3;
	v4 =	vand.u32 $0xFFFFFFC0, v58  }
0x5e: {  	v3 =	vor.u32 v3, v4  }
0x5f: {  	v4 =	vperm.xlane v3, v0;
	_ =	sdelay $0x1  }
0x60: {  	v4 =	vadd.s32 v1, v4;
	_ =	sdelay $0x3  }
0x61: {  	s18 =	simm.s32 $0x9000  }
0x62: {  	[tilespmem:s18], [sflag:$0x2] =	stream.indirect_vreg.gather [hbm4b:s2+s3], $0x80, v4, vm0, $0xb8;
	[tilespmem:$0x19000] =	vst v63  }
0x63: {  	s25 =	simm.s32 $0x9800;
	v3 =	vperm.xlane v3, v2  }
0x64: {  	[tilespmem:s25], [sflag:$0x2] =	stream.indirect_vreg.gather [hbm4b:s5+s3], $0x80, v4, vm0, $0xb8;
	[tilespmem:$0x19000] =	vst v63  }
0x65: {  	s26 =	simm.s32 $0xA000;
	v3 =	vadd.s32 v1, v3  }
0x66: {  	[tilespmem:s26], [sflag:$0x2] =	stream.indirect_vreg.gather [hbm4b:s6+s3], $0x80, v4, vm0, $0xb8;
	[tilespmem:$0x19000] =	vst v63  }
0x67: {  	s28 =	simm.s32 $0xA800  }
0x68: {  	[tilespmem:s28], [sflag:$0x2] =	stream.indirect_vreg.gather [hbm4b:s7+s3], $0x80, v4, vm0, $0xb8;
	[tilespmem:$0x19000] =	vst v63  }
0x69: {  	s31 =	simm.s32 $0xB000  }
0x6a: {  	[tilespmem:s31], [sflag:$0x2] =	stream.indirect_vreg.gather [hbm4b:s2+s3], $0x80, v3, vm0, $0xb8;
	[tilespmem:$0x19000] =	vst v63  }
0x6b: {  	s13 =	simm.s32 $0xB800  }
0x6c: {  	[tilespmem:s13], [sflag:$0x2] =	stream.indirect_vreg.gather [hbm4b:s5+s3], $0x80, v3, vm0, $0xb8;
	[tilespmem:$0x19000] =	vst v63  }
0x6d: {  	s16 =	simm.s32 $0xC000  }
0x6e: {  	[tilespmem:s16], [sflag:$0x2] =	stream.indirect_vreg.gather [hbm4b:s6+s3], $0x80, v3, vm0, $0xb8;
	[tilespmem:$0x19000] =	vst v63  }
0x6f: {  	s17 =	simm.s32 $0xC800  }
0x70: {  	[tilespmem:s17], [sflag:$0x2] =	stream.indirect_vreg.gather [hbm4b:s7+s3], $0x80, v3, vm0, $0xb8;
	[tilespmem:$0x19000] =	vst v63  }
0x71: {  	v3 =	vld [tilespmem:$0x90];
	_ =	sdelay $0x4  }
0x72: {  	v59 =	vshll.u32 v3, $0x3  }
0x73: {  	v3 =	vand.u32 $0x7, v3;
	v4 =	vand.u32 $0xFFFFFFC0, v59  }
0x74: {  	v3 =	vor.u32 v3, v4  }
0x75: {  	v4 =	vperm.xlane v3, v0;
	_ =	sdelay $0x1  }
0x76: {  	v4 =	vadd.s32 v1, v4;
	_ =	sdelay $0x3  }
0x77: {  	s18 =	simm.s32 $0xD000  }
0x78: {  	[tilespmem:s18], [sflag:$0x2] =	stream.indirect_vreg.gather [hbm4b:s2+s3], $0x80, v4, vm0, $0xb8;
	[tilespmem:$0x19000] =	vst v63  }
0x79: {  	s25 =	simm.s32 $0xD800;
	v3 =	vperm.xlane v3, v2  }
0x7a: {  	[tilespmem:s25], [sflag:$0x2] =	stream.indirect_vreg.gather [hbm4b:s5+s3], $0x80, v4, vm0, $0xb8;
	[tilespmem:$0x19000] =	vst v63  }
0x7b: {  	s26 =	simm.s32 $0xE000;
	v3 =	vadd.s32 v1, v3  }
0x7c: {  	[tilespmem:s26], [sflag:$0x2] =	stream.indirect_vreg.gather [hbm4b:s6+s3], $0x80, v4, vm0, $0xb8;
	[tilespmem:$0x19000] =	vst v63  }
0x7d: {  	s28 =	simm.s32 $0xE800  }
0x7e: {  	[tilespmem:s28], [sflag:$0x2] =	stream.indirect_vreg.gather [hbm4b:s7+s3], $0x80, v4, vm0, $0xb8;
	[tilespmem:$0x19000] =	vst v63  }
0x7f: {  	s31 =	simm.s32 $0xF000  }
0x80: {  	[tilespmem:s31], [sflag:$0x2] =	stream.indirect_vreg.gather [hbm4b:s2+s3], $0x80, v3, vm0, $0xb8;
	[tilespmem:$0x19000] =	vst v63  }
0x81: {  	s16 =	simm.s32 $0xF800  }
0x82: {  	[tilespmem:s16], [sflag:$0x2] =	stream.indirect_vreg.gather [hbm4b:s5+s3], $0x80, v3, vm0, $0xb8;
	[tilespmem:$0x19000] =	vst v63  }
0x83: {  	s17 =	simm.s32 $0x10000  }
0x84: {  	[tilespmem:s17], [sflag:$0x2] =	stream.indirect_vreg.gather [hbm4b:s6+s3], $0x80, v3, vm0, $0xb8;
	[tilespmem:$0x19000] =	vst v63  }
0x85: {  	s18 =	simm.s32 $0x10800  }
0x86: {  	[tilespmem:s18], [sflag:$0x2] =	stream.indirect_vreg.gather [hbm4b:s7+s3], $0x80, v3, vm0, $0xb8;
	[tilespmem:$0x19000] =	vst v63  }
0x87: {  	v3 =	vld [tilespmem:$0x100];
	_ =	sdelay $0x4  }
0x88: {  	v60 =	vshll.u32 v3, $0x3  }
0x89: {  	v3 =	vand.u32 $0x7, v3;
	v4 =	vand.u32 $0xFFFFFFC0, v60  }
0x8a: {  	v3 =	vor.u32 v3, v4  }
0x8b: {  	v4 =	vperm.xlane v3, v0;
	_ =	sdelay $0x1  }
0x8c: {  	v4 =	vadd.s32 v1, v4;
	_ =	sdelay $0x3  }
0x8d: {  	s25 =	simm.s32 $0x11000  }
0x8e: {  	[tilespmem:s25], [sflag:$0x3] =	stream.indirect_vreg.gather [hbm4b:s2+s3], $0x80, v4, vm0, $0xb8;
	[tilespmem:$0x19000] =	vst v63  }
0x8f: {  	s26 =	simm.s32 $0x11800;
	v3 =	vperm.xlane v3, v2  }
0x90: {  	[tilespmem:s26], [sflag:$0x3] =	stream.indirect_vreg.gather [hbm4b:s5+s3], $0x80, v4, vm0, $0xb8;
	[tilespmem:$0x19000] =	vst v63  }
0x91: {  	s28 =	simm.s32 $0x12000;
	v3 =	vadd.s32 v1, v3  }
0x92: {  	[tilespmem:s28], [sflag:$0x3] =	stream.indirect_vreg.gather [hbm4b:s6+s3], $0x80, v4, vm0, $0xb8;
	[tilespmem:$0x19000] =	vst v63  }
0x93: {  	s16 =	simm.s32 $0x12800  }
0x94: {  	[tilespmem:s16], [sflag:$0x3] =	stream.indirect_vreg.gather [hbm4b:s7+s3], $0x80, v4, vm0, $0xb8;
	[tilespmem:$0x19000] =	vst v63  }
0x95: {  	s17 =	simm.s32 $0x13000  }
0x96: {  	[tilespmem:s17], [sflag:$0x3] =	stream.indirect_vreg.gather [hbm4b:s2+s3], $0x80, v3, vm0, $0xb8;
	[tilespmem:$0x19000] =	vst v63  }
0x97: {  	s18 =	simm.s32 $0x13800  }
0x98: {  	[tilespmem:s18], [sflag:$0x3] =	stream.indirect_vreg.gather [hbm4b:s5+s3], $0x80, v3, vm0, $0xb8;
	[tilespmem:$0x19000] =	vst v63  }
0x99: {  	s25 =	simm.s32 $0x14000  }
0x9a: {  	[tilespmem:s25], [sflag:$0x3] =	stream.indirect_vreg.gather [hbm4b:s6+s3], $0x80, v3, vm0, $0xb8;
	[tilespmem:$0x19000] =	vst v63  }
0x9b: {  	s26 =	simm.s32 $0x14800  }
0x9c: {  	[tilespmem:s26], [sflag:$0x3] =	stream.indirect_vreg.gather [hbm4b:s7+s3], $0x80, v3, vm0, $0xb8;
	[tilespmem:$0x19000] =	vst v63  }
0x9d: {  	v3 =	vld [tilespmem:$0x110];
	_ =	sdelay $0x4  }
0x9e: {  	v61 =	vshll.u32 v3, $0x3  }
0x9f: {  	v3 =	vand.u32 $0x7, v3;
	v4 =	vand.u32 $0xFFFFFFC0, v61  }
0xa0: {  	v3 =	vor.u32 v3, v4  }
0xa1: {  	v4 =	vperm.xlane v3, v0;
	_ =	sdelay $0x1  }
0xa2: {  	v4 =	vadd.s32 v1, v4;
	_ =	sdelay $0x3  }
0xa3: {  	s28 =	simm.s32 $0x15000  }
0xa4: {  	[tilespmem:s28], [sflag:$0x3] =	stream.indirect_vreg.gather [hbm4b:s2+s3], $0x80, v4, vm0, $0xb8;
	[tilespmem:$0x19000] =	vst v63  }
0xa5: {  	s16 =	simm.s32 $0x15800;
	v3 =	vperm.xlane v3, v2  }
0xa6: {  	[tilespmem:s16], [sflag:$0x3] =	stream.indirect_vreg.gather [hbm4b:s5+s3], $0x80, v4, vm0, $0xb8;
	[tilespmem:$0x19000] =	vst v63  }
0xa7: {  	s17 =	simm.s32 $0x16000;
	v3 =	vadd.s32 v1, v3  }
0xa8: {  	[tilespmem:s17], [sflag:$0x3] =	stream.indirect_vreg.gather [hbm4b:s6+s3], $0x80, v4, vm0, $0xb8;
	[tilespmem:$0x19000] =	vst v63  }
0xa9: {  	s18 =	simm.s32 $0x16800  }
0xaa: {  	[tilespmem:s18], [sflag:$0x3] =	stream.indirect_vreg.gather [hbm4b:s7+s3], $0x80, v4, vm0, $0xb8;
	[tilespmem:$0x19000] =	vst v63  }
0xab: {  	s25 =	simm.s32 $0x17000  }
0xac: {  	[tilespmem:s25], [sflag:$0x3] =	stream.indirect_vreg.gather [hbm4b:s2+s3], $0x80, v3, vm0, $0xb8;
	[tilespmem:$0x19000] =	vst v63  }
0xad: {  	s26 =	simm.s32 $0x17800  }
0xae: {  	[tilespmem:s26], [sflag:$0x3] =	stream.indirect_vreg.gather [hbm4b:s5+s3], $0x80, v3, vm0, $0xb8;
	[tilespmem:$0x19000] =	vst v63  }
0xaf: {  	s28 =	simm.s32 $0x18000  }
0xb0: {  	[tilespmem:s28], [sflag:$0x3] =	stream.indirect_vreg.gather [hbm4b:s6+s3], $0x80, v3, vm0, $0xb8;
	[tilespmem:$0x19000] =	vst v63  }
0xb1: {  	s16 =	simm.s32 $0x18800  }
0xb2: {  	[tilespmem:s16], [sflag:$0x3] =	stream.indirect_vreg.gather [hbm4b:s7+s3], $0x80, v3, vm0, $0xb8;
	[tilespmem:$0x19000] =	vst v63  }
0xb3: {  	_ =	swait.ge [sflag:s19], $0x8000  }
0xb4: {  	s17 =	sld [smem:$0x7FC]  }
0xb5: {  	[sflag:s19] =	ssyncset.done $0x0  }
0xb6: {  	s18 =	simm.s32 $0x1000;
	[sflag:s19] =	ssyncadd.s32 $0xFFFF8000  }
0xb7: {  	[hbm4b:s17+s3] =	stream.linear.scatter [tilespmem:s18], [sflag:$0x4], $0x8000, $0x38;
	[tilespmem:$0x19000] =	vst v63  }
0xb8: {  	_ =	swait.ge [sflag:s20], $0x8000  }
0xb9: {  	[sflag:s20] =	ssyncset.done $0x0  }
0xba: {  	s10 =	simm.s32 $0x9000;
	s28 =	rddreg [dreg:$0x5];
	[sflag:s20] =	ssyncadd.s32 $0xFFFF8000  }
0xbb: {  	[hbm4b:s28+s3] =	stream.linear.scatter [tilespmem:s10], [sflag:$0x5], $0x8000, $0x38;
	[tilespmem:$0x19000] =	vst v63  }
0xbc: {  	_ =	swait.ge [sflag:s21], $0x8000  }
0xbd: {  	[sflag:s21] =	ssyncset.done $0x0  }
0xbe: {  	[sflag:s21] =	ssyncadd.s32 $0xFFFF8000  }
0xbf: {  	v3 =	vld [tilespmem:$0x180];
	_ =	sdelay $0x4  }
0xc0: {  	v62 =	vshll.u32 v3, $0x3  }
0xc1: {  	v3 =	vand.u32 $0x7, v3;
	v4 =	vand.u32 $0xFFFFFFC0, v62  }
0xc2: {  	v3 =	vor.u32 v3, v4  }
0xc3: {  	v4 =	vperm.xlane v3, v0;
	_ =	sdelay $0x1  }
0xc4: {  	v4 =	vadd.s32 v1, v4;
	_ =	sdelay $0x4  }
0xc5: {  	[tilespmem:s18], [sflag:$0x1] =	stream.indirect_vreg.gather [hbm4b:s2+s3], $0x80, v4, vm0, $0xb8;
	[tilespmem:$0x19000] =	vst v63  }
0xc6: {  	v3 =	vperm.xlane v3, v2;
	s18 =	simm.s32 $0x1800  }
0xc7: {  	[tilespmem:s18], [sflag:$0x1] =	stream.indirect_vreg.gather [hbm4b:s5+s3], $0x80, v4, vm0, $0xb8;
	[tilespmem:$0x19000] =	vst v63  }
0xc8: {  	s4 =	simm.s32 $0x2000;
	v3 =	vadd.s32 v1, v3  }
0xc9: {  	[tilespmem:s4], [sflag:$0x1] =	stream.indirect_vreg.gather [hbm4b:s6+s3], $0x80, v4, vm0, $0xb8;
	[tilespmem:$0x19000] =	vst v63  }
0xca: {  	s8 =	simm.s32 $0x2800  }
0xcb: {  	[tilespmem:s8], [sflag:$0x1] =	stream.indirect_vreg.gather [hbm4b:s7+s3], $0x80, v4, vm0, $0xb8;
	[tilespmem:$0x19000] =	vst v63  }
0xcc: {  	s9 =	simm.s32 $0x3000  }
0xcd: {  	[tilespmem:s9], [sflag:$0x1] =	stream.indirect_vreg.gather [hbm4b:s2+s3], $0x80, v3, vm0, $0xb8;
	[tilespmem:$0x19000] =	vst v63  }
0xce: {  	s14 =	simm.s32 $0x3800  }
0xcf: {  	[tilespmem:s14], [sflag:$0x1] =	stream.indirect_vreg.gather [hbm4b:s5+s3], $0x80, v3, vm0, $0xb8;
	[tilespmem:$0x19000] =	vst v63  }
0xd0: {  	s15 =	simm.s32 $0x4000  }
0xd1: {  	[tilespmem:s15], [sflag:$0x1] =	stream.indirect_vreg.gather [hbm4b:s6+s3], $0x80, v3, vm0, $0xb8;
	[tilespmem:$0x19000] =	vst v63  }
0xd2: {  	s16 =	simm.s32 $0x4800  }
0xd3: {  	[tilespmem:s16], [sflag:$0x1] =	stream.indirect_vreg.gather [hbm4b:s7+s3], $0x80, v3, vm0, $0xb8;
	[tilespmem:$0x19000] =	vst v63  }
0xd4: {  	v3 =	vld [tilespmem:$0x190];
	_ =	sdelay $0x4  }
0xd5: {  	v63 =	vshll.u32 v3, $0x3  }
0xd6: {  	v3 =	vand.u32 $0x7, v3;
	v4 =	vand.u32 $0xFFFFFFC0, v63  }
0xd7: {  	v3 =	vor.u32 v3, v4  }
0xd8: {  	v4 =	vperm.xlane v3, v0;
	_ =	sdelay $0x1  }
0xd9: {  	v4 =	vadd.s32 v1, v4;
	_ =	sdelay $0x3  }
0xda: {  	s17 =	simm.s32 $0x5000  }
0xdb: {  	[tilespmem:s17], [sflag:$0x1] =	stream.indirect_vreg.gather [hbm4b:s2+s3], $0x80, v4, vm0, $0xb8;
	[tilespmem:$0x19000] =	vst v63  }
0xdc: {  	s28 =	simm.s32 $0x5800;
	v3 =	vperm.xlane v3, v2  }
0xdd: {  	[tilespmem:s28], [sflag:$0x1] =	stream.indirect_vreg.gather [hbm4b:s5+s3], $0x80, v4, vm0, $0xb8;
	[tilespmem:$0x19000] =	vst v63  }
0xde: {  	s1 =	simm.s32 $0x6000;
	v3 =	vadd.s32 v1, v3  }
0xdf: {  	[tilespmem:s1], [sflag:$0x1] =	stream.indirect_vreg.gather [hbm4b:s6+s3], $0x80, v4, vm0, $0xb8;
	[tilespmem:$0x19000] =	vst v63  }
0xe0: {  	s11 =	simm.s32 $0x6800  }
0xe1: {  	[tilespmem:s11], [sflag:$0x1] =	stream.indirect_vreg.gather [hbm4b:s7+s3], $0x80, v4, vm0, $0xb8;
	[tilespmem:$0x19000] =	vst v63  }
0xe2: {  	s12 =	simm.s32 $0x7000  }
0xe3: {  	[tilespmem:s12], [sflag:$0x1] =	stream.indirect_vreg.gather [hbm4b:s2+s3], $0x80, v3, vm0, $0xb8;
	[tilespmem:$0x19000] =	vst v63  }
0xe4: {  	s29 =	simm.s32 $0x7800  }
0xe5: {  	[tilespmem:s29], [sflag:$0x1] =	stream.indirect_vreg.gather [hbm4b:s5+s3], $0x80, v3, vm0, $0xb8;
	[tilespmem:$0x19000] =	vst v63  }
0xe6: {  	s30 =	simm.s32 $0x8000  }
0xe7: {  	[tilespmem:s30], [sflag:$0x1] =	stream.indirect_vreg.gather [hbm4b:s6+s3], $0x80, v3, vm0, $0xb8;
	[tilespmem:$0x19000] =	vst v63  }
0xe8: {  	s29 =	simm.s32 $0x8800  }
0xe9: {  	[tilespmem:s29], [sflag:$0x1] =	stream.indirect_vreg.gather [hbm4b:s7+s3], $0x80, v3, vm0, $0xb8;
	[tilespmem:$0x19000] =	vst v63  }
0xea: {  	_ =	swait.ge [sflag:s22], $0x8000  }
0xeb: {  	[sflag:s22] =	ssyncset.done $0x0  }
0xec: {  	s30 =	simm.s32 $0x11000;
	s8 =	rddreg [dreg:$0x6];
	[sflag:s22] =	ssyncadd.s32 $0xFFFF8000  }
0xed: {  	[hbm4b:s8+s3] =	stream.linear.scatter [tilespmem:s30], [sflag:$0x6], $0x8000, $0x38;
	[tilespmem:$0x19000] =	vst v63  }
0xee: {  	_ =	swait.ge [sflag:s23], $0x8000  }
0xef: {  	[sflag:s23] =	ssyncset.done $0x0  }
0xf0: {  	[sflag:s23] =	ssyncadd.s32 $0xFFFF8000  }
0xf1: {  	v3 =	vld [tilespmem:$0x200];
	_ =	sdelay $0x4  }
0xf2: {  	v8 =	vshll.u32 v3, $0x3  }
0xf3: {  	v3 =	vand.u32 $0x7, v3;
	v4 =	vand.u32 $0xFFFFFFC0, v8  }
0xf4: {  	v3 =	vor.u32 v3, v4  }
0xf5: {  	v4 =	vperm.xlane v3, v0;
	_ =	sdelay $0x1  }
0xf6: {  	v4 =	vadd.s32 v1, v4;
	_ =	sdelay $0x3  }
0xf7: {  	s26 =	simm.s32 $0x9000  }
0xf8: {  	[tilespmem:s26], [sflag:$0x2] =	stream.indirect_vreg.gather [hbm4b:s2+s3], $0x80, v4, vm0, $0xb8;
	[tilespmem:$0x19000] =	vst v63  }
0xf9: {  	s9 =	simm.s32 $0x9800;
	v3 =	vperm.xlane v3, v2  }
0xfa: {  	[tilespmem:s9], [sflag:$0x2] =	stream.indirect_vreg.gather [hbm4b:s5+s3], $0x80, v4, vm0, $0xb8;
	[tilespmem:$0x19000] =	vst v63  }
0xfb: {  	s11 =	simm.s32 $0xA000;
	v3 =	vadd.s32 v1, v3  }
0xfc: {  	[tilespmem:s11], [sflag:$0x2] =	stream.indirect_vreg.gather [hbm4b:s6+s3], $0x80, v4, vm0, $0xb8;
	[tilespmem:$0x19000] =	vst v63  }
0xfd: {  	s12 =	simm.s32 $0xA800  }
0xfe: {  	[tilespmem:s12], [sflag:$0x2] =	stream.indirect_vreg.gather [hbm4b:s7+s3], $0x80, v4, vm0, $0xb8;
	[tilespmem:$0x19000] =	vst v63  }
0xff: {  	s14 =	simm.s32 $0xB000  }
0x100: {  	[tilespmem:s14], [sflag:$0x2] =	stream.indirect_vreg.gather [hbm4b:s2+s3], $0x80, v3, vm0, $0xb8;
	[tilespmem:$0x19000] =	vst v63  }
0x101: {  	s8 =	simm.s32 $0xB800  }
0x102: {  	[tilespmem:s8], [sflag:$0x2] =	stream.indirect_vreg.gather [hbm4b:s5+s3], $0x80, v3, vm0, $0xb8;
	[tilespmem:$0x19000] =	vst v63  }
0x103: {  	s9 =	simm.s32 $0xC000  }
0x104: {  	[tilespmem:s9], [sflag:$0x2] =	stream.indirect_vreg.gather [hbm4b:s6+s3], $0x80, v3, vm0, $0xb8;
	[tilespmem:$0x19000] =	vst v63  }
0x105: {  	s15 =	simm.s32 $0xC800  }
0x106: {  	[tilespmem:s15], [sflag:$0x2] =	stream.indirect_vreg.gather [hbm4b:s7+s3], $0x80, v3, vm0, $0xb8;
	[tilespmem:$0x19000] =	vst v63  }
0x107: {  	v3 =	vld [tilespmem:$0x210];
	_ =	sdelay $0x4  }
0x108: {  	v9 =	vshll.u32 v3, $0x3  }
0x109: {  	v3 =	vand.u32 $0x7, v3;
	v4 =	vand.u32 $0xFFFFFFC0, v9  }
0x10a: {  	v3 =	vor.u32 v3, v4  }
0x10b: {  	v4 =	vperm.xlane v3, v0;
	_ =	sdelay $0x1  }
0x10c: {  	v4 =	vadd.s32 v1, v4;
	_ =	sdelay $0x3  }
0x10d: {  	s25 =	simm.s32 $0xD000  }
0x10e: {  	[tilespmem:s25], [sflag:$0x2] =	stream.indirect_vreg.gather [hbm4b:s2+s3], $0x80, v4, vm0, $0xb8;
	[tilespmem:$0x19000] =	vst v63  }
0x10f: {  	s13 =	simm.s32 $0xD800;
	v3 =	vperm.xlane v3, v2  }
0x110: {  	[tilespmem:s13], [sflag:$0x2] =	stream.indirect_vreg.gather [hbm4b:s5+s3], $0x80, v4, vm0, $0xb8;
	[tilespmem:$0x19000] =	vst v63  }
0x111: {  	s11 =	simm.s32 $0xE000;
	v3 =	vadd.s32 v1, v3  }
0x112: {  	[tilespmem:s11], [sflag:$0x2] =	stream.indirect_vreg.gather [hbm4b:s6+s3], $0x80, v4, vm0, $0xb8;
	[tilespmem:$0x19000] =	vst v63  }
0x113: {  	s12 =	simm.s32 $0xE800  }
0x114: {  	[tilespmem:s12], [sflag:$0x2] =	stream.indirect_vreg.gather [hbm4b:s7+s3], $0x80, v4, vm0, $0xb8;
	[tilespmem:$0x19000] =	vst v63  }
0x115: {  	s13 =	simm.s32 $0xF000  }
0x116: {  	[tilespmem:s13], [sflag:$0x2] =	stream.indirect_vreg.gather [hbm4b:s2+s3], $0x80, v3, vm0, $0xb8;
	[tilespmem:$0x19000] =	vst v63  }
0x117: {  	s14 =	simm.s32 $0xF800  }
0x118: {  	[tilespmem:s14], [sflag:$0x2] =	stream.indirect_vreg.gather [hbm4b:s5+s3], $0x80, v3, vm0, $0xb8;
	[tilespmem:$0x19000] =	vst v63  }
0x119: {  	s15 =	simm.s32 $0x10000  }
0x11a: {  	[tilespmem:s15], [sflag:$0x2] =	stream.indirect_vreg.gather [hbm4b:s6+s3], $0x80, v3, vm0, $0xb8;
	[tilespmem:$0x19000] =	vst v63  }
0x11b: {  	s26 =	simm.s32 $0x10800  }
0x11c: {  	[tilespmem:s26], [sflag:$0x2] =	stream.indirect_vreg.gather [hbm4b:s7+s3], $0x80, v3, vm0, $0xb8;
	[tilespmem:$0x19000] =	vst v63  }
0x11d: {  	_ =	swait.ge [sflag:s19], $0x8000  }
0x11e: {  	[sflag:s19] =	ssyncset.done $0x0  }
0x11f: {  	s10 =	simm.s32 $0x1000;
	s4 =	rddreg [dreg:$0x7];
	[sflag:s19] =	ssyncadd.s32 $0xFFFF8000  }
0x120: {  	[hbm4b:s4+s3] =	stream.linear.scatter [tilespmem:s10], [sflag:$0x4], $0x8000, $0x38;
	[tilespmem:$0x19000] =	vst v63  }
0x121: {  	_ =	swait.ge [sflag:s24], $0x8000  }
0x122: {  	[sflag:s24] =	ssyncset.done $0x0  }
0x123: {  	[sflag:s24] =	ssyncadd.s32 $0xFFFF8000  }
0x124: {  	v3 =	vld [tilespmem:$0x280];
	_ =	sdelay $0x4  }
0x125: {  	v10 =	vshll.u32 v3, $0x3  }
0x126: {  	v3 =	vand.u32 $0x7, v3;
	v4 =	vand.u32 $0xFFFFFFC0, v10  }
0x127: {  	v3 =	vor.u32 v3, v4  }
0x128: {  	v4 =	vperm.xlane v3, v0;
	_ =	sdelay $0x1  }
0x129: {  	v4 =	vadd.s32 v1, v4;
	_ =	sdelay $0x4  }
0x12a: {  	[tilespmem:s30], [sflag:$0x3] =	stream.indirect_vreg.gather [hbm4b:s2+s3], $0x80, v4, vm0, $0xb8;
	[tilespmem:$0x19000] =	vst v63  }
0x12b: {  	s31 =	simm.s32 $0x11800;
	v3 =	vperm.xlane v3, v2  }
0x12c: {  	[tilespmem:s31], [sflag:$0x3] =	stream.indirect_vreg.gather [hbm4b:s5+s3], $0x80, v4, vm0, $0xb8;
	[tilespmem:$0x19000] =	vst v63  }
0x12d: {  	v3 =	vadd.s32 v1, v3;
	s30 =	simm.s32 $0x12000  }
0x12e: {  	[tilespmem:s30], [sflag:$0x3] =	stream.indirect_vreg.gather [hbm4b:s6+s3], $0x80, v4, vm0, $0xb8;
	[tilespmem:$0x19000] =	vst v63  }
0x12f: {  	s31 =	simm.s32 $0x12800  }
0x130: {  	[tilespmem:s31], [sflag:$0x3] =	stream.indirect_vreg.gather [hbm4b:s7+s3], $0x80, v4, vm0, $0xb8;
	[tilespmem:$0x19000] =	vst v63  }
0x131: {  	s10 =	simm.s32 $0x13000  }
0x132: {  	[tilespmem:s10], [sflag:$0x3] =	stream.indirect_vreg.gather [hbm4b:s2+s3], $0x80, v3, vm0, $0xb8;
	[tilespmem:$0x19000] =	vst v63  }
0x133: {  	s26 =	simm.s32 $0x13800  }
0x134: {  	[tilespmem:s26], [sflag:$0x3] =	stream.indirect_vreg.gather [hbm4b:s5+s3], $0x80, v3, vm0, $0xb8;
	[tilespmem:$0x19000] =	vst v63  }
0x135: {  	s25 =	simm.s32 $0x14000  }
0x136: {  	[tilespmem:s25], [sflag:$0x3] =	stream.indirect_vreg.gather [hbm4b:s6+s3], $0x80, v3, vm0, $0xb8;
	[tilespmem:$0x19000] =	vst v63  }
0x137: {  	s25 =	simm.s32 $0x14800  }
0x138: {  	[tilespmem:s25], [sflag:$0x3] =	stream.indirect_vreg.gather [hbm4b:s7+s3], $0x80, v3, vm0, $0xb8;
	[tilespmem:$0x19000] =	vst v63  }
0x139: {  	v3 =	vld [tilespmem:$0x290];
	_ =	sdelay $0x4  }
0x13a: {  	v11 =	vshll.u32 v3, $0x3  }
0x13b: {  	v3 =	vand.u32 $0x7, v3;
	v4 =	vand.u32 $0xFFFFFFC0, v11  }
0x13c: {  	v3 =	vor.u32 v3, v4  }
0x13d: {  	v4 =	vperm.xlane v3, v0;
	_ =	sdelay $0x1  }
0x13e: {  	v4 =	vadd.s32 v1, v4;
	_ =	sdelay $0x3  }
0x13f: {  	s25 =	simm.s32 $0x15000  }
0x140: {  	[tilespmem:s25], [sflag:$0x3] =	stream.indirect_vreg.gather [hbm4b:s2+s3], $0x80, v4, vm0, $0xb8;
	[tilespmem:$0x19000] =	vst v63  }
0x141: {  	v3 =	vperm.xlane v3, v2;
	s25 =	simm.s32 $0x15800  }
0x142: {  	[tilespmem:s25], [sflag:$0x3] =	stream.indirect_vreg.gather [hbm4b:s5+s3], $0x80, v4, vm0, $0xb8;
	[tilespmem:$0x19000] =	vst v63  }
0x143: {  	v3 =	vadd.s32 v1, v3;
	s25 =	simm.s32 $0x16000  }
0x144: {  	[tilespmem:s25], [sflag:$0x3] =	stream.indirect_vreg.gather [hbm4b:s6+s3], $0x80, v4, vm0, $0xb8;
	[tilespmem:$0x19000] =	vst v63  }
0x145: {  	s25 =	simm.s32 $0x16800  }
0x146: {  	[tilespmem:s25], [sflag:$0x3] =	stream.indirect_vreg.gather [hbm4b:s7+s3], $0x80, v4, vm0, $0xb8;
	[tilespmem:$0x19000] =	vst v63  }
0x147: {  	s25 =	simm.s32 $0x17000  }
0x148: {  	[tilespmem:s25], [sflag:$0x3] =	stream.indirect_vreg.gather [hbm4b:s2+s3], $0x80, v3, vm0, $0xb8;
	[tilespmem:$0x19000] =	vst v63  }
0x149: {  	s25 =	simm.s32 $0x17800  }
0x14a: {  	[tilespmem:s25], [sflag:$0x3] =	stream.indirect_vreg.gather [hbm4b:s5+s3], $0x80, v3, vm0, $0xb8;
	[tilespmem:$0x19000] =	vst v63  }
0x14b: {  	s25 =	simm.s32 $0x18000  }
0x14c: {  	[tilespmem:s25], [sflag:$0x3] =	stream.indirect_vreg.gather [hbm4b:s6+s3], $0x80, v3, vm0, $0xb8;
	[tilespmem:$0x19000] =	vst v63  }
0x14d: {  	s25 =	simm.s32 $0x18800  }
0x14e: {  	[tilespmem:s25], [sflag:$0x3] =	stream.indirect_vreg.gather [hbm4b:s7+s3], $0x80, v3, vm0, $0xb8;
	[tilespmem:$0x19000] =	vst v63  }
0x14f: {  	_ =	swait.ge [sflag:s20], $0x8000  }
0x150: {  	[sflag:s20] =	ssyncset.done $0x0  }
0x151: {  	s1 =	simm.s32 $0x9000;
	s25 =	rddreg [dreg:$0x8];
	[sflag:s20] =	ssyncadd.s32 $0xFFFF8000  }
0x152: {  	[hbm4b:s25+s3] =	stream.linear.scatter [tilespmem:s1], [sflag:$0x5], $0x8000, $0x38;
	[tilespmem:$0x19000] =	vst v63  }
0x153: {  	_ =	swait.ge [sflag:s21], $0x8000  }
0x154: {  	[sflag:s21] =	ssyncset.done $0x0  }
0x155: {  	[sflag:s21] =	ssyncadd.s32 $0xFFFF8000  }
0x156: {  	v3 =	vld [tilespmem:$0x300];
	_ =	sdelay $0x4  }
0x157: {  	v12 =	vshll.u32 v3, $0x3  }
0x158: {  	v3 =	vand.u32 $0x7, v3;
	v4 =	vand.u32 $0xFFFFFFC0, v12  }
0x159: {  	v3 =	vor.u32 v3, v4  }
0x15a: {  	v4 =	vperm.xlane v3, v0;
	_ =	sdelay $0x1  }
0x15b: {  	v4 =	vadd.s32 v1, v4;
	_ =	sdelay $0x3  }
0x15c: {  	s0 =	simm.s32 $0x1000  }
0x15d: {  	[tilespmem:s0], [sflag:$0x1] =	stream.indirect_vreg.gather [hbm4b:s2+s3], $0x80, v4, vm0, $0xb8;
	[tilespmem:$0x19000] =	vst v63  }
0x15e: {  	v3 =	vperm.xlane v3, v2  }
0x15f: {  	[tilespmem:s18], [sflag:$0x1] =	stream.indirect_vreg.gather [hbm4b:s5+s3], $0x80, v4, vm0, $0xb8;
	[tilespmem:$0x19000] =	vst v63  }
0x160: {  	s25 =	simm.s32 $0x2000;
	v3 =	vadd.s32 v1, v3  }
0x161: {  	[tilespmem:s25], [sflag:$0x1] =	stream.indirect_vreg.gather [hbm4b:s6+s3], $0x80, v4, vm0, $0xb8;
	[tilespmem:$0x19000] =	vst v63  }
0x162: {  	s25 =	simm.s32 $0x2800  }
0x163: {  	[tilespmem:s25], [sflag:$0x1] =	stream.indirect_vreg.gather [hbm4b:s7+s3], $0x80, v4, vm0, $0xb8;
	[tilespmem:$0x19000] =	vst v63  }
0x164: {  	s25 =	simm.s32 $0x3000  }
0x165: {  	[tilespmem:s25], [sflag:$0x1] =	stream.indirect_vreg.gather [hbm4b:s2+s3], $0x80, v3, vm0, $0xb8;
	[tilespmem:$0x19000] =	vst v63  }
0x166: {  	s25 =	simm.s32 $0x3800  }
0x167: {  	[tilespmem:s25], [sflag:$0x1] =	stream.indirect_vreg.gather [hbm4b:s5+s3], $0x80, v3, vm0, $0xb8;
	[tilespmem:$0x19000] =	vst v63  }
0x168: {  	s25 =	simm.s32 $0x4000  }
0x169: {  	[tilespmem:s25], [sflag:$0x1] =	stream.indirect_vreg.gather [hbm4b:s6+s3], $0x80, v3, vm0, $0xb8;
	[tilespmem:$0x19000] =	vst v63  }
0x16a: {  	_ = 	snop  }
0x16b: {  	[tilespmem:s16], [sflag:$0x1] =	stream.indirect_vreg.gather [hbm4b:s7+s3], $0x80, v3, vm0, $0xb8;
	[tilespmem:$0x19000] =	vst v63  }
0x16c: {  	v3 =	vld [tilespmem:$0x310];
	_ =	sdelay $0x4  }
0x16d: {  	v13 =	vshll.u32 v3, $0x3  }
0x16e: {  	v3 =	vand.u32 $0x7, v3;
	v4 =	vand.u32 $0xFFFFFFC0, v13  }
0x16f: {  	v3 =	vor.u32 v3, v4  }
0x170: {  	v4 =	vperm.xlane v3, v0;
	_ =	sdelay $0x1  }
0x171: {  	v4 =	vadd.s32 v1, v4;
	_ =	sdelay $0x4  }
0x172: {  	[tilespmem:s17], [sflag:$0x1] =	stream.indirect_vreg.gather [hbm4b:s2+s3], $0x80, v4, vm0, $0xb8;
	[tilespmem:$0x19000] =	vst v63  }
0x173: {  	v3 =	vperm.xlane v3, v2  }
0x174: {  	[tilespmem:s28], [sflag:$0x1] =	stream.indirect_vreg.gather [hbm4b:s5+s3], $0x80, v4, vm0, $0xb8;
	[tilespmem:$0x19000] =	vst v63  }
0x175: {  	s16 =	simm.s32 $0x6000;
	v3 =	vadd.s32 v1, v3  }
0x176: {  	[tilespmem:s16], [sflag:$0x1] =	stream.indirect_vreg.gather [hbm4b:s6+s3], $0x80, v4, vm0, $0xb8;
	[tilespmem:$0x19000] =	vst v63  }
0x177: {  	s28 =	simm.s32 $0x6800  }
0x178: {  	[tilespmem:s28], [sflag:$0x1] =	stream.indirect_vreg.gather [hbm4b:s7+s3], $0x80, v4, vm0, $0xb8;
	[tilespmem:$0x19000] =	vst v63  }
0x179: {  	s18 =	simm.s32 $0x7000  }
0x17a: {  	[tilespmem:s18], [sflag:$0x1] =	stream.indirect_vreg.gather [hbm4b:s2+s3], $0x80, v3, vm0, $0xb8;
	[tilespmem:$0x19000] =	vst v63  }
0x17b: {  	s25 =	simm.s32 $0x7800  }
0x17c: {  	[tilespmem:s25], [sflag:$0x1] =	stream.indirect_vreg.gather [hbm4b:s5+s3], $0x80, v3, vm0, $0xb8;
	[tilespmem:$0x19000] =	vst v63  }
0x17d: {  	s28 =	simm.s32 $0x8000  }
0x17e: {  	[tilespmem:s28], [sflag:$0x1] =	stream.indirect_vreg.gather [hbm4b:s6+s3], $0x80, v3, vm0, $0xb8;
	[tilespmem:$0x19000] =	vst v63  }
0x17f: {  	_ = 	snop  }
0x180: {  	[tilespmem:s29], [sflag:$0x1] =	stream.indirect_vreg.gather [hbm4b:s7+s3], $0x80, v3, vm0, $0xb8;
	[tilespmem:$0x19000] =	vst v63  }
0x181: {  	_ =	swait.ge [sflag:s22], $0x8000  }
0x182: {  	[sflag:s22] =	ssyncset.done $0x0  }
0x183: {  	s4 =	simm.s32 $0x11000;
	s17 =	rddreg [dreg:$0x9];
	[sflag:s22] =	ssyncadd.s32 $0xFFFF8000  }
0x184: {  	[hbm4b:s17+s3] =	stream.linear.scatter [tilespmem:s4], [sflag:$0x6], $0x8000, $0x38;
	[tilespmem:$0x19000] =	vst v63  }
0x185: {  	_ =	swait.ge [sflag:s23], $0x8000  }
0x186: {  	[sflag:s23] =	ssyncset.done $0x0  }
0x187: {  	[sflag:s23] =	ssyncadd.s32 $0xFFFF8000  }
0x188: {  	v3 =	vld [tilespmem:$0x380];
	_ =	sdelay $0x4  }
0x189: {  	v14 =	vshll.u32 v3, $0x3  }
0x18a: {  	v3 =	vand.u32 $0x7, v3;
	v4 =	vand.u32 $0xFFFFFFC0, v14  }
0x18b: {  	v3 =	vor.u32 v3, v4  }
0x18c: {  	v4 =	vperm.xlane v3, v0;
	_ =	sdelay $0x1  }
0x18d: {  	v4 =	vadd.s32 v1, v4;
	_ =	sdelay $0x3  }
0x18e: {  	s1 =	simm.s32 $0x9000  }
0x18f: {  	[tilespmem:s1], [sflag:$0x2] =	stream.indirect_vreg.gather [hbm4b:s2+s3], $0x80, v4, vm0, $0xb8;
	[tilespmem:$0x19000] =	vst v63  }
0x190: {  	v3 =	vperm.xlane v3, v2;
	s1 =	simm.s32 $0x9800  }
0x191: {  	[tilespmem:s1], [sflag:$0x2] =	stream.indirect_vreg.gather [hbm4b:s5+s3], $0x80, v4, vm0, $0xb8;
	[tilespmem:$0x19000] =	vst v63  }
0x192: {  	s18 =	simm.s32 $0xA000;
	v3 =	vadd.s32 v1, v3  }
0x193: {  	[tilespmem:s18], [sflag:$0x2] =	stream.indirect_vreg.gather [hbm4b:s6+s3], $0x80, v4, vm0, $0xb8;
	[tilespmem:$0x19000] =	vst v63  }
0x194: {  	s25 =	simm.s32 $0xA800  }
0x195: {  	[tilespmem:s25], [sflag:$0x2] =	stream.indirect_vreg.gather [hbm4b:s7+s3], $0x80, v4, vm0, $0xb8;
	[tilespmem:$0x19000] =	vst v63  }
0x196: {  	s28 =	simm.s32 $0xB000  }
0x197: {  	[tilespmem:s28], [sflag:$0x2] =	stream.indirect_vreg.gather [hbm4b:s2+s3], $0x80, v3, vm0, $0xb8;
	[tilespmem:$0x19000] =	vst v63  }
0x198: {  	_ = 	snop  }
0x199: {  	[tilespmem:s8], [sflag:$0x2] =	stream.indirect_vreg.gather [hbm4b:s5+s3], $0x80, v3, vm0, $0xb8;
	[tilespmem:$0x19000] =	vst v63  }
0x19a: {  	_ = 	snop  }
0x19b: {  	[tilespmem:s9], [sflag:$0x2] =	stream.indirect_vreg.gather [hbm4b:s6+s3], $0x80, v3, vm0, $0xb8;
	[tilespmem:$0x19000] =	vst v63  }
0x19c: {  	s17 =	simm.s32 $0xC800  }
0x19d: {  	[tilespmem:s17], [sflag:$0x2] =	stream.indirect_vreg.gather [hbm4b:s7+s3], $0x80, v3, vm0, $0xb8;
	[tilespmem:$0x19000] =	vst v63  }
0x19e: {  	v3 =	vld [tilespmem:$0x390];
	_ =	sdelay $0x4  }
0x19f: {  	v15 =	vshll.u32 v3, $0x3  }
0x1a0: {  	v3 =	vand.u32 $0x7, v3;
	v4 =	vand.u32 $0xFFFFFFC0, v15  }
0x1a1: {  	v3 =	vor.u32 v3, v4  }
0x1a2: {  	v4 =	vperm.xlane v3, v0;
	_ =	sdelay $0x1  }
0x1a3: {  	v4 =	vadd.s32 v1, v4;
	_ =	sdelay $0x3  }
0x1a4: {  	s18 =	simm.s32 $0xD000  }
0x1a5: {  	[tilespmem:s18], [sflag:$0x2] =	stream.indirect_vreg.gather [hbm4b:s2+s3], $0x80, v4, vm0, $0xb8;
	[tilespmem:$0x19000] =	vst v63  }
0x1a6: {  	s28 =	simm.s32 $0xD800;
	v3 =	vperm.xlane v3, v2  }
0x1a7: {  	[tilespmem:s28], [sflag:$0x2] =	stream.indirect_vreg.gather [hbm4b:s5+s3], $0x80, v4, vm0, $0xb8;
	[tilespmem:$0x19000] =	vst v63  }
0x1a8: {  	v3 =	vadd.s32 v1, v3  }
0x1a9: {  	[tilespmem:s11], [sflag:$0x2] =	stream.indirect_vreg.gather [hbm4b:s6+s3], $0x80, v4, vm0, $0xb8;
	[tilespmem:$0x19000] =	vst v63  }
0x1aa: {  	_ = 	snop  }
0x1ab: {  	[tilespmem:s12], [sflag:$0x2] =	stream.indirect_vreg.gather [hbm4b:s7+s3], $0x80, v4, vm0, $0xb8;
	[tilespmem:$0x19000] =	vst v63  }
0x1ac: {  	_ = 	snop  }
0x1ad: {  	[tilespmem:s13], [sflag:$0x2] =	stream.indirect_vreg.gather [hbm4b:s2+s3], $0x80, v3, vm0, $0xb8;
	[tilespmem:$0x19000] =	vst v63  }
0x1ae: {  	_ = 	snop  }
0x1af: {  	[tilespmem:s14], [sflag:$0x2] =	stream.indirect_vreg.gather [hbm4b:s5+s3], $0x80, v3, vm0, $0xb8;
	[tilespmem:$0x19000] =	vst v63  }
0x1b0: {  	_ = 	snop  }
0x1b1: {  	[tilespmem:s15], [sflag:$0x2] =	stream.indirect_vreg.gather [hbm4b:s6+s3], $0x80, v3, vm0, $0xb8;
	[tilespmem:$0x19000] =	vst v63  }
0x1b2: {  	s14 =	simm.s32 $0x10800  }
0x1b3: {  	[tilespmem:s14], [sflag:$0x2] =	stream.indirect_vreg.gather [hbm4b:s7+s3], $0x80, v3, vm0, $0xb8;
	[tilespmem:$0x19000] =	vst v63  }
0x1b4: {  	_ =	swait.ge [sflag:s19], $0x8000  }
0x1b5: {  	[sflag:s19] =	ssyncset.done $0x0  }
0x1b6: {  	s0 =	simm.s32 $0x1000;
	s8 =	rddreg [dreg:$0xa];
	[sflag:s19] =	ssyncadd.s32 $0xFFFF8000  }
0x1b7: {  	[hbm4b:s8+s3] =	stream.linear.scatter [tilespmem:s0], [sflag:$0x4], $0x8000, $0x38;
	[tilespmem:$0x19000] =	vst v63  }
0x1b8: {  	_ =	swait.ge [sflag:s24], $0x8000  }
0x1b9: {  	[sflag:s24] =	ssyncset.done $0x0  }
0x1ba: {  	[sflag:s24] =	ssyncadd.s32 $0xFFFF8000  }
0x1bb: {  	v3 =	vld [tilespmem:$0x400];
	_ =	sdelay $0x4  }
0x1bc: {  	v16 =	vshll.u32 v3, $0x3  }
0x1bd: {  	v3 =	vand.u32 $0x7, v3;
	v4 =	vand.u32 $0xFFFFFFC0, v16  }
0x1be: {  	v3 =	vor.u32 v3, v4  }
0x1bf: {  	v4 =	vperm.xlane v3, v0;
	_ =	sdelay $0x1  }
0x1c0: {  	v4 =	vadd.s32 v1, v4;
	_ =	sdelay $0x3  }
0x1c1: {  	s29 =	simm.s32 $0x11000  }
0x1c2: {  	[tilespmem:s29], [sflag:$0x3] =	stream.indirect_vreg.gather [hbm4b:s2+s3], $0x80, v4, vm0, $0xb8;
	[tilespmem:$0x19000] =	vst v63  }
0x1c3: {  	s0 =	simm.s32 $0x11800;
	v3 =	vperm.xlane v3, v2  }
0x1c4: {  	[tilespmem:s0], [sflag:$0x3] =	stream.indirect_vreg.gather [hbm4b:s5+s3], $0x80, v4, vm0, $0xb8;
	[tilespmem:$0x19000] =	vst v63  }
0x1c5: {  	v3 =	vadd.s32 v1, v3  }
0x1c6: {  	[tilespmem:s30], [sflag:$0x3] =	stream.indirect_vreg.gather [hbm4b:s6+s3], $0x80, v4, vm0, $0xb8;
	[tilespmem:$0x19000] =	vst v63  }
0x1c7: {  	_ = 	snop  }
0x1c8: {  	[tilespmem:s31], [sflag:$0x3] =	stream.indirect_vreg.gather [hbm4b:s7+s3], $0x80, v4, vm0, $0xb8;
	[tilespmem:$0x19000] =	vst v63  }
0x1c9: {  	_ = 	snop  }
0x1ca: {  	[tilespmem:s10], [sflag:$0x3] =	stream.indirect_vreg.gather [hbm4b:s2+s3], $0x80, v3, vm0, $0xb8;
	[tilespmem:$0x19000] =	vst v63  }
0x1cb: {  	_ = 	snop  }
0x1cc: {  	[tilespmem:s26], [sflag:$0x3] =	stream.indirect_vreg.gather [hbm4b:s5+s3], $0x80, v3, vm0, $0xb8;
	[tilespmem:$0x19000] =	vst v63  }
0x1cd: {  	s25 =	simm.s32 $0x14000  }
0x1ce: {  	[tilespmem:s25], [sflag:$0x3] =	stream.indirect_vreg.gather [hbm4b:s6+s3], $0x80, v3, vm0, $0xb8;
	[tilespmem:$0x19000] =	vst v63  }
0x1cf: {  	s25 =	simm.s32 $0x14800  }
0x1d0: {  	[tilespmem:s25], [sflag:$0x3] =	stream.indirect_vreg.gather [hbm4b:s7+s3], $0x80, v3, vm0, $0xb8;
	[tilespmem:$0x19000] =	vst v63  }
0x1d1: {  	v3 =	vld [tilespmem:$0x410];
	_ =	sdelay $0x4  }
0x1d2: {  	v17 =	vshll.u32 v3, $0x3  }
0x1d3: {  	v3 =	vand.u32 $0x7, v3;
	v4 =	vand.u32 $0xFFFFFFC0, v17  }
0x1d4: {  	v3 =	vor.u32 v3, v4  }
0x1d5: {  	v4 =	vperm.xlane v3, v0;
	_ =	sdelay $0x1  }
0x1d6: {  	v4 =	vadd.s32 v1, v4;
	_ =	sdelay $0x3  }
0x1d7: {  	s25 =	simm.s32 $0x15000  }
0x1d8: {  	[tilespmem:s25], [sflag:$0x3] =	stream.indirect_vreg.gather [hbm4b:s2+s3], $0x80, v4, vm0, $0xb8;
	[tilespmem:$0x19000] =	vst v63  }
0x1d9: {  	v3 =	vperm.xlane v3, v2;
	s25 =	simm.s32 $0x15800  }
0x1da: {  	[tilespmem:s25], [sflag:$0x3] =	stream.indirect_vreg.gather [hbm4b:s5+s3], $0x80, v4, vm0, $0xb8;
	[tilespmem:$0x19000] =	vst v63  }
0x1db: {  	v3 =	vadd.s32 v1, v3;
	s25 =	simm.s32 $0x16000  }
0x1dc: {  	[tilespmem:s25], [sflag:$0x3] =	stream.indirect_vreg.gather [hbm4b:s6+s3], $0x80, v4, vm0, $0xb8;
	[tilespmem:$0x19000] =	vst v63  }
0x1dd: {  	s25 =	simm.s32 $0x16800  }
0x1de: {  	[tilespmem:s25], [sflag:$0x3] =	stream.indirect_vreg.gather [hbm4b:s7+s3], $0x80, v4, vm0, $0xb8;
	[tilespmem:$0x19000] =	vst v63  }
0x1df: {  	s25 =	simm.s32 $0x17000  }
0x1e0: {  	[tilespmem:s25], [sflag:$0x3] =	stream.indirect_vreg.gather [hbm4b:s2+s3], $0x80, v3, vm0, $0xb8;
	[tilespmem:$0x19000] =	vst v63  }
0x1e1: {  	s25 =	simm.s32 $0x17800  }
0x1e2: {  	[tilespmem:s25], [sflag:$0x3] =	stream.indirect_vreg.gather [hbm4b:s5+s3], $0x80, v3, vm0, $0xb8;
	[tilespmem:$0x19000] =	vst v63  }
0x1e3: {  	s25 =	simm.s32 $0x18000  }
0x1e4: {  	[tilespmem:s25], [sflag:$0x3] =	stream.indirect_vreg.gather [hbm4b:s6+s3], $0x80, v3, vm0, $0xb8;
	[tilespmem:$0x19000] =	vst v63  }
0x1e5: {  	s25 =	simm.s32 $0x18800  }
0x1e6: {  	[tilespmem:s25], [sflag:$0x3] =	stream.indirect_vreg.gather [hbm4b:s7+s3], $0x80, v3, vm0, $0xb8;
	[tilespmem:$0x19000] =	vst v63  }
0x1e7: {  	_ =	swait.ge [sflag:s20], $0x8000  }
0x1e8: {  	[sflag:s20] =	ssyncset.done $0x0  }
0x1e9: {  	s4 =	simm.s32 $0x9000;
	s25 =	rddreg [dreg:$0xb];
	[sflag:s20] =	ssyncadd.s32 $0xFFFF8000  }
0x1ea: {  	[hbm4b:s25+s3] =	stream.linear.scatter [tilespmem:s4], [sflag:$0x5], $0x8000, $0x38;
	[tilespmem:$0x19000] =	vst v63  }
0x1eb: {  	_ =	swait.ge [sflag:s21], $0x8000  }
0x1ec: {  	[sflag:s21] =	ssyncset.done $0x0  }
0x1ed: {  	[sflag:s21] =	ssyncadd.s32 $0xFFFF8000  }
0x1ee: {  	v3 =	vld [tilespmem:$0x480];
	_ =	sdelay $0x4  }
0x1ef: {  	v18 =	vshll.u32 v3, $0x3  }
0x1f0: {  	v3 =	vand.u32 $0x7, v3;
	v4 =	vand.u32 $0xFFFFFFC0, v18  }
0x1f1: {  	v3 =	vor.u32 v3, v4  }
0x1f2: {  	v4 =	vperm.xlane v3, v0;
	_ =	sdelay $0x1  }
0x1f3: {  	v4 =	vadd.s32 v1, v4;
	_ =	sdelay $0x3  }
0x1f4: {  	s8 =	simm.s32 $0x1000  }
0x1f5: {  	[tilespmem:s8], [sflag:$0x1] =	stream.indirect_vreg.gather [hbm4b:s2+s3], $0x80, v4, vm0, $0xb8;
	[tilespmem:$0x19000] =	vst v63  }
0x1f6: {  	s25 =	simm.s32 $0x1800;
	v3 =	vperm.xlane v3, v2  }
0x1f7: {  	[tilespmem:s25], [sflag:$0x1] =	stream.indirect_vreg.gather [hbm4b:s5+s3], $0x80, v4, vm0, $0xb8;
	[tilespmem:$0x19000] =	vst v63  }
0x1f8: {  	v3 =	vadd.s32 v1, v3;
	s25 =	simm.s32 $0x2000  }
0x1f9: {  	[tilespmem:s25], [sflag:$0x1] =	stream.indirect_vreg.gather [hbm4b:s6+s3], $0x80, v4, vm0, $0xb8;
	[tilespmem:$0x19000] =	vst v63  }
0x1fa: {  	s25 =	simm.s32 $0x2800  }
0x1fb: {  	[tilespmem:s25], [sflag:$0x1] =	stream.indirect_vreg.gather [hbm4b:s7+s3], $0x80, v4, vm0, $0xb8;
	[tilespmem:$0x19000] =	vst v63  }
0x1fc: {  	s25 =	simm.s32 $0x3000  }
0x1fd: {  	[tilespmem:s25], [sflag:$0x1] =	stream.indirect_vreg.gather [hbm4b:s2+s3], $0x80, v3, vm0, $0xb8;
	[tilespmem:$0x19000] =	vst v63  }
0x1fe: {  	s25 =	simm.s32 $0x3800  }
0x1ff: {  	[tilespmem:s25], [sflag:$0x1] =	stream.indirect_vreg.gather [hbm4b:s5+s3], $0x80, v3, vm0, $0xb8;
	[tilespmem:$0x19000] =	vst v63  }
0x200: {  	s25 =	simm.s32 $0x4000  }
0x201: {  	[tilespmem:s25], [sflag:$0x1] =	stream.indirect_vreg.gather [hbm4b:s6+s3], $0x80, v3, vm0, $0xb8;
	[tilespmem:$0x19000] =	vst v63  }
0x202: {  	s25 =	simm.s32 $0x4800  }
0x203: {  	[tilespmem:s25], [sflag:$0x1] =	stream.indirect_vreg.gather [hbm4b:s7+s3], $0x80, v3, vm0, $0xb8;
	[tilespmem:$0x19000] =	vst v63  }
0x204: {  	v3 =	vld [tilespmem:$0x490];
	_ =	sdelay $0x4  }
0x205: {  	v19 =	vshll.u32 v3, $0x3  }
0x206: {  	v3 =	vand.u32 $0x7, v3;
	v4 =	vand.u32 $0xFFFFFFC0, v19  }
0x207: {  	v3 =	vor.u32 v3, v4  }
0x208: {  	v4 =	vperm.xlane v3, v0;
	_ =	sdelay $0x1  }
0x209: {  	v4 =	vadd.s32 v1, v4;
	_ =	sdelay $0x3  }
0x20a: {  	s25 =	simm.s32 $0x5000  }
0x20b: {  	[tilespmem:s25], [sflag:$0x1] =	stream.indirect_vreg.gather [hbm4b:s2+s3], $0x80, v4, vm0, $0xb8;
	[tilespmem:$0x19000] =	vst v63  }
0x20c: {  	v3 =	vperm.xlane v3, v2;
	s25 =	simm.s32 $0x5800  }
0x20d: {  	[tilespmem:s25], [sflag:$0x1] =	stream.indirect_vreg.gather [hbm4b:s5+s3], $0x80, v4, vm0, $0xb8;
	[tilespmem:$0x19000] =	vst v63  }
0x20e: {  	v3 =	vadd.s32 v1, v3  }
0x20f: {  	[tilespmem:s16], [sflag:$0x1] =	stream.indirect_vreg.gather [hbm4b:s6+s3], $0x80, v4, vm0, $0xb8;
	[tilespmem:$0x19000] =	vst v63  }
0x210: {  	s25 =	simm.s32 $0x6800  }
0x211: {  	[tilespmem:s25], [sflag:$0x1] =	stream.indirect_vreg.gather [hbm4b:s7+s3], $0x80, v4, vm0, $0xb8;
	[tilespmem:$0x19000] =	vst v63  }
0x212: {  	s25 =	simm.s32 $0x7000  }
0x213: {  	[tilespmem:s25], [sflag:$0x1] =	stream.indirect_vreg.gather [hbm4b:s2+s3], $0x80, v3, vm0, $0xb8;
	[tilespmem:$0x19000] =	vst v63  }
0x214: {  	s25 =	simm.s32 $0x7800  }
0x215: {  	[tilespmem:s25], [sflag:$0x1] =	stream.indirect_vreg.gather [hbm4b:s5+s3], $0x80, v3, vm0, $0xb8;
	[tilespmem:$0x19000] =	vst v63  }
0x216: {  	s25 =	simm.s32 $0x8000  }
0x217: {  	[tilespmem:s25], [sflag:$0x1] =	stream.indirect_vreg.gather [hbm4b:s6+s3], $0x80, v3, vm0, $0xb8;
	[tilespmem:$0x19000] =	vst v63  }
0x218: {  	s25 =	simm.s32 $0x8800  }
0x219: {  	[tilespmem:s25], [sflag:$0x1] =	stream.indirect_vreg.gather [hbm4b:s7+s3], $0x80, v3, vm0, $0xb8;
	[tilespmem:$0x19000] =	vst v63  }
0x21a: {  	_ =	swait.ge [sflag:s22], $0x8000  }
0x21b: {  	[sflag:s22] =	ssyncset.done $0x0  }
0x21c: {  	s16 =	rddreg [dreg:$0xc];
	[sflag:s22] =	ssyncadd.s32 $0xFFFF8000  }
0x21d: {  	[hbm4b:s16+s3] =	stream.linear.scatter [tilespmem:s29], [sflag:$0x6], $0x8000, $0x38;
	[tilespmem:$0x19000] =	vst v63  }
0x21e: {  	_ =	swait.ge [sflag:s23], $0x8000  }
0x21f: {  	[sflag:s23] =	ssyncset.done $0x0  }
0x220: {  	[sflag:s23] =	ssyncadd.s32 $0xFFFF8000  }
0x221: {  	v3 =	vld [tilespmem:$0x500];
	_ =	sdelay $0x4  }
0x222: {  	v20 =	vshll.u32 v3, $0x3  }
0x223: {  	v3 =	vand.u32 $0x7, v3;
	v4 =	vand.u32 $0xFFFFFFC0, v20  }
0x224: {  	v3 =	vor.u32 v3, v4  }
0x225: {  	v4 =	vperm.xlane v3, v0;
	_ =	sdelay $0x1  }
0x226: {  	v4 =	vadd.s32 v1, v4;
	_ =	sdelay $0x4  }
0x227: {  	[tilespmem:s4], [sflag:$0x2] =	stream.indirect_vreg.gather [hbm4b:s2+s3], $0x80, v4, vm0, $0xb8;
	[tilespmem:$0x19000] =	vst v63  }
0x228: {  	v3 =	vperm.xlane v3, v2  }
0x229: {  	[tilespmem:s1], [sflag:$0x2] =	stream.indirect_vreg.gather [hbm4b:s5+s3], $0x80, v4, vm0, $0xb8;
	[tilespmem:$0x19000] =	vst v63  }
0x22a: {  	s25 =	simm.s32 $0xA000;
	v3 =	vadd.s32 v1, v3  }
0x22b: {  	[tilespmem:s25], [sflag:$0x2] =	stream.indirect_vreg.gather [hbm4b:s6+s3], $0x80, v4, vm0, $0xb8;
	[tilespmem:$0x19000] =	vst v63  }
0x22c: {  	s25 =	simm.s32 $0xA800  }
0x22d: {  	[tilespmem:s25], [sflag:$0x2] =	stream.indirect_vreg.gather [hbm4b:s7+s3], $0x80, v4, vm0, $0xb8;
	[tilespmem:$0x19000] =	vst v63  }
0x22e: {  	s25 =	simm.s32 $0xB000  }
0x22f: {  	[tilespmem:s25], [sflag:$0x2] =	stream.indirect_vreg.gather [hbm4b:s2+s3], $0x80, v3, vm0, $0xb8;
	[tilespmem:$0x19000] =	vst v63  }
0x230: {  	s25 =	simm.s32 $0xB800  }
0x231: {  	[tilespmem:s25], [sflag:$0x2] =	stream.indirect_vreg.gather [hbm4b:s5+s3], $0x80, v3, vm0, $0xb8;
	[tilespmem:$0x19000] =	vst v63  }
0x232: {  	s9 =	simm.s32 $0xC000  }
0x233: {  	[tilespmem:s9], [sflag:$0x2] =	stream.indirect_vreg.gather [hbm4b:s6+s3], $0x80, v3, vm0, $0xb8;
	[tilespmem:$0x19000] =	vst v63  }
0x234: {  	_ = 	snop  }
0x235: {  	[tilespmem:s17], [sflag:$0x2] =	stream.indirect_vreg.gather [hbm4b:s7+s3], $0x80, v3, vm0, $0xb8;
	[tilespmem:$0x19000] =	vst v63  }
0x236: {  	v3 =	vld [tilespmem:$0x510];
	_ =	sdelay $0x4  }
0x237: {  	v21 =	vshll.u32 v3, $0x3  }
0x238: {  	v3 =	vand.u32 $0x7, v3;
	v4 =	vand.u32 $0xFFFFFFC0, v21  }
0x239: {  	v3 =	vor.u32 v3, v4  }
0x23a: {  	v4 =	vperm.xlane v3, v0;
	_ =	sdelay $0x1  }
0x23b: {  	v4 =	vadd.s32 v1, v4;
	_ =	sdelay $0x4  }
0x23c: {  	[tilespmem:s18], [sflag:$0x2] =	stream.indirect_vreg.gather [hbm4b:s2+s3], $0x80, v4, vm0, $0xb8;
	[tilespmem:$0x19000] =	vst v63  }
0x23d: {  	v3 =	vperm.xlane v3, v2  }
0x23e: {  	[tilespmem:s28], [sflag:$0x2] =	stream.indirect_vreg.gather [hbm4b:s5+s3], $0x80, v4, vm0, $0xb8;
	[tilespmem:$0x19000] =	vst v63  }
0x23f: {  	s11 =	simm.s32 $0xE000;
	v3 =	vadd.s32 v1, v3  }
0x240: {  	[tilespmem:s11], [sflag:$0x2] =	stream.indirect_vreg.gather [hbm4b:s6+s3], $0x80, v4, vm0, $0xb8;
	[tilespmem:$0x19000] =	vst v63  }
0x241: {  	s12 =	simm.s32 $0xE800  }
0x242: {  	[tilespmem:s12], [sflag:$0x2] =	stream.indirect_vreg.gather [hbm4b:s7+s3], $0x80, v4, vm0, $0xb8;
	[tilespmem:$0x19000] =	vst v63  }
0x243: {  	s13 =	simm.s32 $0xF000  }
0x244: {  	[tilespmem:s13], [sflag:$0x2] =	stream.indirect_vreg.gather [hbm4b:s2+s3], $0x80, v3, vm0, $0xb8;
	[tilespmem:$0x19000] =	vst v63  }
0x245: {  	s28 =	simm.s32 $0xF800  }
0x246: {  	[tilespmem:s28], [sflag:$0x2] =	stream.indirect_vreg.gather [hbm4b:s5+s3], $0x80, v3, vm0, $0xb8;
	[tilespmem:$0x19000] =	vst v63  }
0x247: {  	s15 =	simm.s32 $0x10000  }
0x248: {  	[tilespmem:s15], [sflag:$0x2] =	stream.indirect_vreg.gather [hbm4b:s6+s3], $0x80, v3, vm0, $0xb8;
	[tilespmem:$0x19000] =	vst v63  }
0x249: {  	_ = 	snop  }
0x24a: {  	[tilespmem:s14], [sflag:$0x2] =	stream.indirect_vreg.gather [hbm4b:s7+s3], $0x80, v3, vm0, $0xb8;
	[tilespmem:$0x19000] =	vst v63  }
0x24b: {  	_ =	swait.ge [sflag:s19], $0x8000  }
0x24c: {  	[sflag:s19] =	ssyncset.done $0x0  }
0x24d: {  	s14 =	rddreg [dreg:$0xd];
	[sflag:s19] =	ssyncadd.s32 $0xFFFF8000  }
0x24e: {  	[hbm4b:s14+s3] =	stream.linear.scatter [tilespmem:s8], [sflag:$0x4], $0x8000, $0x38;
	[tilespmem:$0x19000] =	vst v63  }
0x24f: {  	_ =	swait.ge [sflag:s24], $0x8000  }
0x250: {  	[sflag:s24] =	ssyncset.done $0x0  }
0x251: {  	[sflag:s24] =	ssyncadd.s32 $0xFFFF8000  }
0x252: {  	v3 =	vld [tilespmem:$0x580];
	_ =	sdelay $0x4  }
0x253: {  	v22 =	vshll.u32 v3, $0x3  }
0x254: {  	v3 =	vand.u32 $0x7, v3;
	v4 =	vand.u32 $0xFFFFFFC0, v22  }
0x255: {  	v3 =	vor.u32 v3, v4  }
0x256: {  	v4 =	vperm.xlane v3, v0;
	_ =	sdelay $0x1  }
0x257: {  	v4 =	vadd.s32 v1, v4;
	_ =	sdelay $0x4  }
0x258: {  	[tilespmem:s29], [sflag:$0x3] =	stream.indirect_vreg.gather [hbm4b:s2+s3], $0x80, v4, vm0, $0xb8;
	[tilespmem:$0x19000] =	vst v63  }
0x259: {  	v3 =	vperm.xlane v3, v2  }
0x25a: {  	[tilespmem:s0], [sflag:$0x3] =	stream.indirect_vreg.gather [hbm4b:s5+s3], $0x80, v4, vm0, $0xb8;
	[tilespmem:$0x19000] =	vst v63  }
0x25b: {  	s30 =	simm.s32 $0x12000;
	v3 =	vadd.s32 v1, v3  }
0x25c: {  	[tilespmem:s30], [sflag:$0x3] =	stream.indirect_vreg.gather [hbm4b:s6+s3], $0x80, v4, vm0, $0xb8;
	[tilespmem:$0x19000] =	vst v63  }
0x25d: {  	s31 =	simm.s32 $0x12800  }
0x25e: {  	[tilespmem:s31], [sflag:$0x3] =	stream.indirect_vreg.gather [hbm4b:s7+s3], $0x80, v4, vm0, $0xb8;
	[tilespmem:$0x19000] =	vst v63  }
0x25f: {  	s10 =	simm.s32 $0x13000  }
0x260: {  	[tilespmem:s10], [sflag:$0x3] =	stream.indirect_vreg.gather [hbm4b:s2+s3], $0x80, v3, vm0, $0xb8;
	[tilespmem:$0x19000] =	vst v63  }
0x261: {  	s26 =	simm.s32 $0x13800  }
0x262: {  	[tilespmem:s26], [sflag:$0x3] =	stream.indirect_vreg.gather [hbm4b:s5+s3], $0x80, v3, vm0, $0xb8;
	[tilespmem:$0x19000] =	vst v63  }
0x263: {  	s26 =	simm.s32 $0x14000  }
0x264: {  	[tilespmem:s26], [sflag:$0x3] =	stream.indirect_vreg.gather [hbm4b:s6+s3], $0x80, v3, vm0, $0xb8;
	[tilespmem:$0x19000] =	vst v63  }
0x265: {  	s25 =	simm.s32 $0x14800  }
0x266: {  	[tilespmem:s25], [sflag:$0x3] =	stream.indirect_vreg.gather [hbm4b:s7+s3], $0x80, v3, vm0, $0xb8;
	[tilespmem:$0x19000] =	vst v63  }
0x267: {  	v3 =	vld [tilespmem:$0x590];
	_ =	sdelay $0x4  }
0x268: {  	v23 =	vshll.u32 v3, $0x3  }
0x269: {  	v3 =	vand.u32 $0x7, v3;
	v4 =	vand.u32 $0xFFFFFFC0, v23  }
0x26a: {  	v3 =	vor.u32 v3, v4  }
0x26b: {  	v4 =	vperm.xlane v3, v0;
	_ =	sdelay $0x1  }
0x26c: {  	v4 =	vadd.s32 v1, v4;
	_ =	sdelay $0x3  }
0x26d: {  	s25 =	simm.s32 $0x15000  }
0x26e: {  	[tilespmem:s25], [sflag:$0x3] =	stream.indirect_vreg.gather [hbm4b:s2+s3], $0x80, v4, vm0, $0xb8;
	[tilespmem:$0x19000] =	vst v63  }
0x26f: {  	v3 =	vperm.xlane v3, v2;
	s25 =	simm.s32 $0x15800  }
0x270: {  	[tilespmem:s25], [sflag:$0x3] =	stream.indirect_vreg.gather [hbm4b:s5+s3], $0x80, v4, vm0, $0xb8;
	[tilespmem:$0x19000] =	vst v63  }
0x271: {  	v3 =	vadd.s32 v1, v3;
	s25 =	simm.s32 $0x16000  }
0x272: {  	[tilespmem:s25], [sflag:$0x3] =	stream.indirect_vreg.gather [hbm4b:s6+s3], $0x80, v4, vm0, $0xb8;
	[tilespmem:$0x19000] =	vst v63  }
0x273: {  	s25 =	simm.s32 $0x16800  }
0x274: {  	[tilespmem:s25], [sflag:$0x3] =	stream.indirect_vreg.gather [hbm4b:s7+s3], $0x80, v4, vm0, $0xb8;
	[tilespmem:$0x19000] =	vst v63  }
0x275: {  	s25 =	simm.s32 $0x17000  }
0x276: {  	[tilespmem:s25], [sflag:$0x3] =	stream.indirect_vreg.gather [hbm4b:s2+s3], $0x80, v3, vm0, $0xb8;
	[tilespmem:$0x19000] =	vst v63  }
0x277: {  	s25 =	simm.s32 $0x17800  }
0x278: {  	[tilespmem:s25], [sflag:$0x3] =	stream.indirect_vreg.gather [hbm4b:s5+s3], $0x80, v3, vm0, $0xb8;
	[tilespmem:$0x19000] =	vst v63  }
0x279: {  	s25 =	simm.s32 $0x18000  }
0x27a: {  	[tilespmem:s25], [sflag:$0x3] =	stream.indirect_vreg.gather [hbm4b:s6+s3], $0x80, v3, vm0, $0xb8;
	[tilespmem:$0x19000] =	vst v63  }
0x27b: {  	s25 =	simm.s32 $0x18800  }
0x27c: {  	[tilespmem:s25], [sflag:$0x3] =	stream.indirect_vreg.gather [hbm4b:s7+s3], $0x80, v3, vm0, $0xb8;
	[tilespmem:$0x19000] =	vst v63  }
0x27d: {  	_ =	swait.ge [sflag:s20], $0x8000  }
0x27e: {  	[sflag:s20] =	ssyncset.done $0x0  }
0x27f: {  	s25 =	rddreg [dreg:$0xe];
	[sflag:s20] =	ssyncadd.s32 $0xFFFF8000  }
0x280: {  	[hbm4b:s25+s3] =	stream.linear.scatter [tilespmem:s4], [sflag:$0x5], $0x8000, $0x38;
	[tilespmem:$0x19000] =	vst v63  }
0x281: {  	_ =	swait.ge [sflag:s21], $0x8000  }
0x282: {  	[sflag:s21] =	ssyncset.done $0x0  }
0x283: {  	[sflag:s21] =	ssyncadd.s32 $0xFFFF8000  }
0x284: {  	v3 =	vld [tilespmem:$0x600];
	_ =	sdelay $0x4  }
0x285: {  	v24 =	vshll.u32 v3, $0x3  }
0x286: {  	v3 =	vand.u32 $0x7, v3;
	v4 =	vand.u32 $0xFFFFFFC0, v24  }
0x287: {  	v3 =	vor.u32 v3, v4  }
0x288: {  	v4 =	vperm.xlane v3, v0;
	_ =	sdelay $0x1  }
0x289: {  	v4 =	vadd.s32 v1, v4;
	_ =	sdelay $0x4  }
0x28a: {  	[tilespmem:s8], [sflag:$0x1] =	stream.indirect_vreg.gather [hbm4b:s2+s3], $0x80, v4, vm0, $0xb8;
	[tilespmem:$0x19000] =	vst v63  }
0x28b: {  	s25 =	simm.s32 $0x1800;
	v3 =	vperm.xlane v3, v2  }
0x28c: {  	[tilespmem:s25], [sflag:$0x1] =	stream.indirect_vreg.gather [hbm4b:s5+s3], $0x80, v4, vm0, $0xb8;
	[tilespmem:$0x19000] =	vst v63  }
0x28d: {  	v3 =	vadd.s32 v1, v3;
	s25 =	simm.s32 $0x2000  }
0x28e: {  	[tilespmem:s25], [sflag:$0x1] =	stream.indirect_vreg.gather [hbm4b:s6+s3], $0x80, v4, vm0, $0xb8;
	[tilespmem:$0x19000] =	vst v63  }
0x28f: {  	s25 =	simm.s32 $0x2800  }
0x290: {  	[tilespmem:s25], [sflag:$0x1] =	stream.indirect_vreg.gather [hbm4b:s7+s3], $0x80, v4, vm0, $0xb8;
	[tilespmem:$0x19000] =	vst v63  }
0x291: {  	s25 =	simm.s32 $0x3000  }
0x292: {  	[tilespmem:s25], [sflag:$0x1] =	stream.indirect_vreg.gather [hbm4b:s2+s3], $0x80, v3, vm0, $0xb8;
	[tilespmem:$0x19000] =	vst v63  }
0x293: {  	s25 =	simm.s32 $0x3800  }
0x294: {  	[tilespmem:s25], [sflag:$0x1] =	stream.indirect_vreg.gather [hbm4b:s5+s3], $0x80, v3, vm0, $0xb8;
	[tilespmem:$0x19000] =	vst v63  }
0x295: {  	s25 =	simm.s32 $0x4000  }
0x296: {  	[tilespmem:s25], [sflag:$0x1] =	stream.indirect_vreg.gather [hbm4b:s6+s3], $0x80, v3, vm0, $0xb8;
	[tilespmem:$0x19000] =	vst v63  }
0x297: {  	s25 =	simm.s32 $0x4800  }
0x298: {  	[tilespmem:s25], [sflag:$0x1] =	stream.indirect_vreg.gather [hbm4b:s7+s3], $0x80, v3, vm0, $0xb8;
	[tilespmem:$0x19000] =	vst v63  }
0x299: {  	v3 =	vld [tilespmem:$0x610];
	_ =	sdelay $0x4  }
0x29a: {  	v25 =	vshll.u32 v3, $0x3  }
0x29b: {  	v3 =	vand.u32 $0x7, v3;
	v4 =	vand.u32 $0xFFFFFFC0, v25  }
0x29c: {  	v3 =	vor.u32 v3, v4  }
0x29d: {  	v4 =	vperm.xlane v3, v0;
	_ =	sdelay $0x1  }
0x29e: {  	v4 =	vadd.s32 v1, v4;
	_ =	sdelay $0x3  }
0x29f: {  	s25 =	simm.s32 $0x5000  }
0x2a0: {  	[tilespmem:s25], [sflag:$0x1] =	stream.indirect_vreg.gather [hbm4b:s2+s3], $0x80, v4, vm0, $0xb8;
	[tilespmem:$0x19000] =	vst v63  }
0x2a1: {  	v3 =	vperm.xlane v3, v2;
	s25 =	simm.s32 $0x5800  }
0x2a2: {  	[tilespmem:s25], [sflag:$0x1] =	stream.indirect_vreg.gather [hbm4b:s5+s3], $0x80, v4, vm0, $0xb8;
	[tilespmem:$0x19000] =	vst v63  }
0x2a3: {  	v3 =	vadd.s32 v1, v3;
	s25 =	simm.s32 $0x6000  }
0x2a4: {  	[tilespmem:s25], [sflag:$0x1] =	stream.indirect_vreg.gather [hbm4b:s6+s3], $0x80, v4, vm0, $0xb8;
	[tilespmem:$0x19000] =	vst v63  }
0x2a5: {  	s25 =	simm.s32 $0x6800  }
0x2a6: {  	[tilespmem:s25], [sflag:$0x1] =	stream.indirect_vreg.gather [hbm4b:s7+s3], $0x80, v4, vm0, $0xb8;
	[tilespmem:$0x19000] =	vst v63  }
0x2a7: {  	s25 =	simm.s32 $0x7000  }
0x2a8: {  	[tilespmem:s25], [sflag:$0x1] =	stream.indirect_vreg.gather [hbm4b:s2+s3], $0x80, v3, vm0, $0xb8;
	[tilespmem:$0x19000] =	vst v63  }
0x2a9: {  	s25 =	simm.s32 $0x7800  }
0x2aa: {  	[tilespmem:s25], [sflag:$0x1] =	stream.indirect_vreg.gather [hbm4b:s5+s3], $0x80, v3, vm0, $0xb8;
	[tilespmem:$0x19000] =	vst v63  }
0x2ab: {  	s25 =	simm.s32 $0x8000  }
0x2ac: {  	[tilespmem:s25], [sflag:$0x1] =	stream.indirect_vreg.gather [hbm4b:s6+s3], $0x80, v3, vm0, $0xb8;
	[tilespmem:$0x19000] =	vst v63  }
0x2ad: {  	s25 =	simm.s32 $0x8800  }
0x2ae: {  	[tilespmem:s25], [sflag:$0x1] =	stream.indirect_vreg.gather [hbm4b:s7+s3], $0x80, v3, vm0, $0xb8;
	[tilespmem:$0x19000] =	vst v63  }
0x2af: {  	_ =	swait.ge [sflag:s22], $0x8000  }
0x2b0: {  	[sflag:s22] =	ssyncset.done $0x0  }
0x2b1: {  	s25 =	rddreg [dreg:$0xf];
	[sflag:s22] =	ssyncadd.s32 $0xFFFF8000  }
0x2b2: {  	[hbm4b:s25+s3] =	stream.linear.scatter [tilespmem:s29], [sflag:$0x6], $0x8000, $0x38;
	[tilespmem:$0x19000] =	vst v63  }
0x2b3: {  	_ =	swait.ge [sflag:s23], $0x8000  }
0x2b4: {  	[sflag:s23] =	ssyncset.done $0x0  }
0x2b5: {  	[sflag:s23] =	ssyncadd.s32 $0xFFFF8000  }
0x2b6: {  	v3 =	vld [tilespmem:$0x680];
	_ =	sdelay $0x4  }
0x2b7: {  	v26 =	vshll.u32 v3, $0x3  }
0x2b8: {  	v3 =	vand.u32 $0x7, v3;
	v4 =	vand.u32 $0xFFFFFFC0, v26  }
0x2b9: {  	v3 =	vor.u32 v3, v4  }
0x2ba: {  	v4 =	vperm.xlane v3, v0;
	_ =	sdelay $0x1  }
0x2bb: {  	v4 =	vadd.s32 v1, v4;
	_ =	sdelay $0x4  }
0x2bc: {  	[tilespmem:s4], [sflag:$0x2] =	stream.indirect_vreg.gather [hbm4b:s2+s3], $0x80, v4, vm0, $0xb8;
	[tilespmem:$0x19000] =	vst v63  }
0x2bd: {  	s1 =	simm.s32 $0x9800;
	v3 =	vperm.xlane v3, v2  }
0x2be: {  	[tilespmem:s1], [sflag:$0x2] =	stream.indirect_vreg.gather [hbm4b:s5+s3], $0x80, v4, vm0, $0xb8;
	[tilespmem:$0x19000] =	vst v63  }
0x2bf: {  	s25 =	simm.s32 $0xA000;
	v3 =	vadd.s32 v1, v3  }
0x2c0: {  	[tilespmem:s25], [sflag:$0x2] =	stream.indirect_vreg.gather [hbm4b:s6+s3], $0x80, v4, vm0, $0xb8;
	[tilespmem:$0x19000] =	vst v63  }
0x2c1: {  	s25 =	simm.s32 $0xA800  }
0x2c2: {  	[tilespmem:s25], [sflag:$0x2] =	stream.indirect_vreg.gather [hbm4b:s7+s3], $0x80, v4, vm0, $0xb8;
	[tilespmem:$0x19000] =	vst v63  }
0x2c3: {  	s25 =	simm.s32 $0xB000  }
0x2c4: {  	[tilespmem:s25], [sflag:$0x2] =	stream.indirect_vreg.gather [hbm4b:s2+s3], $0x80, v3, vm0, $0xb8;
	[tilespmem:$0x19000] =	vst v63  }
0x2c5: {  	s25 =	simm.s32 $0xB800  }
0x2c6: {  	[tilespmem:s25], [sflag:$0x2] =	stream.indirect_vreg.gather [hbm4b:s5+s3], $0x80, v3, vm0, $0xb8;
	[tilespmem:$0x19000] =	vst v63  }
0x2c7: {  	s25 =	simm.s32 $0xC000  }
0x2c8: {  	[tilespmem:s25], [sflag:$0x2] =	stream.indirect_vreg.gather [hbm4b:s6+s3], $0x80, v3, vm0, $0xb8;
	[tilespmem:$0x19000] =	vst v63  }
0x2c9: {  	s9 =	simm.s32 $0xC800  }
0x2ca: {  	[tilespmem:s9], [sflag:$0x2] =	stream.indirect_vreg.gather [hbm4b:s7+s3], $0x80, v3, vm0, $0xb8;
	[tilespmem:$0x19000] =	vst v63  }
0x2cb: {  	v3 =	vld [tilespmem:$0x690];
	_ =	sdelay $0x4  }
0x2cc: {  	v27 =	vshll.u32 v3, $0x3  }
0x2cd: {  	v3 =	vand.u32 $0x7, v3;
	v4 =	vand.u32 $0xFFFFFFC0, v27  }
0x2ce: {  	v3 =	vor.u32 v3, v4  }
0x2cf: {  	v4 =	vperm.xlane v3, v0;
	_ =	sdelay $0x1  }
0x2d0: {  	v4 =	vadd.s32 v1, v4;
	_ =	sdelay $0x3  }
0x2d1: {  	s16 =	simm.s32 $0xD000  }
0x2d2: {  	[tilespmem:s16], [sflag:$0x2] =	stream.indirect_vreg.gather [hbm4b:s2+s3], $0x80, v4, vm0, $0xb8;
	[tilespmem:$0x19000] =	vst v63  }
0x2d3: {  	s17 =	simm.s32 $0xD800;
	v3 =	vperm.xlane v3, v2  }
0x2d4: {  	[tilespmem:s17], [sflag:$0x2] =	stream.indirect_vreg.gather [hbm4b:s5+s3], $0x80, v4, vm0, $0xb8;
	[tilespmem:$0x19000] =	vst v63  }
0x2d5: {  	s11 =	simm.s32 $0xE000;
	v3 =	vadd.s32 v1, v3  }
0x2d6: {  	[tilespmem:s11], [sflag:$0x2] =	stream.indirect_vreg.gather [hbm4b:s6+s3], $0x80, v4, vm0, $0xb8;
	[tilespmem:$0x19000] =	vst v63  }
0x2d7: {  	s12 =	simm.s32 $0xE800  }
0x2d8: {  	[tilespmem:s12], [sflag:$0x2] =	stream.indirect_vreg.gather [hbm4b:s7+s3], $0x80, v4, vm0, $0xb8;
	[tilespmem:$0x19000] =	vst v63  }
0x2d9: {  	s13 =	simm.s32 $0xF000  }
0x2da: {  	[tilespmem:s13], [sflag:$0x2] =	stream.indirect_vreg.gather [hbm4b:s2+s3], $0x80, v3, vm0, $0xb8;
	[tilespmem:$0x19000] =	vst v63  }
0x2db: {  	s18 =	simm.s32 $0xF800  }
0x2dc: {  	[tilespmem:s18], [sflag:$0x2] =	stream.indirect_vreg.gather [hbm4b:s5+s3], $0x80, v3, vm0, $0xb8;
	[tilespmem:$0x19000] =	vst v63  }
0x2dd: {  	s28 =	simm.s32 $0x10000  }
0x2de: {  	[tilespmem:s28], [sflag:$0x2] =	stream.indirect_vreg.gather [hbm4b:s6+s3], $0x80, v3, vm0, $0xb8;
	[tilespmem:$0x19000] =	vst v63  }
0x2df: {  	s15 =	simm.s32 $0x10800  }
0x2e0: {  	[tilespmem:s15], [sflag:$0x2] =	stream.indirect_vreg.gather [hbm4b:s7+s3], $0x80, v3, vm0, $0xb8;
	[tilespmem:$0x19000] =	vst v63  }
0x2e1: {  	_ =	swait.ge [sflag:s19], $0x8000  }
0x2e2: {  	[sflag:s19] =	ssyncset.done $0x0  }
0x2e3: {  	s15 =	rddreg [dreg:$0x10];
	[sflag:s19] =	ssyncadd.s32 $0xFFFF8000  }
0x2e4: {  	[hbm4b:s15+s3] =	stream.linear.scatter [tilespmem:s8], [sflag:$0x4], $0x8000, $0x38;
	[tilespmem:$0x19000] =	vst v63  }
0x2e5: {  	_ =	swait.ge [sflag:s24], $0x8000  }
0x2e6: {  	[sflag:s24] =	ssyncset.done $0x0  }
0x2e7: {  	[sflag:s24] =	ssyncadd.s32 $0xFFFF8000  }
0x2e8: {  	v3 =	vld [tilespmem:$0x700];
	_ =	sdelay $0x4  }
0x2e9: {  	v28 =	vshll.u32 v3, $0x3  }
0x2ea: {  	v3 =	vand.u32 $0x7, v3;
	v4 =	vand.u32 $0xFFFFFFC0, v28  }
0x2eb: {  	v3 =	vor.u32 v3, v4  }
0x2ec: {  	v4 =	vperm.xlane v3, v0;
	_ =	sdelay $0x1  }
0x2ed: {  	v4 =	vadd.s32 v1, v4;
	_ =	sdelay $0x4  }
0x2ee: {  	[tilespmem:s29], [sflag:$0x3] =	stream.indirect_vreg.gather [hbm4b:s2+s3], $0x80, v4, vm0, $0xb8;
	[tilespmem:$0x19000] =	vst v63  }
0x2ef: {  	v3 =	vperm.xlane v3, v2  }
0x2f0: {  	[tilespmem:s0], [sflag:$0x3] =	stream.indirect_vreg.gather [hbm4b:s5+s3], $0x80, v4, vm0, $0xb8;
	[tilespmem:$0x19000] =	vst v63  }
0x2f1: {  	s14 =	simm.s32 $0x12000;
	v3 =	vadd.s32 v1, v3  }
0x2f2: {  	[tilespmem:s14], [sflag:$0x3] =	stream.indirect_vreg.gather [hbm4b:s6+s3], $0x80, v4, vm0, $0xb8;
	[tilespmem:$0x19000] =	vst v63  }
0x2f3: {  	s30 =	simm.s32 $0x12800  }
0x2f4: {  	[tilespmem:s30], [sflag:$0x3] =	stream.indirect_vreg.gather [hbm4b:s7+s3], $0x80, v4, vm0, $0xb8;
	[tilespmem:$0x19000] =	vst v63  }
0x2f5: {  	s31 =	simm.s32 $0x13000  }
0x2f6: {  	[tilespmem:s31], [sflag:$0x3] =	stream.indirect_vreg.gather [hbm4b:s2+s3], $0x80, v3, vm0, $0xb8;
	[tilespmem:$0x19000] =	vst v63  }
0x2f7: {  	s10 =	simm.s32 $0x13800  }
0x2f8: {  	[tilespmem:s10], [sflag:$0x3] =	stream.indirect_vreg.gather [hbm4b:s5+s3], $0x80, v3, vm0, $0xb8;
	[tilespmem:$0x19000] =	vst v63  }
0x2f9: {  	s26 =	simm.s32 $0x14000  }
0x2fa: {  	[tilespmem:s26], [sflag:$0x3] =	stream.indirect_vreg.gather [hbm4b:s6+s3], $0x80, v3, vm0, $0xb8;
	[tilespmem:$0x19000] =	vst v63  }
0x2fb: {  	s26 =	simm.s32 $0x14800  }
0x2fc: {  	[tilespmem:s26], [sflag:$0x3] =	stream.indirect_vreg.gather [hbm4b:s7+s3], $0x80, v3, vm0, $0xb8;
	[tilespmem:$0x19000] =	vst v63  }
0x2fd: {  	v3 =	vld [tilespmem:$0x710];
	_ =	sdelay $0x4  }
0x2fe: {  	v29 =	vshll.u32 v3, $0x3  }
0x2ff: {  	v3 =	vand.u32 $0x7, v3;
	v4 =	vand.u32 $0xFFFFFFC0, v29  }
0x300: {  	v3 =	vor.u32 v3, v4  }
0x301: {  	v4 =	vperm.xlane v3, v0;
	_ =	sdelay $0x1  }
0x302: {  	v4 =	vadd.s32 v1, v4;
	_ =	sdelay $0x3  }
0x303: {  	s30 =	simm.s32 $0x15000  }
0x304: {  	[tilespmem:s30], [sflag:$0x3] =	stream.indirect_vreg.gather [hbm4b:s2+s3], $0x80, v4, vm0, $0xb8;
	[tilespmem:$0x19000] =	vst v63  }
0x305: {  	s26 =	simm.s32 $0x15800;
	v3 =	vperm.xlane v3, v2  }
0x306: {  	[tilespmem:s26], [sflag:$0x3] =	stream.indirect_vreg.gather [hbm4b:s5+s3], $0x80, v4, vm0, $0xb8;
	[tilespmem:$0x19000] =	vst v63  }
0x307: {  	v3 =	vadd.s32 v1, v3;
	s30 =	simm.s32 $0x16000  }
0x308: {  	[tilespmem:s30], [sflag:$0x3] =	stream.indirect_vreg.gather [hbm4b:s6+s3], $0x80, v4, vm0, $0xb8;
	[tilespmem:$0x19000] =	vst v63  }
0x309: {  	s26 =	simm.s32 $0x16800  }
0x30a: {  	[tilespmem:s26], [sflag:$0x3] =	stream.indirect_vreg.gather [hbm4b:s7+s3], $0x80, v4, vm0, $0xb8;
	[tilespmem:$0x19000] =	vst v63  }
0x30b: {  	s26 =	simm.s32 $0x17000  }
0x30c: {  	[tilespmem:s26], [sflag:$0x3] =	stream.indirect_vreg.gather [hbm4b:s2+s3], $0x80, v3, vm0, $0xb8;
	[tilespmem:$0x19000] =	vst v63  }
0x30d: {  	s25 =	simm.s32 $0x17800  }
0x30e: {  	[tilespmem:s25], [sflag:$0x3] =	stream.indirect_vreg.gather [hbm4b:s5+s3], $0x80, v3, vm0, $0xb8;
	[tilespmem:$0x19000] =	vst v63  }
0x30f: {  	s25 =	simm.s32 $0x18000  }
0x310: {  	[tilespmem:s25], [sflag:$0x3] =	stream.indirect_vreg.gather [hbm4b:s6+s3], $0x80, v3, vm0, $0xb8;
	[tilespmem:$0x19000] =	vst v63  }
0x311: {  	s25 =	simm.s32 $0x18800  }
0x312: {  	[tilespmem:s25], [sflag:$0x3] =	stream.indirect_vreg.gather [hbm4b:s7+s3], $0x80, v3, vm0, $0xb8;
	[tilespmem:$0x19000] =	vst v63  }
0x313: {  	_ =	swait.ge [sflag:s20], $0x8000  }
0x314: {  	[sflag:s20] =	ssyncset.done $0x0  }
0x315: {  	s25 =	rddreg [dreg:$0x11];
	[sflag:s20] =	ssyncadd.s32 $0xFFFF8000  }
0x316: {  	[hbm4b:s25+s3] =	stream.linear.scatter [tilespmem:s4], [sflag:$0x5], $0x8000, $0x38;
	[tilespmem:$0x19000] =	vst v63  }
0x317: {  	_ =	swait.ge [sflag:s21], $0x8000  }
0x318: {  	[sflag:s21] =	ssyncset.done $0x0  }
0x319: {  	[sflag:s21] =	ssyncadd.s32 $0xFFFF8000  }
0x31a: {  	v3 =	vld [tilespmem:$0x780];
	_ =	sdelay $0x4  }
0x31b: {  	v30 =	vshll.u32 v3, $0x3  }
0x31c: {  	v3 =	vand.u32 $0x7, v3;
	v4 =	vand.u32 $0xFFFFFFC0, v30  }
0x31d: {  	v3 =	vor.u32 v3, v4  }
0x31e: {  	v4 =	vperm.xlane v3, v0;
	_ =	sdelay $0x1  }
0x31f: {  	v4 =	vadd.s32 v1, v4;
	_ =	sdelay $0x4  }
0x320: {  	[tilespmem:s8], [sflag:$0x1] =	stream.indirect_vreg.gather [hbm4b:s2+s3], $0x80, v4, vm0, $0xb8;
	[tilespmem:$0x19000] =	vst v63  }
0x321: {  	s25 =	simm.s32 $0x1800;
	v3 =	vperm.xlane v3, v2  }
0x322: {  	[tilespmem:s25], [sflag:$0x1] =	stream.indirect_vreg.gather [hbm4b:s5+s3], $0x80, v4, vm0, $0xb8;
	[tilespmem:$0x19000] =	vst v63  }
0x323: {  	v3 =	vadd.s32 v1, v3;
	s25 =	simm.s32 $0x2000  }
0x324: {  	[tilespmem:s25], [sflag:$0x1] =	stream.indirect_vreg.gather [hbm4b:s6+s3], $0x80, v4, vm0, $0xb8;
	[tilespmem:$0x19000] =	vst v63  }
0x325: {  	s25 =	simm.s32 $0x2800  }
0x326: {  	[tilespmem:s25], [sflag:$0x1] =	stream.indirect_vreg.gather [hbm4b:s7+s3], $0x80, v4, vm0, $0xb8;
	[tilespmem:$0x19000] =	vst v63  }
0x327: {  	s25 =	simm.s32 $0x3000  }
0x328: {  	[tilespmem:s25], [sflag:$0x1] =	stream.indirect_vreg.gather [hbm4b:s2+s3], $0x80, v3, vm0, $0xb8;
	[tilespmem:$0x19000] =	vst v63  }
0x329: {  	s25 =	simm.s32 $0x3800  }
0x32a: {  	[tilespmem:s25], [sflag:$0x1] =	stream.indirect_vreg.gather [hbm4b:s5+s3], $0x80, v3, vm0, $0xb8;
	[tilespmem:$0x19000] =	vst v63  }
0x32b: {  	s25 =	simm.s32 $0x4000  }
0x32c: {  	[tilespmem:s25], [sflag:$0x1] =	stream.indirect_vreg.gather [hbm4b:s6+s3], $0x80, v3, vm0, $0xb8;
	[tilespmem:$0x19000] =	vst v63  }
0x32d: {  	s25 =	simm.s32 $0x4800  }
0x32e: {  	[tilespmem:s25], [sflag:$0x1] =	stream.indirect_vreg.gather [hbm4b:s7+s3], $0x80, v3, vm0, $0xb8;
	[tilespmem:$0x19000] =	vst v63  }
0x32f: {  	v3 =	vld [tilespmem:$0x790];
	_ =	sdelay $0x4  }
0x330: {  	v31 =	vshll.u32 v3, $0x3  }
0x331: {  	v3 =	vand.u32 $0x7, v3;
	v4 =	vand.u32 $0xFFFFFFC0, v31  }
0x332: {  	v3 =	vor.u32 v3, v4  }
0x333: {  	v4 =	vperm.xlane v3, v0;
	_ =	sdelay $0x1  }
0x334: {  	v4 =	vadd.s32 v1, v4;
	_ =	sdelay $0x3  }
0x335: {  	s25 =	simm.s32 $0x5000  }
0x336: {  	[tilespmem:s25], [sflag:$0x1] =	stream.indirect_vreg.gather [hbm4b:s2+s3], $0x80, v4, vm0, $0xb8;
	[tilespmem:$0x19000] =	vst v63  }
0x337: {  	v3 =	vperm.xlane v3, v2;
	s25 =	simm.s32 $0x5800  }
0x338: {  	[tilespmem:s25], [sflag:$0x1] =	stream.indirect_vreg.gather [hbm4b:s5+s3], $0x80, v4, vm0, $0xb8;
	[tilespmem:$0x19000] =	vst v63  }
0x339: {  	v3 =	vadd.s32 v1, v3;
	s25 =	simm.s32 $0x6000  }
0x33a: {  	[tilespmem:s25], [sflag:$0x1] =	stream.indirect_vreg.gather [hbm4b:s6+s3], $0x80, v4, vm0, $0xb8;
	[tilespmem:$0x19000] =	vst v63  }
0x33b: {  	s25 =	simm.s32 $0x6800  }
0x33c: {  	[tilespmem:s25], [sflag:$0x1] =	stream.indirect_vreg.gather [hbm4b:s7+s3], $0x80, v4, vm0, $0xb8;
	[tilespmem:$0x19000] =	vst v63  }
0x33d: {  	s25 =	simm.s32 $0x7000  }
0x33e: {  	[tilespmem:s25], [sflag:$0x1] =	stream.indirect_vreg.gather [hbm4b:s2+s3], $0x80, v3, vm0, $0xb8;
	[tilespmem:$0x19000] =	vst v63  }
0x33f: {  	s25 =	simm.s32 $0x7800  }
0x340: {  	[tilespmem:s25], [sflag:$0x1] =	stream.indirect_vreg.gather [hbm4b:s5+s3], $0x80, v3, vm0, $0xb8;
	[tilespmem:$0x19000] =	vst v63  }
0x341: {  	s25 =	simm.s32 $0x8000  }
0x342: {  	[tilespmem:s25], [sflag:$0x1] =	stream.indirect_vreg.gather [hbm4b:s6+s3], $0x80, v3, vm0, $0xb8;
	[tilespmem:$0x19000] =	vst v63  }
0x343: {  	s25 =	simm.s32 $0x8800  }
0x344: {  	[tilespmem:s25], [sflag:$0x1] =	stream.indirect_vreg.gather [hbm4b:s7+s3], $0x80, v3, vm0, $0xb8;
	[tilespmem:$0x19000] =	vst v63  }
0x345: {  	_ =	swait.ge [sflag:s22], $0x8000  }
0x346: {  	[sflag:s22] =	ssyncset.done $0x0  }
0x347: {  	s25 =	rddreg [dreg:$0x12];
	[sflag:s22] =	ssyncadd.s32 $0xFFFF8000  }
0x348: {  	[hbm4b:s25+s3] =	stream.linear.scatter [tilespmem:s29], [sflag:$0x6], $0x8000, $0x38;
	[tilespmem:$0x19000] =	vst v63  }
0x349: {  	_ =	swait.ge [sflag:s23], $0x8000  }
0x34a: {  	[sflag:s23] =	ssyncset.done $0x0  }
0x34b: {  	[sflag:s23] =	ssyncadd.s32 $0xFFFF8000  }
0x34c: {  	v3 =	vld [tilespmem:$0x800];
	_ =	sdelay $0x4  }
0x34d: {  	v32 =	vshll.u32 v3, $0x3  }
0x34e: {  	v3 =	vand.u32 $0x7, v3;
	v4 =	vand.u32 $0xFFFFFFC0, v32  }
0x34f: {  	v3 =	vor.u32 v3, v4  }
0x350: {  	v4 =	vperm.xlane v3, v0;
	_ =	sdelay $0x1  }
0x351: {  	v4 =	vadd.s32 v1, v4;
	_ =	sdelay $0x4  }
0x352: {  	[tilespmem:s4], [sflag:$0x2] =	stream.indirect_vreg.gather [hbm4b:s2+s3], $0x80, v4, vm0, $0xb8;
	[tilespmem:$0x19000] =	vst v63  }
0x353: {  	s1 =	simm.s32 $0x9800;
	v3 =	vperm.xlane v3, v2  }
0x354: {  	[tilespmem:s1], [sflag:$0x2] =	stream.indirect_vreg.gather [hbm4b:s5+s3], $0x80, v4, vm0, $0xb8;
	[tilespmem:$0x19000] =	vst v63  }
0x355: {  	s25 =	simm.s32 $0xA000;
	v3 =	vadd.s32 v1, v3  }
0x356: {  	[tilespmem:s25], [sflag:$0x2] =	stream.indirect_vreg.gather [hbm4b:s6+s3], $0x80, v4, vm0, $0xb8;
	[tilespmem:$0x19000] =	vst v63  }
0x357: {  	s25 =	simm.s32 $0xA800  }
0x358: {  	[tilespmem:s25], [sflag:$0x2] =	stream.indirect_vreg.gather [hbm4b:s7+s3], $0x80, v4, vm0, $0xb8;
	[tilespmem:$0x19000] =	vst v63  }
0x359: {  	s25 =	simm.s32 $0xB000  }
0x35a: {  	[tilespmem:s25], [sflag:$0x2] =	stream.indirect_vreg.gather [hbm4b:s2+s3], $0x80, v3, vm0, $0xb8;
	[tilespmem:$0x19000] =	vst v63  }
0x35b: {  	s25 =	simm.s32 $0xB800  }
0x35c: {  	[tilespmem:s25], [sflag:$0x2] =	stream.indirect_vreg.gather [hbm4b:s5+s3], $0x80, v3, vm0, $0xb8;
	[tilespmem:$0x19000] =	vst v63  }
0x35d: {  	s25 =	simm.s32 $0xC000  }
0x35e: {  	[tilespmem:s25], [sflag:$0x2] =	stream.indirect_vreg.gather [hbm4b:s6+s3], $0x80, v3, vm0, $0xb8;
	[tilespmem:$0x19000] =	vst v63  }
0x35f: {  	s9 =	simm.s32 $0xC800  }
0x360: {  	[tilespmem:s9], [sflag:$0x2] =	stream.indirect_vreg.gather [hbm4b:s7+s3], $0x80, v3, vm0, $0xb8;
	[tilespmem:$0x19000] =	vst v63  }
0x361: {  	v3 =	vld [tilespmem:$0x810];
	_ =	sdelay $0x4  }
0x362: {  	v33 =	vshll.u32 v3, $0x3  }
0x363: {  	v3 =	vand.u32 $0x7, v3;
	v4 =	vand.u32 $0xFFFFFFC0, v33  }
0x364: {  	v3 =	vor.u32 v3, v4  }
0x365: {  	v4 =	vperm.xlane v3, v0;
	_ =	sdelay $0x1  }
0x366: {  	v4 =	vadd.s32 v1, v4;
	_ =	sdelay $0x3  }
0x367: {  	s16 =	simm.s32 $0xD000  }
0x368: {  	[tilespmem:s16], [sflag:$0x2] =	stream.indirect_vreg.gather [hbm4b:s2+s3], $0x80, v4, vm0, $0xb8;
	[tilespmem:$0x19000] =	vst v63  }
0x369: {  	s17 =	simm.s32 $0xD800;
	v3 =	vperm.xlane v3, v2  }
0x36a: {  	[tilespmem:s17], [sflag:$0x2] =	stream.indirect_vreg.gather [hbm4b:s5+s3], $0x80, v4, vm0, $0xb8;
	[tilespmem:$0x19000] =	vst v63  }
0x36b: {  	s25 =	simm.s32 $0xE000;
	v3 =	vadd.s32 v1, v3  }
0x36c: {  	[tilespmem:s25], [sflag:$0x2] =	stream.indirect_vreg.gather [hbm4b:s6+s3], $0x80, v4, vm0, $0xb8;
	[tilespmem:$0x19000] =	vst v63  }
0x36d: {  	s12 =	simm.s32 $0xE800  }
0x36e: {  	[tilespmem:s12], [sflag:$0x2] =	stream.indirect_vreg.gather [hbm4b:s7+s3], $0x80, v4, vm0, $0xb8;
	[tilespmem:$0x19000] =	vst v63  }
0x36f: {  	s13 =	simm.s32 $0xF000  }
0x370: {  	[tilespmem:s13], [sflag:$0x2] =	stream.indirect_vreg.gather [hbm4b:s2+s3], $0x80, v3, vm0, $0xb8;
	[tilespmem:$0x19000] =	vst v63  }
0x371: {  	s18 =	simm.s32 $0xF800  }
0x372: {  	[tilespmem:s18], [sflag:$0x2] =	stream.indirect_vreg.gather [hbm4b:s5+s3], $0x80, v3, vm0, $0xb8;
	[tilespmem:$0x19000] =	vst v63  }
0x373: {  	s28 =	simm.s32 $0x10000  }
0x374: {  	[tilespmem:s28], [sflag:$0x2] =	stream.indirect_vreg.gather [hbm4b:s6+s3], $0x80, v3, vm0, $0xb8;
	[tilespmem:$0x19000] =	vst v63  }
0x375: {  	s11 =	simm.s32 $0x10800  }
0x376: {  	[tilespmem:s11], [sflag:$0x2] =	stream.indirect_vreg.gather [hbm4b:s7+s3], $0x80, v3, vm0, $0xb8;
	[tilespmem:$0x19000] =	vst v63  }
0x377: {  	_ =	swait.ge [sflag:s19], $0x8000  }
0x378: {  	[sflag:s19] =	ssyncset.done $0x0  }
0x379: {  	s25 =	rddreg [dreg:$0x13];
	[sflag:s19] =	ssyncadd.s32 $0xFFFF8000  }
0x37a: {  	[hbm4b:s25+s3] =	stream.linear.scatter [tilespmem:s8], [sflag:$0x4], $0x8000, $0x38;
	[tilespmem:$0x19000] =	vst v63  }
0x37b: {  	_ =	swait.ge [sflag:s24], $0x8000  }
0x37c: {  	[sflag:s24] =	ssyncset.done $0x0  }
0x37d: {  	[sflag:s24] =	ssyncadd.s32 $0xFFFF8000  }
0x37e: {  	v3 =	vld [tilespmem:$0x880];
	_ =	sdelay $0x4  }
0x37f: {  	v34 =	vshll.u32 v3, $0x3  }
0x380: {  	v3 =	vand.u32 $0x7, v3;
	v4 =	vand.u32 $0xFFFFFFC0, v34  }
0x381: {  	v3 =	vor.u32 v3, v4  }
0x382: {  	v4 =	vperm.xlane v3, v0;
	_ =	sdelay $0x1  }
0x383: {  	v4 =	vadd.s32 v1, v4;
	_ =	sdelay $0x4  }
0x384: {  	[tilespmem:s29], [sflag:$0x3] =	stream.indirect_vreg.gather [hbm4b:s2+s3], $0x80, v4, vm0, $0xb8;
	[tilespmem:$0x19000] =	vst v63  }
0x385: {  	s25 =	simm.s32 $0x11800;
	v3 =	vperm.xlane v3, v2  }
0x386: {  	[tilespmem:s25], [sflag:$0x3] =	stream.indirect_vreg.gather [hbm4b:s5+s3], $0x80, v4, vm0, $0xb8;
	[tilespmem:$0x19000] =	vst v63  }
0x387: {  	s14 =	simm.s32 $0x12000;
	v3 =	vadd.s32 v1, v3  }
0x388: {  	[tilespmem:s14], [sflag:$0x3] =	stream.indirect_vreg.gather [hbm4b:s6+s3], $0x80, v4, vm0, $0xb8;
	[tilespmem:$0x19000] =	vst v63  }
0x389: {  	s0 =	simm.s32 $0x12800  }
0x38a: {  	[tilespmem:s0], [sflag:$0x3] =	stream.indirect_vreg.gather [hbm4b:s7+s3], $0x80, v4, vm0, $0xb8;
	[tilespmem:$0x19000] =	vst v63  }
0x38b: {  	s31 =	simm.s32 $0x13000  }
0x38c: {  	[tilespmem:s31], [sflag:$0x3] =	stream.indirect_vreg.gather [hbm4b:s2+s3], $0x80, v3, vm0, $0xb8;
	[tilespmem:$0x19000] =	vst v63  }
0x38d: {  	s10 =	simm.s32 $0x13800  }
0x38e: {  	[tilespmem:s10], [sflag:$0x3] =	stream.indirect_vreg.gather [hbm4b:s5+s3], $0x80, v3, vm0, $0xb8;
	[tilespmem:$0x19000] =	vst v63  }
0x38f: {  	s15 =	simm.s32 $0x14000  }
0x390: {  	[tilespmem:s15], [sflag:$0x3] =	stream.indirect_vreg.gather [hbm4b:s6+s3], $0x80, v3, vm0, $0xb8;
	[tilespmem:$0x19000] =	vst v63  }
0x391: {  	s25 =	simm.s32 $0x14800  }
0x392: {  	[tilespmem:s25], [sflag:$0x3] =	stream.indirect_vreg.gather [hbm4b:s7+s3], $0x80, v3, vm0, $0xb8;
	[tilespmem:$0x19000] =	vst v63  }
0x393: {  	v3 =	vld [tilespmem:$0x890];
	_ =	sdelay $0x4  }
0x394: {  	v35 =	vshll.u32 v3, $0x3  }
0x395: {  	v3 =	vand.u32 $0x7, v3;
	v4 =	vand.u32 $0xFFFFFFC0, v35  }
0x396: {  	v3 =	vor.u32 v3, v4  }
0x397: {  	v4 =	vperm.xlane v3, v0;
	_ =	sdelay $0x1  }
0x398: {  	v4 =	vadd.s32 v1, v4;
	_ =	sdelay $0x3  }
0x399: {  	s25 =	simm.s32 $0x15000  }
0x39a: {  	[tilespmem:s25], [sflag:$0x3] =	stream.indirect_vreg.gather [hbm4b:s2+s3], $0x80, v4, vm0, $0xb8;
	[tilespmem:$0x19000] =	vst v63  }
0x39b: {  	v3 =	vperm.xlane v3, v2;
	s25 =	simm.s32 $0x15800  }
0x39c: {  	[tilespmem:s25], [sflag:$0x3] =	stream.indirect_vreg.gather [hbm4b:s5+s3], $0x80, v4, vm0, $0xb8;
	[tilespmem:$0x19000] =	vst v63  }
0x39d: {  	s30 =	simm.s32 $0x16000;
	v3 =	vadd.s32 v1, v3  }
0x39e: {  	[tilespmem:s30], [sflag:$0x3] =	stream.indirect_vreg.gather [hbm4b:s6+s3], $0x80, v4, vm0, $0xb8;
	[tilespmem:$0x19000] =	vst v63  }
0x39f: {  	s25 =	simm.s32 $0x16800  }
0x3a0: {  	[tilespmem:s25], [sflag:$0x3] =	stream.indirect_vreg.gather [hbm4b:s7+s3], $0x80, v4, vm0, $0xb8;
	[tilespmem:$0x19000] =	vst v63  }
0x3a1: {  	s26 =	simm.s32 $0x17000  }
0x3a2: {  	[tilespmem:s26], [sflag:$0x3] =	stream.indirect_vreg.gather [hbm4b:s2+s3], $0x80, v3, vm0, $0xb8;
	[tilespmem:$0x19000] =	vst v63  }
0x3a3: {  	s25 =	simm.s32 $0x17800  }
0x3a4: {  	[tilespmem:s25], [sflag:$0x3] =	stream.indirect_vreg.gather [hbm4b:s5+s3], $0x80, v3, vm0, $0xb8;
	[tilespmem:$0x19000] =	vst v63  }
0x3a5: {  	s25 =	simm.s32 $0x18000  }
0x3a6: {  	[tilespmem:s25], [sflag:$0x3] =	stream.indirect_vreg.gather [hbm4b:s6+s3], $0x80, v3, vm0, $0xb8;
	[tilespmem:$0x19000] =	vst v63  }
0x3a7: {  	s25 =	simm.s32 $0x18800  }
0x3a8: {  	[tilespmem:s25], [sflag:$0x3] =	stream.indirect_vreg.gather [hbm4b:s7+s3], $0x80, v3, vm0, $0xb8;
	[tilespmem:$0x19000] =	vst v63  }
0x3a9: {  	_ =	swait.ge [sflag:s20], $0x8000  }
0x3aa: {  	[sflag:s20] =	ssyncset.done $0x0  }
0x3ab: {  	s25 =	rddreg [dreg:$0x14];
	[sflag:s20] =	ssyncadd.s32 $0xFFFF8000  }
0x3ac: {  	[hbm4b:s25+s3] =	stream.linear.scatter [tilespmem:s4], [sflag:$0x5], $0x8000, $0x38;
	[tilespmem:$0x19000] =	vst v63  }
0x3ad: {  	_ =	swait.ge [sflag:s21], $0x8000  }
0x3ae: {  	[sflag:s21] =	ssyncset.done $0x0  }
0x3af: {  	[sflag:s21] =	ssyncadd.s32 $0xFFFF8000  }
0x3b0: {  	v3 =	vld [tilespmem:$0x900];
	_ =	sdelay $0x4  }
0x3b1: {  	v36 =	vshll.u32 v3, $0x3  }
0x3b2: {  	v3 =	vand.u32 $0x7, v3;
	v4 =	vand.u32 $0xFFFFFFC0, v36  }
0x3b3: {  	v3 =	vor.u32 v3, v4  }
0x3b4: {  	v4 =	vperm.xlane v3, v0;
	_ =	sdelay $0x1  }
0x3b5: {  	v4 =	vadd.s32 v1, v4;
	_ =	sdelay $0x4  }
0x3b6: {  	[tilespmem:s8], [sflag:$0x1] =	stream.indirect_vreg.gather [hbm4b:s2+s3], $0x80, v4, vm0, $0xb8;
	[tilespmem:$0x19000] =	vst v63  }
0x3b7: {  	s25 =	simm.s32 $0x1800;
	v3 =	vperm.xlane v3, v2  }
0x3b8: {  	[tilespmem:s25], [sflag:$0x1] =	stream.indirect_vreg.gather [hbm4b:s5+s3], $0x80, v4, vm0, $0xb8;
	[tilespmem:$0x19000] =	vst v63  }
0x3b9: {  	v3 =	vadd.s32 v1, v3;
	s25 =	simm.s32 $0x2000  }
0x3ba: {  	[tilespmem:s25], [sflag:$0x1] =	stream.indirect_vreg.gather [hbm4b:s6+s3], $0x80, v4, vm0, $0xb8;
	[tilespmem:$0x19000] =	vst v63  }
0x3bb: {  	s25 =	simm.s32 $0x2800  }
0x3bc: {  	[tilespmem:s25], [sflag:$0x1] =	stream.indirect_vreg.gather [hbm4b:s7+s3], $0x80, v4, vm0, $0xb8;
	[tilespmem:$0x19000] =	vst v63  }
0x3bd: {  	s25 =	simm.s32 $0x3000  }
0x3be: {  	[tilespmem:s25], [sflag:$0x1] =	stream.indirect_vreg.gather [hbm4b:s2+s3], $0x80, v3, vm0, $0xb8;
	[tilespmem:$0x19000] =	vst v63  }
0x3bf: {  	s25 =	simm.s32 $0x3800  }
0x3c0: {  	[tilespmem:s25], [sflag:$0x1] =	stream.indirect_vreg.gather [hbm4b:s5+s3], $0x80, v3, vm0, $0xb8;
	[tilespmem:$0x19000] =	vst v63  }
0x3c1: {  	s25 =	simm.s32 $0x4000  }
0x3c2: {  	[tilespmem:s25], [sflag:$0x1] =	stream.indirect_vreg.gather [hbm4b:s6+s3], $0x80, v3, vm0, $0xb8;
	[tilespmem:$0x19000] =	vst v63  }
0x3c3: {  	s25 =	simm.s32 $0x4800  }
0x3c4: {  	[tilespmem:s25], [sflag:$0x1] =	stream.indirect_vreg.gather [hbm4b:s7+s3], $0x80, v3, vm0, $0xb8;
	[tilespmem:$0x19000] =	vst v63  }
0x3c5: {  	v3 =	vld [tilespmem:$0x910];
	_ =	sdelay $0x4  }
0x3c6: {  	v37 =	vshll.u32 v3, $0x3  }
0x3c7: {  	v3 =	vand.u32 $0x7, v3;
	v4 =	vand.u32 $0xFFFFFFC0, v37  }
0x3c8: {  	v3 =	vor.u32 v3, v4  }
0x3c9: {  	v4 =	vperm.xlane v3, v0;
	_ =	sdelay $0x1  }
0x3ca: {  	v4 =	vadd.s32 v1, v4;
	_ =	sdelay $0x3  }
0x3cb: {  	s25 =	simm.s32 $0x5000  }
0x3cc: {  	[tilespmem:s25], [sflag:$0x1] =	stream.indirect_vreg.gather [hbm4b:s2+s3], $0x80, v4, vm0, $0xb8;
	[tilespmem:$0x19000] =	vst v63  }
0x3cd: {  	v3 =	vperm.xlane v3, v2;
	s25 =	simm.s32 $0x5800  }
0x3ce: {  	[tilespmem:s25], [sflag:$0x1] =	stream.indirect_vreg.gather [hbm4b:s5+s3], $0x80, v4, vm0, $0xb8;
	[tilespmem:$0x19000] =	vst v63  }
0x3cf: {  	v3 =	vadd.s32 v1, v3;
	s25 =	simm.s32 $0x6000  }
0x3d0: {  	[tilespmem:s25], [sflag:$0x1] =	stream.indirect_vreg.gather [hbm4b:s6+s3], $0x80, v4, vm0, $0xb8;
	[tilespmem:$0x19000] =	vst v63  }
0x3d1: {  	s25 =	simm.s32 $0x6800  }
0x3d2: {  	[tilespmem:s25], [sflag:$0x1] =	stream.indirect_vreg.gather [hbm4b:s7+s3], $0x80, v4, vm0, $0xb8;
	[tilespmem:$0x19000] =	vst v63  }
0x3d3: {  	s25 =	simm.s32 $0x7000  }
0x3d4: {  	[tilespmem:s25], [sflag:$0x1] =	stream.indirect_vreg.gather [hbm4b:s2+s3], $0x80, v3, vm0, $0xb8;
	[tilespmem:$0x19000] =	vst v63  }
0x3d5: {  	s25 =	simm.s32 $0x7800  }
0x3d6: {  	[tilespmem:s25], [sflag:$0x1] =	stream.indirect_vreg.gather [hbm4b:s5+s3], $0x80, v3, vm0, $0xb8;
	[tilespmem:$0x19000] =	vst v63  }
0x3d7: {  	s25 =	simm.s32 $0x8000  }
0x3d8: {  	[tilespmem:s25], [sflag:$0x1] =	stream.indirect_vreg.gather [hbm4b:s6+s3], $0x80, v3, vm0, $0xb8;
	[tilespmem:$0x19000] =	vst v63  }
0x3d9: {  	s25 =	simm.s32 $0x8800  }
0x3da: {  	[tilespmem:s25], [sflag:$0x1] =	stream.indirect_vreg.gather [hbm4b:s7+s3], $0x80, v3, vm0, $0xb8;
	[tilespmem:$0x19000] =	vst v63  }
0x3db: {  	_ =	swait.ge [sflag:s22], $0x8000  }
0x3dc: {  	[sflag:s22] =	ssyncset.done $0x0  }
0x3dd: {  	s25 =	rddreg [dreg:$0x15];
	[sflag:s22] =	ssyncadd.s32 $0xFFFF8000  }
0x3de: {  	[hbm4b:s25+s3] =	stream.linear.scatter [tilespmem:s29], [sflag:$0x6], $0x8000, $0x38;
	[tilespmem:$0x19000] =	vst v63  }
0x3df: {  	_ =	swait.ge [sflag:s23], $0x8000  }
0x3e0: {  	[sflag:s23] =	ssyncset.done $0x0  }
0x3e1: {  	[sflag:s23] =	ssyncadd.s32 $0xFFFF8000  }
0x3e2: {  	v3 =	vld [tilespmem:$0x980];
	_ =	sdelay $0x4  }
0x3e3: {  	v38 =	vshll.u32 v3, $0x3  }
0x3e4: {  	v3 =	vand.u32 $0x7, v3;
	v4 =	vand.u32 $0xFFFFFFC0, v38  }
0x3e5: {  	v3 =	vor.u32 v3, v4  }
0x3e6: {  	v4 =	vperm.xlane v3, v0;
	_ =	sdelay $0x1  }
0x3e7: {  	v4 =	vadd.s32 v1, v4;
	_ =	sdelay $0x4  }
0x3e8: {  	[tilespmem:s4], [sflag:$0x2] =	stream.indirect_vreg.gather [hbm4b:s2+s3], $0x80, v4, vm0, $0xb8;
	[tilespmem:$0x19000] =	vst v63  }
0x3e9: {  	s1 =	simm.s32 $0x9800;
	v3 =	vperm.xlane v3, v2  }
0x3ea: {  	[tilespmem:s1], [sflag:$0x2] =	stream.indirect_vreg.gather [hbm4b:s5+s3], $0x80, v4, vm0, $0xb8;
	[tilespmem:$0x19000] =	vst v63  }
0x3eb: {  	s25 =	simm.s32 $0xA000;
	v3 =	vadd.s32 v1, v3  }
0x3ec: {  	[tilespmem:s25], [sflag:$0x2] =	stream.indirect_vreg.gather [hbm4b:s6+s3], $0x80, v4, vm0, $0xb8;
	[tilespmem:$0x19000] =	vst v63  }
0x3ed: {  	s25 =	simm.s32 $0xA800  }
0x3ee: {  	[tilespmem:s25], [sflag:$0x2] =	stream.indirect_vreg.gather [hbm4b:s7+s3], $0x80, v4, vm0, $0xb8;
	[tilespmem:$0x19000] =	vst v63  }
0x3ef: {  	s25 =	simm.s32 $0xB000  }
0x3f0: {  	[tilespmem:s25], [sflag:$0x2] =	stream.indirect_vreg.gather [hbm4b:s2+s3], $0x80, v3, vm0, $0xb8;
	[tilespmem:$0x19000] =	vst v63  }
0x3f1: {  	s25 =	simm.s32 $0xB800  }
0x3f2: {  	[tilespmem:s25], [sflag:$0x2] =	stream.indirect_vreg.gather [hbm4b:s5+s3], $0x80, v3, vm0, $0xb8;
	[tilespmem:$0x19000] =	vst v63  }
0x3f3: {  	s25 =	simm.s32 $0xC000  }
0x3f4: {  	[tilespmem:s25], [sflag:$0x2] =	stream.indirect_vreg.gather [hbm4b:s6+s3], $0x80, v3, vm0, $0xb8;
	[tilespmem:$0x19000] =	vst v63  }
0x3f5: {  	s9 =	simm.s32 $0xC800  }
0x3f6: {  	[tilespmem:s9], [sflag:$0x2] =	stream.indirect_vreg.gather [hbm4b:s7+s3], $0x80, v3, vm0, $0xb8;
	[tilespmem:$0x19000] =	vst v63  }
0x3f7: {  	v3 =	vld [tilespmem:$0x990];
	_ =	sdelay $0x4  }
0x3f8: {  	v39 =	vshll.u32 v3, $0x3  }
0x3f9: {  	v3 =	vand.u32 $0x7, v3;
	v4 =	vand.u32 $0xFFFFFFC0, v39  }
0x3fa: {  	v3 =	vor.u32 v3, v4  }
0x3fb: {  	v4 =	vperm.xlane v3, v0;
	_ =	sdelay $0x1  }
0x3fc: {  	v4 =	vadd.s32 v1, v4;
	_ =	sdelay $0x3  }
0x3fd: {  	s16 =	simm.s32 $0xD000  }
0x3fe: {  	[tilespmem:s16], [sflag:$0x2] =	stream.indirect_vreg.gather [hbm4b:s2+s3], $0x80, v4, vm0, $0xb8;
	[tilespmem:$0x19000] =	vst v63  }
0x3ff: {  	s17 =	simm.s32 $0xD800;
	v3 =	vperm.xlane v3, v2  }
0x400: {  	[tilespmem:s17], [sflag:$0x2] =	stream.indirect_vreg.gather [hbm4b:s5+s3], $0x80, v4, vm0, $0xb8;
	[tilespmem:$0x19000] =	vst v63  }
0x401: {  	s25 =	simm.s32 $0xE000;
	v3 =	vadd.s32 v1, v3  }
0x402: {  	[tilespmem:s25], [sflag:$0x2] =	stream.indirect_vreg.gather [hbm4b:s6+s3], $0x80, v4, vm0, $0xb8;
	[tilespmem:$0x19000] =	vst v63  }
0x403: {  	s12 =	simm.s32 $0xE800  }
0x404: {  	[tilespmem:s12], [sflag:$0x2] =	stream.indirect_vreg.gather [hbm4b:s7+s3], $0x80, v4, vm0, $0xb8;
	[tilespmem:$0x19000] =	vst v63  }
0x405: {  	s13 =	simm.s32 $0xF000  }
0x406: {  	[tilespmem:s13], [sflag:$0x2] =	stream.indirect_vreg.gather [hbm4b:s2+s3], $0x80, v3, vm0, $0xb8;
	[tilespmem:$0x19000] =	vst v63  }
0x407: {  	s18 =	simm.s32 $0xF800  }
0x408: {  	[tilespmem:s18], [sflag:$0x2] =	stream.indirect_vreg.gather [hbm4b:s5+s3], $0x80, v3, vm0, $0xb8;
	[tilespmem:$0x19000] =	vst v63  }
0x409: {  	s28 =	simm.s32 $0x10000  }
0x40a: {  	[tilespmem:s28], [sflag:$0x2] =	stream.indirect_vreg.gather [hbm4b:s6+s3], $0x80, v3, vm0, $0xb8;
	[tilespmem:$0x19000] =	vst v63  }
0x40b: {  	s11 =	simm.s32 $0x10800  }
0x40c: {  	[tilespmem:s11], [sflag:$0x2] =	stream.indirect_vreg.gather [hbm4b:s7+s3], $0x80, v3, vm0, $0xb8;
	[tilespmem:$0x19000] =	vst v63  }
0x40d: {  	_ =	swait.ge [sflag:s19], $0x8000  }
0x40e: {  	[sflag:s19] =	ssyncset.done $0x0  }
0x40f: {  	s25 =	rddreg [dreg:$0x16];
	[sflag:s19] =	ssyncadd.s32 $0xFFFF8000  }
0x410: {  	[hbm4b:s25+s3] =	stream.linear.scatter [tilespmem:s8], [sflag:$0x4], $0x8000, $0x38;
	[tilespmem:$0x19000] =	vst v63  }
0x411: {  	_ =	swait.ge [sflag:s24], $0x8000  }
0x412: {  	[sflag:s24] =	ssyncset.done $0x0  }
0x413: {  	[sflag:s24] =	ssyncadd.s32 $0xFFFF8000  }
0x414: {  	v3 =	vld [tilespmem:$0xA00];
	_ =	sdelay $0x4  }
0x415: {  	v40 =	vshll.u32 v3, $0x3  }
0x416: {  	v3 =	vand.u32 $0x7, v3;
	v4 =	vand.u32 $0xFFFFFFC0, v40  }
0x417: {  	v3 =	vor.u32 v3, v4  }
0x418: {  	v4 =	vperm.xlane v3, v0;
	_ =	sdelay $0x1  }
0x419: {  	v4 =	vadd.s32 v1, v4;
	_ =	sdelay $0x4  }
0x41a: {  	[tilespmem:s29], [sflag:$0x3] =	stream.indirect_vreg.gather [hbm4b:s2+s3], $0x80, v4, vm0, $0xb8;
	[tilespmem:$0x19000] =	vst v63  }
0x41b: {  	s25 =	simm.s32 $0x11800;
	v3 =	vperm.xlane v3, v2  }
0x41c: {  	[tilespmem:s25], [sflag:$0x3] =	stream.indirect_vreg.gather [hbm4b:s5+s3], $0x80, v4, vm0, $0xb8;
	[tilespmem:$0x19000] =	vst v63  }
0x41d: {  	s14 =	simm.s32 $0x12000;
	v3 =	vadd.s32 v1, v3  }
0x41e: {  	[tilespmem:s14], [sflag:$0x3] =	stream.indirect_vreg.gather [hbm4b:s6+s3], $0x80, v4, vm0, $0xb8;
	[tilespmem:$0x19000] =	vst v63  }
0x41f: {  	s0 =	simm.s32 $0x12800  }
0x420: {  	[tilespmem:s0], [sflag:$0x3] =	stream.indirect_vreg.gather [hbm4b:s7+s3], $0x80, v4, vm0, $0xb8;
	[tilespmem:$0x19000] =	vst v63  }
0x421: {  	s31 =	simm.s32 $0x13000  }
0x422: {  	[tilespmem:s31], [sflag:$0x3] =	stream.indirect_vreg.gather [hbm4b:s2+s3], $0x80, v3, vm0, $0xb8;
	[tilespmem:$0x19000] =	vst v63  }
0x423: {  	s10 =	simm.s32 $0x13800  }
0x424: {  	[tilespmem:s10], [sflag:$0x3] =	stream.indirect_vreg.gather [hbm4b:s5+s3], $0x80, v3, vm0, $0xb8;
	[tilespmem:$0x19000] =	vst v63  }
0x425: {  	s15 =	simm.s32 $0x14000  }
0x426: {  	[tilespmem:s15], [sflag:$0x3] =	stream.indirect_vreg.gather [hbm4b:s6+s3], $0x80, v3, vm0, $0xb8;
	[tilespmem:$0x19000] =	vst v63  }
0x427: {  	s25 =	simm.s32 $0x14800  }
0x428: {  	[tilespmem:s25], [sflag:$0x3] =	stream.indirect_vreg.gather [hbm4b:s7+s3], $0x80, v3, vm0, $0xb8;
	[tilespmem:$0x19000] =	vst v63  }
0x429: {  	v3 =	vld [tilespmem:$0xA10];
	_ =	sdelay $0x4  }
0x42a: {  	v41 =	vshll.u32 v3, $0x3  }
0x42b: {  	v3 =	vand.u32 $0x7, v3;
	v4 =	vand.u32 $0xFFFFFFC0, v41  }
0x42c: {  	v3 =	vor.u32 v3, v4  }
0x42d: {  	v4 =	vperm.xlane v3, v0;
	_ =	sdelay $0x1  }
0x42e: {  	v4 =	vadd.s32 v1, v4;
	_ =	sdelay $0x3  }
0x42f: {  	s25 =	simm.s32 $0x15000  }
0x430: {  	[tilespmem:s25], [sflag:$0x3] =	stream.indirect_vreg.gather [hbm4b:s2+s3], $0x80, v4, vm0, $0xb8;
	[tilespmem:$0x19000] =	vst v63  }
0x431: {  	v3 =	vperm.xlane v3, v2;
	s25 =	simm.s32 $0x15800  }
0x432: {  	[tilespmem:s25], [sflag:$0x3] =	stream.indirect_vreg.gather [hbm4b:s5+s3], $0x80, v4, vm0, $0xb8;
	[tilespmem:$0x19000] =	vst v63  }
0x433: {  	s30 =	simm.s32 $0x16000;
	v3 =	vadd.s32 v1, v3  }
0x434: {  	[tilespmem:s30], [sflag:$0x3] =	stream.indirect_vreg.gather [hbm4b:s6+s3], $0x80, v4, vm0, $0xb8;
	[tilespmem:$0x19000] =	vst v63  }
0x435: {  	s25 =	simm.s32 $0x16800  }
0x436: {  	[tilespmem:s25], [sflag:$0x3] =	stream.indirect_vreg.gather [hbm4b:s7+s3], $0x80, v4, vm0, $0xb8;
	[tilespmem:$0x19000] =	vst v63  }
0x437: {  	s26 =	simm.s32 $0x17000  }
0x438: {  	[tilespmem:s26], [sflag:$0x3] =	stream.indirect_vreg.gather [hbm4b:s2+s3], $0x80, v3, vm0, $0xb8;
	[tilespmem:$0x19000] =	vst v63  }
0x439: {  	s25 =	simm.s32 $0x17800  }
0x43a: {  	[tilespmem:s25], [sflag:$0x3] =	stream.indirect_vreg.gather [hbm4b:s5+s3], $0x80, v3, vm0, $0xb8;
	[tilespmem:$0x19000] =	vst v63  }
0x43b: {  	s25 =	simm.s32 $0x18000  }
0x43c: {  	[tilespmem:s25], [sflag:$0x3] =	stream.indirect_vreg.gather [hbm4b:s6+s3], $0x80, v3, vm0, $0xb8;
	[tilespmem:$0x19000] =	vst v63  }
0x43d: {  	s25 =	simm.s32 $0x18800  }
0x43e: {  	[tilespmem:s25], [sflag:$0x3] =	stream.indirect_vreg.gather [hbm4b:s7+s3], $0x80, v3, vm0, $0xb8;
	[tilespmem:$0x19000] =	vst v63  }
0x43f: {  	_ =	swait.ge [sflag:s20], $0x8000  }
0x440: {  	[sflag:s20] =	ssyncset.done $0x0  }
0x441: {  	s25 =	rddreg [dreg:$0x17];
	[sflag:s20] =	ssyncadd.s32 $0xFFFF8000  }
0x442: {  	[hbm4b:s25+s3] =	stream.linear.scatter [tilespmem:s4], [sflag:$0x5], $0x8000, $0x38;
	[tilespmem:$0x19000] =	vst v63  }
0x443: {  	_ =	swait.ge [sflag:s21], $0x8000  }
0x444: {  	[sflag:s21] =	ssyncset.done $0x0  }
0x445: {  	[sflag:s21] =	ssyncadd.s32 $0xFFFF8000  }
0x446: {  	v3 =	vld [tilespmem:$0xA80];
	_ =	sdelay $0x4  }
0x447: {  	v42 =	vshll.u32 v3, $0x3  }
0x448: {  	v3 =	vand.u32 $0x7, v3;
	v4 =	vand.u32 $0xFFFFFFC0, v42  }
0x449: {  	v3 =	vor.u32 v3, v4  }
0x44a: {  	v4 =	vperm.xlane v3, v0;
	_ =	sdelay $0x1  }
0x44b: {  	v4 =	vadd.s32 v1, v4;
	_ =	sdelay $0x4  }
0x44c: {  	[tilespmem:s8], [sflag:$0x1] =	stream.indirect_vreg.gather [hbm4b:s2+s3], $0x80, v4, vm0, $0xb8;
	[tilespmem:$0x19000] =	vst v63  }
0x44d: {  	s25 =	simm.s32 $0x1800;
	v3 =	vperm.xlane v3, v2  }
0x44e: {  	[tilespmem:s25], [sflag:$0x1] =	stream.indirect_vreg.gather [hbm4b:s5+s3], $0x80, v4, vm0, $0xb8;
	[tilespmem:$0x19000] =	vst v63  }
0x44f: {  	v3 =	vadd.s32 v1, v3;
	s25 =	simm.s32 $0x2000  }
0x450: {  	[tilespmem:s25], [sflag:$0x1] =	stream.indirect_vreg.gather [hbm4b:s6+s3], $0x80, v4, vm0, $0xb8;
	[tilespmem:$0x19000] =	vst v63  }
0x451: {  	s25 =	simm.s32 $0x2800  }
0x452: {  	[tilespmem:s25], [sflag:$0x1] =	stream.indirect_vreg.gather [hbm4b:s7+s3], $0x80, v4, vm0, $0xb8;
	[tilespmem:$0x19000] =	vst v63  }
0x453: {  	s25 =	simm.s32 $0x3000  }
0x454: {  	[tilespmem:s25], [sflag:$0x1] =	stream.indirect_vreg.gather [hbm4b:s2+s3], $0x80, v3, vm0, $0xb8;
	[tilespmem:$0x19000] =	vst v63  }
0x455: {  	s25 =	simm.s32 $0x3800  }
0x456: {  	[tilespmem:s25], [sflag:$0x1] =	stream.indirect_vreg.gather [hbm4b:s5+s3], $0x80, v3, vm0, $0xb8;
	[tilespmem:$0x19000] =	vst v63  }
0x457: {  	s25 =	simm.s32 $0x4000  }
0x458: {  	[tilespmem:s25], [sflag:$0x1] =	stream.indirect_vreg.gather [hbm4b:s6+s3], $0x80, v3, vm0, $0xb8;
	[tilespmem:$0x19000] =	vst v63  }
0x459: {  	s25 =	simm.s32 $0x4800  }
0x45a: {  	[tilespmem:s25], [sflag:$0x1] =	stream.indirect_vreg.gather [hbm4b:s7+s3], $0x80, v3, vm0, $0xb8;
	[tilespmem:$0x19000] =	vst v63  }
0x45b: {  	v3 =	vld [tilespmem:$0xA90];
	_ =	sdelay $0x4  }
0x45c: {  	v43 =	vshll.u32 v3, $0x3  }
0x45d: {  	v3 =	vand.u32 $0x7, v3;
	v4 =	vand.u32 $0xFFFFFFC0, v43  }
0x45e: {  	v3 =	vor.u32 v3, v4  }
0x45f: {  	v4 =	vperm.xlane v3, v0;
	_ =	sdelay $0x1  }
0x460: {  	v4 =	vadd.s32 v1, v4;
	_ =	sdelay $0x3  }
0x461: {  	s25 =	simm.s32 $0x5000  }
0x462: {  	[tilespmem:s25], [sflag:$0x1] =	stream.indirect_vreg.gather [hbm4b:s2+s3], $0x80, v4, vm0, $0xb8;
	[tilespmem:$0x19000] =	vst v63  }
0x463: {  	v3 =	vperm.xlane v3, v2;
	s25 =	simm.s32 $0x5800  }
0x464: {  	[tilespmem:s25], [sflag:$0x1] =	stream.indirect_vreg.gather [hbm4b:s5+s3], $0x80, v4, vm0, $0xb8;
	[tilespmem:$0x19000] =	vst v63  }
0x465: {  	v3 =	vadd.s32 v1, v3;
	s25 =	simm.s32 $0x6000  }
0x466: {  	[tilespmem:s25], [sflag:$0x1] =	stream.indirect_vreg.gather [hbm4b:s6+s3], $0x80, v4, vm0, $0xb8;
	[tilespmem:$0x19000] =	vst v63  }
0x467: {  	s25 =	simm.s32 $0x6800  }
0x468: {  	[tilespmem:s25], [sflag:$0x1] =	stream.indirect_vreg.gather [hbm4b:s7+s3], $0x80, v4, vm0, $0xb8;
	[tilespmem:$0x19000] =	vst v63  }
0x469: {  	s25 =	simm.s32 $0x7000  }
0x46a: {  	[tilespmem:s25], [sflag:$0x1] =	stream.indirect_vreg.gather [hbm4b:s2+s3], $0x80, v3, vm0, $0xb8;
	[tilespmem:$0x19000] =	vst v63  }
0x46b: {  	s25 =	simm.s32 $0x7800  }
0x46c: {  	[tilespmem:s25], [sflag:$0x1] =	stream.indirect_vreg.gather [hbm4b:s5+s3], $0x80, v3, vm0, $0xb8;
	[tilespmem:$0x19000] =	vst v63  }
0x46d: {  	s25 =	simm.s32 $0x8000  }
0x46e: {  	[tilespmem:s25], [sflag:$0x1] =	stream.indirect_vreg.gather [hbm4b:s6+s3], $0x80, v3, vm0, $0xb8;
	[tilespmem:$0x19000] =	vst v63  }
0x46f: {  	s25 =	simm.s32 $0x8800  }
0x470: {  	[tilespmem:s25], [sflag:$0x1] =	stream.indirect_vreg.gather [hbm4b:s7+s3], $0x80, v3, vm0, $0xb8;
	[tilespmem:$0x19000] =	vst v63  }
0x471: {  	_ =	swait.ge [sflag:s22], $0x8000  }
0x472: {  	[sflag:s22] =	ssyncset.done $0x0  }
0x473: {  	s25 =	rddreg [dreg:$0x18];
	[sflag:s22] =	ssyncadd.s32 $0xFFFF8000  }
0x474: {  	[hbm4b:s25+s3] =	stream.linear.scatter [tilespmem:s29], [sflag:$0x6], $0x8000, $0x38;
	[tilespmem:$0x19000] =	vst v63  }
0x475: {  	_ =	swait.ge [sflag:s23], $0x8000  }
0x476: {  	[sflag:s23] =	ssyncset.done $0x0  }
0x477: {  	[sflag:s23] =	ssyncadd.s32 $0xFFFF8000  }
0x478: {  	v3 =	vld [tilespmem:$0xB00];
	_ =	sdelay $0x4  }
0x479: {  	v44 =	vshll.u32 v3, $0x3  }
0x47a: {  	v3 =	vand.u32 $0x7, v3;
	v4 =	vand.u32 $0xFFFFFFC0, v44  }
0x47b: {  	v3 =	vor.u32 v3, v4  }
0x47c: {  	v4 =	vperm.xlane v3, v0;
	_ =	sdelay $0x1  }
0x47d: {  	v4 =	vadd.s32 v1, v4;
	_ =	sdelay $0x4  }
0x47e: {  	[tilespmem:s4], [sflag:$0x2] =	stream.indirect_vreg.gather [hbm4b:s2+s3], $0x80, v4, vm0, $0xb8;
	[tilespmem:$0x19000] =	vst v63  }
0x47f: {  	s1 =	simm.s32 $0x9800;
	v3 =	vperm.xlane v3, v2  }
0x480: {  	[tilespmem:s1], [sflag:$0x2] =	stream.indirect_vreg.gather [hbm4b:s5+s3], $0x80, v4, vm0, $0xb8;
	[tilespmem:$0x19000] =	vst v63  }
0x481: {  	s25 =	simm.s32 $0xA000;
	v3 =	vadd.s32 v1, v3  }
0x482: {  	[tilespmem:s25], [sflag:$0x2] =	stream.indirect_vreg.gather [hbm4b:s6+s3], $0x80, v4, vm0, $0xb8;
	[tilespmem:$0x19000] =	vst v63  }
0x483: {  	s25 =	simm.s32 $0xA800  }
0x484: {  	[tilespmem:s25], [sflag:$0x2] =	stream.indirect_vreg.gather [hbm4b:s7+s3], $0x80, v4, vm0, $0xb8;
	[tilespmem:$0x19000] =	vst v63  }
0x485: {  	s25 =	simm.s32 $0xB000  }
0x486: {  	[tilespmem:s25], [sflag:$0x2] =	stream.indirect_vreg.gather [hbm4b:s2+s3], $0x80, v3, vm0, $0xb8;
	[tilespmem:$0x19000] =	vst v63  }
0x487: {  	s25 =	simm.s32 $0xB800  }
0x488: {  	[tilespmem:s25], [sflag:$0x2] =	stream.indirect_vreg.gather [hbm4b:s5+s3], $0x80, v3, vm0, $0xb8;
	[tilespmem:$0x19000] =	vst v63  }
0x489: {  	s25 =	simm.s32 $0xC000  }
0x48a: {  	[tilespmem:s25], [sflag:$0x2] =	stream.indirect_vreg.gather [hbm4b:s6+s3], $0x80, v3, vm0, $0xb8;
	[tilespmem:$0x19000] =	vst v63  }
0x48b: {  	s9 =	simm.s32 $0xC800  }
0x48c: {  	[tilespmem:s9], [sflag:$0x2] =	stream.indirect_vreg.gather [hbm4b:s7+s3], $0x80, v3, vm0, $0xb8;
	[tilespmem:$0x19000] =	vst v63  }
0x48d: {  	v3 =	vld [tilespmem:$0xB10];
	_ =	sdelay $0x4  }
0x48e: {  	v45 =	vshll.u32 v3, $0x3  }
0x48f: {  	v3 =	vand.u32 $0x7, v3;
	v4 =	vand.u32 $0xFFFFFFC0, v45  }
0x490: {  	v3 =	vor.u32 v3, v4  }
0x491: {  	v4 =	vperm.xlane v3, v0;
	_ =	sdelay $0x1  }
0x492: {  	v4 =	vadd.s32 v1, v4;
	_ =	sdelay $0x3  }
0x493: {  	s16 =	simm.s32 $0xD000  }
0x494: {  	[tilespmem:s16], [sflag:$0x2] =	stream.indirect_vreg.gather [hbm4b:s2+s3], $0x80, v4, vm0, $0xb8;
	[tilespmem:$0x19000] =	vst v63  }
0x495: {  	s17 =	simm.s32 $0xD800;
	v3 =	vperm.xlane v3, v2  }
0x496: {  	[tilespmem:s17], [sflag:$0x2] =	stream.indirect_vreg.gather [hbm4b:s5+s3], $0x80, v4, vm0, $0xb8;
	[tilespmem:$0x19000] =	vst v63  }
0x497: {  	s25 =	simm.s32 $0xE000;
	v3 =	vadd.s32 v1, v3  }
0x498: {  	[tilespmem:s25], [sflag:$0x2] =	stream.indirect_vreg.gather [hbm4b:s6+s3], $0x80, v4, vm0, $0xb8;
	[tilespmem:$0x19000] =	vst v63  }
0x499: {  	s12 =	simm.s32 $0xE800  }
0x49a: {  	[tilespmem:s12], [sflag:$0x2] =	stream.indirect_vreg.gather [hbm4b:s7+s3], $0x80, v4, vm0, $0xb8;
	[tilespmem:$0x19000] =	vst v63  }
0x49b: {  	s13 =	simm.s32 $0xF000  }
0x49c: {  	[tilespmem:s13], [sflag:$0x2] =	stream.indirect_vreg.gather [hbm4b:s2+s3], $0x80, v3, vm0, $0xb8;
	[tilespmem:$0x19000] =	vst v63  }
0x49d: {  	s18 =	simm.s32 $0xF800  }
0x49e: {  	[tilespmem:s18], [sflag:$0x2] =	stream.indirect_vreg.gather [hbm4b:s5+s3], $0x80, v3, vm0, $0xb8;
	[tilespmem:$0x19000] =	vst v63  }
0x49f: {  	s28 =	simm.s32 $0x10000  }
0x4a0: {  	[tilespmem:s28], [sflag:$0x2] =	stream.indirect_vreg.gather [hbm4b:s6+s3], $0x80, v3, vm0, $0xb8;
	[tilespmem:$0x19000] =	vst v63  }
0x4a1: {  	s11 =	simm.s32 $0x10800  }
0x4a2: {  	[tilespmem:s11], [sflag:$0x2] =	stream.indirect_vreg.gather [hbm4b:s7+s3], $0x80, v3, vm0, $0xb8;
	[tilespmem:$0x19000] =	vst v63  }
0x4a3: {  	_ =	swait.ge [sflag:s19], $0x8000  }
0x4a4: {  	[sflag:s19] =	ssyncset.done $0x0  }
0x4a5: {  	s25 =	rddreg [dreg:$0x19];
	[sflag:s19] =	ssyncadd.s32 $0xFFFF8000  }
0x4a6: {  	[hbm4b:s25+s3] =	stream.linear.scatter [tilespmem:s8], [sflag:$0x4], $0x8000, $0x38;
	[tilespmem:$0x19000] =	vst v63  }
0x4a7: {  	_ =	swait.ge [sflag:s24], $0x8000  }
0x4a8: {  	[sflag:s24] =	ssyncset.done $0x0  }
0x4a9: {  	[sflag:s24] =	ssyncadd.s32 $0xFFFF8000  }
0x4aa: {  	v3 =	vld [tilespmem:$0xB80];
	_ =	sdelay $0x4  }
0x4ab: {  	v46 =	vshll.u32 v3, $0x3  }
0x4ac: {  	v3 =	vand.u32 $0x7, v3;
	v4 =	vand.u32 $0xFFFFFFC0, v46  }
0x4ad: {  	v3 =	vor.u32 v3, v4  }
0x4ae: {  	v4 =	vperm.xlane v3, v0;
	_ =	sdelay $0x1  }
0x4af: {  	v4 =	vadd.s32 v1, v4;
	_ =	sdelay $0x4  }
0x4b0: {  	[tilespmem:s29], [sflag:$0x3] =	stream.indirect_vreg.gather [hbm4b:s2+s3], $0x80, v4, vm0, $0xb8;
	[tilespmem:$0x19000] =	vst v63  }
0x4b1: {  	s25 =	simm.s32 $0x11800;
	v3 =	vperm.xlane v3, v2  }
0x4b2: {  	[tilespmem:s25], [sflag:$0x3] =	stream.indirect_vreg.gather [hbm4b:s5+s3], $0x80, v4, vm0, $0xb8;
	[tilespmem:$0x19000] =	vst v63  }
0x4b3: {  	s14 =	simm.s32 $0x12000;
	v3 =	vadd.s32 v1, v3  }
0x4b4: {  	[tilespmem:s14], [sflag:$0x3] =	stream.indirect_vreg.gather [hbm4b:s6+s3], $0x80, v4, vm0, $0xb8;
	[tilespmem:$0x19000] =	vst v63  }
0x4b5: {  	s0 =	simm.s32 $0x12800  }
0x4b6: {  	[tilespmem:s0], [sflag:$0x3] =	stream.indirect_vreg.gather [hbm4b:s7+s3], $0x80, v4, vm0, $0xb8;
	[tilespmem:$0x19000] =	vst v63  }
0x4b7: {  	s31 =	simm.s32 $0x13000  }
0x4b8: {  	[tilespmem:s31], [sflag:$0x3] =	stream.indirect_vreg.gather [hbm4b:s2+s3], $0x80, v3, vm0, $0xb8;
	[tilespmem:$0x19000] =	vst v63  }
0x4b9: {  	s10 =	simm.s32 $0x13800  }
0x4ba: {  	[tilespmem:s10], [sflag:$0x3] =	stream.indirect_vreg.gather [hbm4b:s5+s3], $0x80, v3, vm0, $0xb8;
	[tilespmem:$0x19000] =	vst v63  }
0x4bb: {  	s15 =	simm.s32 $0x14000  }
0x4bc: {  	[tilespmem:s15], [sflag:$0x3] =	stream.indirect_vreg.gather [hbm4b:s6+s3], $0x80, v3, vm0, $0xb8;
	[tilespmem:$0x19000] =	vst v63  }
0x4bd: {  	s25 =	simm.s32 $0x14800  }
0x4be: {  	[tilespmem:s25], [sflag:$0x3] =	stream.indirect_vreg.gather [hbm4b:s7+s3], $0x80, v3, vm0, $0xb8;
	[tilespmem:$0x19000] =	vst v63  }
0x4bf: {  	v3 =	vld [tilespmem:$0xB90];
	_ =	sdelay $0x4  }
0x4c0: {  	v47 =	vshll.u32 v3, $0x3  }
0x4c1: {  	v3 =	vand.u32 $0x7, v3;
	v4 =	vand.u32 $0xFFFFFFC0, v47  }
0x4c2: {  	v3 =	vor.u32 v3, v4  }
0x4c3: {  	v4 =	vperm.xlane v3, v0;
	_ =	sdelay $0x1  }
0x4c4: {  	v4 =	vadd.s32 v1, v4;
	_ =	sdelay $0x3  }
0x4c5: {  	s25 =	simm.s32 $0x15000  }
0x4c6: {  	[tilespmem:s25], [sflag:$0x3] =	stream.indirect_vreg.gather [hbm4b:s2+s3], $0x80, v4, vm0, $0xb8;
	[tilespmem:$0x19000] =	vst v63  }
0x4c7: {  	v3 =	vperm.xlane v3, v2;
	s25 =	simm.s32 $0x15800  }
0x4c8: {  	[tilespmem:s25], [sflag:$0x3] =	stream.indirect_vreg.gather [hbm4b:s5+s3], $0x80, v4, vm0, $0xb8;
	[tilespmem:$0x19000] =	vst v63  }
0x4c9: {  	s30 =	simm.s32 $0x16000;
	v3 =	vadd.s32 v1, v3  }
0x4ca: {  	[tilespmem:s30], [sflag:$0x3] =	stream.indirect_vreg.gather [hbm4b:s6+s3], $0x80, v4, vm0, $0xb8;
	[tilespmem:$0x19000] =	vst v63  }
0x4cb: {  	s25 =	simm.s32 $0x16800  }
0x4cc: {  	[tilespmem:s25], [sflag:$0x3] =	stream.indirect_vreg.gather [hbm4b:s7+s3], $0x80, v4, vm0, $0xb8;
	[tilespmem:$0x19000] =	vst v63  }
0x4cd: {  	s26 =	simm.s32 $0x17000  }
0x4ce: {  	[tilespmem:s26], [sflag:$0x3] =	stream.indirect_vreg.gather [hbm4b:s2+s3], $0x80, v3, vm0, $0xb8;
	[tilespmem:$0x19000] =	vst v63  }
0x4cf: {  	s25 =	simm.s32 $0x17800  }
0x4d0: {  	[tilespmem:s25], [sflag:$0x3] =	stream.indirect_vreg.gather [hbm4b:s5+s3], $0x80, v3, vm0, $0xb8;
	[tilespmem:$0x19000] =	vst v63  }
0x4d1: {  	s25 =	simm.s32 $0x18000  }
0x4d2: {  	[tilespmem:s25], [sflag:$0x3] =	stream.indirect_vreg.gather [hbm4b:s6+s3], $0x80, v3, vm0, $0xb8;
	[tilespmem:$0x19000] =	vst v63  }
0x4d3: {  	s25 =	simm.s32 $0x18800  }
0x4d4: {  	[tilespmem:s25], [sflag:$0x3] =	stream.indirect_vreg.gather [hbm4b:s7+s3], $0x80, v3, vm0, $0xb8;
	[tilespmem:$0x19000] =	vst v63  }
0x4d5: {  	_ =	swait.ge [sflag:s20], $0x8000  }
0x4d6: {  	[sflag:s20] =	ssyncset.done $0x0  }
0x4d7: {  	s25 =	rddreg [dreg:$0x1a];
	[sflag:s20] =	ssyncadd.s32 $0xFFFF8000  }
0x4d8: {  	[hbm4b:s25+s3] =	stream.linear.scatter [tilespmem:s4], [sflag:$0x5], $0x8000, $0x38;
	[tilespmem:$0x19000] =	vst v63  }
0x4d9: {  	_ =	swait.ge [sflag:s21], $0x8000  }
0x4da: {  	[sflag:s21] =	ssyncset.done $0x0  }
0x4db: {  	[sflag:s21] =	ssyncadd.s32 $0xFFFF8000  }
0x4dc: {  	v3 =	vld [tilespmem:$0xC00];
	_ =	sdelay $0x4  }
0x4dd: {  	v48 =	vshll.u32 v3, $0x3  }
0x4de: {  	v3 =	vand.u32 $0x7, v3;
	v4 =	vand.u32 $0xFFFFFFC0, v48  }
0x4df: {  	v3 =	vor.u32 v3, v4  }
0x4e0: {  	v4 =	vperm.xlane v3, v0;
	_ =	sdelay $0x1  }
0x4e1: {  	v4 =	vadd.s32 v1, v4;
	_ =	sdelay $0x4  }
0x4e2: {  	[tilespmem:s8], [sflag:$0x1] =	stream.indirect_vreg.gather [hbm4b:s2+s3], $0x80, v4, vm0, $0xb8;
	[tilespmem:$0x19000] =	vst v63  }
0x4e3: {  	s25 =	simm.s32 $0x1800;
	v3 =	vperm.xlane v3, v2  }
0x4e4: {  	[tilespmem:s25], [sflag:$0x1] =	stream.indirect_vreg.gather [hbm4b:s5+s3], $0x80, v4, vm0, $0xb8;
	[tilespmem:$0x19000] =	vst v63  }
0x4e5: {  	v3 =	vadd.s32 v1, v3;
	s25 =	simm.s32 $0x2000  }
0x4e6: {  	[tilespmem:s25], [sflag:$0x1] =	stream.indirect_vreg.gather [hbm4b:s6+s3], $0x80, v4, vm0, $0xb8;
	[tilespmem:$0x19000] =	vst v63  }
0x4e7: {  	s25 =	simm.s32 $0x2800  }
0x4e8: {  	[tilespmem:s25], [sflag:$0x1] =	stream.indirect_vreg.gather [hbm4b:s7+s3], $0x80, v4, vm0, $0xb8;
	[tilespmem:$0x19000] =	vst v63  }
0x4e9: {  	s25 =	simm.s32 $0x3000  }
0x4ea: {  	[tilespmem:s25], [sflag:$0x1] =	stream.indirect_vreg.gather [hbm4b:s2+s3], $0x80, v3, vm0, $0xb8;
	[tilespmem:$0x19000] =	vst v63  }
0x4eb: {  	s25 =	simm.s32 $0x3800  }
0x4ec: {  	[tilespmem:s25], [sflag:$0x1] =	stream.indirect_vreg.gather [hbm4b:s5+s3], $0x80, v3, vm0, $0xb8;
	[tilespmem:$0x19000] =	vst v63  }
0x4ed: {  	s25 =	simm.s32 $0x4000  }
0x4ee: {  	[tilespmem:s25], [sflag:$0x1] =	stream.indirect_vreg.gather [hbm4b:s6+s3], $0x80, v3, vm0, $0xb8;
	[tilespmem:$0x19000] =	vst v63  }
0x4ef: {  	s25 =	simm.s32 $0x4800  }
0x4f0: {  	[tilespmem:s25], [sflag:$0x1] =	stream.indirect_vreg.gather [hbm4b:s7+s3], $0x80, v3, vm0, $0xb8;
	[tilespmem:$0x19000] =	vst v63  }
0x4f1: {  	v3 =	vld [tilespmem:$0xC10];
	_ =	sdelay $0x4  }
0x4f2: {  	v49 =	vshll.u32 v3, $0x3  }
0x4f3: {  	v3 =	vand.u32 $0x7, v3;
	v4 =	vand.u32 $0xFFFFFFC0, v49  }
0x4f4: {  	v3 =	vor.u32 v3, v4  }
0x4f5: {  	v4 =	vperm.xlane v3, v0;
	_ =	sdelay $0x1  }
0x4f6: {  	v4 =	vadd.s32 v1, v4;
	_ =	sdelay $0x3  }
0x4f7: {  	s25 =	simm.s32 $0x5000  }
0x4f8: {  	[tilespmem:s25], [sflag:$0x1] =	stream.indirect_vreg.gather [hbm4b:s2+s3], $0x80, v4, vm0, $0xb8;
	[tilespmem:$0x19000] =	vst v63  }
0x4f9: {  	v3 =	vperm.xlane v3, v2;
	s25 =	simm.s32 $0x5800  }
0x4fa: {  	[tilespmem:s25], [sflag:$0x1] =	stream.indirect_vreg.gather [hbm4b:s5+s3], $0x80, v4, vm0, $0xb8;
	[tilespmem:$0x19000] =	vst v63  }
0x4fb: {  	v3 =	vadd.s32 v1, v3;
	s25 =	simm.s32 $0x6000  }
0x4fc: {  	[tilespmem:s25], [sflag:$0x1] =	stream.indirect_vreg.gather [hbm4b:s6+s3], $0x80, v4, vm0, $0xb8;
	[tilespmem:$0x19000] =	vst v63  }
0x4fd: {  	s25 =	simm.s32 $0x6800  }
0x4fe: {  	[tilespmem:s25], [sflag:$0x1] =	stream.indirect_vreg.gather [hbm4b:s7+s3], $0x80, v4, vm0, $0xb8;
	[tilespmem:$0x19000] =	vst v63  }
0x4ff: {  	s25 =	simm.s32 $0x7000  }
0x500: {  	[tilespmem:s25], [sflag:$0x1] =	stream.indirect_vreg.gather [hbm4b:s2+s3], $0x80, v3, vm0, $0xb8;
	[tilespmem:$0x19000] =	vst v63  }
0x501: {  	s25 =	simm.s32 $0x7800  }
0x502: {  	[tilespmem:s25], [sflag:$0x1] =	stream.indirect_vreg.gather [hbm4b:s5+s3], $0x80, v3, vm0, $0xb8;
	[tilespmem:$0x19000] =	vst v63  }
0x503: {  	s25 =	simm.s32 $0x8000  }
0x504: {  	[tilespmem:s25], [sflag:$0x1] =	stream.indirect_vreg.gather [hbm4b:s6+s3], $0x80, v3, vm0, $0xb8;
	[tilespmem:$0x19000] =	vst v63  }
0x505: {  	s25 =	simm.s32 $0x8800  }
0x506: {  	[tilespmem:s25], [sflag:$0x1] =	stream.indirect_vreg.gather [hbm4b:s7+s3], $0x80, v3, vm0, $0xb8;
	[tilespmem:$0x19000] =	vst v63  }
0x507: {  	_ =	swait.ge [sflag:s22], $0x8000  }
0x508: {  	[sflag:s22] =	ssyncset.done $0x0  }
0x509: {  	s25 =	rddreg [dreg:$0x1b];
	[sflag:s22] =	ssyncadd.s32 $0xFFFF8000  }
0x50a: {  	[hbm4b:s25+s3] =	stream.linear.scatter [tilespmem:s29], [sflag:$0x6], $0x8000, $0x38;
	[tilespmem:$0x19000] =	vst v63  }
0x50b: {  	_ =	swait.ge [sflag:s23], $0x8000  }
0x50c: {  	[sflag:s23] =	ssyncset.done $0x0  }
0x50d: {  	[sflag:s23] =	ssyncadd.s32 $0xFFFF8000  }
0x50e: {  	v3 =	vld [tilespmem:$0xC80];
	_ =	sdelay $0x4  }
0x50f: {  	v50 =	vshll.u32 v3, $0x3  }
0x510: {  	v3 =	vand.u32 $0x7, v3;
	v4 =	vand.u32 $0xFFFFFFC0, v50  }
0x511: {  	v3 =	vor.u32 v3, v4  }
0x512: {  	v4 =	vperm.xlane v3, v0;
	_ =	sdelay $0x1  }
0x513: {  	v4 =	vadd.s32 v1, v4;
	_ =	sdelay $0x4  }
0x514: {  	[tilespmem:s4], [sflag:$0x2] =	stream.indirect_vreg.gather [hbm4b:s2+s3], $0x80, v4, vm0, $0xb8;
	[tilespmem:$0x19000] =	vst v63  }
0x515: {  	s1 =	simm.s32 $0x9800;
	v3 =	vperm.xlane v3, v2  }
0x516: {  	[tilespmem:s1], [sflag:$0x2] =	stream.indirect_vreg.gather [hbm4b:s5+s3], $0x80, v4, vm0, $0xb8;
	[tilespmem:$0x19000] =	vst v63  }
0x517: {  	s25 =	simm.s32 $0xA000;
	v3 =	vadd.s32 v1, v3  }
0x518: {  	[tilespmem:s25], [sflag:$0x2] =	stream.indirect_vreg.gather [hbm4b:s6+s3], $0x80, v4, vm0, $0xb8;
	[tilespmem:$0x19000] =	vst v63  }
0x519: {  	s25 =	simm.s32 $0xA800  }
0x51a: {  	[tilespmem:s25], [sflag:$0x2] =	stream.indirect_vreg.gather [hbm4b:s7+s3], $0x80, v4, vm0, $0xb8;
	[tilespmem:$0x19000] =	vst v63  }
0x51b: {  	s25 =	simm.s32 $0xB000  }
0x51c: {  	[tilespmem:s25], [sflag:$0x2] =	stream.indirect_vreg.gather [hbm4b:s2+s3], $0x80, v3, vm0, $0xb8;
	[tilespmem:$0x19000] =	vst v63  }
0x51d: {  	s25 =	simm.s32 $0xB800  }
0x51e: {  	[tilespmem:s25], [sflag:$0x2] =	stream.indirect_vreg.gather [hbm4b:s5+s3], $0x80, v3, vm0, $0xb8;
	[tilespmem:$0x19000] =	vst v63  }
0x51f: {  	s25 =	simm.s32 $0xC000  }
0x520: {  	[tilespmem:s25], [sflag:$0x2] =	stream.indirect_vreg.gather [hbm4b:s6+s3], $0x80, v3, vm0, $0xb8;
	[tilespmem:$0x19000] =	vst v63  }
0x521: {  	s9 =	simm.s32 $0xC800  }
0x522: {  	[tilespmem:s9], [sflag:$0x2] =	stream.indirect_vreg.gather [hbm4b:s7+s3], $0x80, v3, vm0, $0xb8;
	[tilespmem:$0x19000] =	vst v63  }
0x523: {  	v3 =	vld [tilespmem:$0xC90];
	_ =	sdelay $0x4  }
0x524: {  	v51 =	vshll.u32 v3, $0x3  }
0x525: {  	v3 =	vand.u32 $0x7, v3;
	v4 =	vand.u32 $0xFFFFFFC0, v51  }
0x526: {  	v3 =	vor.u32 v3, v4  }
0x527: {  	v4 =	vperm.xlane v3, v0;
	_ =	sdelay $0x1  }
0x528: {  	v4 =	vadd.s32 v1, v4;
	_ =	sdelay $0x3  }
0x529: {  	s16 =	simm.s32 $0xD000  }
0x52a: {  	[tilespmem:s16], [sflag:$0x2] =	stream.indirect_vreg.gather [hbm4b:s2+s3], $0x80, v4, vm0, $0xb8;
	[tilespmem:$0x19000] =	vst v63  }
0x52b: {  	s17 =	simm.s32 $0xD800;
	v3 =	vperm.xlane v3, v2  }
0x52c: {  	[tilespmem:s17], [sflag:$0x2] =	stream.indirect_vreg.gather [hbm4b:s5+s3], $0x80, v4, vm0, $0xb8;
	[tilespmem:$0x19000] =	vst v63  }
0x52d: {  	s9 =	simm.s32 $0xE000;
	v3 =	vadd.s32 v1, v3  }
0x52e: {  	[tilespmem:s9], [sflag:$0x2] =	stream.indirect_vreg.gather [hbm4b:s6+s3], $0x80, v4, vm0, $0xb8;
	[tilespmem:$0x19000] =	vst v63  }
0x52f: {  	s12 =	simm.s32 $0xE800  }
0x530: {  	[tilespmem:s12], [sflag:$0x2] =	stream.indirect_vreg.gather [hbm4b:s7+s3], $0x80, v4, vm0, $0xb8;
	[tilespmem:$0x19000] =	vst v63  }
0x531: {  	s13 =	simm.s32 $0xF000  }
0x532: {  	[tilespmem:s13], [sflag:$0x2] =	stream.indirect_vreg.gather [hbm4b:s2+s3], $0x80, v3, vm0, $0xb8;
	[tilespmem:$0x19000] =	vst v63  }
0x533: {  	s18 =	simm.s32 $0xF800  }
0x534: {  	[tilespmem:s18], [sflag:$0x2] =	stream.indirect_vreg.gather [hbm4b:s5+s3], $0x80, v3, vm0, $0xb8;
	[tilespmem:$0x19000] =	vst v63  }
0x535: {  	s28 =	simm.s32 $0x10000  }
0x536: {  	[tilespmem:s28], [sflag:$0x2] =	stream.indirect_vreg.gather [hbm4b:s6+s3], $0x80, v3, vm0, $0xb8;
	[tilespmem:$0x19000] =	vst v63  }
0x537: {  	s11 =	simm.s32 $0x10800  }
0x538: {  	[tilespmem:s11], [sflag:$0x2] =	stream.indirect_vreg.gather [hbm4b:s7+s3], $0x80, v3, vm0, $0xb8;
	[tilespmem:$0x19000] =	vst v63  }
0x539: {  	_ =	swait.ge [sflag:s19], $0x8000  }
0x53a: {  	[sflag:s19] =	ssyncset.done $0x0  }
0x53b: {  	s13 =	rddreg [dreg:$0x1c];
	[sflag:s19] =	ssyncadd.s32 $0xFFFF8000  }
0x53c: {  	[hbm4b:s13+s3] =	stream.linear.scatter [tilespmem:s8], [sflag:$0x4], $0x8000, $0x38;
	[tilespmem:$0x19000] =	vst v63  }
0x53d: {  	_ =	swait.ge [sflag:s24], $0x8000  }
0x53e: {  	[sflag:s24] =	ssyncset.done $0x0  }
0x53f: {  	[sflag:s24] =	ssyncadd.s32 $0xFFFF8000  }
0x540: {  	v3 =	vld [tilespmem:$0xD00];
	_ =	sdelay $0x4  }
0x541: {  	v52 =	vshll.u32 v3, $0x3  }
0x542: {  	v3 =	vand.u32 $0x7, v3;
	v4 =	vand.u32 $0xFFFFFFC0, v52  }
0x543: {  	v3 =	vor.u32 v3, v4  }
0x544: {  	v4 =	vperm.xlane v3, v0;
	_ =	sdelay $0x1  }
0x545: {  	v4 =	vadd.s32 v1, v4;
	_ =	sdelay $0x4  }
0x546: {  	[tilespmem:s29], [sflag:$0x3] =	stream.indirect_vreg.gather [hbm4b:s2+s3], $0x80, v4, vm0, $0xb8;
	[tilespmem:$0x19000] =	vst v63  }
0x547: {  	s16 =	simm.s32 $0x11800;
	v3 =	vperm.xlane v3, v2  }
0x548: {  	[tilespmem:s16], [sflag:$0x3] =	stream.indirect_vreg.gather [hbm4b:s5+s3], $0x80, v4, vm0, $0xb8;
	[tilespmem:$0x19000] =	vst v63  }
0x549: {  	s14 =	simm.s32 $0x12000;
	v3 =	vadd.s32 v1, v3  }
0x54a: {  	[tilespmem:s14], [sflag:$0x3] =	stream.indirect_vreg.gather [hbm4b:s6+s3], $0x80, v4, vm0, $0xb8;
	[tilespmem:$0x19000] =	vst v63  }
0x54b: {  	s0 =	simm.s32 $0x12800  }
0x54c: {  	[tilespmem:s0], [sflag:$0x3] =	stream.indirect_vreg.gather [hbm4b:s7+s3], $0x80, v4, vm0, $0xb8;
	[tilespmem:$0x19000] =	vst v63  }
0x54d: {  	s31 =	simm.s32 $0x13000  }
0x54e: {  	[tilespmem:s31], [sflag:$0x3] =	stream.indirect_vreg.gather [hbm4b:s2+s3], $0x80, v3, vm0, $0xb8;
	[tilespmem:$0x19000] =	vst v63  }
0x54f: {  	s10 =	simm.s32 $0x13800  }
0x550: {  	[tilespmem:s10], [sflag:$0x3] =	stream.indirect_vreg.gather [hbm4b:s5+s3], $0x80, v3, vm0, $0xb8;
	[tilespmem:$0x19000] =	vst v63  }
0x551: {  	s15 =	simm.s32 $0x14000  }
0x552: {  	[tilespmem:s15], [sflag:$0x3] =	stream.indirect_vreg.gather [hbm4b:s6+s3], $0x80, v3, vm0, $0xb8;
	[tilespmem:$0x19000] =	vst v63  }
0x553: {  	s17 =	simm.s32 $0x14800  }
0x554: {  	[tilespmem:s17], [sflag:$0x3] =	stream.indirect_vreg.gather [hbm4b:s7+s3], $0x80, v3, vm0, $0xb8;
	[tilespmem:$0x19000] =	vst v63  }
0x555: {  	v3 =	vld [tilespmem:$0xD10];
	_ =	sdelay $0x4  }
0x556: {  	v53 =	vshll.u32 v3, $0x3  }
0x557: {  	v3 =	vand.u32 $0x7, v3;
	v4 =	vand.u32 $0xFFFFFFC0, v53  }
0x558: {  	v3 =	vor.u32 v3, v4  }
0x559: {  	v4 =	vperm.xlane v3, v0;
	_ =	sdelay $0x1  }
0x55a: {  	v4 =	vadd.s32 v1, v4;
	_ =	sdelay $0x3  }
0x55b: {  	s18 =	simm.s32 $0x15000  }
0x55c: {  	[tilespmem:s18], [sflag:$0x3] =	stream.indirect_vreg.gather [hbm4b:s2+s3], $0x80, v4, vm0, $0xb8;
	[tilespmem:$0x19000] =	vst v63  }
0x55d: {  	s25 =	simm.s32 $0x15800;
	v3 =	vperm.xlane v3, v2  }
0x55e: {  	[tilespmem:s25], [sflag:$0x3] =	stream.indirect_vreg.gather [hbm4b:s5+s3], $0x80, v4, vm0, $0xb8;
	[tilespmem:$0x19000] =	vst v63  }
0x55f: {  	s30 =	simm.s32 $0x16000;
	v3 =	vadd.s32 v1, v3  }
0x560: {  	[tilespmem:s30], [sflag:$0x3] =	stream.indirect_vreg.gather [hbm4b:s6+s3], $0x80, v4, vm0, $0xb8;
	[tilespmem:$0x19000] =	vst v63  }
0x561: {  	s31 =	simm.s32 $0x16800  }
0x562: {  	[tilespmem:s31], [sflag:$0x3] =	stream.indirect_vreg.gather [hbm4b:s7+s3], $0x80, v4, vm0, $0xb8;
	[tilespmem:$0x19000] =	vst v63  }
0x563: {  	s26 =	simm.s32 $0x17000  }
0x564: {  	[tilespmem:s26], [sflag:$0x3] =	stream.indirect_vreg.gather [hbm4b:s2+s3], $0x80, v3, vm0, $0xb8;
	[tilespmem:$0x19000] =	vst v63  }
0x565: {  	s17 =	simm.s32 $0x17800  }
0x566: {  	[tilespmem:s17], [sflag:$0x3] =	stream.indirect_vreg.gather [hbm4b:s5+s3], $0x80, v3, vm0, $0xb8;
	[tilespmem:$0x19000] =	vst v63  }
0x567: {  	s18 =	simm.s32 $0x18000  }
0x568: {  	[tilespmem:s18], [sflag:$0x3] =	stream.indirect_vreg.gather [hbm4b:s6+s3], $0x80, v3, vm0, $0xb8;
	[tilespmem:$0x19000] =	vst v63  }
0x569: {  	s25 =	simm.s32 $0x18800  }
0x56a: {  	[tilespmem:s25], [sflag:$0x3] =	stream.indirect_vreg.gather [hbm4b:s7+s3], $0x80, v3, vm0, $0xb8;
	[tilespmem:$0x19000] =	vst v63  }
0x56b: {  	_ =	swait.ge [sflag:s20], $0x8000  }
0x56c: {  	[sflag:s20] =	ssyncset.done $0x0  }
0x56d: {  	s18 =	rddreg [dreg:$0x1d];
	[sflag:s20] =	ssyncadd.s32 $0xFFFF8000  }
0x56e: {  	[hbm4b:s18+s3] =	stream.linear.scatter [tilespmem:s4], [sflag:$0x5], $0x8000, $0x38;
	[tilespmem:$0x19000] =	vst v63  }
0x56f: {  	_ =	swait.ge [sflag:s21], $0x8000  }
0x570: {  	[sflag:s21] =	ssyncset.done $0x0  }
0x571: {  	[sflag:s21] =	ssyncadd.s32 $0xFFFF8000  }
0x572: {  	v3 =	vld [tilespmem:$0xD80];
	_ =	sdelay $0x4  }
0x573: {  	v54 =	vshll.u32 v3, $0x3  }
0x574: {  	v3 =	vand.u32 $0x7, v3;
	v4 =	vand.u32 $0xFFFFFFC0, v54  }
0x575: {  	v3 =	vor.u32 v3, v4  }
0x576: {  	v4 =	vperm.xlane v3, v0;
	_ =	sdelay $0x1  }
0x577: {  	v4 =	vadd.s32 v1, v4;
	_ =	sdelay $0x4  }
0x578: {  	[tilespmem:s8], [sflag:$0x1] =	stream.indirect_vreg.gather [hbm4b:s2+s3], $0x80, v4, vm0, $0xb8;
	[tilespmem:$0x19000] =	vst v63  }
0x579: {  	s25 =	simm.s32 $0x1800;
	v3 =	vperm.xlane v3, v2  }
0x57a: {  	[tilespmem:s25], [sflag:$0x1] =	stream.indirect_vreg.gather [hbm4b:s5+s3], $0x80, v4, vm0, $0xb8;
	[tilespmem:$0x19000] =	vst v63  }
0x57b: {  	v3 =	vadd.s32 v1, v3;
	s25 =	simm.s32 $0x2000  }
0x57c: {  	[tilespmem:s25], [sflag:$0x1] =	stream.indirect_vreg.gather [hbm4b:s6+s3], $0x80, v4, vm0, $0xb8;
	[tilespmem:$0x19000] =	vst v63  }
0x57d: {  	s25 =	simm.s32 $0x2800  }
0x57e: {  	[tilespmem:s25], [sflag:$0x1] =	stream.indirect_vreg.gather [hbm4b:s7+s3], $0x80, v4, vm0, $0xb8;
	[tilespmem:$0x19000] =	vst v63  }
0x57f: {  	s25 =	simm.s32 $0x3000  }
0x580: {  	[tilespmem:s25], [sflag:$0x1] =	stream.indirect_vreg.gather [hbm4b:s2+s3], $0x80, v3, vm0, $0xb8;
	[tilespmem:$0x19000] =	vst v63  }
0x581: {  	s25 =	simm.s32 $0x3800  }
0x582: {  	[tilespmem:s25], [sflag:$0x1] =	stream.indirect_vreg.gather [hbm4b:s5+s3], $0x80, v3, vm0, $0xb8;
	[tilespmem:$0x19000] =	vst v63  }
0x583: {  	s25 =	simm.s32 $0x4000  }
0x584: {  	[tilespmem:s25], [sflag:$0x1] =	stream.indirect_vreg.gather [hbm4b:s6+s3], $0x80, v3, vm0, $0xb8;
	[tilespmem:$0x19000] =	vst v63  }
0x585: {  	s25 =	simm.s32 $0x4800  }
0x586: {  	[tilespmem:s25], [sflag:$0x1] =	stream.indirect_vreg.gather [hbm4b:s7+s3], $0x80, v3, vm0, $0xb8;
	[tilespmem:$0x19000] =	vst v63  }
0x587: {  	v3 =	vld [tilespmem:$0xD90];
	_ =	sdelay $0x4  }
0x588: {  	v55 =	vshll.u32 v3, $0x3  }
0x589: {  	v3 =	vand.u32 $0x7, v3;
	v4 =	vand.u32 $0xFFFFFFC0, v55  }
0x58a: {  	v3 =	vor.u32 v3, v4  }
0x58b: {  	v4 =	vperm.xlane v3, v0;
	_ =	sdelay $0x1  }
0x58c: {  	v4 =	vadd.s32 v1, v4;
	_ =	sdelay $0x3  }
0x58d: {  	s25 =	simm.s32 $0x5000  }
0x58e: {  	[tilespmem:s25], [sflag:$0x1] =	stream.indirect_vreg.gather [hbm4b:s2+s3], $0x80, v4, vm0, $0xb8;
	[tilespmem:$0x19000] =	vst v63  }
0x58f: {  	v3 =	vperm.xlane v3, v2;
	s25 =	simm.s32 $0x5800  }
0x590: {  	[tilespmem:s25], [sflag:$0x1] =	stream.indirect_vreg.gather [hbm4b:s5+s3], $0x80, v4, vm0, $0xb8;
	[tilespmem:$0x19000] =	vst v63  }
0x591: {  	v3 =	vadd.s32 v1, v3;
	s25 =	simm.s32 $0x6000  }
0x592: {  	[tilespmem:s25], [sflag:$0x1] =	stream.indirect_vreg.gather [hbm4b:s6+s3], $0x80, v4, vm0, $0xb8;
	[tilespmem:$0x19000] =	vst v63  }
0x593: {  	s25 =	simm.s32 $0x6800  }
0x594: {  	[tilespmem:s25], [sflag:$0x1] =	stream.indirect_vreg.gather [hbm4b:s7+s3], $0x80, v4, vm0, $0xb8;
	[tilespmem:$0x19000] =	vst v63  }
0x595: {  	s25 =	simm.s32 $0x7000  }
0x596: {  	[tilespmem:s25], [sflag:$0x1] =	stream.indirect_vreg.gather [hbm4b:s2+s3], $0x80, v3, vm0, $0xb8;
	[tilespmem:$0x19000] =	vst v63  }
0x597: {  	s25 =	simm.s32 $0x7800  }
0x598: {  	[tilespmem:s25], [sflag:$0x1] =	stream.indirect_vreg.gather [hbm4b:s5+s3], $0x80, v3, vm0, $0xb8;
	[tilespmem:$0x19000] =	vst v63  }
0x599: {  	s25 =	simm.s32 $0x8000  }
0x59a: {  	[tilespmem:s25], [sflag:$0x1] =	stream.indirect_vreg.gather [hbm4b:s6+s3], $0x80, v3, vm0, $0xb8;
	[tilespmem:$0x19000] =	vst v63  }
0x59b: {  	s25 =	simm.s32 $0x8800  }
0x59c: {  	[tilespmem:s25], [sflag:$0x1] =	stream.indirect_vreg.gather [hbm4b:s7+s3], $0x80, v3, vm0, $0xb8;
	[tilespmem:$0x19000] =	vst v63  }
0x59d: {  	_ =	swait.ge [sflag:s22], $0x8000  }
0x59e: {  	[sflag:s22] =	ssyncset.done $0x0  }
0x59f: {  	s18 =	rddreg [dreg:$0x1e];
	[sflag:s22] =	ssyncadd.s32 $0xFFFF8000  }
0x5a0: {  	[hbm4b:s18+s3] =	stream.linear.scatter [tilespmem:s29], [sflag:$0x6], $0x8000, $0x38;
	[tilespmem:$0x19000] =	vst v63  }
0x5a1: {  	_ =	swait.ge [sflag:s23], $0x8000  }
0x5a2: {  	[sflag:s23] =	ssyncset.done $0x0  }
0x5a3: {  	[sflag:s23] =	ssyncadd.s32 $0xFFFF8000  }
0x5a4: {  	v3 =	vld [tilespmem:$0xE00];
	_ =	sdelay $0x4  }
0x5a5: {  	v56 =	vshll.u32 v3, $0x3  }
0x5a6: {  	v3 =	vand.u32 $0x7, v3;
	v4 =	vand.u32 $0xFFFFFFC0, v56  }
0x5a7: {  	v3 =	vor.u32 v3, v4  }
0x5a8: {  	v4 =	vperm.xlane v3, v0;
	_ =	sdelay $0x1  }
0x5a9: {  	v4 =	vadd.s32 v1, v4;
	_ =	sdelay $0x4  }
0x5aa: {  	[tilespmem:s4], [sflag:$0x2] =	stream.indirect_vreg.gather [hbm4b:s2+s3], $0x80, v4, vm0, $0xb8;
	[tilespmem:$0x19000] =	vst v63  }
0x5ab: {  	s25 =	simm.s32 $0x9800;
	v3 =	vperm.xlane v3, v2  }
0x5ac: {  	[tilespmem:s25], [sflag:$0x2] =	stream.indirect_vreg.gather [hbm4b:s5+s3], $0x80, v4, vm0, $0xb8;
	[tilespmem:$0x19000] =	vst v63  }
0x5ad: {  	v3 =	vadd.s32 v1, v3;
	s25 =	simm.s32 $0xA000  }
0x5ae: {  	[tilespmem:s25], [sflag:$0x2] =	stream.indirect_vreg.gather [hbm4b:s6+s3], $0x80, v4, vm0, $0xb8;
	[tilespmem:$0x19000] =	vst v63  }
0x5af: {  	s25 =	simm.s32 $0xA800  }
0x5b0: {  	[tilespmem:s25], [sflag:$0x2] =	stream.indirect_vreg.gather [hbm4b:s7+s3], $0x80, v4, vm0, $0xb8;
	[tilespmem:$0x19000] =	vst v63  }
0x5b1: {  	s25 =	simm.s32 $0xB000  }
0x5b2: {  	[tilespmem:s25], [sflag:$0x2] =	stream.indirect_vreg.gather [hbm4b:s2+s3], $0x80, v3, vm0, $0xb8;
	[tilespmem:$0x19000] =	vst v63  }
0x5b3: {  	s25 =	simm.s32 $0xB800  }
0x5b4: {  	[tilespmem:s25], [sflag:$0x2] =	stream.indirect_vreg.gather [hbm4b:s5+s3], $0x80, v3, vm0, $0xb8;
	[tilespmem:$0x19000] =	vst v63  }
0x5b5: {  	s25 =	simm.s32 $0xC000  }
0x5b6: {  	[tilespmem:s25], [sflag:$0x2] =	stream.indirect_vreg.gather [hbm4b:s6+s3], $0x80, v3, vm0, $0xb8;
	[tilespmem:$0x19000] =	vst v63  }
0x5b7: {  	s25 =	simm.s32 $0xC800  }
0x5b8: {  	[tilespmem:s25], [sflag:$0x2] =	stream.indirect_vreg.gather [hbm4b:s7+s3], $0x80, v3, vm0, $0xb8;
	[tilespmem:$0x19000] =	vst v63  }
0x5b9: {  	v3 =	vld [tilespmem:$0xE10];
	_ =	sdelay $0x4  }
0x5ba: {  	v57 =	vshll.u32 v3, $0x3  }
0x5bb: {  	v3 =	vand.u32 $0x7, v3;
	v4 =	vand.u32 $0xFFFFFFC0, v57  }
0x5bc: {  	v3 =	vor.u32 v3, v4  }
0x5bd: {  	v4 =	vperm.xlane v3, v0;
	_ =	sdelay $0x1  }
0x5be: {  	v4 =	vadd.s32 v1, v4;
	_ =	sdelay $0x3  }
0x5bf: {  	s25 =	simm.s32 $0xD000  }
0x5c0: {  	[tilespmem:s25], [sflag:$0x2] =	stream.indirect_vreg.gather [hbm4b:s2+s3], $0x80, v4, vm0, $0xb8;
	[tilespmem:$0x19000] =	vst v63  }
0x5c1: {  	v3 =	vperm.xlane v3, v2;
	s25 =	simm.s32 $0xD800  }
0x5c2: {  	[tilespmem:s25], [sflag:$0x2] =	stream.indirect_vreg.gather [hbm4b:s5+s3], $0x80, v4, vm0, $0xb8;
	[tilespmem:$0x19000] =	vst v63  }
0x5c3: {  	v3 =	vadd.s32 v1, v3;
	s25 =	simm.s32 $0xE000  }
0x5c4: {  	[tilespmem:s25], [sflag:$0x2] =	stream.indirect_vreg.gather [hbm4b:s6+s3], $0x80, v4, vm0, $0xb8;
	[tilespmem:$0x19000] =	vst v63  }
0x5c5: {  	s25 =	simm.s32 $0xE800  }
0x5c6: {  	[tilespmem:s25], [sflag:$0x2] =	stream.indirect_vreg.gather [hbm4b:s7+s3], $0x80, v4, vm0, $0xb8;
	[tilespmem:$0x19000] =	vst v63  }
0x5c7: {  	s25 =	simm.s32 $0xF000  }
0x5c8: {  	[tilespmem:s25], [sflag:$0x2] =	stream.indirect_vreg.gather [hbm4b:s2+s3], $0x80, v3, vm0, $0xb8;
	[tilespmem:$0x19000] =	vst v63  }
0x5c9: {  	s25 =	simm.s32 $0xF800  }
0x5ca: {  	[tilespmem:s25], [sflag:$0x2] =	stream.indirect_vreg.gather [hbm4b:s5+s3], $0x80, v3, vm0, $0xb8;
	[tilespmem:$0x19000] =	vst v63  }
0x5cb: {  	s25 =	simm.s32 $0x10000  }
0x5cc: {  	[tilespmem:s25], [sflag:$0x2] =	stream.indirect_vreg.gather [hbm4b:s6+s3], $0x80, v3, vm0, $0xb8;
	[tilespmem:$0x19000] =	vst v63  }
0x5cd: {  	s25 =	simm.s32 $0x10800  }
0x5ce: {  	[tilespmem:s25], [sflag:$0x2] =	stream.indirect_vreg.gather [hbm4b:s7+s3], $0x80, v3, vm0, $0xb8;
	[tilespmem:$0x19000] =	vst v63  }
0x5cf: {  	_ =	swait.ge [sflag:s19], $0x8000  }
0x5d0: {  	[sflag:s19] =	ssyncset.done $0x0  }
0x5d1: {  	s25 =	rddreg [dreg:$0x1f];
	[sflag:s19] =	ssyncadd.s32 $0xFFFF8000  }
0x5d2: {  	[hbm4b:s25+s3] =	stream.linear.scatter [tilespmem:s8], [sflag:$0x4], $0x8000, $0x38;
	[tilespmem:$0x19000] =	vst v63  }
0x5d3: {  	_ =	swait.ge [sflag:s24], $0x8000  }
0x5d4: {  	[sflag:s24] =	ssyncset.done $0x0  }
0x5d5: {  	[sflag:s24] =	ssyncadd.s32 $0xFFFF8000  }
0x5d6: {  	v3 =	vld [tilespmem:$0xE80];
	_ =	sdelay $0x4  }
0x5d7: {  	v58 =	vshll.u32 v3, $0x3  }
0x5d8: {  	v3 =	vand.u32 $0x7, v3;
	v4 =	vand.u32 $0xFFFFFFC0, v58  }
0x5d9: {  	v3 =	vor.u32 v3, v4  }
0x5da: {  	v4 =	vperm.xlane v3, v0;
	_ =	sdelay $0x1  }
0x5db: {  	v4 =	vadd.s32 v1, v4;
	_ =	sdelay $0x4  }
0x5dc: {  	[tilespmem:s29], [sflag:$0x3] =	stream.indirect_vreg.gather [hbm4b:s2+s3], $0x80, v4, vm0, $0xb8;
	[tilespmem:$0x19000] =	vst v63  }
0x5dd: {  	s1 =	simm.s32 $0x11800;
	v3 =	vperm.xlane v3, v2  }
0x5de: {  	[tilespmem:s1], [sflag:$0x3] =	stream.indirect_vreg.gather [hbm4b:s5+s3], $0x80, v4, vm0, $0xb8;
	[tilespmem:$0x19000] =	vst v63  }
0x5df: {  	s28 =	simm.s32 $0x12000;
	v3 =	vadd.s32 v1, v3  }
0x5e0: {  	[tilespmem:s28], [sflag:$0x3] =	stream.indirect_vreg.gather [hbm4b:s6+s3], $0x80, v4, vm0, $0xb8;
	[tilespmem:$0x19000] =	vst v63  }
0x5e1: {  	s11 =	simm.s32 $0x12800  }
0x5e2: {  	[tilespmem:s11], [sflag:$0x3] =	stream.indirect_vreg.gather [hbm4b:s7+s3], $0x80, v4, vm0, $0xb8;
	[tilespmem:$0x19000] =	vst v63  }
0x5e3: {  	s9 =	simm.s32 $0x13000  }
0x5e4: {  	[tilespmem:s9], [sflag:$0x3] =	stream.indirect_vreg.gather [hbm4b:s2+s3], $0x80, v3, vm0, $0xb8;
	[tilespmem:$0x19000] =	vst v63  }
0x5e5: {  	s0 =	simm.s32 $0x13800  }
0x5e6: {  	[tilespmem:s0], [sflag:$0x3] =	stream.indirect_vreg.gather [hbm4b:s5+s3], $0x80, v3, vm0, $0xb8;
	[tilespmem:$0x19000] =	vst v63  }
0x5e7: {  	s10 =	simm.s32 $0x14000  }
0x5e8: {  	[tilespmem:s10], [sflag:$0x3] =	stream.indirect_vreg.gather [hbm4b:s6+s3], $0x80, v3, vm0, $0xb8;
	[tilespmem:$0x19000] =	vst v63  }
0x5e9: {  	s12 =	simm.s32 $0x14800  }
0x5ea: {  	[tilespmem:s12], [sflag:$0x3] =	stream.indirect_vreg.gather [hbm4b:s7+s3], $0x80, v3, vm0, $0xb8;
	[tilespmem:$0x19000] =	vst v63  }
0x5eb: {  	v3 =	vld [tilespmem:$0xE90];
	_ =	sdelay $0x4  }
0x5ec: {  	v59 =	vshll.u32 v3, $0x3  }
0x5ed: {  	v3 =	vand.u32 $0x7, v3;
	v4 =	vand.u32 $0xFFFFFFC0, v59  }
0x5ee: {  	v3 =	vor.u32 v3, v4  }
0x5ef: {  	v4 =	vperm.xlane v3, v0;
	_ =	sdelay $0x1  }
0x5f0: {  	v4 =	vadd.s32 v1, v4;
	_ =	sdelay $0x3  }
0x5f1: {  	s13 =	simm.s32 $0x15000  }
0x5f2: {  	[tilespmem:s13], [sflag:$0x3] =	stream.indirect_vreg.gather [hbm4b:s2+s3], $0x80, v4, vm0, $0xb8;
	[tilespmem:$0x19000] =	vst v63  }
0x5f3: {  	s16 =	simm.s32 $0x15800;
	v3 =	vperm.xlane v3, v2  }
0x5f4: {  	[tilespmem:s16], [sflag:$0x3] =	stream.indirect_vreg.gather [hbm4b:s5+s3], $0x80, v4, vm0, $0xb8;
	[tilespmem:$0x19000] =	vst v63  }
0x5f5: {  	s15 =	simm.s32 $0x16000;
	v3 =	vadd.s32 v1, v3  }
0x5f6: {  	[tilespmem:s15], [sflag:$0x3] =	stream.indirect_vreg.gather [hbm4b:s6+s3], $0x80, v4, vm0, $0xb8;
	[tilespmem:$0x19000] =	vst v63  }
0x5f7: {  	s30 =	simm.s32 $0x16800  }
0x5f8: {  	[tilespmem:s30], [sflag:$0x3] =	stream.indirect_vreg.gather [hbm4b:s7+s3], $0x80, v4, vm0, $0xb8;
	[tilespmem:$0x19000] =	vst v63  }
0x5f9: {  	s14 =	simm.s32 $0x17000  }
0x5fa: {  	[tilespmem:s14], [sflag:$0x3] =	stream.indirect_vreg.gather [hbm4b:s2+s3], $0x80, v3, vm0, $0xb8;
	[tilespmem:$0x19000] =	vst v63  }
0x5fb: {  	s26 =	simm.s32 $0x17800  }
0x5fc: {  	[tilespmem:s26], [sflag:$0x3] =	stream.indirect_vreg.gather [hbm4b:s5+s3], $0x80, v3, vm0, $0xb8;
	[tilespmem:$0x19000] =	vst v63  }
0x5fd: {  	s31 =	simm.s32 $0x18000  }
0x5fe: {  	[tilespmem:s31], [sflag:$0x3] =	stream.indirect_vreg.gather [hbm4b:s6+s3], $0x80, v3, vm0, $0xb8;
	[tilespmem:$0x19000] =	vst v63  }
0x5ff: {  	s17 =	simm.s32 $0x18800  }
0x600: {  	[tilespmem:s17], [sflag:$0x3] =	stream.indirect_vreg.gather [hbm4b:s7+s3], $0x80, v3, vm0, $0xb8;
	[tilespmem:$0x19000] =	vst v63  }
0x601: {  	_ =	swait.ge [sflag:s20], $0x8000  }
0x602: {  	s0 =	sld [smem:$0x7F9]  }
0x603: {  	[sflag:s20] =	ssyncset.done $0x0  }
0x604: {  	[sflag:s20] =	ssyncadd.s32 $0xFFFF8000  }
0x605: {  	[hbm4b:s0+s3] =	stream.linear.scatter [tilespmem:s4], [sflag:$0x5], $0x8000, $0x38;
	[tilespmem:$0x19000] =	vst v63  }
0x606: {  	_ =	swait.ge [sflag:s21], $0x8000  }
0x607: {  	[sflag:s21] =	ssyncset.done $0x0  }
0x608: {  	[sflag:s21] =	ssyncadd.s32 $0xFFFF8000  }
0x609: {  	v3 =	vld [tilespmem:$0xF00];
	_ =	sdelay $0x4  }
0x60a: {  	v60 =	vshll.u32 v3, $0x3  }
0x60b: {  	v3 =	vand.u32 $0x7, v3;
	v4 =	vand.u32 $0xFFFFFFC0, v60  }
0x60c: {  	v3 =	vor.u32 v3, v4  }
0x60d: {  	v4 =	vperm.xlane v3, v0;
	_ =	sdelay $0x1  }
0x60e: {  	v4 =	vadd.s32 v1, v4;
	_ =	sdelay $0x4  }
0x60f: {  	[tilespmem:s8], [sflag:$0x1] =	stream.indirect_vreg.gather [hbm4b:s2+s3], $0x80, v4, vm0, $0xb8;
	[tilespmem:$0x19000] =	vst v63  }
0x610: {  	s1 =	simm.s32 $0x1800;
	v3 =	vperm.xlane v3, v2  }
0x611: {  	[tilespmem:s1], [sflag:$0x1] =	stream.indirect_vreg.gather [hbm4b:s5+s3], $0x80, v4, vm0, $0xb8;
	[tilespmem:$0x19000] =	vst v63  }
0x612: {  	s9 =	simm.s32 $0x2000;
	v3 =	vadd.s32 v1, v3  }
0x613: {  	[tilespmem:s9], [sflag:$0x1] =	stream.indirect_vreg.gather [hbm4b:s6+s3], $0x80, v4, vm0, $0xb8;
	[tilespmem:$0x19000] =	vst v63  }
0x614: {  	s10 =	simm.s32 $0x2800  }
0x615: {  	[tilespmem:s10], [sflag:$0x1] =	stream.indirect_vreg.gather [hbm4b:s7+s3], $0x80, v4, vm0, $0xb8;
	[tilespmem:$0x19000] =	vst v63  }
0x616: {  	s11 =	simm.s32 $0x3000  }
0x617: {  	[tilespmem:s11], [sflag:$0x1] =	stream.indirect_vreg.gather [hbm4b:s2+s3], $0x80, v3, vm0, $0xb8;
	[tilespmem:$0x19000] =	vst v63  }
0x618: {  	s12 =	simm.s32 $0x3800  }
0x619: {  	[tilespmem:s12], [sflag:$0x1] =	stream.indirect_vreg.gather [hbm4b:s5+s3], $0x80, v3, vm0, $0xb8;
	[tilespmem:$0x19000] =	vst v63  }
0x61a: {  	s13 =	simm.s32 $0x4000  }
0x61b: {  	[tilespmem:s13], [sflag:$0x1] =	stream.indirect_vreg.gather [hbm4b:s6+s3], $0x80, v3, vm0, $0xb8;
	[tilespmem:$0x19000] =	vst v63  }
0x61c: {  	s14 =	simm.s32 $0x4800  }
0x61d: {  	[tilespmem:s14], [sflag:$0x1] =	stream.indirect_vreg.gather [hbm4b:s7+s3], $0x80, v3, vm0, $0xb8;
	[tilespmem:$0x19000] =	vst v63  }
0x61e: {  	v3 =	vld [tilespmem:$0xF10];
	_ =	sdelay $0x4  }
0x61f: {  	v61 =	vshll.u32 v3, $0x3  }
0x620: {  	v3 =	vand.u32 $0x7, v3;
	v4 =	vand.u32 $0xFFFFFFC0, v61  }
0x621: {  	v3 =	vor.u32 v3, v4  }
0x622: {  	v4 =	vperm.xlane v3, v0;
	_ =	sdelay $0x1  }
0x623: {  	v4 =	vadd.s32 v1, v4;
	_ =	sdelay $0x3  }
0x624: {  	s15 =	simm.s32 $0x5000  }
0x625: {  	[tilespmem:s15], [sflag:$0x1] =	stream.indirect_vreg.gather [hbm4b:s2+s3], $0x80, v4, vm0, $0xb8;
	[tilespmem:$0x19000] =	vst v63  }
0x626: {  	s16 =	simm.s32 $0x5800;
	v3 =	vperm.xlane v3, v2  }
0x627: {  	[tilespmem:s16], [sflag:$0x1] =	stream.indirect_vreg.gather [hbm4b:s5+s3], $0x80, v4, vm0, $0xb8;
	[tilespmem:$0x19000] =	vst v63  }
0x628: {  	s17 =	simm.s32 $0x6000;
	v3 =	vadd.s32 v1, v3  }
0x629: {  	[tilespmem:s17], [sflag:$0x1] =	stream.indirect_vreg.gather [hbm4b:s6+s3], $0x80, v4, vm0, $0xb8;
	[tilespmem:$0x19000] =	vst v63  }
0x62a: {  	s25 =	simm.s32 $0x6800  }
0x62b: {  	[tilespmem:s25], [sflag:$0x1] =	stream.indirect_vreg.gather [hbm4b:s7+s3], $0x80, v4, vm0, $0xb8;
	[tilespmem:$0x19000] =	vst v63  }
0x62c: {  	s26 =	simm.s32 $0x7000  }
0x62d: {  	[tilespmem:s26], [sflag:$0x1] =	stream.indirect_vreg.gather [hbm4b:s2+s3], $0x80, v3, vm0, $0xb8;
	[tilespmem:$0x19000] =	vst v63  }
0x62e: {  	s28 =	simm.s32 $0x7800  }
0x62f: {  	[tilespmem:s28], [sflag:$0x1] =	stream.indirect_vreg.gather [hbm4b:s5+s3], $0x80, v3, vm0, $0xb8;
	[tilespmem:$0x19000] =	vst v63  }
0x630: {  	s30 =	simm.s32 $0x8000  }
0x631: {  	[tilespmem:s30], [sflag:$0x1] =	stream.indirect_vreg.gather [hbm4b:s6+s3], $0x80, v3, vm0, $0xb8;
	[tilespmem:$0x19000] =	vst v63  }
0x632: {  	s31 =	simm.s32 $0x8800  }
0x633: {  	[tilespmem:s31], [sflag:$0x1] =	stream.indirect_vreg.gather [hbm4b:s7+s3], $0x80, v3, vm0, $0xb8;
	[tilespmem:$0x19000] =	vst v63  }
0x634: {  	_ =	swait.ge [sflag:s22], $0x8000  }
0x635: {  	s0 =	sld [smem:$0x7FA]  }
0x636: {  	[sflag:s22] =	ssyncset.done $0x0  }
0x637: {  	[sflag:s22] =	ssyncadd.s32 $0xFFFF8000  }
0x638: {  	[hbm4b:s0+s3] =	stream.linear.scatter [tilespmem:s29], [sflag:$0x6], $0x8000, $0x38;
	[tilespmem:$0x19000] =	vst v63  }
0x639: {  	_ =	swait.ge [sflag:s23], $0x8000  }
0x63a: {  	[sflag:s23] =	ssyncset.done $0x0  }
0x63b: {  	[sflag:s23] =	ssyncadd.s32 $0xFFFF8000  }
0x63c: {  	v3 =	vld [tilespmem:$0xF80];
	_ =	sdelay $0x4  }
0x63d: {  	v62 =	vshll.u32 v3, $0x3  }
0x63e: {  	v3 =	vand.u32 $0x7, v3;
	v4 =	vand.u32 $0xFFFFFFC0, v62  }
0x63f: {  	v3 =	vor.u32 v3, v4  }
0x640: {  	v4 =	vperm.xlane v3, v0;
	_ =	sdelay $0x1  }
0x641: {  	v4 =	vadd.s32 v1, v4;
	_ =	sdelay $0x4  }
0x642: {  	[tilespmem:s4], [sflag:$0x2] =	stream.indirect_vreg.gather [hbm4b:s2+s3], $0x80, v4, vm0, $0xb8;
	[tilespmem:$0x19000] =	vst v63  }
0x643: {  	s18 =	simm.s32 $0x9800;
	v3 =	vperm.xlane v3, v2  }
0x644: {  	[tilespmem:s18], [sflag:$0x2] =	stream.indirect_vreg.gather [hbm4b:s5+s3], $0x80, v4, vm0, $0xb8;
	[tilespmem:$0x19000] =	vst v63  }
0x645: {  	s1 =	simm.s32 $0xA000;
	v3 =	vadd.s32 v1, v3  }
0x646: {  	[tilespmem:s1], [sflag:$0x2] =	stream.indirect_vreg.gather [hbm4b:s6+s3], $0x80, v4, vm0, $0xb8;
	[tilespmem:$0x19000] =	vst v63  }
0x647: {  	s9 =	simm.s32 $0xA800  }
0x648: {  	[tilespmem:s9], [sflag:$0x2] =	stream.indirect_vreg.gather [hbm4b:s7+s3], $0x80, v4, vm0, $0xb8;
	[tilespmem:$0x19000] =	vst v63  }
0x649: {  	s11 =	simm.s32 $0xB000  }
0x64a: {  	[tilespmem:s11], [sflag:$0x2] =	stream.indirect_vreg.gather [hbm4b:s2+s3], $0x80, v3, vm0, $0xb8;
	[tilespmem:$0x19000] =	vst v63  }
0x64b: {  	s12 =	simm.s32 $0xB800  }
0x64c: {  	[tilespmem:s12], [sflag:$0x2] =	stream.indirect_vreg.gather [hbm4b:s5+s3], $0x80, v3, vm0, $0xb8;
	[tilespmem:$0x19000] =	vst v63  }
0x64d: {  	s13 =	simm.s32 $0xC000  }
0x64e: {  	[tilespmem:s13], [sflag:$0x2] =	stream.indirect_vreg.gather [hbm4b:s6+s3], $0x80, v3, vm0, $0xb8;
	[tilespmem:$0x19000] =	vst v63  }
0x64f: {  	s14 =	simm.s32 $0xC800  }
0x650: {  	[tilespmem:s14], [sflag:$0x2] =	stream.indirect_vreg.gather [hbm4b:s7+s3], $0x80, v3, vm0, $0xb8;
	[tilespmem:$0x19000] =	vst v63  }
0x651: {  	v3 =	vld [tilespmem:$0xF90];
	_ =	sdelay $0x4  }
0x652: {  	v63 =	vshll.u32 v3, $0x3  }
0x653: {  	v3 =	vand.u32 $0x7, v3;
	v4 =	vand.u32 $0xFFFFFFC0, v63  }
0x654: {  	v3 =	vor.u32 v3, v4  }
0x655: {  	v4 =	vperm.xlane v3, v0;
	_ =	sdelay $0x1  }
0x656: {  	v4 =	vadd.s32 v1, v4;
	_ =	sdelay $0x3  }
0x657: {  	s15 =	simm.s32 $0xD000  }
0x658: {  	[tilespmem:s15], [sflag:$0x2] =	stream.indirect_vreg.gather [hbm4b:s2+s3], $0x80, v4, vm0, $0xb8;
	[tilespmem:$0x19000] =	vst v63  }
0x659: {  	s16 =	simm.s32 $0xD800;
	v3 =	vperm.xlane v3, v2  }
0x65a: {  	[tilespmem:s16], [sflag:$0x2] =	stream.indirect_vreg.gather [hbm4b:s5+s3], $0x80, v4, vm0, $0xb8;
	[tilespmem:$0x19000] =	vst v63  }
0x65b: {  	s17 =	simm.s32 $0xE000;
	v3 =	vadd.s32 v1, v3  }
0x65c: {  	[tilespmem:s17], [sflag:$0x2] =	stream.indirect_vreg.gather [hbm4b:s6+s3], $0x80, v4, vm0, $0xb8;
	[tilespmem:$0x19000] =	vst v63  }
0x65d: {  	s18 =	simm.s32 $0xE800  }
0x65e: {  	[tilespmem:s18], [sflag:$0x2] =	stream.indirect_vreg.gather [hbm4b:s7+s3], $0x80, v4, vm0, $0xb8;
	[tilespmem:$0x19000] =	vst v63  }
0x65f: {  	s25 =	simm.s32 $0xF000  }
0x660: {  	[tilespmem:s25], [sflag:$0x2] =	stream.indirect_vreg.gather [hbm4b:s2+s3], $0x80, v3, vm0, $0xb8;
	[tilespmem:$0x19000] =	vst v63  }
0x661: {  	s26 =	simm.s32 $0xF800  }
0x662: {  	[tilespmem:s26], [sflag:$0x2] =	stream.indirect_vreg.gather [hbm4b:s5+s3], $0x80, v3, vm0, $0xb8;
	[tilespmem:$0x19000] =	vst v63  }
0x663: {  	s28 =	simm.s32 $0x10000  }
0x664: {  	[tilespmem:s28], [sflag:$0x2] =	stream.indirect_vreg.gather [hbm4b:s6+s3], $0x80, v3, vm0, $0xb8;
	[tilespmem:$0x19000] =	vst v63  }
0x665: {  	s29 =	simm.s32 $0x10800  }
0x666: {  	[tilespmem:s29], [sflag:$0x2] =	stream.indirect_vreg.gather [hbm4b:s7+s3], $0x80, v3, vm0, $0xb8;
	[tilespmem:$0x19000] =	vst v63  }
0x667: {  	s10 =	sld [smem:$0x7F8];
	_ =	swait.ge [sflag:s19], $0x8000  }
0x668: {  	s30 =	sld [smem:$0x7FB]  }
0x669: {  	[sflag:s19] =	ssyncset.done $0x0  }
0x66a: {  	[sflag:s19] =	ssyncadd.s32 $0xFFFF8000  }
0x66b: {  	[hbm4b:s30+s3] =	stream.linear.scatter [tilespmem:s8], [sflag:$0x4], $0x8000, $0x38;
	[tilespmem:$0x19000] =	vst v63  }
0x66c: {  	_ =	swait.ge [sflag:s24], $0x8000  }
0x66d: {  	[sflag:s24] =	ssyncset.done $0x0  }
0x66e: {  	[sflag:s24] =	ssyncadd.s32 $0xFFFF8000  }
0x66f: {  	_ =	swait.ge [sflag:s20], $0x8000  }
0x670: {  	s31 =	sld [smem:$0x7FD]  }
0x671: {  	[sflag:s20] =	ssyncset.done $0x0  }
0x672: {  	[sflag:s20] =	ssyncadd.s32 $0xFFFF8000  }
0x673: {  	[hbm4b:s31+s3] =	stream.linear.scatter [tilespmem:s4], [sflag:$0x5], $0x8000, $0x38;
	[tilespmem:$0x19000] =	vst v63  }
0x674: {  	p0 =	sne.s32 s10, $0x1;
	_ =	swait.ge [sflag:s21], $0x8000  }
.Ltmp0:
0x675: {  	[sflag:s21] =	ssyncset.done $0x0;
	(pc) =	sbr.rel @p0 .LBB2_1-.Ltmp0, $4  }
0x676: {  	[sflag:s21] =	ssyncadd.s32 $0xFFFF8000  }
0x677: {  	_ =	swait.ge [sflag:s23], $0x8000  }
0x678: {  	[sflag:s23] =	ssyncset.done $0x0  }
0x679: {  	s0 =	sadd.s32 $0xFFFFFFFF, s10;
	[sflag:s23] =	ssyncadd.s32 $0xFFFF8000  }
0x67a: {  	_ =	sfence.sel $0x180000  }
0x67b: {  	[bflag:$0x0] =	sbarrier.arrive $0xFFFF  }
0x67c: {  	_ =	strace $0x90000047  }
0x67d: {  	s0 =	stileid.u32;
	[bflag:$0x2] =	sbarrier.arrive $0xFFFF  }
0x67e: {  	p0 =	sne.s32 s0, $0x0;
	s0 =	rddreg [dreg:$0x3]  }
0x67f: {  	s0 =	sadd.s32 @!p0 $0x100000, s0  }
0x680: {  	[sflag:s0] =	ssyncadd.tile.s32 @!p0 $0x1;
	_ =	shalt  }
.Lfunc_end2:
_tile_overlayer_lowered:
.L_overlay_start_2:
0x681: {  	(tag) =	ssettag $0x2  }
0x682: {  	s0 =	rddreg [dreg:$0x0];
	s2 =	stileid.u32  }
0x683: {  	s1 =	rddreg [dreg:$0x1];
	p0 =	sne.s32 s2, $0x0  }
0x684: {  	s3 =	rddreg [dreg:$0x2];
	[bflag:$0x3] =	sbarrier.arrive $0xFFFF;
	s2 =	simm.s32 @!p0 $0x1C07  }
0x685: {  	[timem:s3], [sflag:s2] =	dma.local @!p0 [hbm:s0], s1  }
0x686: {  	s0 =	simm.s32 @!p0 $0x7  }
0x687: {  	_ =	swait.ge @!p0 [sflag:s0], s1  }
0x688: {  	s1 =	ssub.s32 @!p0 $0x0, s1;
	[sflag:s0] =	ssyncset.done @!p0 $0x0  }
0x689: {  	[sflag:s0] =	ssyncadd.s32 @!p0 s1  }
0x68a: {  	[bflag:$0x3] =	sbarrier.arrive $0xFFFF  }
0x68b: {  	_ =	shalt  }

</sc_bundles>
